<compile_context>
chip_gen: v7x
topology: tpu7x:2x2x1
jax: 0.10.2.dev20260603
libtpu: 0.0.44.dev20260713+nightly
codegen_flags: <defaults>
</compile_context>

<pallas_src>
import numpy as np

import jax
import jax.numpy as jnp
from jax import lax
from jax.experimental import pallas as pl
from jax.experimental.pallas import tpu as pltpu
from jax.experimental.pallas import tpu_sc as plsc

B = 8
Q = 5000
C = 91
N = Q * C
NPAD = 455040
CHUNK = NPAD // 4
PIECES = 9
PIECE = CHUNK // PIECES
PVEC = PIECE // 16
NBUCKET = 2048
KSHIFT = 21
CAP = 2048
KOUT = 112
IMIN = np.int32(-2147483648)
IMAX = np.int32(2147483647)


def _ikey_from_f32(v):
    u = lax.bitcast_convert_type(v, jnp.uint32)
    neg = (u >> jnp.uint32(31)) == jnp.uint32(1)
    ukey = jnp.where(neg, ~u, u | jnp.uint32(0x80000000))
    return lax.bitcast_convert_type(ukey ^ jnp.uint32(0x80000000), jnp.int32), ukey


def _body(lg_hbm, boxes_hbm, quer_hbm, ts_hbm,
          scores_hbm, labels_hbm, tbox_hbm, qout_hbm,
          buf0, buf1, hist, ck_own, ci_own,
          ckv0, ckv1, ckv2, ckv3, civ0, civ1, civ2, civ3,
          t0, t1, t2, t3, thrv, cntv, tsv,
          wk, wi, sc_out, lb_out, gidx, qloc, tbox, qrows,
          sh_hist, sh_thr, sh_ck, sh_ci, sh_cnt,
          sem0, sem1):
    core = lax.axis_index("c")
    sub = lax.axis_index("s")
    b = core * 4 + sub // 4
    slot = sub % 4
    bslot = sub // 4
    base_local = slot * CHUNK
    base = b * NPAD + base_local

    iota = lax.iota(jnp.int32, 16)
    zeros16 = jnp.zeros((16,), jnp.int32)
    ones16 = jnp.ones((16,), jnp.int32)
    lane_off = iota * NBUCKET

    def zh(i, _):
        hist[pl.ds(i * 16, 16)] = zeros16
        return 0
    lax.fori_loop(0, (NBUCKET * 16) // 16, zh, 0)

    def histo_piece(pbuf):
        def bodyA(j, _):
            v = pbuf[pl.ds(j * 16, 16)]
            _, ukey = _ikey_from_f32(v)
            bucket = lax.bitcast_convert_type(ukey >> jnp.uint32(KSHIFT), jnp.int32)
            plsc.addupdate_scatter(hist, [lane_off + bucket], ones16)
            return 0
        lax.fori_loop(0, PVEC, bodyA, 0)

    bufs = (buf0, buf1)
    sems = (sem0, sem1)

    def stream_chunk(process):
        handles = [None, None]
        handles[0] = pltpu.async_copy(
            lg_hbm.at[pl.ds(base, PIECE)], bufs[0], sems[0])
        for p in range(PIECES):
            nxt = p + 1
            if nxt < PIECES:
                handles[nxt % 2] = pltpu.async_copy(
                    lg_hbm.at[pl.ds(base + nxt * PIECE, PIECE)],
                    bufs[nxt % 2], sems[nxt % 2])
            handles[p % 2].wait()
            process(bufs[p % 2], p)

    stream_chunk(lambda pbuf, p: histo_piece(pbuf))

    def lm(jv, _):
        acc = zeros16
        for l in range(16):
            acc = acc + hist[pl.ds(l * NBUCKET + jv * 16, 16)]
        t0[pl.ds(jv * 16, 16)] = acc
        return 0
    lax.fori_loop(0, NBUCKET // 16, lm, 0)
    pltpu.sync_copy(t0, sh_hist.at[sub])
    plsc.subcore_barrier()

    @pl.when(slot == 0)
    def _():
        for r, t in enumerate((t0, t1, t2, t3)):
            pltpu.sync_copy(sh_hist.at[sub + r], t)

        def scan(t_, carry):
            acc, tb, done = carry
            jv = NBUCKET // 16 - 1 - t_
            vec = (t0[pl.ds(jv * 16, 16)] + t1[pl.ds(jv * 16, 16)]
                   + t2[pl.ds(jv * 16, 16)] + t3[pl.ds(jv * 16, 16)])
            rv = lax.rev(vec, (0,))
            cum = acc + plsc.cumsum(rv)
            c15 = jnp.max(cum)
            hit = cum >= 100
            lane = jnp.min(jnp.where(hit, iota, jnp.int32(99)))
            newly = jnp.logical_and(jnp.logical_not(done), c15 >= 100)
            tb = jnp.where(newly, jv * 16 + (15 - lane), tb)
            done = jnp.logical_or(done, c15 >= 100)
            return c15, tb, done

        _, tbucket, _ = lax.fori_loop(
            0, NBUCKET // 16, scan, (jnp.int32(0), jnp.int32(0), False))
        thrv[...] = jnp.zeros((16,), jnp.int32) + tbucket
        pltpu.sync_copy(thrv, sh_thr.at[bslot])
    plsc.subcore_barrier()

    pltpu.sync_copy(sh_thr.at[bslot], thrv)
    tvec = thrv[...]
    thr_u = lax.bitcast_convert_type(tvec, jnp.uint32) << jnp.uint32(KSHIFT)
    ithr = lax.bitcast_convert_type(thr_u ^ jnp.uint32(0x80000000), jnp.int32)

    def phaseB_piece(pbuf, p, cnt):
        pbase = base_local + p * PIECE
        def bodyB(j, cnt):
            v = pbuf[pl.ds(j * 16, 16)]
            ik, _ = _ikey_from_f32(v)
            mask = ik >= ithr
            fidx = (jnp.zeros((16,), jnp.int32) + (pbase + j * 16)) + iota
            plsc.store_compressed(ck_own.at[pl.ds(cnt, 16)], ik, mask=mask)
            plsc.store_compressed(ci_own.at[pl.ds(cnt, 16)], fidx, mask=mask)
            inc = jnp.sum(jnp.where(mask, ones16, zeros16))
            return jnp.minimum(cnt + inc, jnp.int32(CAP - 16))
        return lax.fori_loop(0, PVEC, bodyB, cnt)

    cnt = jnp.int32(0)
    handles = [None, None]
    handles[0] = pltpu.async_copy(
        lg_hbm.at[pl.ds(base, PIECE)], bufs[0], sems[0])
    for p in range(PIECES):
        nxt = p + 1
        if nxt < PIECES:
            handles[nxt % 2] = pltpu.async_copy(
                lg_hbm.at[pl.ds(base + nxt * PIECE, PIECE)],
                bufs[nxt % 2], sems[nxt % 2])
        handles[p % 2].wait()
        cnt = phaseB_piece(bufs[p % 2], p, cnt)

    ck_own[pl.ds(cnt, 16)] = jnp.zeros((16,), jnp.int32) + IMIN
    ci_own[pl.ds(cnt, 16)] = zeros16
    cntv[...] = zeros16 + cnt
    pltpu.sync_copy(ck_own, sh_ck.at[sub])
    pltpu.sync_copy(ci_own, sh_ci.at[sub])
    pltpu.sync_copy(cntv, sh_cnt.at[sub])
    plsc.subcore_barrier()

    @pl.when(slot == 0)
    def _():
        ckvs = (ckv0, ckv1, ckv2, ckv3)
        civs = (civ0, civ1, civ2, civ3)
        nvecs = []
        for r in range(4):
            pltpu.sync_copy(sh_ck.at[sub + r], ckvs[r])
            pltpu.sync_copy(sh_ci.at[sub + r], civs[r])
            pltpu.sync_copy(sh_cnt.at[sub + r], cntv)
            cr = jnp.max(cntv[...])
            nvecs.append((cr + 15) // 16)

        def zw(g, _):
            wk[pl.ds(g * 16, 16)] = zeros16
            wi[pl.ds(g * 16, 16)] = zeros16
            return 0
        lax.fori_loop(0, KOUT // 16, zw, 0)

        imin_v = zeros16 + IMIN
        imax_v = zeros16 + IMAX

        def extract(k_, carry):
            kp, ip = carry
            kp_v = zeros16 + kp
            ip_v = zeros16 + ip
            bk = imin_v
            bi = imax_v
            for r in range(4):
                def inner(j, bc, r=r):
                    bk_, bi_ = bc
                    kx = ckvs[r][pl.ds(j * 16, 16)]
                    ix = civs[r][pl.ds(j * 16, 16)]
                    elig = jnp.logical_or(
                        kx < kp_v, jnp.logical_and(kx == kp_v, ix > ip_v))
                    kx = jnp.where(elig, kx, imin_v)
                    better = jnp.logical_or(
                        kx > bk_, jnp.logical_and(kx == bk_, ix < bi_))
                    return (jnp.where(better, kx, bk_),
                            jnp.where(better, ix, bi_))
                bk, bi = lax.fori_loop(0, nvecs[r], inner, (bk, bi))
            m = jnp.max(bk)
            m_v = zeros16 + m
            mi = jnp.min(jnp.where(bk == m_v, bi, imax_v))
            lane0 = iota == 0
            plsc.store_scatter(wk, [zeros16 + k_], m_v, mask=lane0)
            plsc.store_scatter(wi, [zeros16 + k_], zeros16 + mi, mask=lane0)
            return m, mi

        lax.fori_loop(0, 100, extract, (IMAX, jnp.int32(-1)))

        pltpu.sync_copy(ts_hbm.at[pl.ds(0, 16)], tsv)
        src_lane = (zeros16 + (2 * b + 1)) - (iota & 1)
        scale_v = plsc.load_gather(tsv, [src_lane])

        for g in range(KOUT // 16):
            ik = wk[pl.ds(g * 16, 16)]
            idx = wi[pl.ds(g * 16, 16)]
            uk = lax.bitcast_convert_type(ik, jnp.uint32) ^ jnp.uint32(0x80000000)
            u = jnp.where(ik >= 0, uk ^ jnp.uint32(0x80000000), ~uk)
            logit = lax.bitcast_convert_type(u, jnp.float32)
            sc_out[pl.ds(g * 16, 16)] = 1.0 / (1.0 + jnp.exp(-logit))
            qrow = idx // C
            lb_out[pl.ds(g * 16, 16)] = idx - qrow * C
            qloc[pl.ds(g * 16, 16)] = qrow
            gidx[pl.ds(g * 16, 16)] = qrow + (zeros16 + b * Q)

        hq = pltpu.async_copy(quer_hbm.at[gidx], qrows, sem0)
        pltpu.sync_copy(boxes_hbm.at[pl.ds(b * Q * 4, Q * 4)],
                        hist.at[pl.ds(0, Q * 4)])
        hq.wait()

        for g in range(KOUT * 4 // 16):
            f = zeros16 + g * 16 + iota
            rowv = plsc.load_gather(qloc, [f >> 2])
            cA = f & 1
            ctr = lax.bitcast_convert_type(
                plsc.load_gather(hist, [rowv * 4 + cA]), jnp.float32)
            ext = lax.bitcast_convert_type(
                plsc.load_gather(hist, [rowv * 4 + (cA | 2)]), jnp.float32)
            sgn = jnp.where((f & 2) == 0, jnp.float32(-0.5), jnp.float32(0.5))
            tbox[pl.ds(g * 16, 16)] = (ctr + sgn * ext) * scale_v

        pltpu.sync_copy(sc_out, scores_hbm.at[pl.ds(b * KOUT, KOUT)])
        pltpu.sync_copy(lb_out, labels_hbm.at[pl.ds(b * KOUT, KOUT)])
        pltpu.sync_copy(tbox, tbox_hbm.at[pl.ds(b * KOUT * 4, KOUT * 4)])
        pltpu.sync_copy(qrows, qout_hbm.at[pl.ds(b * KOUT, KOUT)])


@jax.jit
def kernel(pred_logits, pred_boxes, target_sizes, quer_feat, num_queries=100):
    lg = jnp.pad(pred_logits.reshape(B, N), ((0, 0), (0, NPAD - N)),
                 constant_values=jnp.finfo(jnp.float32).min).reshape(B * NPAD)
    boxes_flat = lax.bitcast_convert_type(pred_boxes, jnp.int32).reshape(B * Q * 4)
    quer_flat = quer_feat.reshape(B * Q, 256)
    ts_flat = jnp.pad(target_sizes.reshape(16), (0, 112))

    mesh = plsc.VectorSubcoreMesh(core_axis_name="c", subcore_axis_name="s")
    f32, i32 = jnp.float32, jnp.int32
    run = pl.kernel(
        _body,
        mesh=mesh,
        compiler_params=pltpu.CompilerParams(needs_layout_passes=False),
        out_type=(
            jax.ShapeDtypeStruct((B * KOUT,), f32),
            jax.ShapeDtypeStruct((B * KOUT,), i32),
            jax.ShapeDtypeStruct((B * KOUT * 4,), f32),
            jax.ShapeDtypeStruct((B * KOUT, 256), f32),
        ),
        scratch_types=[
            pltpu.VMEM((PIECE,), f32),
            pltpu.VMEM((PIECE,), f32),
            pltpu.VMEM((NBUCKET * 16,), i32),
            pltpu.VMEM((CAP,), i32),
            pltpu.VMEM((CAP,), i32),
            pltpu.VMEM((CAP,), i32),
            pltpu.VMEM((CAP,), i32),
            pltpu.VMEM((CAP,), i32),
            pltpu.VMEM((CAP,), i32),
            pltpu.VMEM((CAP,), i32),
            pltpu.VMEM((CAP,), i32),
            pltpu.VMEM((CAP,), i32),
            pltpu.VMEM((CAP,), i32),
            pltpu.VMEM((NBUCKET,), i32),
            pltpu.VMEM((NBUCKET,), i32),
            pltpu.VMEM((NBUCKET,), i32),
            pltpu.VMEM((NBUCKET,), i32),
            pltpu.VMEM((16,), i32),
            pltpu.VMEM((16,), i32),
            pltpu.VMEM((16,), f32),
            pltpu.VMEM((KOUT,), i32),
            pltpu.VMEM((KOUT,), i32),
            pltpu.VMEM((KOUT,), f32),
            pltpu.VMEM((KOUT,), i32),
            pltpu.VMEM((KOUT,), i32),
            pltpu.VMEM((KOUT,), i32),
            pltpu.VMEM((KOUT * 4,), f32),
            pltpu.VMEM((KOUT, 256), f32),
            pltpu.VMEM_SHARED((16, NBUCKET), i32),
            pltpu.VMEM_SHARED((4, 16), i32),
            pltpu.VMEM_SHARED((16, CAP), i32),
            pltpu.VMEM_SHARED((16, CAP), i32),
            pltpu.VMEM_SHARED((16, 16), i32),
            pltpu.SemaphoreType.DMA,
            pltpu.SemaphoreType.DMA,
        ],
    )
    scores_p, labels_p, tbox_p, quer_p = run(lg, boxes_flat, quer_flat, ts_flat)
    return (scores_p.reshape(B, KOUT)[:, :100],
            labels_p.reshape(B, KOUT)[:, :100],
            tbox_p.reshape(B, KOUT, 4)[:, :100],
            quer_p.reshape(B, KOUT, 256)[:, :100])

# --- scband reference (transcript-rebuilt; emitter-appended) ---
"""Pipeline reference for scband-post-process-41850161332617 (READ-ONLY COPY).

The authoritative reference and input builder live on the scoring server;
editing this copy changes nothing except your own understanding.
"""

import jax, jax.numpy as jnp
import numpy as np


def box_cxcywh_to_xyxy(b):
    cx, cy, w, h = b[..., 0], b[..., 1], b[..., 2], b[..., 3]
    return jnp.stack([cx - 0.5 * w, cy - 0.5 * h, cx + 0.5 * w, cy + 0.5 * h], axis=-1)


def setup_inputs(seed: int = 0) -> dict:
    key = jax.random.key(seed)
    k1, k2, k3, k4 = jax.random.split(key, 4)
    pred_logits = jax.random.normal(k1, (8, 5000, 91), dtype=jnp.float32)
    pred_boxes = jax.random.uniform(k2, (8, 5000, 4), dtype=jnp.float32)
    target_sizes = jax.random.uniform(k3, (8, 2), dtype=jnp.float32)
    quer_feat = jax.random.normal(k4, (8, 5000, 256), dtype=jnp.float32)
    return {
        "pred_logits": pred_logits,
        "pred_boxes": pred_boxes,
        "target_sizes": target_sizes,
        "quer_feat": quer_feat,
        "num_queries": 100,
    }


def reference(pred_logits, pred_boxes, target_sizes, quer_feat, num_queries):
    B, Q, C = pred_logits.shape
    prob = jax.nn.sigmoid(pred_logits)
    flat = prob.reshape(B, Q * C)
    topk_values, topk_indexes = jax.lax.top_k(flat, 100)
    topk_indexes = topk_indexes + (num_queries - num_queries)
    topk_boxes = topk_indexes // C
    labels = topk_indexes % C
    scores = topk_values
    boxes = box_cxcywh_to_xyxy(pred_boxes)
    boxes_g = jnp.take_along_axis(boxes, topk_boxes[:, :, None], axis=1)
    img_h = target_sizes[:, 0]
    img_w = target_sizes[:, 1]
    scale_fct = jnp.stack([img_w, img_h, img_w, img_h], axis=1)
    target_boxes = boxes_g * scale_fct[:, None, :]
    queries = jnp.take_along_axis(quer_feat, topk_boxes[:, :, None], axis=1)
    return scores, labels, target_boxes, queries

if __name__ == "__main__":
    import jax
    _d = setup_inputs()
    print(jax.jit(kernel)(*tuple(_d.values())))

</pallas_src>

<mosaic_0001>
#map = affine_map<(d0, d1) -> (0)>
#map1 = affine_map<(d0, d1) -> (0, 0)>
module attributes {stable_mosaic.version = 14 : i64} {
  func.func @_body(%arg0: i32, %arg1: i32, %arg2: memref<3640320xf32, #tpu.memory_space<hbm>>, %arg3: memref<160000xi32, #tpu.memory_space<hbm>>, %arg4: memref<40000x256xf32, #tpu.memory_space<hbm>>, %arg5: memref<128xf32, #tpu.memory_space<hbm>>, %arg6: memref<896xf32, #tpu.memory_space<hbm>>, %arg7: memref<896xi32, #tpu.memory_space<hbm>>, %arg8: memref<3584xf32, #tpu.memory_space<hbm>>, %arg9: memref<896x256xf32, #tpu.memory_space<hbm>>, %arg10: memref<12640xf32, #tpu.memory_space<vmem>>, %arg11: memref<12640xf32, #tpu.memory_space<vmem>>, %arg12: memref<32768xi32, #tpu.memory_space<vmem>>, %arg13: memref<2048xi32, #tpu.memory_space<vmem>>, %arg14: memref<2048xi32, #tpu.memory_space<vmem>>, %arg15: memref<2048xi32, #tpu.memory_space<vmem>>, %arg16: memref<2048xi32, #tpu.memory_space<vmem>>, %arg17: memref<2048xi32, #tpu.memory_space<vmem>>, %arg18: memref<2048xi32, #tpu.memory_space<vmem>>, %arg19: memref<2048xi32, #tpu.memory_space<vmem>>, %arg20: memref<2048xi32, #tpu.memory_space<vmem>>, %arg21: memref<2048xi32, #tpu.memory_space<vmem>>, %arg22: memref<2048xi32, #tpu.memory_space<vmem>>, %arg23: memref<2048xi32, #tpu.memory_space<vmem>>, %arg24: memref<2048xi32, #tpu.memory_space<vmem>>, %arg25: memref<2048xi32, #tpu.memory_space<vmem>>, %arg26: memref<2048xi32, #tpu.memory_space<vmem>>, %arg27: memref<16xi32, #tpu.memory_space<vmem>>, %arg28: memref<16xi32, #tpu.memory_space<vmem>>, %arg29: memref<16xf32, #tpu.memory_space<vmem>>, %arg30: memref<112xi32, #tpu.memory_space<vmem>>, %arg31: memref<112xi32, #tpu.memory_space<vmem>>, %arg32: memref<112xf32, #tpu.memory_space<vmem>>, %arg33: memref<112xi32, #tpu.memory_space<vmem>>, %arg34: memref<112xi32, #tpu.memory_space<vmem>>, %arg35: memref<112xi32, #tpu.memory_space<vmem>>, %arg36: memref<448xf32, #tpu.memory_space<vmem>>, %arg37: memref<112x256xf32, #tpu.memory_space<vmem>>, %arg38: memref<16x2048xi32, #tpu.memory_space<vmem_shared>>, %arg39: memref<4x16xi32, #tpu.memory_space<vmem_shared>>, %arg40: memref<16x2048xi32, #tpu.memory_space<vmem_shared>>, %arg41: memref<16x2048xi32, #tpu.memory_space<vmem_shared>>, %arg42: memref<16x16xi32, #tpu.memory_space<vmem_shared>>, %arg43: memref<!tpu.dma_semaphore, #tpu.memory_space<semaphore_mem>>, %arg44: memref<!tpu.dma_semaphore, #tpu.memory_space<semaphore_mem>>) attributes {dimension_semantics = [#tpu.dimension_semantics<core_parallel>, #tpu.dimension_semantics<subcore_parallel>], iteration_bounds = array<i64: 2, 16>, scalar_prefetch = 0 : i64, scratch_operands = 35 : i64, tpu.core_type = #tpu.core_type<sc_vector_subcore>, window_params = [{transform_indices = #map}, {transform_indices = #map}, {transform_indices = #map1}, {transform_indices = #map}, {transform_indices = #map}, {transform_indices = #map}, {transform_indices = #map}, {transform_indices = #map1}]} {
    %mul3A = arith.constant 4 : i32
    %mul3A_0 = arith.muli %arg0, %mul3A : i32
    %jit3A = arith.constant 4 : i32
    %div3A = arith.divsi %arg1, %jit3A : i32
    %sign3A = arith.constant 0 : i32
    %sign3A_1 = arith.cmpi sgt, %arg1, %sign3A : i32
    %sign3A_2 = arith.extui %sign3A_1 : i1 to i32
    %sign3A_3 = arith.constant 0 : i32
    %sign3A_4 = arith.cmpi slt, %arg1, %sign3A_3 : i32
    %sign3A_5 = arith.extui %sign3A_4 : i1 to i32
    %sign3A_6 = arith.subi %sign3A_2, %sign3A_5 : i32
    %sign3A_7 = arith.constant 0 : i32
    %sign3A_8 = arith.cmpi sgt, %jit3A, %sign3A_7 : i32
    %sign3A_9 = arith.extui %sign3A_8 : i1 to i32
    %sign3A_10 = arith.constant 0 : i32
    %sign3A_11 = arith.cmpi slt, %jit3A, %sign3A_10 : i32
    %sign3A_12 = arith.extui %sign3A_11 : i1 to i32
    %sign3A_13 = arith.subi %sign3A_9, %sign3A_12 : i32
    %ne3A = arith.cmpi ne, %sign3A_6, %sign3A_13 : i32
    %rem3A = arith.remsi %arg1, %jit3A : i32
    %ne3A_14 = arith.constant 0 : i32
    %ne3A_15 = arith.cmpi ne, %rem3A, %ne3A_14 : i32
    %and3A = arith.andi %ne3A, %ne3A_15 : i1
    %sub3A = arith.constant 1 : i32
    %sub3A_16 = arith.subi %div3A, %sub3A : i32
    %select_n3A = arith.select %and3A, %sub3A_16, %div3A : i32
    %add3A = arith.addi %mul3A_0, %select_n3A : i32
    %jit3A_17 = arith.constant 4 : i32
    %eq3A = arith.constant 0 : i32
    %eq3A_18 = arith.cmpi eq, %jit3A_17, %eq3A : i32
    %jit3A_19 = arith.constant 1 : i32
    %select_n3A_20 = arith.select %eq3A_18, %jit3A_19, %jit3A_17 : i32
    %rem3A_21 = arith.remsi %arg1, %select_n3A_20 : i32
    %ne3A_22 = arith.constant 0 : i32
    %ne3A_23 = arith.cmpi ne, %rem3A_21, %ne3A_22 : i32
    %lt3A = arith.constant 0 : i32
    %lt3A_24 = arith.cmpi slt, %rem3A_21, %lt3A : i32
    %lt3A_25 = arith.constant 0 : i32
    %lt3A_26 = arith.cmpi slt, %select_n3A_20, %lt3A_25 : i32
    %ne3A_27 = arith.xori %lt3A_24, %lt3A_26 : i1
    %and3A_28 = arith.andi %ne3A_27, %ne3A_23 : i1
    %add3A_29 = arith.addi %rem3A_21, %select_n3A_20 : i32
    %select_n3A_30 = arith.select %and3A_28, %add3A_29, %rem3A_21 : i32
    %jit3A_31 = arith.constant 4 : i32
    %div3A_32 = arith.divsi %arg1, %jit3A_31 : i32
    %sign3A_33 = arith.constant 0 : i32
    %sign3A_34 = arith.cmpi sgt, %arg1, %sign3A_33 : i32
    %sign3A_35 = arith.extui %sign3A_34 : i1 to i32
    %sign3A_36 = arith.constant 0 : i32
    %sign3A_37 = arith.cmpi slt, %arg1, %sign3A_36 : i32
    %sign3A_38 = arith.extui %sign3A_37 : i1 to i32
    %sign3A_39 = arith.subi %sign3A_35, %sign3A_38 : i32
    %sign3A_40 = arith.constant 0 : i32
    %sign3A_41 = arith.cmpi sgt, %jit3A_31, %sign3A_40 : i32
    %sign3A_42 = arith.extui %sign3A_41 : i1 to i32
    %sign3A_43 = arith.constant 0 : i32
    %sign3A_44 = arith.cmpi slt, %jit3A_31, %sign3A_43 : i32
    %sign3A_45 = arith.extui %sign3A_44 : i1 to i32
    %sign3A_46 = arith.subi %sign3A_42, %sign3A_45 : i32
    %ne3A_47 = arith.cmpi ne, %sign3A_39, %sign3A_46 : i32
    %rem3A_48 = arith.remsi %arg1, %jit3A_31 : i32
    %ne3A_49 = arith.constant 0 : i32
    %ne3A_50 = arith.cmpi ne, %rem3A_48, %ne3A_49 : i32
    %and3A_51 = arith.andi %ne3A_47, %ne3A_50 : i1
    %sub3A_52 = arith.constant 1 : i32
    %sub3A_53 = arith.subi %div3A_32, %sub3A_52 : i32
    %select_n3A_54 = arith.select %and3A_51, %sub3A_53, %div3A_32 : i32
    %mul3A_55 = arith.constant 113760 : i32
    %mul3A_56 = arith.muli %select_n3A_30, %mul3A_55 : i32
    %mul3A_57 = arith.constant 455040 : i32
    %mul3A_58 = arith.muli %add3A, %mul3A_57 : i32
    %add3A_59 = arith.addi %mul3A_58, %mul3A_56 : i32
    %iota3A = tpu.iota {dimensions = array<i32: 0>} : vector<16xi32>
    %broadcast_in_dim3A = arith.constant 0 : i32
    %broadcast_in_dim3A_60 = vector.broadcast %broadcast_in_dim3A : i32 to vector<16xi32>
    %broadcast_in_dim3A_61 = arith.constant 1 : i32
    %broadcast_in_dim3A_62 = vector.broadcast %broadcast_in_dim3A_61 : i32 to vector<16xi32>
    %mul3A_63 = arith.constant 2048 : i32
    %mul3A_64 = vector.broadcast %mul3A_63 : i32 to vector<16xi32>
    %mul3A_65 = arith.muli %iota3A, %mul3A_64 : vector<16xi32>
    %scan3A = arith.constant 0 : i32
    %scan3A_66 = arith.constant 0 : i32
    %scan3A_67 = arith.constant 2048 : i32
    %scan3A_68 = arith.addi %scan3A_66, %scan3A_67 : i32
    %scan3A_69 = arith.constant 1 : i32
    %scan3A_70 = scf.for %scan3A_345 = %scan3A_66 to %scan3A_68 step %scan3A_69 iter_args(%scan3A_346 = %scan3A) -> (i32)  : i32 {
      %mul3A_347 = arith.constant 16 : i32
      %mul3A_348 = arith.muli %scan3A_345, %mul3A_347 : i32
      %swap3A_349 = arith.index_cast %mul3A_348 : i32 to index
      %swap3A_350 = tpu.vector_load %arg12[%swap3A_349] {strides = array<i32>} : memref<32768xi32, #tpu.memory_space<vmem>>, vector<16xi32>,
      tpu.vector_store %arg12[%swap3A_349], %broadcast_in_dim3A_60 {strides = array<i32>} : memref<32768xi32, #tpu.memory_space<vmem>>, vector<16xi32>,
      %scan3A_351 = arith.constant 0 : i32
      scf.yield %scan3A_351 : i32
    }
    %scan3A_71 = arith.constant 2048 : i32
    %dma_start3A = tpu.memref_slice %arg2[%add3A_59] : memref<3640320xf32, #tpu.memory_space<hbm>> -> memref<12640xf32, #tpu.memory_space<hbm>>
    %dma_start3A_72 = tpu.memref_slice %arg2[%add3A_59] : memref<3640320xf32, #tpu.memory_space<hbm>> -> memref<12640xf32, #tpu.memory_space<hbm>>
    tpu.enqueue_dma source(%dma_start3A_72 : memref<12640xf32, #tpu.memory_space<hbm>>) target(%arg10 : memref<12640xf32, #tpu.memory_space<vmem>>) target_semaphore(%arg43 : memref<!tpu.dma_semaphore, #tpu.memory_space<semaphore_mem>>)
    %add3A_73 = arith.constant 12640 : i32
    %add3A_74 = arith.addi %add3A_59, %add3A_73 : i32
    %dma_start3A_75 = tpu.memref_slice %arg2[%add3A_74] : memref<3640320xf32, #tpu.memory_space<hbm>> -> memref<12640xf32, #tpu.memory_space<hbm>>
    %dma_start3A_76 = tpu.memref_slice %arg2[%add3A_74] : memref<3640320xf32, #tpu.memory_space<hbm>> -> memref<12640xf32, #tpu.memory_space<hbm>>
    tpu.enqueue_dma source(%dma_start3A_76 : memref<12640xf32, #tpu.memory_space<hbm>>) target(%arg11 : memref<12640xf32, #tpu.memory_space<vmem>>) target_semaphore(%arg44 : memref<!tpu.dma_semaphore, #tpu.memory_space<semaphore_mem>>)
    %dma_wait3A = tpu.memref_slice %arg2[%add3A_59] : memref<3640320xf32, #tpu.memory_space<hbm>> -> memref<12640xf32, #tpu.memory_space<hbm>>
    %dma_wait3A_77 = tpu.memref_slice %arg2[%add3A_59] : memref<3640320xf32, #tpu.memory_space<hbm>> -> memref<12640xf32, #tpu.memory_space<hbm>>
    tpu.wait_dma2 semaphore(%arg43 : memref<!tpu.dma_semaphore, #tpu.memory_space<semaphore_mem>>) src(%dma_wait3A_77 : memref<12640xf32, #tpu.memory_space<hbm>>) dst(%arg10 : memref<12640xf32, #tpu.memory_space<vmem>>)
    %scan3A_78 = arith.constant 0 : i32
    %scan3A_79 = arith.constant 0 : i32
    %scan3A_80 = arith.constant 790 : i32
    %scan3A_81 = arith.addi %scan3A_79, %scan3A_80 : i32
    %scan3A_82 = arith.constant 1 : i32
    %scan3A_83 = scf.for %scan3A_345 = %scan3A_79 to %scan3A_81 step %scan3A_82 iter_args(%scan3A_346 = %scan3A_78) -> (i32)  : i32 {
      %mul3A_347 = arith.constant 16 : i32
      %mul3A_348 = arith.muli %scan3A_345, %mul3A_347 : i32
      %get3A_349 = arith.index_cast %mul3A_348 : i32 to index
      %get3A_350 = tpu.vector_load %arg10[%get3A_349] {strides = array<i32>} : memref<12640xf32, #tpu.memory_space<vmem>>, vector<16xf32>,
      %bitcast_convert_type3A_351 = tpu.bitcast %get3A_350 : vector<16xf32> -> vector<16xi32>
      %shift_right_logical3A = arith.constant 31 : i32
      %shift_right_logical3A_352 = vector.broadcast %shift_right_logical3A : i32 to vector<16xi32>
      %shift_right_logical3A_353 = arith.shrui %bitcast_convert_type3A_351, %shift_right_logical3A_352 : vector<16xi32>
      %eq3A_354 = arith.constant 1 : i32
      %eq3A_355 = vector.broadcast %eq3A_354 : i32 to vector<16xi32>
      %eq3A_356 = arith.cmpi eq, %shift_right_logical3A_353, %eq3A_355 : vector<16xi32>
      %not3A = arith.constant dense<-1> : vector<16xi32>
      %not3A_357 = arith.xori %bitcast_convert_type3A_351, %not3A : vector<16xi32>
      %or3A = arith.constant -2147483648 : i32
      %or3A_358 = vector.broadcast %or3A : i32 to vector<16xi32>
      %or3A_359 = arith.ori %bitcast_convert_type3A_351, %or3A_358 : vector<16xi32>
      %select_n3A_360 = arith.select %eq3A_356, %not3A_357, %or3A_359 : vector<16xi1>, vector<16xi32>
      %xor3A_361 = arith.constant -2147483648 : i32
      %xor3A_362 = vector.broadcast %xor3A_361 : i32 to vector<16xi32>
      %xor3A_363 = arith.xori %select_n3A_360, %xor3A_362 : vector<16xi32>
      %bitcast_convert_type3A_364 = tpu.bitcast %xor3A_363 : vector<16xi32> -> vector<16xi32>
      %shift_right_logical3A_365 = arith.constant 21 : i32
      %shift_right_logical3A_366 = vector.broadcast %shift_right_logical3A_365 : i32 to vector<16xi32>
      %shift_right_logical3A_367 = arith.shrui %select_n3A_360, %shift_right_logical3A_366 : vector<16xi32>
      %bitcast_convert_type3A_368 = tpu.bitcast %shift_right_logical3A_367 : vector<16xi32> -> vector<16xi32>
      %add3A_369 = arith.addi %mul3A_65, %bitcast_convert_type3A_368 : vector<16xi32>
      tpu.vector_store_idx %arg12[%add3A_369], %broadcast_in_dim3A_62 {add = true} : memref<32768xi32, #tpu.memory_space<vmem>>[vector<16xi32>], vector<16xi32>,
      %scan3A_370 = arith.constant 0 : i32
      scf.yield %scan3A_370 : i32
    }
    %scan3A_84 = arith.constant 790 : i32
    %add3A_85 = arith.constant 25280 : i32
    %add3A_86 = arith.addi %add3A_59, %add3A_85 : i32
    %dma_start3A_87 = tpu.memref_slice %arg2[%add3A_86] : memref<3640320xf32, #tpu.memory_space<hbm>> -> memref<12640xf32, #tpu.memory_space<hbm>>
    %dma_start3A_88 = tpu.memref_slice %arg2[%add3A_86] : memref<3640320xf32, #tpu.memory_space<hbm>> -> memref<12640xf32, #tpu.memory_space<hbm>>
    tpu.enqueue_dma source(%dma_start3A_88 : memref<12640xf32, #tpu.memory_space<hbm>>) target(%arg10 : memref<12640xf32, #tpu.memory_space<vmem>>) target_semaphore(%arg43 : memref<!tpu.dma_semaphore, #tpu.memory_space<semaphore_mem>>)
    %dma_wait3A_89 = tpu.memref_slice %arg2[%add3A_74] : memref<3640320xf32, #tpu.memory_space<hbm>> -> memref<12640xf32, #tpu.memory_space<hbm>>
    %dma_wait3A_90 = tpu.memref_slice %arg2[%add3A_74] : memref<3640320xf32, #tpu.memory_space<hbm>> -> memref<12640xf32, #tpu.memory_space<hbm>>
    tpu.wait_dma2 semaphore(%arg44 : memref<!tpu.dma_semaphore, #tpu.memory_space<semaphore_mem>>) src(%dma_wait3A_90 : memref<12640xf32, #tpu.memory_space<hbm>>) dst(%arg11 : memref<12640xf32, #tpu.memory_space<vmem>>)
    %scan3A_91 = arith.constant 0 : i32
    %scan3A_92 = arith.constant 0 : i32
    %scan3A_93 = arith.constant 790 : i32
    %scan3A_94 = arith.addi %scan3A_92, %scan3A_93 : i32
    %scan3A_95 = arith.constant 1 : i32
    %scan3A_96 = scf.for %scan3A_345 = %scan3A_92 to %scan3A_94 step %scan3A_95 iter_args(%scan3A_346 = %scan3A_91) -> (i32)  : i32 {
      %mul3A_347 = arith.constant 16 : i32
      %mul3A_348 = arith.muli %scan3A_345, %mul3A_347 : i32
      %get3A_349 = arith.index_cast %mul3A_348 : i32 to index
      %get3A_350 = tpu.vector_load %arg11[%get3A_349] {strides = array<i32>} : memref<12640xf32, #tpu.memory_space<vmem>>, vector<16xf32>,
      %bitcast_convert_type3A_351 = tpu.bitcast %get3A_350 : vector<16xf32> -> vector<16xi32>
      %shift_right_logical3A = arith.constant 31 : i32
      %shift_right_logical3A_352 = vector.broadcast %shift_right_logical3A : i32 to vector<16xi32>
      %shift_right_logical3A_353 = arith.shrui %bitcast_convert_type3A_351, %shift_right_logical3A_352 : vector<16xi32>
      %eq3A_354 = arith.constant 1 : i32
      %eq3A_355 = vector.broadcast %eq3A_354 : i32 to vector<16xi32>
      %eq3A_356 = arith.cmpi eq, %shift_right_logical3A_353, %eq3A_355 : vector<16xi32>
      %not3A = arith.constant dense<-1> : vector<16xi32>
      %not3A_357 = arith.xori %bitcast_convert_type3A_351, %not3A : vector<16xi32>
      %or3A = arith.constant -2147483648 : i32
      %or3A_358 = vector.broadcast %or3A : i32 to vector<16xi32>
      %or3A_359 = arith.ori %bitcast_convert_type3A_351, %or3A_358 : vector<16xi32>
      %select_n3A_360 = arith.select %eq3A_356, %not3A_357, %or3A_359 : vector<16xi1>, vector<16xi32>
      %xor3A_361 = arith.constant -2147483648 : i32
      %xor3A_362 = vector.broadcast %xor3A_361 : i32 to vector<16xi32>
      %xor3A_363 = arith.xori %select_n3A_360, %xor3A_362 : vector<16xi32>
      %bitcast_convert_type3A_364 = tpu.bitcast %xor3A_363 : vector<16xi32> -> vector<16xi32>
      %shift_right_logical3A_365 = arith.constant 21 : i32
      %shift_right_logical3A_366 = vector.broadcast %shift_right_logical3A_365 : i32 to vector<16xi32>
      %shift_right_logical3A_367 = arith.shrui %select_n3A_360, %shift_right_logical3A_366 : vector<16xi32>
      %bitcast_convert_type3A_368 = tpu.bitcast %shift_right_logical3A_367 : vector<16xi32> -> vector<16xi32>
      %add3A_369 = arith.addi %mul3A_65, %bitcast_convert_type3A_368 : vector<16xi32>
      tpu.vector_store_idx %arg12[%add3A_369], %broadcast_in_dim3A_62 {add = true} : memref<32768xi32, #tpu.memory_space<vmem>>[vector<16xi32>], vector<16xi32>,
      %scan3A_370 = arith.constant 0 : i32
      scf.yield %scan3A_370 : i32
    }
    %scan3A_97 = arith.constant 790 : i32
    %add3A_98 = arith.constant 37920 : i32
    %add3A_99 = arith.addi %add3A_59, %add3A_98 : i32
    %dma_start3A_100 = tpu.memref_slice %arg2[%add3A_99] : memref<3640320xf32, #tpu.memory_space<hbm>> -> memref<12640xf32, #tpu.memory_space<hbm>>
    %dma_start3A_101 = tpu.memref_slice %arg2[%add3A_99] : memref<3640320xf32, #tpu.memory_space<hbm>> -> memref<12640xf32, #tpu.memory_space<hbm>>
    tpu.enqueue_dma source(%dma_start3A_101 : memref<12640xf32, #tpu.memory_space<hbm>>) target(%arg11 : memref<12640xf32, #tpu.memory_space<vmem>>) target_semaphore(%arg44 : memref<!tpu.dma_semaphore, #tpu.memory_space<semaphore_mem>>)
    %dma_wait3A_102 = tpu.memref_slice %arg2[%add3A_86] : memref<3640320xf32, #tpu.memory_space<hbm>> -> memref<12640xf32, #tpu.memory_space<hbm>>
    %dma_wait3A_103 = tpu.memref_slice %arg2[%add3A_86] : memref<3640320xf32, #tpu.memory_space<hbm>> -> memref<12640xf32, #tpu.memory_space<hbm>>
    tpu.wait_dma2 semaphore(%arg43 : memref<!tpu.dma_semaphore, #tpu.memory_space<semaphore_mem>>) src(%dma_wait3A_103 : memref<12640xf32, #tpu.memory_space<hbm>>) dst(%arg10 : memref<12640xf32, #tpu.memory_space<vmem>>)
    %scan3A_104 = arith.constant 0 : i32
    %scan3A_105 = arith.constant 0 : i32
    %scan3A_106 = arith.constant 790 : i32
    %scan3A_107 = arith.addi %scan3A_105, %scan3A_106 : i32
    %scan3A_108 = arith.constant 1 : i32
    %scan3A_109 = scf.for %scan3A_345 = %scan3A_105 to %scan3A_107 step %scan3A_108 iter_args(%scan3A_346 = %scan3A_104) -> (i32)  : i32 {
      %mul3A_347 = arith.constant 16 : i32
      %mul3A_348 = arith.muli %scan3A_345, %mul3A_347 : i32
      %get3A_349 = arith.index_cast %mul3A_348 : i32 to index
      %get3A_350 = tpu.vector_load %arg10[%get3A_349] {strides = array<i32>} : memref<12640xf32, #tpu.memory_space<vmem>>, vector<16xf32>,
      %bitcast_convert_type3A_351 = tpu.bitcast %get3A_350 : vector<16xf32> -> vector<16xi32>
      %shift_right_logical3A = arith.constant 31 : i32
      %shift_right_logical3A_352 = vector.broadcast %shift_right_logical3A : i32 to vector<16xi32>
      %shift_right_logical3A_353 = arith.shrui %bitcast_convert_type3A_351, %shift_right_logical3A_352 : vector<16xi32>
      %eq3A_354 = arith.constant 1 : i32
      %eq3A_355 = vector.broadcast %eq3A_354 : i32 to vector<16xi32>
      %eq3A_356 = arith.cmpi eq, %shift_right_logical3A_353, %eq3A_355 : vector<16xi32>
      %not3A = arith.constant dense<-1> : vector<16xi32>
      %not3A_357 = arith.xori %bitcast_convert_type3A_351, %not3A : vector<16xi32>
      %or3A = arith.constant -2147483648 : i32
      %or3A_358 = vector.broadcast %or3A : i32 to vector<16xi32>
      %or3A_359 = arith.ori %bitcast_convert_type3A_351, %or3A_358 : vector<16xi32>
      %select_n3A_360 = arith.select %eq3A_356, %not3A_357, %or3A_359 : vector<16xi1>, vector<16xi32>
      %xor3A_361 = arith.constant -2147483648 : i32
      %xor3A_362 = vector.broadcast %xor3A_361 : i32 to vector<16xi32>
      %xor3A_363 = arith.xori %select_n3A_360, %xor3A_362 : vector<16xi32>
      %bitcast_convert_type3A_364 = tpu.bitcast %xor3A_363 : vector<16xi32> -> vector<16xi32>
      %shift_right_logical3A_365 = arith.constant 21 : i32
      %shift_right_logical3A_366 = vector.broadcast %shift_right_logical3A_365 : i32 to vector<16xi32>
      %shift_right_logical3A_367 = arith.shrui %select_n3A_360, %shift_right_logical3A_366 : vector<16xi32>
      %bitcast_convert_type3A_368 = tpu.bitcast %shift_right_logical3A_367 : vector<16xi32> -> vector<16xi32>
      %add3A_369 = arith.addi %mul3A_65, %bitcast_convert_type3A_368 : vector<16xi32>
      tpu.vector_store_idx %arg12[%add3A_369], %broadcast_in_dim3A_62 {add = true} : memref<32768xi32, #tpu.memory_space<vmem>>[vector<16xi32>], vector<16xi32>,
      %scan3A_370 = arith.constant 0 : i32
      scf.yield %scan3A_370 : i32
    }
    %scan3A_110 = arith.constant 790 : i32
    %add3A_111 = arith.constant 50560 : i32
    %add3A_112 = arith.addi %add3A_59, %add3A_111 : i32
    %dma_start3A_113 = tpu.memref_slice %arg2[%add3A_112] : memref<3640320xf32, #tpu.memory_space<hbm>> -> memref<12640xf32, #tpu.memory_space<hbm>>
    %dma_start3A_114 = tpu.memref_slice %arg2[%add3A_112] : memref<3640320xf32, #tpu.memory_space<hbm>> -> memref<12640xf32, #tpu.memory_space<hbm>>
    tpu.enqueue_dma source(%dma_start3A_114 : memref<12640xf32, #tpu.memory_space<hbm>>) target(%arg10 : memref<12640xf32, #tpu.memory_space<vmem>>) target_semaphore(%arg43 : memref<!tpu.dma_semaphore, #tpu.memory_space<semaphore_mem>>)
    %dma_wait3A_115 = tpu.memref_slice %arg2[%add3A_99] : memref<3640320xf32, #tpu.memory_space<hbm>> -> memref<12640xf32, #tpu.memory_space<hbm>>
    %dma_wait3A_116 = tpu.memref_slice %arg2[%add3A_99] : memref<3640320xf32, #tpu.memory_space<hbm>> -> memref<12640xf32, #tpu.memory_space<hbm>>
    tpu.wait_dma2 semaphore(%arg44 : memref<!tpu.dma_semaphore, #tpu.memory_space<semaphore_mem>>) src(%dma_wait3A_116 : memref<12640xf32, #tpu.memory_space<hbm>>) dst(%arg11 : memref<12640xf32, #tpu.memory_space<vmem>>)
    %scan3A_117 = arith.constant 0 : i32
    %scan3A_118 = arith.constant 0 : i32
    %scan3A_119 = arith.constant 790 : i32
    %scan3A_120 = arith.addi %scan3A_118, %scan3A_119 : i32
    %scan3A_121 = arith.constant 1 : i32
    %scan3A_122 = scf.for %scan3A_345 = %scan3A_118 to %scan3A_120 step %scan3A_121 iter_args(%scan3A_346 = %scan3A_117) -> (i32)  : i32 {
      %mul3A_347 = arith.constant 16 : i32
      %mul3A_348 = arith.muli %scan3A_345, %mul3A_347 : i32
      %get3A_349 = arith.index_cast %mul3A_348 : i32 to index
      %get3A_350 = tpu.vector_load %arg11[%get3A_349] {strides = array<i32>} : memref<12640xf32, #tpu.memory_space<vmem>>, vector<16xf32>,
      %bitcast_convert_type3A_351 = tpu.bitcast %get3A_350 : vector<16xf32> -> vector<16xi32>
      %shift_right_logical3A = arith.constant 31 : i32
      %shift_right_logical3A_352 = vector.broadcast %shift_right_logical3A : i32 to vector<16xi32>
      %shift_right_logical3A_353 = arith.shrui %bitcast_convert_type3A_351, %shift_right_logical3A_352 : vector<16xi32>
      %eq3A_354 = arith.constant 1 : i32
      %eq3A_355 = vector.broadcast %eq3A_354 : i32 to vector<16xi32>
      %eq3A_356 = arith.cmpi eq, %shift_right_logical3A_353, %eq3A_355 : vector<16xi32>
      %not3A = arith.constant dense<-1> : vector<16xi32>
      %not3A_357 = arith.xori %bitcast_convert_type3A_351, %not3A : vector<16xi32>
      %or3A = arith.constant -2147483648 : i32
      %or3A_358 = vector.broadcast %or3A : i32 to vector<16xi32>
      %or3A_359 = arith.ori %bitcast_convert_type3A_351, %or3A_358 : vector<16xi32>
      %select_n3A_360 = arith.select %eq3A_356, %not3A_357, %or3A_359 : vector<16xi1>, vector<16xi32>
      %xor3A_361 = arith.constant -2147483648 : i32
      %xor3A_362 = vector.broadcast %xor3A_361 : i32 to vector<16xi32>
      %xor3A_363 = arith.xori %select_n3A_360, %xor3A_362 : vector<16xi32>
      %bitcast_convert_type3A_364 = tpu.bitcast %xor3A_363 : vector<16xi32> -> vector<16xi32>
      %shift_right_logical3A_365 = arith.constant 21 : i32
      %shift_right_logical3A_366 = vector.broadcast %shift_right_logical3A_365 : i32 to vector<16xi32>
      %shift_right_logical3A_367 = arith.shrui %select_n3A_360, %shift_right_logical3A_366 : vector<16xi32>
      %bitcast_convert_type3A_368 = tpu.bitcast %shift_right_logical3A_367 : vector<16xi32> -> vector<16xi32>
      %add3A_369 = arith.addi %mul3A_65, %bitcast_convert_type3A_368 : vector<16xi32>
      tpu.vector_store_idx %arg12[%add3A_369], %broadcast_in_dim3A_62 {add = true} : memref<32768xi32, #tpu.memory_space<vmem>>[vector<16xi32>], vector<16xi32>,
      %scan3A_370 = arith.constant 0 : i32
      scf.yield %scan3A_370 : i32
    }
    %scan3A_123 = arith.constant 790 : i32
    %add3A_124 = arith.constant 63200 : i32
    %add3A_125 = arith.addi %add3A_59, %add3A_124 : i32
    %dma_start3A_126 = tpu.memref_slice %arg2[%add3A_125] : memref<3640320xf32, #tpu.memory_space<hbm>> -> memref<12640xf32, #tpu.memory_space<hbm>>
    %dma_start3A_127 = tpu.memref_slice %arg2[%add3A_125] : memref<3640320xf32, #tpu.memory_space<hbm>> -> memref<12640xf32, #tpu.memory_space<hbm>>
    tpu.enqueue_dma source(%dma_start3A_127 : memref<12640xf32, #tpu.memory_space<hbm>>) target(%arg11 : memref<12640xf32, #tpu.memory_space<vmem>>) target_semaphore(%arg44 : memref<!tpu.dma_semaphore, #tpu.memory_space<semaphore_mem>>)
    %dma_wait3A_128 = tpu.memref_slice %arg2[%add3A_112] : memref<3640320xf32, #tpu.memory_space<hbm>> -> memref<12640xf32, #tpu.memory_space<hbm>>
    %dma_wait3A_129 = tpu.memref_slice %arg2[%add3A_112] : memref<3640320xf32, #tpu.memory_space<hbm>> -> memref<12640xf32, #tpu.memory_space<hbm>>
    tpu.wait_dma2 semaphore(%arg43 : memref<!tpu.dma_semaphore, #tpu.memory_space<semaphore_mem>>) src(%dma_wait3A_129 : memref<12640xf32, #tpu.memory_space<hbm>>) dst(%arg10 : memref<12640xf32, #tpu.memory_space<vmem>>)
    %scan3A_130 = arith.constant 0 : i32
    %scan3A_131 = arith.constant 0 : i32
    %scan3A_132 = arith.constant 790 : i32
    %scan3A_133 = arith.addi %scan3A_131, %scan3A_132 : i32
    %scan3A_134 = arith.constant 1 : i32
    %scan3A_135 = scf.for %scan3A_345 = %scan3A_131 to %scan3A_133 step %scan3A_134 iter_args(%scan3A_346 = %scan3A_130) -> (i32)  : i32 {
      %mul3A_347 = arith.constant 16 : i32
      %mul3A_348 = arith.muli %scan3A_345, %mul3A_347 : i32
      %get3A_349 = arith.index_cast %mul3A_348 : i32 to index
      %get3A_350 = tpu.vector_load %arg10[%get3A_349] {strides = array<i32>} : memref<12640xf32, #tpu.memory_space<vmem>>, vector<16xf32>,
      %bitcast_convert_type3A_351 = tpu.bitcast %get3A_350 : vector<16xf32> -> vector<16xi32>
      %shift_right_logical3A = arith.constant 31 : i32
      %shift_right_logical3A_352 = vector.broadcast %shift_right_logical3A : i32 to vector<16xi32>
      %shift_right_logical3A_353 = arith.shrui %bitcast_convert_type3A_351, %shift_right_logical3A_352 : vector<16xi32>
      %eq3A_354 = arith.constant 1 : i32
      %eq3A_355 = vector.broadcast %eq3A_354 : i32 to vector<16xi32>
      %eq3A_356 = arith.cmpi eq, %shift_right_logical3A_353, %eq3A_355 : vector<16xi32>
      %not3A = arith.constant dense<-1> : vector<16xi32>
      %not3A_357 = arith.xori %bitcast_convert_type3A_351, %not3A : vector<16xi32>
      %or3A = arith.constant -2147483648 : i32
      %or3A_358 = vector.broadcast %or3A : i32 to vector<16xi32>
      %or3A_359 = arith.ori %bitcast_convert_type3A_351, %or3A_358 : vector<16xi32>
      %select_n3A_360 = arith.select %eq3A_356, %not3A_357, %or3A_359 : vector<16xi1>, vector<16xi32>
      %xor3A_361 = arith.constant -2147483648 : i32
      %xor3A_362 = vector.broadcast %xor3A_361 : i32 to vector<16xi32>
      %xor3A_363 = arith.xori %select_n3A_360, %xor3A_362 : vector<16xi32>
      %bitcast_convert_type3A_364 = tpu.bitcast %xor3A_363 : vector<16xi32> -> vector<16xi32>
      %shift_right_logical3A_365 = arith.constant 21 : i32
      %shift_right_logical3A_366 = vector.broadcast %shift_right_logical3A_365 : i32 to vector<16xi32>
      %shift_right_logical3A_367 = arith.shrui %select_n3A_360, %shift_right_logical3A_366 : vector<16xi32>
      %bitcast_convert_type3A_368 = tpu.bitcast %shift_right_logical3A_367 : vector<16xi32> -> vector<16xi32>
      %add3A_369 = arith.addi %mul3A_65, %bitcast_convert_type3A_368 : vector<16xi32>
      tpu.vector_store_idx %arg12[%add3A_369], %broadcast_in_dim3A_62 {add = true} : memref<32768xi32, #tpu.memory_space<vmem>>[vector<16xi32>], vector<16xi32>,
      %scan3A_370 = arith.constant 0 : i32
      scf.yield %scan3A_370 : i32
    }
    %scan3A_136 = arith.constant 790 : i32
    %add3A_137 = arith.constant 75840 : i32
    %add3A_138 = arith.addi %add3A_59, %add3A_137 : i32
    %dma_start3A_139 = tpu.memref_slice %arg2[%add3A_138] : memref<3640320xf32, #tpu.memory_space<hbm>> -> memref<12640xf32, #tpu.memory_space<hbm>>
    %dma_start3A_140 = tpu.memref_slice %arg2[%add3A_138] : memref<3640320xf32, #tpu.memory_space<hbm>> -> memref<12640xf32, #tpu.memory_space<hbm>>
    tpu.enqueue_dma source(%dma_start3A_140 : memref<12640xf32, #tpu.memory_space<hbm>>) target(%arg10 : memref<12640xf32, #tpu.memory_space<vmem>>) target_semaphore(%arg43 : memref<!tpu.dma_semaphore, #tpu.memory_space<semaphore_mem>>)
    %dma_wait3A_141 = tpu.memref_slice %arg2[%add3A_125] : memref<3640320xf32, #tpu.memory_space<hbm>> -> memref<12640xf32, #tpu.memory_space<hbm>>
    %dma_wait3A_142 = tpu.memref_slice %arg2[%add3A_125] : memref<3640320xf32, #tpu.memory_space<hbm>> -> memref<12640xf32, #tpu.memory_space<hbm>>
    tpu.wait_dma2 semaphore(%arg44 : memref<!tpu.dma_semaphore, #tpu.memory_space<semaphore_mem>>) src(%dma_wait3A_142 : memref<12640xf32, #tpu.memory_space<hbm>>) dst(%arg11 : memref<12640xf32, #tpu.memory_space<vmem>>)
    %scan3A_143 = arith.constant 0 : i32
    %scan3A_144 = arith.constant 0 : i32
    %scan3A_145 = arith.constant 790 : i32
    %scan3A_146 = arith.addi %scan3A_144, %scan3A_145 : i32
    %scan3A_147 = arith.constant 1 : i32
    %scan3A_148 = scf.for %scan3A_345 = %scan3A_144 to %scan3A_146 step %scan3A_147 iter_args(%scan3A_346 = %scan3A_143) -> (i32)  : i32 {
      %mul3A_347 = arith.constant 16 : i32
      %mul3A_348 = arith.muli %scan3A_345, %mul3A_347 : i32
      %get3A_349 = arith.index_cast %mul3A_348 : i32 to index
      %get3A_350 = tpu.vector_load %arg11[%get3A_349] {strides = array<i32>} : memref<12640xf32, #tpu.memory_space<vmem>>, vector<16xf32>,
      %bitcast_convert_type3A_351 = tpu.bitcast %get3A_350 : vector<16xf32> -> vector<16xi32>
      %shift_right_logical3A = arith.constant 31 : i32
      %shift_right_logical3A_352 = vector.broadcast %shift_right_logical3A : i32 to vector<16xi32>
      %shift_right_logical3A_353 = arith.shrui %bitcast_convert_type3A_351, %shift_right_logical3A_352 : vector<16xi32>
      %eq3A_354 = arith.constant 1 : i32
      %eq3A_355 = vector.broadcast %eq3A_354 : i32 to vector<16xi32>
      %eq3A_356 = arith.cmpi eq, %shift_right_logical3A_353, %eq3A_355 : vector<16xi32>
      %not3A = arith.constant dense<-1> : vector<16xi32>
      %not3A_357 = arith.xori %bitcast_convert_type3A_351, %not3A : vector<16xi32>
      %or3A = arith.constant -2147483648 : i32
      %or3A_358 = vector.broadcast %or3A : i32 to vector<16xi32>
      %or3A_359 = arith.ori %bitcast_convert_type3A_351, %or3A_358 : vector<16xi32>
      %select_n3A_360 = arith.select %eq3A_356, %not3A_357, %or3A_359 : vector<16xi1>, vector<16xi32>
      %xor3A_361 = arith.constant -2147483648 : i32
      %xor3A_362 = vector.broadcast %xor3A_361 : i32 to vector<16xi32>
      %xor3A_363 = arith.xori %select_n3A_360, %xor3A_362 : vector<16xi32>
      %bitcast_convert_type3A_364 = tpu.bitcast %xor3A_363 : vector<16xi32> -> vector<16xi32>
      %shift_right_logical3A_365 = arith.constant 21 : i32
      %shift_right_logical3A_366 = vector.broadcast %shift_right_logical3A_365 : i32 to vector<16xi32>
      %shift_right_logical3A_367 = arith.shrui %select_n3A_360, %shift_right_logical3A_366 : vector<16xi32>
      %bitcast_convert_type3A_368 = tpu.bitcast %shift_right_logical3A_367 : vector<16xi32> -> vector<16xi32>
      %add3A_369 = arith.addi %mul3A_65, %bitcast_convert_type3A_368 : vector<16xi32>
      tpu.vector_store_idx %arg12[%add3A_369], %broadcast_in_dim3A_62 {add = true} : memref<32768xi32, #tpu.memory_space<vmem>>[vector<16xi32>], vector<16xi32>,
      %scan3A_370 = arith.constant 0 : i32
      scf.yield %scan3A_370 : i32
    }
    %scan3A_149 = arith.constant 790 : i32
    %add3A_150 = arith.constant 88480 : i32
    %add3A_151 = arith.addi %add3A_59, %add3A_150 : i32
    %dma_start3A_152 = tpu.memref_slice %arg2[%add3A_151] : memref<3640320xf32, #tpu.memory_space<hbm>> -> memref<12640xf32, #tpu.memory_space<hbm>>
    %dma_start3A_153 = tpu.memref_slice %arg2[%add3A_151] : memref<3640320xf32, #tpu.memory_space<hbm>> -> memref<12640xf32, #tpu.memory_space<hbm>>
    tpu.enqueue_dma source(%dma_start3A_153 : memref<12640xf32, #tpu.memory_space<hbm>>) target(%arg11 : memref<12640xf32, #tpu.memory_space<vmem>>) target_semaphore(%arg44 : memref<!tpu.dma_semaphore, #tpu.memory_space<semaphore_mem>>)
    %dma_wait3A_154 = tpu.memref_slice %arg2[%add3A_138] : memref<3640320xf32, #tpu.memory_space<hbm>> -> memref<12640xf32, #tpu.memory_space<hbm>>
    %dma_wait3A_155 = tpu.memref_slice %arg2[%add3A_138] : memref<3640320xf32, #tpu.memory_space<hbm>> -> memref<12640xf32, #tpu.memory_space<hbm>>
    tpu.wait_dma2 semaphore(%arg43 : memref<!tpu.dma_semaphore, #tpu.memory_space<semaphore_mem>>) src(%dma_wait3A_155 : memref<12640xf32, #tpu.memory_space<hbm>>) dst(%arg10 : memref<12640xf32, #tpu.memory_space<vmem>>)
    %scan3A_156 = arith.constant 0 : i32
    %scan3A_157 = arith.constant 0 : i32
    %scan3A_158 = arith.constant 790 : i32
    %scan3A_159 = arith.addi %scan3A_157, %scan3A_158 : i32
    %scan3A_160 = arith.constant 1 : i32
    %scan3A_161 = scf.for %scan3A_345 = %scan3A_157 to %scan3A_159 step %scan3A_160 iter_args(%scan3A_346 = %scan3A_156) -> (i32)  : i32 {
      %mul3A_347 = arith.constant 16 : i32
      %mul3A_348 = arith.muli %scan3A_345, %mul3A_347 : i32
      %get3A_349 = arith.index_cast %mul3A_348 : i32 to index
      %get3A_350 = tpu.vector_load %arg10[%get3A_349] {strides = array<i32>} : memref<12640xf32, #tpu.memory_space<vmem>>, vector<16xf32>,
      %bitcast_convert_type3A_351 = tpu.bitcast %get3A_350 : vector<16xf32> -> vector<16xi32>
      %shift_right_logical3A = arith.constant 31 : i32
      %shift_right_logical3A_352 = vector.broadcast %shift_right_logical3A : i32 to vector<16xi32>
      %shift_right_logical3A_353 = arith.shrui %bitcast_convert_type3A_351, %shift_right_logical3A_352 : vector<16xi32>
      %eq3A_354 = arith.constant 1 : i32
      %eq3A_355 = vector.broadcast %eq3A_354 : i32 to vector<16xi32>
      %eq3A_356 = arith.cmpi eq, %shift_right_logical3A_353, %eq3A_355 : vector<16xi32>
      %not3A = arith.constant dense<-1> : vector<16xi32>
      %not3A_357 = arith.xori %bitcast_convert_type3A_351, %not3A : vector<16xi32>
      %or3A = arith.constant -2147483648 : i32
      %or3A_358 = vector.broadcast %or3A : i32 to vector<16xi32>
      %or3A_359 = arith.ori %bitcast_convert_type3A_351, %or3A_358 : vector<16xi32>
      %select_n3A_360 = arith.select %eq3A_356, %not3A_357, %or3A_359 : vector<16xi1>, vector<16xi32>
      %xor3A_361 = arith.constant -2147483648 : i32
      %xor3A_362 = vector.broadcast %xor3A_361 : i32 to vector<16xi32>
      %xor3A_363 = arith.xori %select_n3A_360, %xor3A_362 : vector<16xi32>
      %bitcast_convert_type3A_364 = tpu.bitcast %xor3A_363 : vector<16xi32> -> vector<16xi32>
      %shift_right_logical3A_365 = arith.constant 21 : i32
      %shift_right_logical3A_366 = vector.broadcast %shift_right_logical3A_365 : i32 to vector<16xi32>
      %shift_right_logical3A_367 = arith.shrui %select_n3A_360, %shift_right_logical3A_366 : vector<16xi32>
      %bitcast_convert_type3A_368 = tpu.bitcast %shift_right_logical3A_367 : vector<16xi32> -> vector<16xi32>
      %add3A_369 = arith.addi %mul3A_65, %bitcast_convert_type3A_368 : vector<16xi32>
      tpu.vector_store_idx %arg12[%add3A_369], %broadcast_in_dim3A_62 {add = true} : memref<32768xi32, #tpu.memory_space<vmem>>[vector<16xi32>], vector<16xi32>,
      %scan3A_370 = arith.constant 0 : i32
      scf.yield %scan3A_370 : i32
    }
    %scan3A_162 = arith.constant 790 : i32
    %add3A_163 = arith.constant 101120 : i32
    %add3A_164 = arith.addi %add3A_59, %add3A_163 : i32
    %dma_start3A_165 = tpu.memref_slice %arg2[%add3A_164] : memref<3640320xf32, #tpu.memory_space<hbm>> -> memref<12640xf32, #tpu.memory_space<hbm>>
    %dma_start3A_166 = tpu.memref_slice %arg2[%add3A_164] : memref<3640320xf32, #tpu.memory_space<hbm>> -> memref<12640xf32, #tpu.memory_space<hbm>>
    tpu.enqueue_dma source(%dma_start3A_166 : memref<12640xf32, #tpu.memory_space<hbm>>) target(%arg10 : memref<12640xf32, #tpu.memory_space<vmem>>) target_semaphore(%arg43 : memref<!tpu.dma_semaphore, #tpu.memory_space<semaphore_mem>>)
    %dma_wait3A_167 = tpu.memref_slice %arg2[%add3A_151] : memref<3640320xf32, #tpu.memory_space<hbm>> -> memref<12640xf32, #tpu.memory_space<hbm>>
    %dma_wait3A_168 = tpu.memref_slice %arg2[%add3A_151] : memref<3640320xf32, #tpu.memory_space<hbm>> -> memref<12640xf32, #tpu.memory_space<hbm>>
    tpu.wait_dma2 semaphore(%arg44 : memref<!tpu.dma_semaphore, #tpu.memory_space<semaphore_mem>>) src(%dma_wait3A_168 : memref<12640xf32, #tpu.memory_space<hbm>>) dst(%arg11 : memref<12640xf32, #tpu.memory_space<vmem>>)
    %scan3A_169 = arith.constant 0 : i32
    %scan3A_170 = arith.constant 0 : i32
    %scan3A_171 = arith.constant 790 : i32
    %scan3A_172 = arith.addi %scan3A_170, %scan3A_171 : i32
    %scan3A_173 = arith.constant 1 : i32
    %scan3A_174 = scf.for %scan3A_345 = %scan3A_170 to %scan3A_172 step %scan3A_173 iter_args(%scan3A_346 = %scan3A_169) -> (i32)  : i32 {
      %mul3A_347 = arith.constant 16 : i32
      %mul3A_348 = arith.muli %scan3A_345, %mul3A_347 : i32
      %get3A_349 = arith.index_cast %mul3A_348 : i32 to index
      %get3A_350 = tpu.vector_load %arg11[%get3A_349] {strides = array<i32>} : memref<12640xf32, #tpu.memory_space<vmem>>, vector<16xf32>,
      %bitcast_convert_type3A_351 = tpu.bitcast %get3A_350 : vector<16xf32> -> vector<16xi32>
      %shift_right_logical3A = arith.constant 31 : i32
      %shift_right_logical3A_352 = vector.broadcast %shift_right_logical3A : i32 to vector<16xi32>
      %shift_right_logical3A_353 = arith.shrui %bitcast_convert_type3A_351, %shift_right_logical3A_352 : vector<16xi32>
      %eq3A_354 = arith.constant 1 : i32
      %eq3A_355 = vector.broadcast %eq3A_354 : i32 to vector<16xi32>
      %eq3A_356 = arith.cmpi eq, %shift_right_logical3A_353, %eq3A_355 : vector<16xi32>
      %not3A = arith.constant dense<-1> : vector<16xi32>
      %not3A_357 = arith.xori %bitcast_convert_type3A_351, %not3A : vector<16xi32>
      %or3A = arith.constant -2147483648 : i32
      %or3A_358 = vector.broadcast %or3A : i32 to vector<16xi32>
      %or3A_359 = arith.ori %bitcast_convert_type3A_351, %or3A_358 : vector<16xi32>
      %select_n3A_360 = arith.select %eq3A_356, %not3A_357, %or3A_359 : vector<16xi1>, vector<16xi32>
      %xor3A_361 = arith.constant -2147483648 : i32
      %xor3A_362 = vector.broadcast %xor3A_361 : i32 to vector<16xi32>
      %xor3A_363 = arith.xori %select_n3A_360, %xor3A_362 : vector<16xi32>
      %bitcast_convert_type3A_364 = tpu.bitcast %xor3A_363 : vector<16xi32> -> vector<16xi32>
      %shift_right_logical3A_365 = arith.constant 21 : i32
      %shift_right_logical3A_366 = vector.broadcast %shift_right_logical3A_365 : i32 to vector<16xi32>
      %shift_right_logical3A_367 = arith.shrui %select_n3A_360, %shift_right_logical3A_366 : vector<16xi32>
      %bitcast_convert_type3A_368 = tpu.bitcast %shift_right_logical3A_367 : vector<16xi32> -> vector<16xi32>
      %add3A_369 = arith.addi %mul3A_65, %bitcast_convert_type3A_368 : vector<16xi32>
      tpu.vector_store_idx %arg12[%add3A_369], %broadcast_in_dim3A_62 {add = true} : memref<32768xi32, #tpu.memory_space<vmem>>[vector<16xi32>], vector<16xi32>,
      %scan3A_370 = arith.constant 0 : i32
      scf.yield %scan3A_370 : i32
    }
    %scan3A_175 = arith.constant 790 : i32
    %dma_wait3A_176 = tpu.memref_slice %arg2[%add3A_164] : memref<3640320xf32, #tpu.memory_space<hbm>> -> memref<12640xf32, #tpu.memory_space<hbm>>
    %dma_wait3A_177 = tpu.memref_slice %arg2[%add3A_164] : memref<3640320xf32, #tpu.memory_space<hbm>> -> memref<12640xf32, #tpu.memory_space<hbm>>
    tpu.wait_dma2 semaphore(%arg43 : memref<!tpu.dma_semaphore, #tpu.memory_space<semaphore_mem>>) src(%dma_wait3A_177 : memref<12640xf32, #tpu.memory_space<hbm>>) dst(%arg10 : memref<12640xf32, #tpu.memory_space<vmem>>)
    %scan3A_178 = arith.constant 0 : i32
    %scan3A_179 = arith.constant 0 : i32
    %scan3A_180 = arith.constant 790 : i32
    %scan3A_181 = arith.addi %scan3A_179, %scan3A_180 : i32
    %scan3A_182 = arith.constant 1 : i32
    %scan3A_183 = scf.for %scan3A_345 = %scan3A_179 to %scan3A_181 step %scan3A_182 iter_args(%scan3A_346 = %scan3A_178) -> (i32)  : i32 {
      %mul3A_347 = arith.constant 16 : i32
      %mul3A_348 = arith.muli %scan3A_345, %mul3A_347 : i32
      %get3A_349 = arith.index_cast %mul3A_348 : i32 to index
      %get3A_350 = tpu.vector_load %arg10[%get3A_349] {strides = array<i32>} : memref<12640xf32, #tpu.memory_space<vmem>>, vector<16xf32>,
      %bitcast_convert_type3A_351 = tpu.bitcast %get3A_350 : vector<16xf32> -> vector<16xi32>
      %shift_right_logical3A = arith.constant 31 : i32
      %shift_right_logical3A_352 = vector.broadcast %shift_right_logical3A : i32 to vector<16xi32>
      %shift_right_logical3A_353 = arith.shrui %bitcast_convert_type3A_351, %shift_right_logical3A_352 : vector<16xi32>
      %eq3A_354 = arith.constant 1 : i32
      %eq3A_355 = vector.broadcast %eq3A_354 : i32 to vector<16xi32>
      %eq3A_356 = arith.cmpi eq, %shift_right_logical3A_353, %eq3A_355 : vector<16xi32>
      %not3A = arith.constant dense<-1> : vector<16xi32>
      %not3A_357 = arith.xori %bitcast_convert_type3A_351, %not3A : vector<16xi32>
      %or3A = arith.constant -2147483648 : i32
      %or3A_358 = vector.broadcast %or3A : i32 to vector<16xi32>
      %or3A_359 = arith.ori %bitcast_convert_type3A_351, %or3A_358 : vector<16xi32>
      %select_n3A_360 = arith.select %eq3A_356, %not3A_357, %or3A_359 : vector<16xi1>, vector<16xi32>
      %xor3A_361 = arith.constant -2147483648 : i32
      %xor3A_362 = vector.broadcast %xor3A_361 : i32 to vector<16xi32>
      %xor3A_363 = arith.xori %select_n3A_360, %xor3A_362 : vector<16xi32>
      %bitcast_convert_type3A_364 = tpu.bitcast %xor3A_363 : vector<16xi32> -> vector<16xi32>
      %shift_right_logical3A_365 = arith.constant 21 : i32
      %shift_right_logical3A_366 = vector.broadcast %shift_right_logical3A_365 : i32 to vector<16xi32>
      %shift_right_logical3A_367 = arith.shrui %select_n3A_360, %shift_right_logical3A_366 : vector<16xi32>
      %bitcast_convert_type3A_368 = tpu.bitcast %shift_right_logical3A_367 : vector<16xi32> -> vector<16xi32>
      %add3A_369 = arith.addi %mul3A_65, %bitcast_convert_type3A_368 : vector<16xi32>
      tpu.vector_store_idx %arg12[%add3A_369], %broadcast_in_dim3A_62 {add = true} : memref<32768xi32, #tpu.memory_space<vmem>>[vector<16xi32>], vector<16xi32>,
      %scan3A_370 = arith.constant 0 : i32
      scf.yield %scan3A_370 : i32
    }
    %scan3A_184 = arith.constant 790 : i32
    %scan3A_185 = arith.constant 0 : i32
    %scan3A_186 = arith.constant 0 : i32
    %scan3A_187 = arith.constant 128 : i32
    %scan3A_188 = arith.addi %scan3A_186, %scan3A_187 : i32
    %scan3A_189 = arith.constant 1 : i32
    %scan3A_190 = scf.for %scan3A_345 = %scan3A_186 to %scan3A_188 step %scan3A_189 iter_args(%scan3A_346 = %scan3A_185) -> (i32)  : i32 {
      %mul3A_347 = arith.constant 16 : i32
      %mul3A_348 = arith.muli %scan3A_345, %mul3A_347 : i32
      %add3A_349 = arith.constant 0 : i32
      %add3A_350 = arith.addi %add3A_349, %mul3A_348 : i32
      %get3A_351 = arith.index_cast %add3A_350 : i32 to index
      %get3A_352 = tpu.vector_load %arg12[%get3A_351] {strides = array<i32>} : memref<32768xi32, #tpu.memory_space<vmem>>, vector<16xi32>,
      %add3A_353 = arith.addi %broadcast_in_dim3A_60, %get3A_352 : vector<16xi32>
      %mul3A_354 = arith.constant 16 : i32
      %mul3A_355 = arith.muli %scan3A_345, %mul3A_354 : i32
      %add3A_356 = arith.constant 2048 : i32
      %add3A_357 = arith.addi %add3A_356, %mul3A_355 : i32
      %get3A_358 = arith.index_cast %add3A_357 : i32 to index
      %get3A_359 = tpu.vector_load %arg12[%get3A_358] {strides = array<i32>} : memref<32768xi32, #tpu.memory_space<vmem>>, vector<16xi32>,
      %add3A_360 = arith.addi %add3A_353, %get3A_359 : vector<16xi32>
      %mul3A_361 = arith.constant 16 : i32
      %mul3A_362 = arith.muli %scan3A_345, %mul3A_361 : i32
      %add3A_363 = arith.constant 4096 : i32
      %add3A_364 = arith.addi %add3A_363, %mul3A_362 : i32
      %get3A_365 = arith.index_cast %add3A_364 : i32 to index
      %get3A_366 = tpu.vector_load %arg12[%get3A_365] {strides = array<i32>} : memref<32768xi32, #tpu.memory_space<vmem>>, vector<16xi32>,
      %add3A_367 = arith.addi %add3A_360, %get3A_366 : vector<16xi32>
      %mul3A_368 = arith.constant 16 : i32
      %mul3A_369 = arith.muli %scan3A_345, %mul3A_368 : i32
      %add3A_370 = arith.constant 6144 : i32
      %add3A_371 = arith.addi %add3A_370, %mul3A_369 : i32
      %get3A_372 = arith.index_cast %add3A_371 : i32 to index
      %get3A_373 = tpu.vector_load %arg12[%get3A_372] {strides = array<i32>} : memref<32768xi32, #tpu.memory_space<vmem>>, vector<16xi32>,
      %add3A_374 = arith.addi %add3A_367, %get3A_373 : vector<16xi32>
      %mul3A_375 = arith.constant 16 : i32
      %mul3A_376 = arith.muli %scan3A_345, %mul3A_375 : i32
      %add3A_377 = arith.constant 8192 : i32
      %add3A_378 = arith.addi %add3A_377, %mul3A_376 : i32
      %get3A_379 = arith.index_cast %add3A_378 : i32 to index
      %get3A_380 = tpu.vector_load %arg12[%get3A_379] {strides = array<i32>} : memref<32768xi32, #tpu.memory_space<vmem>>, vector<16xi32>,
      %add3A_381 = arith.addi %add3A_374, %get3A_380 : vector<16xi32>
      %mul3A_382 = arith.constant 16 : i32
      %mul3A_383 = arith.muli %scan3A_345, %mul3A_382 : i32
      %add3A_384 = arith.constant 10240 : i32
      %add3A_385 = arith.addi %add3A_384, %mul3A_383 : i32
      %get3A_386 = arith.index_cast %add3A_385 : i32 to index
      %get3A_387 = tpu.vector_load %arg12[%get3A_386] {strides = array<i32>} : memref<32768xi32, #tpu.memory_space<vmem>>, vector<16xi32>,
      %add3A_388 = arith.addi %add3A_381, %get3A_387 : vector<16xi32>
      %mul3A_389 = arith.constant 16 : i32
      %mul3A_390 = arith.muli %scan3A_345, %mul3A_389 : i32
      %add3A_391 = arith.constant 12288 : i32
      %add3A_392 = arith.addi %add3A_391, %mul3A_390 : i32
      %get3A_393 = arith.index_cast %add3A_392 : i32 to index
      %get3A_394 = tpu.vector_load %arg12[%get3A_393] {strides = array<i32>} : memref<32768xi32, #tpu.memory_space<vmem>>, vector<16xi32>,
      %add3A_395 = arith.addi %add3A_388, %get3A_394 : vector<16xi32>
      %mul3A_396 = arith.constant 16 : i32
      %mul3A_397 = arith.muli %scan3A_345, %mul3A_396 : i32
      %add3A_398 = arith.constant 14336 : i32
      %add3A_399 = arith.addi %add3A_398, %mul3A_397 : i32
      %get3A_400 = arith.index_cast %add3A_399 : i32 to index
      %get3A_401 = tpu.vector_load %arg12[%get3A_400] {strides = array<i32>} : memref<32768xi32, #tpu.memory_space<vmem>>, vector<16xi32>,
      %add3A_402 = arith.addi %add3A_395, %get3A_401 : vector<16xi32>
      %mul3A_403 = arith.constant 16 : i32
      %mul3A_404 = arith.muli %scan3A_345, %mul3A_403 : i32
      %add3A_405 = arith.constant 16384 : i32
      %add3A_406 = arith.addi %add3A_405, %mul3A_404 : i32
      %get3A_407 = arith.index_cast %add3A_406 : i32 to index
      %get3A_408 = tpu.vector_load %arg12[%get3A_407] {strides = array<i32>} : memref<32768xi32, #tpu.memory_space<vmem>>, vector<16xi32>,
      %add3A_409 = arith.addi %add3A_402, %get3A_408 : vector<16xi32>
      %mul3A_410 = arith.constant 16 : i32
      %mul3A_411 = arith.muli %scan3A_345, %mul3A_410 : i32
      %add3A_412 = arith.constant 18432 : i32
      %add3A_413 = arith.addi %add3A_412, %mul3A_411 : i32
      %get3A_414 = arith.index_cast %add3A_413 : i32 to index
      %get3A_415 = tpu.vector_load %arg12[%get3A_414] {strides = array<i32>} : memref<32768xi32, #tpu.memory_space<vmem>>, vector<16xi32>,
      %add3A_416 = arith.addi %add3A_409, %get3A_415 : vector<16xi32>
      %mul3A_417 = arith.constant 16 : i32
      %mul3A_418 = arith.muli %scan3A_345, %mul3A_417 : i32
      %add3A_419 = arith.constant 20480 : i32
      %add3A_420 = arith.addi %add3A_419, %mul3A_418 : i32
      %get3A_421 = arith.index_cast %add3A_420 : i32 to index
      %get3A_422 = tpu.vector_load %arg12[%get3A_421] {strides = array<i32>} : memref<32768xi32, #tpu.memory_space<vmem>>, vector<16xi32>,
      %add3A_423 = arith.addi %add3A_416, %get3A_422 : vector<16xi32>
      %mul3A_424 = arith.constant 16 : i32
      %mul3A_425 = arith.muli %scan3A_345, %mul3A_424 : i32
      %add3A_426 = arith.constant 22528 : i32
      %add3A_427 = arith.addi %add3A_426, %mul3A_425 : i32
      %get3A_428 = arith.index_cast %add3A_427 : i32 to index
      %get3A_429 = tpu.vector_load %arg12[%get3A_428] {strides = array<i32>} : memref<32768xi32, #tpu.memory_space<vmem>>, vector<16xi32>,
      %add3A_430 = arith.addi %add3A_423, %get3A_429 : vector<16xi32>
      %mul3A_431 = arith.constant 16 : i32
      %mul3A_432 = arith.muli %scan3A_345, %mul3A_431 : i32
      %add3A_433 = arith.constant 24576 : i32
      %add3A_434 = arith.addi %add3A_433, %mul3A_432 : i32
      %get3A_435 = arith.index_cast %add3A_434 : i32 to index
      %get3A_436 = tpu.vector_load %arg12[%get3A_435] {strides = array<i32>} : memref<32768xi32, #tpu.memory_space<vmem>>, vector<16xi32>,
      %add3A_437 = arith.addi %add3A_430, %get3A_436 : vector<16xi32>
      %mul3A_438 = arith.constant 16 : i32
      %mul3A_439 = arith.muli %scan3A_345, %mul3A_438 : i32
      %add3A_440 = arith.constant 26624 : i32
      %add3A_441 = arith.addi %add3A_440, %mul3A_439 : i32
      %get3A_442 = arith.index_cast %add3A_441 : i32 to index
      %get3A_443 = tpu.vector_load %arg12[%get3A_442] {strides = array<i32>} : memref<32768xi32, #tpu.memory_space<vmem>>, vector<16xi32>,
      %add3A_444 = arith.addi %add3A_437, %get3A_443 : vector<16xi32>
      %mul3A_445 = arith.constant 16 : i32
      %mul3A_446 = arith.muli %scan3A_345, %mul3A_445 : i32
      %add3A_447 = arith.constant 28672 : i32
      %add3A_448 = arith.addi %add3A_447, %mul3A_446 : i32
      %get3A_449 = arith.index_cast %add3A_448 : i32 to index
      %get3A_450 = tpu.vector_load %arg12[%get3A_449] {strides = array<i32>} : memref<32768xi32, #tpu.memory_space<vmem>>, vector<16xi32>,
      %add3A_451 = arith.addi %add3A_444, %get3A_450 : vector<16xi32>
      %mul3A_452 = arith.constant 16 : i32
      %mul3A_453 = arith.muli %scan3A_345, %mul3A_452 : i32
      %add3A_454 = arith.constant 30720 : i32
      %add3A_455 = arith.addi %add3A_454, %mul3A_453 : i32
      %get3A_456 = arith.index_cast %add3A_455 : i32 to index
      %get3A_457 = tpu.vector_load %arg12[%get3A_456] {strides = array<i32>} : memref<32768xi32, #tpu.memory_space<vmem>>, vector<16xi32>,
      %add3A_458 = arith.addi %add3A_451, %get3A_457 : vector<16xi32>
      %mul3A_459 = arith.constant 16 : i32
      %mul3A_460 = arith.muli %scan3A_345, %mul3A_459 : i32
      %swap3A_461 = arith.index_cast %mul3A_460 : i32 to index
      %swap3A_462 = tpu.vector_load %arg23[%swap3A_461] {strides = array<i32>} : memref<2048xi32, #tpu.memory_space<vmem>>, vector<16xi32>,
      tpu.vector_store %arg23[%swap3A_461], %add3A_458 {strides = array<i32>} : memref<2048xi32, #tpu.memory_space<vmem>>, vector<16xi32>,
      %scan3A_463 = arith.constant 0 : i32
      scf.yield %scan3A_463 : i32
    }
    %scan3A_191 = arith.constant 128 : i32
    "tpu.region"() ({
      %run_scoped3A = tpu.sem_alloc : memref<!tpu.dma_semaphore, #tpu.memory_space<semaphore_mem>>
      %dma_start3A_345 = arith.constant 0 : i32
      %dma_start3A_346 = tpu.memref_slice %arg38[%arg1, %dma_start3A_345] : memref<16x2048xi32, #tpu.memory_space<vmem_shared>> -> memref<1x2048xi32, #tpu.memory_space<vmem_shared>>
      %dma_start3A_347 = tpu.memref_squeeze %dma_start3A_346 : memref<1x2048xi32, #tpu.memory_space<vmem_shared>> -> memref<2048xi32, #tpu.memory_space<vmem_shared>>
      %dma_start3A_348 = arith.constant 0 : i32
      %dma_start3A_349 = tpu.memref_slice %arg38[%arg1, %dma_start3A_348] : memref<16x2048xi32, #tpu.memory_space<vmem_shared>> -> memref<1x2048xi32, #tpu.memory_space<vmem_shared>>
      %dma_start3A_350 = tpu.memref_squeeze %dma_start3A_349 : memref<1x2048xi32, #tpu.memory_space<vmem_shared>> -> memref<2048xi32, #tpu.memory_space<vmem_shared>>
      tpu.enqueue_dma source(%arg23 : memref<2048xi32, #tpu.memory_space<vmem>>) target(%dma_start3A_350 : memref<2048xi32, #tpu.memory_space<vmem_shared>>) target_semaphore(%run_scoped3A : memref<!tpu.dma_semaphore, #tpu.memory_space<semaphore_mem>>)
      %dma_wait3A_351 = arith.constant 0 : i32
      %dma_wait3A_352 = tpu.memref_slice %arg38[%arg1, %dma_wait3A_351] : memref<16x2048xi32, #tpu.memory_space<vmem_shared>> -> memref<1x2048xi32, #tpu.memory_space<vmem_shared>>
      %dma_wait3A_353 = tpu.memref_squeeze %dma_wait3A_352 : memref<1x2048xi32, #tpu.memory_space<vmem_shared>> -> memref<2048xi32, #tpu.memory_space<vmem_shared>>
      %dma_wait3A_354 = arith.constant 0 : i32
      %dma_wait3A_355 = tpu.memref_slice %arg38[%arg1, %dma_wait3A_354] : memref<16x2048xi32, #tpu.memory_space<vmem_shared>> -> memref<1x2048xi32, #tpu.memory_space<vmem_shared>>
      %dma_wait3A_356 = tpu.memref_squeeze %dma_wait3A_355 : memref<1x2048xi32, #tpu.memory_space<vmem_shared>> -> memref<2048xi32, #tpu.memory_space<vmem_shared>>
      tpu.wait_dma2 semaphore(%run_scoped3A : memref<!tpu.dma_semaphore, #tpu.memory_space<semaphore_mem>>) src(%arg23 : memref<2048xi32, #tpu.memory_space<vmem>>) dst(%dma_wait3A_356 : memref<2048xi32, #tpu.memory_space<vmem_shared>>)
      tpu.yield
    }) : () -> ()
    %barrier3A = arith.constant 0 : index
    tpu.barrier barrier_id(%barrier3A)
    %eq3A_192 = arith.constant 0 : i32
    %eq3A_193 = arith.cmpi eq, %select_n3A_30, %eq3A_192 : i32
    %convert_element_type3A = arith.extui %eq3A_193 : i1 to i32
    %cond3A = arith.constant 0 : i32
    %cond3A_194 = arith.cmpi ne, %convert_element_type3A, %cond3A : i32
    scf.if %cond3A_194 {
      %add3A_345 = arith.constant 0 : i32
      %add3A_346 = arith.addi %arg1, %add3A_345 : i32
      "tpu.region"() ({
        %run_scoped3A = tpu.sem_alloc : memref<!tpu.dma_semaphore, #tpu.memory_space<semaphore_mem>>
        %dma_start3A_368 = arith.constant 0 : i32
        %dma_start3A_369 = tpu.memref_slice %arg38[%add3A_346, %dma_start3A_368] : memref<16x2048xi32, #tpu.memory_space<vmem_shared>> -> memref<1x2048xi32, #tpu.memory_space<vmem_shared>>
        %dma_start3A_370 = tpu.memref_squeeze %dma_start3A_369 : memref<1x2048xi32, #tpu.memory_space<vmem_shared>> -> memref<2048xi32, #tpu.memory_space<vmem_shared>>
        %dma_start3A_371 = arith.constant 0 : i32
        %dma_start3A_372 = tpu.memref_slice %arg38[%add3A_346, %dma_start3A_371] : memref<16x2048xi32, #tpu.memory_space<vmem_shared>> -> memref<1x2048xi32, #tpu.memory_space<vmem_shared>>
        %dma_start3A_373 = tpu.memref_squeeze %dma_start3A_372 : memref<1x2048xi32, #tpu.memory_space<vmem_shared>> -> memref<2048xi32, #tpu.memory_space<vmem_shared>>
        tpu.enqueue_dma source(%dma_start3A_373 : memref<2048xi32, #tpu.memory_space<vmem_shared>>) target(%arg23 : memref<2048xi32, #tpu.memory_space<vmem>>) target_semaphore(%run_scoped3A : memref<!tpu.dma_semaphore, #tpu.memory_space<semaphore_mem>>)
        %dma_wait3A_374 = arith.constant 0 : i32
        %dma_wait3A_375 = tpu.memref_slice %arg38[%add3A_346, %dma_wait3A_374] : memref<16x2048xi32, #tpu.memory_space<vmem_shared>> -> memref<1x2048xi32, #tpu.memory_space<vmem_shared>>
        %dma_wait3A_376 = tpu.memref_squeeze %dma_wait3A_375 : memref<1x2048xi32, #tpu.memory_space<vmem_shared>> -> memref<2048xi32, #tpu.memory_space<vmem_shared>>
        %dma_wait3A_377 = arith.constant 0 : i32
        %dma_wait3A_378 = tpu.memref_slice %arg38[%add3A_346, %dma_wait3A_377] : memref<16x2048xi32, #tpu.memory_space<vmem_shared>> -> memref<1x2048xi32, #tpu.memory_space<vmem_shared>>
        %dma_wait3A_379 = tpu.memref_squeeze %dma_wait3A_378 : memref<1x2048xi32, #tpu.memory_space<vmem_shared>> -> memref<2048xi32, #tpu.memory_space<vmem_shared>>
        tpu.wait_dma2 semaphore(%run_scoped3A : memref<!tpu.dma_semaphore, #tpu.memory_space<semaphore_mem>>) src(%dma_wait3A_379 : memref<2048xi32, #tpu.memory_space<vmem_shared>>) dst(%arg23 : memref<2048xi32, #tpu.memory_space<vmem>>)
        tpu.yield
      }) : () -> ()
      %add3A_347 = arith.constant 1 : i32
      %add3A_348 = arith.addi %arg1, %add3A_347 : i32
      "tpu.region"() ({
        %run_scoped3A = tpu.sem_alloc : memref<!tpu.dma_semaphore, #tpu.memory_space<semaphore_mem>>
        %dma_start3A_368 = arith.constant 0 : i32
        %dma_start3A_369 = tpu.memref_slice %arg38[%add3A_348, %dma_start3A_368] : memref<16x2048xi32, #tpu.memory_space<vmem_shared>> -> memref<1x2048xi32, #tpu.memory_space<vmem_shared>>
        %dma_start3A_370 = tpu.memref_squeeze %dma_start3A_369 : memref<1x2048xi32, #tpu.memory_space<vmem_shared>> -> memref<2048xi32, #tpu.memory_space<vmem_shared>>
        %dma_start3A_371 = arith.constant 0 : i32
        %dma_start3A_372 = tpu.memref_slice %arg38[%add3A_348, %dma_start3A_371] : memref<16x2048xi32, #tpu.memory_space<vmem_shared>> -> memref<1x2048xi32, #tpu.memory_space<vmem_shared>>
        %dma_start3A_373 = tpu.memref_squeeze %dma_start3A_372 : memref<1x2048xi32, #tpu.memory_space<vmem_shared>> -> memref<2048xi32, #tpu.memory_space<vmem_shared>>
        tpu.enqueue_dma source(%dma_start3A_373 : memref<2048xi32, #tpu.memory_space<vmem_shared>>) target(%arg24 : memref<2048xi32, #tpu.memory_space<vmem>>) target_semaphore(%run_scoped3A : memref<!tpu.dma_semaphore, #tpu.memory_space<semaphore_mem>>)
        %dma_wait3A_374 = arith.constant 0 : i32
        %dma_wait3A_375 = tpu.memref_slice %arg38[%add3A_348, %dma_wait3A_374] : memref<16x2048xi32, #tpu.memory_space<vmem_shared>> -> memref<1x2048xi32, #tpu.memory_space<vmem_shared>>
        %dma_wait3A_376 = tpu.memref_squeeze %dma_wait3A_375 : memref<1x2048xi32, #tpu.memory_space<vmem_shared>> -> memref<2048xi32, #tpu.memory_space<vmem_shared>>
        %dma_wait3A_377 = arith.constant 0 : i32
        %dma_wait3A_378 = tpu.memref_slice %arg38[%add3A_348, %dma_wait3A_377] : memref<16x2048xi32, #tpu.memory_space<vmem_shared>> -> memref<1x2048xi32, #tpu.memory_space<vmem_shared>>
        %dma_wait3A_379 = tpu.memref_squeeze %dma_wait3A_378 : memref<1x2048xi32, #tpu.memory_space<vmem_shared>> -> memref<2048xi32, #tpu.memory_space<vmem_shared>>
        tpu.wait_dma2 semaphore(%run_scoped3A : memref<!tpu.dma_semaphore, #tpu.memory_space<semaphore_mem>>) src(%dma_wait3A_379 : memref<2048xi32, #tpu.memory_space<vmem_shared>>) dst(%arg24 : memref<2048xi32, #tpu.memory_space<vmem>>)
        tpu.yield
      }) : () -> ()
      %add3A_349 = arith.constant 2 : i32
      %add3A_350 = arith.addi %arg1, %add3A_349 : i32
      "tpu.region"() ({
        %run_scoped3A = tpu.sem_alloc : memref<!tpu.dma_semaphore, #tpu.memory_space<semaphore_mem>>
        %dma_start3A_368 = arith.constant 0 : i32
        %dma_start3A_369 = tpu.memref_slice %arg38[%add3A_350, %dma_start3A_368] : memref<16x2048xi32, #tpu.memory_space<vmem_shared>> -> memref<1x2048xi32, #tpu.memory_space<vmem_shared>>
        %dma_start3A_370 = tpu.memref_squeeze %dma_start3A_369 : memref<1x2048xi32, #tpu.memory_space<vmem_shared>> -> memref<2048xi32, #tpu.memory_space<vmem_shared>>
        %dma_start3A_371 = arith.constant 0 : i32
        %dma_start3A_372 = tpu.memref_slice %arg38[%add3A_350, %dma_start3A_371] : memref<16x2048xi32, #tpu.memory_space<vmem_shared>> -> memref<1x2048xi32, #tpu.memory_space<vmem_shared>>
        %dma_start3A_373 = tpu.memref_squeeze %dma_start3A_372 : memref<1x2048xi32, #tpu.memory_space<vmem_shared>> -> memref<2048xi32, #tpu.memory_space<vmem_shared>>
        tpu.enqueue_dma source(%dma_start3A_373 : memref<2048xi32, #tpu.memory_space<vmem_shared>>) target(%arg25 : memref<2048xi32, #tpu.memory_space<vmem>>) target_semaphore(%run_scoped3A : memref<!tpu.dma_semaphore, #tpu.memory_space<semaphore_mem>>)
        %dma_wait3A_374 = arith.constant 0 : i32
        %dma_wait3A_375 = tpu.memref_slice %arg38[%add3A_350, %dma_wait3A_374] : memref<16x2048xi32, #tpu.memory_space<vmem_shared>> -> memref<1x2048xi32, #tpu.memory_space<vmem_shared>>
        %dma_wait3A_376 = tpu.memref_squeeze %dma_wait3A_375 : memref<1x2048xi32, #tpu.memory_space<vmem_shared>> -> memref<2048xi32, #tpu.memory_space<vmem_shared>>
        %dma_wait3A_377 = arith.constant 0 : i32
        %dma_wait3A_378 = tpu.memref_slice %arg38[%add3A_350, %dma_wait3A_377] : memref<16x2048xi32, #tpu.memory_space<vmem_shared>> -> memref<1x2048xi32, #tpu.memory_space<vmem_shared>>
        %dma_wait3A_379 = tpu.memref_squeeze %dma_wait3A_378 : memref<1x2048xi32, #tpu.memory_space<vmem_shared>> -> memref<2048xi32, #tpu.memory_space<vmem_shared>>
        tpu.wait_dma2 semaphore(%run_scoped3A : memref<!tpu.dma_semaphore, #tpu.memory_space<semaphore_mem>>) src(%dma_wait3A_379 : memref<2048xi32, #tpu.memory_space<vmem_shared>>) dst(%arg25 : memref<2048xi32, #tpu.memory_space<vmem>>)
        tpu.yield
      }) : () -> ()
      %add3A_351 = arith.constant 3 : i32
      %add3A_352 = arith.addi %arg1, %add3A_351 : i32
      "tpu.region"() ({
        %run_scoped3A = tpu.sem_alloc : memref<!tpu.dma_semaphore, #tpu.memory_space<semaphore_mem>>
        %dma_start3A_368 = arith.constant 0 : i32
        %dma_start3A_369 = tpu.memref_slice %arg38[%add3A_352, %dma_start3A_368] : memref<16x2048xi32, #tpu.memory_space<vmem_shared>> -> memref<1x2048xi32, #tpu.memory_space<vmem_shared>>
        %dma_start3A_370 = tpu.memref_squeeze %dma_start3A_369 : memref<1x2048xi32, #tpu.memory_space<vmem_shared>> -> memref<2048xi32, #tpu.memory_space<vmem_shared>>
        %dma_start3A_371 = arith.constant 0 : i32
        %dma_start3A_372 = tpu.memref_slice %arg38[%add3A_352, %dma_start3A_371] : memref<16x2048xi32, #tpu.memory_space<vmem_shared>> -> memref<1x2048xi32, #tpu.memory_space<vmem_shared>>
        %dma_start3A_373 = tpu.memref_squeeze %dma_start3A_372 : memref<1x2048xi32, #tpu.memory_space<vmem_shared>> -> memref<2048xi32, #tpu.memory_space<vmem_shared>>
        tpu.enqueue_dma source(%dma_start3A_373 : memref<2048xi32, #tpu.memory_space<vmem_shared>>) target(%arg26 : memref<2048xi32, #tpu.memory_space<vmem>>) target_semaphore(%run_scoped3A : memref<!tpu.dma_semaphore, #tpu.memory_space<semaphore_mem>>)
        %dma_wait3A_374 = arith.constant 0 : i32
        %dma_wait3A_375 = tpu.memref_slice %arg38[%add3A_352, %dma_wait3A_374] : memref<16x2048xi32, #tpu.memory_space<vmem_shared>> -> memref<1x2048xi32, #tpu.memory_space<vmem_shared>>
        %dma_wait3A_376 = tpu.memref_squeeze %dma_wait3A_375 : memref<1x2048xi32, #tpu.memory_space<vmem_shared>> -> memref<2048xi32, #tpu.memory_space<vmem_shared>>
        %dma_wait3A_377 = arith.constant 0 : i32
        %dma_wait3A_378 = tpu.memref_slice %arg38[%add3A_352, %dma_wait3A_377] : memref<16x2048xi32, #tpu.memory_space<vmem_shared>> -> memref<1x2048xi32, #tpu.memory_space<vmem_shared>>
        %dma_wait3A_379 = tpu.memref_squeeze %dma_wait3A_378 : memref<1x2048xi32, #tpu.memory_space<vmem_shared>> -> memref<2048xi32, #tpu.memory_space<vmem_shared>>
        tpu.wait_dma2 semaphore(%run_scoped3A : memref<!tpu.dma_semaphore, #tpu.memory_space<semaphore_mem>>) src(%dma_wait3A_379 : memref<2048xi32, #tpu.memory_space<vmem_shared>>) dst(%arg26 : memref<2048xi32, #tpu.memory_space<vmem>>)
        tpu.yield
      }) : () -> ()
      %scan3A_353 = arith.constant 0 : i32
      %scan3A_354 = arith.constant 0 : i32
      %scan3A_355 = arith.constant false
      %scan3A_356 = arith.constant 0 : i32
      %scan3A_357 = arith.constant 128 : i32
      %scan3A_358 = arith.addi %scan3A_356, %scan3A_357 : i32
      %scan3A_359 = arith.constant 1 : i32
      %scan3A_360:3 = scf.for %scan3A_368 = %scan3A_356 to %scan3A_358 step %scan3A_359 iter_args(%scan3A_369 = %scan3A_353, %scan3A_370 = %scan3A_354, %scan3A_371 = %scan3A_355) -> (i32, i32, i1)  : i32 {
        %sub3A_372 = arith.constant 127 : i32
        %sub3A_373 = arith.subi %sub3A_372, %scan3A_368 : i32
        %mul3A_374 = arith.constant 16 : i32
        %mul3A_375 = arith.muli %sub3A_373, %mul3A_374 : i32
        %get3A_376 = arith.index_cast %mul3A_375 : i32 to index
        %get3A_377 = tpu.vector_load %arg23[%get3A_376] {strides = array<i32>} : memref<2048xi32, #tpu.memory_space<vmem>>, vector<16xi32>,
        %mul3A_378 = arith.constant 16 : i32
        %mul3A_379 = arith.muli %sub3A_373, %mul3A_378 : i32
        %get3A_380 = arith.index_cast %mul3A_379 : i32 to index
        %get3A_381 = tpu.vector_load %arg24[%get3A_380] {strides = array<i32>} : memref<2048xi32, #tpu.memory_space<vmem>>, vector<16xi32>,
        %add3A_382 = arith.addi %get3A_377, %get3A_381 : vector<16xi32>
        %mul3A_383 = arith.constant 16 : i32
        %mul3A_384 = arith.muli %sub3A_373, %mul3A_383 : i32
        %get3A_385 = arith.index_cast %mul3A_384 : i32 to index
        %get3A_386 = tpu.vector_load %arg25[%get3A_385] {strides = array<i32>} : memref<2048xi32, #tpu.memory_space<vmem>>, vector<16xi32>,
        %add3A_387 = arith.addi %add3A_382, %get3A_386 : vector<16xi32>
        %mul3A_388 = arith.constant 16 : i32
        %mul3A_389 = arith.muli %sub3A_373, %mul3A_388 : i32
        %get3A_390 = arith.index_cast %mul3A_389 : i32 to index
        %get3A_391 = tpu.vector_load %arg26[%get3A_390] {strides = array<i32>} : memref<2048xi32, #tpu.memory_space<vmem>>, vector<16xi32>,
        %add3A_392 = arith.addi %add3A_387, %get3A_391 : vector<16xi32>
        %rev3A = arith.constant 15 : i32
        %rev3A_393 = vector.broadcast %rev3A : i32 to vector<16xi32>
        %rev3A_394 = tpu.iota {dimensions = array<i32: 0>} : vector<16xi32>
        %rev3A_395 = arith.subi %rev3A_393, %rev3A_394 : vector<16xi32>
        %rev3A_396 = tpu.dynamic_gather %add3A_392[%rev3A_395] in [0] : vector<16xi32>, vector<16xi32> -> vector<16xi32>
        %broadcast_in_dim3A_397 = arith.constant true
        %broadcast_in_dim3A_398 = vector.broadcast %broadcast_in_dim3A_397 : i1 to vector<16xi1>
        %masked_cumsum3A = tpu.scan <sum>, %rev3A_396 masked %broadcast_in_dim3A_398 : vector<16xi32>, vector<16xi1> -> vector<16xi32>
        %add3A_399 = vector.broadcast %scan3A_369 : i32 to vector<16xi32>
        %add3A_400 = arith.addi %add3A_399, %masked_cumsum3A : vector<16xi32>
        %reduce_max3A = arith.constant true
        %reduce_max3A_401 = vector.broadcast %reduce_max3A : i1 to vector<16xi1>
        %reduce_max3A_402 = arith.constant -2147483648 : i32
        %reduce_max3A_403 = vector.broadcast %reduce_max3A_402 : i32 to vector<16xi32>
        %reduce_max3A_404 = arith.xori %add3A_400, %reduce_max3A_403 : vector<16xi32>
        %reduce_max3A_405 = tpu.scan <max>, %reduce_max3A_404 masked %reduce_max3A_401 : vector<16xi32>, vector<16xi1> -> vector<16xi32>
        %reduce_max3A_406 = arith.xori %reduce_max3A_405, %reduce_max3A_403 : vector<16xi32>
        %reduce_max3A_407 = vector.extract %reduce_max3A_406[15] : i32 from vector<16xi32>
        %ge3A = arith.constant 100 : i32
        %ge3A_408 = vector.broadcast %ge3A : i32 to vector<16xi32>
        %ge3A_409 = arith.cmpi sge, %add3A_400, %ge3A_408 : vector<16xi32>
        %jit3A_410 = arith.constant 99 : i32
        %broadcast_in_dim3A_411 = vector.broadcast %jit3A_410 : i32 to vector<16xi32>
        %select_n3A_412 = arith.select %ge3A_409, %iota3A, %broadcast_in_dim3A_411 : vector<16xi1>, vector<16xi32>
        %reduce_min3A = arith.constant true
        %reduce_min3A_413 = vector.broadcast %reduce_min3A : i1 to vector<16xi1>
        %reduce_min3A_414 = arith.constant -2147483648 : i32
        %reduce_min3A_415 = vector.broadcast %reduce_min3A_414 : i32 to vector<16xi32>
        %reduce_min3A_416 = arith.xori %select_n3A_412, %reduce_min3A_415 : vector<16xi32>
        %reduce_min3A_417 = tpu.scan <min>, %reduce_min3A_416 masked %reduce_min3A_413 : vector<16xi32>, vector<16xi1> -> vector<16xi32>
        %reduce_min3A_418 = arith.xori %reduce_min3A_417, %reduce_min3A_415 : vector<16xi32>
        %reduce_min3A_419 = vector.extract %reduce_min3A_418[15] : i32 from vector<16xi32>
        %not3A = arith.constant true
        %not3A_420 = arith.xori %scan3A_371, %not3A : i1
        %ge3A_421 = arith.constant 100 : i32
        %ge3A_422 = arith.cmpi sge, %reduce_max3A_407, %ge3A_421 : i32
        %and3A_423 = arith.andi %not3A_420, %ge3A_422 : i1
        %mul3A_424 = arith.constant 16 : i32
        %mul3A_425 = arith.muli %sub3A_373, %mul3A_424 : i32
        %sub3A_426 = arith.constant 15 : i32
        %sub3A_427 = arith.subi %sub3A_426, %reduce_min3A_419 : i32
        %add3A_428 = arith.addi %mul3A_425, %sub3A_427 : i32
        %select_n3A_429 = arith.select %and3A_423, %add3A_428, %scan3A_370 : i32
        %ge3A_430 = arith.constant 100 : i32
        %ge3A_431 = arith.cmpi sge, %reduce_max3A_407, %ge3A_430 : i32
        %or3A = arith.ori %scan3A_371, %ge3A_431 : i1
        scf.yield %reduce_max3A_407, %select_n3A_429, %or3A : i32, i32, i1
      }
      %scan3A_361 = arith.constant 128 : i32
      %broadcast_in_dim3A_362 = arith.constant 0 : i32
      %broadcast_in_dim3A_363 = vector.broadcast %broadcast_in_dim3A_362 : i32 to vector<16xi32>
      %add3A_364 = vector.broadcast %scan3A_360#1 : i32 to vector<16xi32>
      %add3A_365 = arith.addi %broadcast_in_dim3A_363, %add3A_364 : vector<16xi32>
      %swap3A_366 = arith.constant 0 : index
      %swap3A_367 = tpu.vector_load %arg27[%swap3A_366] {strides = array<i32>} : memref<16xi32, #tpu.memory_space<vmem>>, vector<16xi32>,
      tpu.vector_store %arg27[%swap3A_366], %add3A_365 {strides = array<i32>} : memref<16xi32, #tpu.memory_space<vmem>>, vector<16xi32>,
      "tpu.region"() ({
        %run_scoped3A = tpu.sem_alloc : memref<!tpu.dma_semaphore, #tpu.memory_space<semaphore_mem>>
        %dma_start3A_368 = arith.constant 0 : i32
        %dma_start3A_369 = tpu.memref_slice %arg39[%select_n3A_54, %dma_start3A_368] : memref<4x16xi32, #tpu.memory_space<vmem_shared>> -> memref<1x16xi32, #tpu.memory_space<vmem_shared>>
        %dma_start3A_370 = tpu.memref_squeeze %dma_start3A_369 : memref<1x16xi32, #tpu.memory_space<vmem_shared>> -> memref<16xi32, #tpu.memory_space<vmem_shared>>
        %dma_start3A_371 = arith.constant 0 : i32
        %dma_start3A_372 = tpu.memref_slice %arg39[%select_n3A_54, %dma_start3A_371] : memref<4x16xi32, #tpu.memory_space<vmem_shared>> -> memref<1x16xi32, #tpu.memory_space<vmem_shared>>
        %dma_start3A_373 = tpu.memref_squeeze %dma_start3A_372 : memref<1x16xi32, #tpu.memory_space<vmem_shared>> -> memref<16xi32, #tpu.memory_space<vmem_shared>>
        tpu.enqueue_dma source(%arg27 : memref<16xi32, #tpu.memory_space<vmem>>) target(%dma_start3A_373 : memref<16xi32, #tpu.memory_space<vmem_shared>>) target_semaphore(%run_scoped3A : memref<!tpu.dma_semaphore, #tpu.memory_space<semaphore_mem>>)
        %dma_wait3A_374 = arith.constant 0 : i32
        %dma_wait3A_375 = tpu.memref_slice %arg39[%select_n3A_54, %dma_wait3A_374] : memref<4x16xi32, #tpu.memory_space<vmem_shared>> -> memref<1x16xi32, #tpu.memory_space<vmem_shared>>
        %dma_wait3A_376 = tpu.memref_squeeze %dma_wait3A_375 : memref<1x16xi32, #tpu.memory_space<vmem_shared>> -> memref<16xi32, #tpu.memory_space<vmem_shared>>
        %dma_wait3A_377 = arith.constant 0 : i32
        %dma_wait3A_378 = tpu.memref_slice %arg39[%select_n3A_54, %dma_wait3A_377] : memref<4x16xi32, #tpu.memory_space<vmem_shared>> -> memref<1x16xi32, #tpu.memory_space<vmem_shared>>
        %dma_wait3A_379 = tpu.memref_squeeze %dma_wait3A_378 : memref<1x16xi32, #tpu.memory_space<vmem_shared>> -> memref<16xi32, #tpu.memory_space<vmem_shared>>
        tpu.wait_dma2 semaphore(%run_scoped3A : memref<!tpu.dma_semaphore, #tpu.memory_space<semaphore_mem>>) src(%arg27 : memref<16xi32, #tpu.memory_space<vmem>>) dst(%dma_wait3A_379 : memref<16xi32, #tpu.memory_space<vmem_shared>>)
        tpu.yield
      }) : () -> ()
    } else {
    }
    %barrier3A_195 = arith.constant 0 : index
    tpu.barrier barrier_id(%barrier3A_195)
    "tpu.region"() ({
      %run_scoped3A = tpu.sem_alloc : memref<!tpu.dma_semaphore, #tpu.memory_space<semaphore_mem>>
      %dma_start3A_345 = arith.constant 0 : i32
      %dma_start3A_346 = tpu.memref_slice %arg39[%select_n3A_54, %dma_start3A_345] : memref<4x16xi32, #tpu.memory_space<vmem_shared>> -> memref<1x16xi32, #tpu.memory_space<vmem_shared>>
      %dma_start3A_347 = tpu.memref_squeeze %dma_start3A_346 : memref<1x16xi32, #tpu.memory_space<vmem_shared>> -> memref<16xi32, #tpu.memory_space<vmem_shared>>
      %dma_start3A_348 = arith.constant 0 : i32
      %dma_start3A_349 = tpu.memref_slice %arg39[%select_n3A_54, %dma_start3A_348] : memref<4x16xi32, #tpu.memory_space<vmem_shared>> -> memref<1x16xi32, #tpu.memory_space<vmem_shared>>
      %dma_start3A_350 = tpu.memref_squeeze %dma_start3A_349 : memref<1x16xi32, #tpu.memory_space<vmem_shared>> -> memref<16xi32, #tpu.memory_space<vmem_shared>>
      tpu.enqueue_dma source(%dma_start3A_350 : memref<16xi32, #tpu.memory_space<vmem_shared>>) target(%arg27 : memref<16xi32, #tpu.memory_space<vmem>>) target_semaphore(%run_scoped3A : memref<!tpu.dma_semaphore, #tpu.memory_space<semaphore_mem>>)
      %dma_wait3A_351 = arith.constant 0 : i32
      %dma_wait3A_352 = tpu.memref_slice %arg39[%select_n3A_54, %dma_wait3A_351] : memref<4x16xi32, #tpu.memory_space<vmem_shared>> -> memref<1x16xi32, #tpu.memory_space<vmem_shared>>
      %dma_wait3A_353 = tpu.memref_squeeze %dma_wait3A_352 : memref<1x16xi32, #tpu.memory_space<vmem_shared>> -> memref<16xi32, #tpu.memory_space<vmem_shared>>
      %dma_wait3A_354 = arith.constant 0 : i32
      %dma_wait3A_355 = tpu.memref_slice %arg39[%select_n3A_54, %dma_wait3A_354] : memref<4x16xi32, #tpu.memory_space<vmem_shared>> -> memref<1x16xi32, #tpu.memory_space<vmem_shared>>
      %dma_wait3A_356 = tpu.memref_squeeze %dma_wait3A_355 : memref<1x16xi32, #tpu.memory_space<vmem_shared>> -> memref<16xi32, #tpu.memory_space<vmem_shared>>
      tpu.wait_dma2 semaphore(%run_scoped3A : memref<!tpu.dma_semaphore, #tpu.memory_space<semaphore_mem>>) src(%dma_wait3A_356 : memref<16xi32, #tpu.memory_space<vmem_shared>>) dst(%arg27 : memref<16xi32, #tpu.memory_space<vmem>>)
      tpu.yield
    }) : () -> ()
    %get3A = arith.constant 0 : index
    %get3A_196 = tpu.vector_load %arg27[%get3A] {strides = array<i32>} : memref<16xi32, #tpu.memory_space<vmem>>, vector<16xi32>,
    %bitcast_convert_type3A = tpu.bitcast %get3A_196 : vector<16xi32> -> vector<16xi32>
    %shift_left3A = arith.constant 21 : i32
    %shift_left3A_197 = vector.broadcast %shift_left3A : i32 to vector<16xi32>
    %shift_left3A_198 = arith.shli %bitcast_convert_type3A, %shift_left3A_197 : vector<16xi32>
    %xor3A = arith.constant -2147483648 : i32
    %xor3A_199 = vector.broadcast %xor3A : i32 to vector<16xi32>
    %xor3A_200 = arith.xori %shift_left3A_198, %xor3A_199 : vector<16xi32>
    %bitcast_convert_type3A_201 = tpu.bitcast %xor3A_200 : vector<16xi32> -> vector<16xi32>
    %dma_start3A_202 = tpu.memref_slice %arg2[%add3A_59] : memref<3640320xf32, #tpu.memory_space<hbm>> -> memref<12640xf32, #tpu.memory_space<hbm>>
    %dma_start3A_203 = tpu.memref_slice %arg2[%add3A_59] : memref<3640320xf32, #tpu.memory_space<hbm>> -> memref<12640xf32, #tpu.memory_space<hbm>>
    tpu.enqueue_dma source(%dma_start3A_203 : memref<12640xf32, #tpu.memory_space<hbm>>) target(%arg10 : memref<12640xf32, #tpu.memory_space<vmem>>) target_semaphore(%arg43 : memref<!tpu.dma_semaphore, #tpu.memory_space<semaphore_mem>>)
    %add3A_204 = arith.constant 12640 : i32
    %add3A_205 = arith.addi %add3A_59, %add3A_204 : i32
    %dma_start3A_206 = tpu.memref_slice %arg2[%add3A_205] : memref<3640320xf32, #tpu.memory_space<hbm>> -> memref<12640xf32, #tpu.memory_space<hbm>>
    %dma_start3A_207 = tpu.memref_slice %arg2[%add3A_205] : memref<3640320xf32, #tpu.memory_space<hbm>> -> memref<12640xf32, #tpu.memory_space<hbm>>
    tpu.enqueue_dma source(%dma_start3A_207 : memref<12640xf32, #tpu.memory_space<hbm>>) target(%arg11 : memref<12640xf32, #tpu.memory_space<vmem>>) target_semaphore(%arg44 : memref<!tpu.dma_semaphore, #tpu.memory_space<semaphore_mem>>)
    %dma_wait3A_208 = tpu.memref_slice %arg2[%add3A_59] : memref<3640320xf32, #tpu.memory_space<hbm>> -> memref<12640xf32, #tpu.memory_space<hbm>>
    %dma_wait3A_209 = tpu.memref_slice %arg2[%add3A_59] : memref<3640320xf32, #tpu.memory_space<hbm>> -> memref<12640xf32, #tpu.memory_space<hbm>>
    tpu.wait_dma2 semaphore(%arg43 : memref<!tpu.dma_semaphore, #tpu.memory_space<semaphore_mem>>) src(%dma_wait3A_209 : memref<12640xf32, #tpu.memory_space<hbm>>) dst(%arg10 : memref<12640xf32, #tpu.memory_space<vmem>>)
    %add3A_210 = arith.constant 0 : i32
    %add3A_211 = arith.addi %mul3A_56, %add3A_210 : i32
    %scan3A_212 = arith.constant 0 : i32
    %scan3A_213 = arith.constant 0 : i32
    %scan3A_214 = arith.constant 790 : i32
    %scan3A_215 = arith.addi %scan3A_213, %scan3A_214 : i32
    %scan3A_216 = arith.constant 1 : i32
    %scan3A_217 = scf.for %scan3A_345 = %scan3A_213 to %scan3A_215 step %scan3A_216 iter_args(%scan3A_346 = %scan3A_212) -> (i32)  : i32 {
      %mul3A_347 = arith.constant 16 : i32
      %mul3A_348 = arith.muli %scan3A_345, %mul3A_347 : i32
      %get3A_349 = arith.index_cast %mul3A_348 : i32 to index
      %get3A_350 = tpu.vector_load %arg10[%get3A_349] {strides = array<i32>} : memref<12640xf32, #tpu.memory_space<vmem>>, vector<16xf32>,
      %bitcast_convert_type3A_351 = tpu.bitcast %get3A_350 : vector<16xf32> -> vector<16xi32>
      %shift_right_logical3A = arith.constant 31 : i32
      %shift_right_logical3A_352 = vector.broadcast %shift_right_logical3A : i32 to vector<16xi32>
      %shift_right_logical3A_353 = arith.shrui %bitcast_convert_type3A_351, %shift_right_logical3A_352 : vector<16xi32>
      %eq3A_354 = arith.constant 1 : i32
      %eq3A_355 = vector.broadcast %eq3A_354 : i32 to vector<16xi32>
      %eq3A_356 = arith.cmpi eq, %shift_right_logical3A_353, %eq3A_355 : vector<16xi32>
      %not3A = arith.constant dense<-1> : vector<16xi32>
      %not3A_357 = arith.xori %bitcast_convert_type3A_351, %not3A : vector<16xi32>
      %or3A = arith.constant -2147483648 : i32
      %or3A_358 = vector.broadcast %or3A : i32 to vector<16xi32>
      %or3A_359 = arith.ori %bitcast_convert_type3A_351, %or3A_358 : vector<16xi32>
      %select_n3A_360 = arith.select %eq3A_356, %not3A_357, %or3A_359 : vector<16xi1>, vector<16xi32>
      %xor3A_361 = arith.constant -2147483648 : i32
      %xor3A_362 = vector.broadcast %xor3A_361 : i32 to vector<16xi32>
      %xor3A_363 = arith.xori %select_n3A_360, %xor3A_362 : vector<16xi32>
      %bitcast_convert_type3A_364 = tpu.bitcast %xor3A_363 : vector<16xi32> -> vector<16xi32>
      %ge3A = arith.cmpi sge, %bitcast_convert_type3A_364, %bitcast_convert_type3A_201 : vector<16xi32>
      %broadcast_in_dim3A_365 = arith.constant 0 : i32
      %broadcast_in_dim3A_366 = vector.broadcast %broadcast_in_dim3A_365 : i32 to vector<16xi32>
      %mul3A_367 = arith.constant 16 : i32
      %mul3A_368 = arith.muli %scan3A_345, %mul3A_367 : i32
      %add3A_369 = arith.addi %add3A_211, %mul3A_368 : i32
      %add3A_370 = vector.broadcast %add3A_369 : i32 to vector<16xi32>
      %add3A_371 = arith.addi %broadcast_in_dim3A_366, %add3A_370 : vector<16xi32>
      %add3A_372 = arith.addi %add3A_371, %iota3A : vector<16xi32>
      %swap3A_373 = arith.index_cast %scan3A_346 : i32 to index
      %swap3A_374 = tpu.vector_load %arg13[%swap3A_373] masked %ge3A {strides = array<i32>} : memref<2048xi32, #tpu.memory_space<vmem>>, vector<16xi32>, vector<16xi1>
      tpu.vector_store %arg13[%swap3A_373], %bitcast_convert_type3A_364 masked %ge3A {strides = array<i32>} : memref<2048xi32, #tpu.memory_space<vmem>>, vector<16xi32>, vector<16xi1>
      %swap3A_375 = arith.index_cast %scan3A_346 : i32 to index
      %swap3A_376 = tpu.vector_load %arg14[%swap3A_375] masked %ge3A {strides = array<i32>} : memref<2048xi32, #tpu.memory_space<vmem>>, vector<16xi32>, vector<16xi1>
      tpu.vector_store %arg14[%swap3A_375], %add3A_372 masked %ge3A {strides = array<i32>} : memref<2048xi32, #tpu.memory_space<vmem>>, vector<16xi32>, vector<16xi1>
      %select_n3A_377 = arith.select %ge3A, %broadcast_in_dim3A_62, %broadcast_in_dim3A_60 : vector<16xi1>, vector<16xi32>
      %reduce_sum3A = arith.constant true
      %reduce_sum3A_378 = vector.broadcast %reduce_sum3A : i1 to vector<16xi1>
      %reduce_sum3A_379 = tpu.scan <sum>, %select_n3A_377 masked %reduce_sum3A_378 : vector<16xi32>, vector<16xi1> -> vector<16xi32>
      %reduce_sum3A_380 = vector.extract %reduce_sum3A_379[15] : i32 from vector<16xi32>
      %add3A_381 = arith.addi %scan3A_346, %reduce_sum3A_380 : i32
      %min3A = arith.constant 2032 : i32
      %min3A_382 = arith.minsi %add3A_381, %min3A : i32
      scf.yield %min3A_382 : i32
    }
    %scan3A_218 = arith.constant 790 : i32
    %add3A_219 = arith.constant 25280 : i32
    %add3A_220 = arith.addi %add3A_59, %add3A_219 : i32
    %dma_start3A_221 = tpu.memref_slice %arg2[%add3A_220] : memref<3640320xf32, #tpu.memory_space<hbm>> -> memref<12640xf32, #tpu.memory_space<hbm>>
    %dma_start3A_222 = tpu.memref_slice %arg2[%add3A_220] : memref<3640320xf32, #tpu.memory_space<hbm>> -> memref<12640xf32, #tpu.memory_space<hbm>>
    tpu.enqueue_dma source(%dma_start3A_222 : memref<12640xf32, #tpu.memory_space<hbm>>) target(%arg10 : memref<12640xf32, #tpu.memory_space<vmem>>) target_semaphore(%arg43 : memref<!tpu.dma_semaphore, #tpu.memory_space<semaphore_mem>>)
    %dma_wait3A_223 = tpu.memref_slice %arg2[%add3A_205] : memref<3640320xf32, #tpu.memory_space<hbm>> -> memref<12640xf32, #tpu.memory_space<hbm>>
    %dma_wait3A_224 = tpu.memref_slice %arg2[%add3A_205] : memref<3640320xf32, #tpu.memory_space<hbm>> -> memref<12640xf32, #tpu.memory_space<hbm>>
    tpu.wait_dma2 semaphore(%arg44 : memref<!tpu.dma_semaphore, #tpu.memory_space<semaphore_mem>>) src(%dma_wait3A_224 : memref<12640xf32, #tpu.memory_space<hbm>>) dst(%arg11 : memref<12640xf32, #tpu.memory_space<vmem>>)
    %add3A_225 = arith.constant 12640 : i32
    %add3A_226 = arith.addi %mul3A_56, %add3A_225 : i32
    %scan3A_227 = arith.constant 0 : i32
    %scan3A_228 = arith.constant 790 : i32
    %scan3A_229 = arith.addi %scan3A_227, %scan3A_228 : i32
    %scan3A_230 = arith.constant 1 : i32
    %scan3A_231 = scf.for %scan3A_345 = %scan3A_227 to %scan3A_229 step %scan3A_230 iter_args(%scan3A_346 = %scan3A_217) -> (i32)  : i32 {
      %mul3A_347 = arith.constant 16 : i32
      %mul3A_348 = arith.muli %scan3A_345, %mul3A_347 : i32
      %get3A_349 = arith.index_cast %mul3A_348 : i32 to index
      %get3A_350 = tpu.vector_load %arg11[%get3A_349] {strides = array<i32>} : memref<12640xf32, #tpu.memory_space<vmem>>, vector<16xf32>,
      %bitcast_convert_type3A_351 = tpu.bitcast %get3A_350 : vector<16xf32> -> vector<16xi32>
      %shift_right_logical3A = arith.constant 31 : i32
      %shift_right_logical3A_352 = vector.broadcast %shift_right_logical3A : i32 to vector<16xi32>
      %shift_right_logical3A_353 = arith.shrui %bitcast_convert_type3A_351, %shift_right_logical3A_352 : vector<16xi32>
      %eq3A_354 = arith.constant 1 : i32
      %eq3A_355 = vector.broadcast %eq3A_354 : i32 to vector<16xi32>
      %eq3A_356 = arith.cmpi eq, %shift_right_logical3A_353, %eq3A_355 : vector<16xi32>
      %not3A = arith.constant dense<-1> : vector<16xi32>
      %not3A_357 = arith.xori %bitcast_convert_type3A_351, %not3A : vector<16xi32>
      %or3A = arith.constant -2147483648 : i32
      %or3A_358 = vector.broadcast %or3A : i32 to vector<16xi32>
      %or3A_359 = arith.ori %bitcast_convert_type3A_351, %or3A_358 : vector<16xi32>
      %select_n3A_360 = arith.select %eq3A_356, %not3A_357, %or3A_359 : vector<16xi1>, vector<16xi32>
      %xor3A_361 = arith.constant -2147483648 : i32
      %xor3A_362 = vector.broadcast %xor3A_361 : i32 to vector<16xi32>
      %xor3A_363 = arith.xori %select_n3A_360, %xor3A_362 : vector<16xi32>
      %bitcast_convert_type3A_364 = tpu.bitcast %xor3A_363 : vector<16xi32> -> vector<16xi32>
      %ge3A = arith.cmpi sge, %bitcast_convert_type3A_364, %bitcast_convert_type3A_201 : vector<16xi32>
      %broadcast_in_dim3A_365 = arith.constant 0 : i32
      %broadcast_in_dim3A_366 = vector.broadcast %broadcast_in_dim3A_365 : i32 to vector<16xi32>
      %mul3A_367 = arith.constant 16 : i32
      %mul3A_368 = arith.muli %scan3A_345, %mul3A_367 : i32
      %add3A_369 = arith.addi %add3A_226, %mul3A_368 : i32
      %add3A_370 = vector.broadcast %add3A_369 : i32 to vector<16xi32>
      %add3A_371 = arith.addi %broadcast_in_dim3A_366, %add3A_370 : vector<16xi32>
      %add3A_372 = arith.addi %add3A_371, %iota3A : vector<16xi32>
      %swap3A_373 = arith.index_cast %scan3A_346 : i32 to index
      %swap3A_374 = tpu.vector_load %arg13[%swap3A_373] masked %ge3A {strides = array<i32>} : memref<2048xi32, #tpu.memory_space<vmem>>, vector<16xi32>, vector<16xi1>
      tpu.vector_store %arg13[%swap3A_373], %bitcast_convert_type3A_364 masked %ge3A {strides = array<i32>} : memref<2048xi32, #tpu.memory_space<vmem>>, vector<16xi32>, vector<16xi1>
      %swap3A_375 = arith.index_cast %scan3A_346 : i32 to index
      %swap3A_376 = tpu.vector_load %arg14[%swap3A_375] masked %ge3A {strides = array<i32>} : memref<2048xi32, #tpu.memory_space<vmem>>, vector<16xi32>, vector<16xi1>
      tpu.vector_store %arg14[%swap3A_375], %add3A_372 masked %ge3A {strides = array<i32>} : memref<2048xi32, #tpu.memory_space<vmem>>, vector<16xi32>, vector<16xi1>
      %select_n3A_377 = arith.select %ge3A, %broadcast_in_dim3A_62, %broadcast_in_dim3A_60 : vector<16xi1>, vector<16xi32>
      %reduce_sum3A = arith.constant true
      %reduce_sum3A_378 = vector.broadcast %reduce_sum3A : i1 to vector<16xi1>
      %reduce_sum3A_379 = tpu.scan <sum>, %select_n3A_377 masked %reduce_sum3A_378 : vector<16xi32>, vector<16xi1> -> vector<16xi32>
      %reduce_sum3A_380 = vector.extract %reduce_sum3A_379[15] : i32 from vector<16xi32>
      %add3A_381 = arith.addi %scan3A_346, %reduce_sum3A_380 : i32
      %min3A = arith.constant 2032 : i32
      %min3A_382 = arith.minsi %add3A_381, %min3A : i32
      scf.yield %min3A_382 : i32
    }
    %scan3A_232 = arith.constant 790 : i32
    %add3A_233 = arith.constant 37920 : i32
    %add3A_234 = arith.addi %add3A_59, %add3A_233 : i32
    %dma_start3A_235 = tpu.memref_slice %arg2[%add3A_234] : memref<3640320xf32, #tpu.memory_space<hbm>> -> memref<12640xf32, #tpu.memory_space<hbm>>
    %dma_start3A_236 = tpu.memref_slice %arg2[%add3A_234] : memref<3640320xf32, #tpu.memory_space<hbm>> -> memref<12640xf32, #tpu.memory_space<hbm>>
    tpu.enqueue_dma source(%dma_start3A_236 : memref<12640xf32, #tpu.memory_space<hbm>>) target(%arg11 : memref<12640xf32, #tpu.memory_space<vmem>>) target_semaphore(%arg44 : memref<!tpu.dma_semaphore, #tpu.memory_space<semaphore_mem>>)
    %dma_wait3A_237 = tpu.memref_slice %arg2[%add3A_220] : memref<3640320xf32, #tpu.memory_space<hbm>> -> memref<12640xf32, #tpu.memory_space<hbm>>
    %dma_wait3A_238 = tpu.memref_slice %arg2[%add3A_220] : memref<3640320xf32, #tpu.memory_space<hbm>> -> memref<12640xf32, #tpu.memory_space<hbm>>
    tpu.wait_dma2 semaphore(%arg43 : memref<!tpu.dma_semaphore, #tpu.memory_space<semaphore_mem>>) src(%dma_wait3A_238 : memref<12640xf32, #tpu.memory_space<hbm>>) dst(%arg10 : memref<12640xf32, #tpu.memory_space<vmem>>)
    %add3A_239 = arith.constant 25280 : i32
    %add3A_240 = arith.addi %mul3A_56, %add3A_239 : i32
    %scan3A_241 = arith.constant 0 : i32
    %scan3A_242 = arith.constant 790 : i32
    %scan3A_243 = arith.addi %scan3A_241, %scan3A_242 : i32
    %scan3A_244 = arith.constant 1 : i32
    %scan3A_245 = scf.for %scan3A_345 = %scan3A_241 to %scan3A_243 step %scan3A_244 iter_args(%scan3A_346 = %scan3A_231) -> (i32)  : i32 {
      %mul3A_347 = arith.constant 16 : i32
      %mul3A_348 = arith.muli %scan3A_345, %mul3A_347 : i32
      %get3A_349 = arith.index_cast %mul3A_348 : i32 to index
      %get3A_350 = tpu.vector_load %arg10[%get3A_349] {strides = array<i32>} : memref<12640xf32, #tpu.memory_space<vmem>>, vector<16xf32>,
      %bitcast_convert_type3A_351 = tpu.bitcast %get3A_350 : vector<16xf32> -> vector<16xi32>
      %shift_right_logical3A = arith.constant 31 : i32
      %shift_right_logical3A_352 = vector.broadcast %shift_right_logical3A : i32 to vector<16xi32>
      %shift_right_logical3A_353 = arith.shrui %bitcast_convert_type3A_351, %shift_right_logical3A_352 : vector<16xi32>
      %eq3A_354 = arith.constant 1 : i32
      %eq3A_355 = vector.broadcast %eq3A_354 : i32 to vector<16xi32>
      %eq3A_356 = arith.cmpi eq, %shift_right_logical3A_353, %eq3A_355 : vector<16xi32>
      %not3A = arith.constant dense<-1> : vector<16xi32>
      %not3A_357 = arith.xori %bitcast_convert_type3A_351, %not3A : vector<16xi32>
      %or3A = arith.constant -2147483648 : i32
      %or3A_358 = vector.broadcast %or3A : i32 to vector<16xi32>
      %or3A_359 = arith.ori %bitcast_convert_type3A_351, %or3A_358 : vector<16xi32>
      %select_n3A_360 = arith.select %eq3A_356, %not3A_357, %or3A_359 : vector<16xi1>, vector<16xi32>
      %xor3A_361 = arith.constant -2147483648 : i32
      %xor3A_362 = vector.broadcast %xor3A_361 : i32 to vector<16xi32>
      %xor3A_363 = arith.xori %select_n3A_360, %xor3A_362 : vector<16xi32>
      %bitcast_convert_type3A_364 = tpu.bitcast %xor3A_363 : vector<16xi32> -> vector<16xi32>
      %ge3A = arith.cmpi sge, %bitcast_convert_type3A_364, %bitcast_convert_type3A_201 : vector<16xi32>
      %broadcast_in_dim3A_365 = arith.constant 0 : i32
      %broadcast_in_dim3A_366 = vector.broadcast %broadcast_in_dim3A_365 : i32 to vector<16xi32>
      %mul3A_367 = arith.constant 16 : i32
      %mul3A_368 = arith.muli %scan3A_345, %mul3A_367 : i32
      %add3A_369 = arith.addi %add3A_240, %mul3A_368 : i32
      %add3A_370 = vector.broadcast %add3A_369 : i32 to vector<16xi32>
      %add3A_371 = arith.addi %broadcast_in_dim3A_366, %add3A_370 : vector<16xi32>
      %add3A_372 = arith.addi %add3A_371, %iota3A : vector<16xi32>
      %swap3A_373 = arith.index_cast %scan3A_346 : i32 to index
      %swap3A_374 = tpu.vector_load %arg13[%swap3A_373] masked %ge3A {strides = array<i32>} : memref<2048xi32, #tpu.memory_space<vmem>>, vector<16xi32>, vector<16xi1>
      tpu.vector_store %arg13[%swap3A_373], %bitcast_convert_type3A_364 masked %ge3A {strides = array<i32>} : memref<2048xi32, #tpu.memory_space<vmem>>, vector<16xi32>, vector<16xi1>
      %swap3A_375 = arith.index_cast %scan3A_346 : i32 to index
      %swap3A_376 = tpu.vector_load %arg14[%swap3A_375] masked %ge3A {strides = array<i32>} : memref<2048xi32, #tpu.memory_space<vmem>>, vector<16xi32>, vector<16xi1>
      tpu.vector_store %arg14[%swap3A_375], %add3A_372 masked %ge3A {strides = array<i32>} : memref<2048xi32, #tpu.memory_space<vmem>>, vector<16xi32>, vector<16xi1>
      %select_n3A_377 = arith.select %ge3A, %broadcast_in_dim3A_62, %broadcast_in_dim3A_60 : vector<16xi1>, vector<16xi32>
      %reduce_sum3A = arith.constant true
      %reduce_sum3A_378 = vector.broadcast %reduce_sum3A : i1 to vector<16xi1>
      %reduce_sum3A_379 = tpu.scan <sum>, %select_n3A_377 masked %reduce_sum3A_378 : vector<16xi32>, vector<16xi1> -> vector<16xi32>
      %reduce_sum3A_380 = vector.extract %reduce_sum3A_379[15] : i32 from vector<16xi32>
      %add3A_381 = arith.addi %scan3A_346, %reduce_sum3A_380 : i32
      %min3A = arith.constant 2032 : i32
      %min3A_382 = arith.minsi %add3A_381, %min3A : i32
      scf.yield %min3A_382 : i32
    }
    %scan3A_246 = arith.constant 790 : i32
    %add3A_247 = arith.constant 50560 : i32
    %add3A_248 = arith.addi %add3A_59, %add3A_247 : i32
    %dma_start3A_249 = tpu.memref_slice %arg2[%add3A_248] : memref<3640320xf32, #tpu.memory_space<hbm>> -> memref<12640xf32, #tpu.memory_space<hbm>>
    %dma_start3A_250 = tpu.memref_slice %arg2[%add3A_248] : memref<3640320xf32, #tpu.memory_space<hbm>> -> memref<12640xf32, #tpu.memory_space<hbm>>
    tpu.enqueue_dma source(%dma_start3A_250 : memref<12640xf32, #tpu.memory_space<hbm>>) target(%arg10 : memref<12640xf32, #tpu.memory_space<vmem>>) target_semaphore(%arg43 : memref<!tpu.dma_semaphore, #tpu.memory_space<semaphore_mem>>)
    %dma_wait3A_251 = tpu.memref_slice %arg2[%add3A_234] : memref<3640320xf32, #tpu.memory_space<hbm>> -> memref<12640xf32, #tpu.memory_space<hbm>>
    %dma_wait3A_252 = tpu.memref_slice %arg2[%add3A_234] : memref<3640320xf32, #tpu.memory_space<hbm>> -> memref<12640xf32, #tpu.memory_space<hbm>>
    tpu.wait_dma2 semaphore(%arg44 : memref<!tpu.dma_semaphore, #tpu.memory_space<semaphore_mem>>) src(%dma_wait3A_252 : memref<12640xf32, #tpu.memory_space<hbm>>) dst(%arg11 : memref<12640xf32, #tpu.memory_space<vmem>>)
    %add3A_253 = arith.constant 37920 : i32
    %add3A_254 = arith.addi %mul3A_56, %add3A_253 : i32
    %scan3A_255 = arith.constant 0 : i32
    %scan3A_256 = arith.constant 790 : i32
    %scan3A_257 = arith.addi %scan3A_255, %scan3A_256 : i32
    %scan3A_258 = arith.constant 1 : i32
    %scan3A_259 = scf.for %scan3A_345 = %scan3A_255 to %scan3A_257 step %scan3A_258 iter_args(%scan3A_346 = %scan3A_245) -> (i32)  : i32 {
      %mul3A_347 = arith.constant 16 : i32
      %mul3A_348 = arith.muli %scan3A_345, %mul3A_347 : i32
      %get3A_349 = arith.index_cast %mul3A_348 : i32 to index
      %get3A_350 = tpu.vector_load %arg11[%get3A_349] {strides = array<i32>} : memref<12640xf32, #tpu.memory_space<vmem>>, vector<16xf32>,
      %bitcast_convert_type3A_351 = tpu.bitcast %get3A_350 : vector<16xf32> -> vector<16xi32>
      %shift_right_logical3A = arith.constant 31 : i32
      %shift_right_logical3A_352 = vector.broadcast %shift_right_logical3A : i32 to vector<16xi32>
      %shift_right_logical3A_353 = arith.shrui %bitcast_convert_type3A_351, %shift_right_logical3A_352 : vector<16xi32>
      %eq3A_354 = arith.constant 1 : i32
      %eq3A_355 = vector.broadcast %eq3A_354 : i32 to vector<16xi32>
      %eq3A_356 = arith.cmpi eq, %shift_right_logical3A_353, %eq3A_355 : vector<16xi32>
      %not3A = arith.constant dense<-1> : vector<16xi32>
      %not3A_357 = arith.xori %bitcast_convert_type3A_351, %not3A : vector<16xi32>
      %or3A = arith.constant -2147483648 : i32
      %or3A_358 = vector.broadcast %or3A : i32 to vector<16xi32>
      %or3A_359 = arith.ori %bitcast_convert_type3A_351, %or3A_358 : vector<16xi32>
      %select_n3A_360 = arith.select %eq3A_356, %not3A_357, %or3A_359 : vector<16xi1>, vector<16xi32>
      %xor3A_361 = arith.constant -2147483648 : i32
      %xor3A_362 = vector.broadcast %xor3A_361 : i32 to vector<16xi32>
      %xor3A_363 = arith.xori %select_n3A_360, %xor3A_362 : vector<16xi32>
      %bitcast_convert_type3A_364 = tpu.bitcast %xor3A_363 : vector<16xi32> -> vector<16xi32>
      %ge3A = arith.cmpi sge, %bitcast_convert_type3A_364, %bitcast_convert_type3A_201 : vector<16xi32>
      %broadcast_in_dim3A_365 = arith.constant 0 : i32
      %broadcast_in_dim3A_366 = vector.broadcast %broadcast_in_dim3A_365 : i32 to vector<16xi32>
      %mul3A_367 = arith.constant 16 : i32
      %mul3A_368 = arith.muli %scan3A_345, %mul3A_367 : i32
      %add3A_369 = arith.addi %add3A_254, %mul3A_368 : i32
      %add3A_370 = vector.broadcast %add3A_369 : i32 to vector<16xi32>
      %add3A_371 = arith.addi %broadcast_in_dim3A_366, %add3A_370 : vector<16xi32>
      %add3A_372 = arith.addi %add3A_371, %iota3A : vector<16xi32>
      %swap3A_373 = arith.index_cast %scan3A_346 : i32 to index
      %swap3A_374 = tpu.vector_load %arg13[%swap3A_373] masked %ge3A {strides = array<i32>} : memref<2048xi32, #tpu.memory_space<vmem>>, vector<16xi32>, vector<16xi1>
      tpu.vector_store %arg13[%swap3A_373], %bitcast_convert_type3A_364 masked %ge3A {strides = array<i32>} : memref<2048xi32, #tpu.memory_space<vmem>>, vector<16xi32>, vector<16xi1>
      %swap3A_375 = arith.index_cast %scan3A_346 : i32 to index
      %swap3A_376 = tpu.vector_load %arg14[%swap3A_375] masked %ge3A {strides = array<i32>} : memref<2048xi32, #tpu.memory_space<vmem>>, vector<16xi32>, vector<16xi1>
      tpu.vector_store %arg14[%swap3A_375], %add3A_372 masked %ge3A {strides = array<i32>} : memref<2048xi32, #tpu.memory_space<vmem>>, vector<16xi32>, vector<16xi1>
      %select_n3A_377 = arith.select %ge3A, %broadcast_in_dim3A_62, %broadcast_in_dim3A_60 : vector<16xi1>, vector<16xi32>
      %reduce_sum3A = arith.constant true
      %reduce_sum3A_378 = vector.broadcast %reduce_sum3A : i1 to vector<16xi1>
      %reduce_sum3A_379 = tpu.scan <sum>, %select_n3A_377 masked %reduce_sum3A_378 : vector<16xi32>, vector<16xi1> -> vector<16xi32>
      %reduce_sum3A_380 = vector.extract %reduce_sum3A_379[15] : i32 from vector<16xi32>
      %add3A_381 = arith.addi %scan3A_346, %reduce_sum3A_380 : i32
      %min3A = arith.constant 2032 : i32
      %min3A_382 = arith.minsi %add3A_381, %min3A : i32
      scf.yield %min3A_382 : i32
    }
    %scan3A_260 = arith.constant 790 : i32
    %add3A_261 = arith.constant 63200 : i32
    %add3A_262 = arith.addi %add3A_59, %add3A_261 : i32
    %dma_start3A_263 = tpu.memref_slice %arg2[%add3A_262] : memref<3640320xf32, #tpu.memory_space<hbm>> -> memref<12640xf32, #tpu.memory_space<hbm>>
    %dma_start3A_264 = tpu.memref_slice %arg2[%add3A_262] : memref<3640320xf32, #tpu.memory_space<hbm>> -> memref<12640xf32, #tpu.memory_space<hbm>>
    tpu.enqueue_dma source(%dma_start3A_264 : memref<12640xf32, #tpu.memory_space<hbm>>) target(%arg11 : memref<12640xf32, #tpu.memory_space<vmem>>) target_semaphore(%arg44 : memref<!tpu.dma_semaphore, #tpu.memory_space<semaphore_mem>>)
    %dma_wait3A_265 = tpu.memref_slice %arg2[%add3A_248] : memref<3640320xf32, #tpu.memory_space<hbm>> -> memref<12640xf32, #tpu.memory_space<hbm>>
    %dma_wait3A_266 = tpu.memref_slice %arg2[%add3A_248] : memref<3640320xf32, #tpu.memory_space<hbm>> -> memref<12640xf32, #tpu.memory_space<hbm>>
    tpu.wait_dma2 semaphore(%arg43 : memref<!tpu.dma_semaphore, #tpu.memory_space<semaphore_mem>>) src(%dma_wait3A_266 : memref<12640xf32, #tpu.memory_space<hbm>>) dst(%arg10 : memref<12640xf32, #tpu.memory_space<vmem>>)
    %add3A_267 = arith.constant 50560 : i32
    %add3A_268 = arith.addi %mul3A_56, %add3A_267 : i32
    %scan3A_269 = arith.constant 0 : i32
    %scan3A_270 = arith.constant 790 : i32
    %scan3A_271 = arith.addi %scan3A_269, %scan3A_270 : i32
    %scan3A_272 = arith.constant 1 : i32
    %scan3A_273 = scf.for %scan3A_345 = %scan3A_269 to %scan3A_271 step %scan3A_272 iter_args(%scan3A_346 = %scan3A_259) -> (i32)  : i32 {
      %mul3A_347 = arith.constant 16 : i32
      %mul3A_348 = arith.muli %scan3A_345, %mul3A_347 : i32
      %get3A_349 = arith.index_cast %mul3A_348 : i32 to index
      %get3A_350 = tpu.vector_load %arg10[%get3A_349] {strides = array<i32>} : memref<12640xf32, #tpu.memory_space<vmem>>, vector<16xf32>,
      %bitcast_convert_type3A_351 = tpu.bitcast %get3A_350 : vector<16xf32> -> vector<16xi32>
      %shift_right_logical3A = arith.constant 31 : i32
      %shift_right_logical3A_352 = vector.broadcast %shift_right_logical3A : i32 to vector<16xi32>
      %shift_right_logical3A_353 = arith.shrui %bitcast_convert_type3A_351, %shift_right_logical3A_352 : vector<16xi32>
      %eq3A_354 = arith.constant 1 : i32
      %eq3A_355 = vector.broadcast %eq3A_354 : i32 to vector<16xi32>
      %eq3A_356 = arith.cmpi eq, %shift_right_logical3A_353, %eq3A_355 : vector<16xi32>
      %not3A = arith.constant dense<-1> : vector<16xi32>
      %not3A_357 = arith.xori %bitcast_convert_type3A_351, %not3A : vector<16xi32>
      %or3A = arith.constant -2147483648 : i32
      %or3A_358 = vector.broadcast %or3A : i32 to vector<16xi32>
      %or3A_359 = arith.ori %bitcast_convert_type3A_351, %or3A_358 : vector<16xi32>
      %select_n3A_360 = arith.select %eq3A_356, %not3A_357, %or3A_359 : vector<16xi1>, vector<16xi32>
      %xor3A_361 = arith.constant -2147483648 : i32
      %xor3A_362 = vector.broadcast %xor3A_361 : i32 to vector<16xi32>
      %xor3A_363 = arith.xori %select_n3A_360, %xor3A_362 : vector<16xi32>
      %bitcast_convert_type3A_364 = tpu.bitcast %xor3A_363 : vector<16xi32> -> vector<16xi32>
      %ge3A = arith.cmpi sge, %bitcast_convert_type3A_364, %bitcast_convert_type3A_201 : vector<16xi32>
      %broadcast_in_dim3A_365 = arith.constant 0 : i32
      %broadcast_in_dim3A_366 = vector.broadcast %broadcast_in_dim3A_365 : i32 to vector<16xi32>
      %mul3A_367 = arith.constant 16 : i32
      %mul3A_368 = arith.muli %scan3A_345, %mul3A_367 : i32
      %add3A_369 = arith.addi %add3A_268, %mul3A_368 : i32
      %add3A_370 = vector.broadcast %add3A_369 : i32 to vector<16xi32>
      %add3A_371 = arith.addi %broadcast_in_dim3A_366, %add3A_370 : vector<16xi32>
      %add3A_372 = arith.addi %add3A_371, %iota3A : vector<16xi32>
      %swap3A_373 = arith.index_cast %scan3A_346 : i32 to index
      %swap3A_374 = tpu.vector_load %arg13[%swap3A_373] masked %ge3A {strides = array<i32>} : memref<2048xi32, #tpu.memory_space<vmem>>, vector<16xi32>, vector<16xi1>
      tpu.vector_store %arg13[%swap3A_373], %bitcast_convert_type3A_364 masked %ge3A {strides = array<i32>} : memref<2048xi32, #tpu.memory_space<vmem>>, vector<16xi32>, vector<16xi1>
      %swap3A_375 = arith.index_cast %scan3A_346 : i32 to index
      %swap3A_376 = tpu.vector_load %arg14[%swap3A_375] masked %ge3A {strides = array<i32>} : memref<2048xi32, #tpu.memory_space<vmem>>, vector<16xi32>, vector<16xi1>
      tpu.vector_store %arg14[%swap3A_375], %add3A_372 masked %ge3A {strides = array<i32>} : memref<2048xi32, #tpu.memory_space<vmem>>, vector<16xi32>, vector<16xi1>
      %select_n3A_377 = arith.select %ge3A, %broadcast_in_dim3A_62, %broadcast_in_dim3A_60 : vector<16xi1>, vector<16xi32>
      %reduce_sum3A = arith.constant true
      %reduce_sum3A_378 = vector.broadcast %reduce_sum3A : i1 to vector<16xi1>
      %reduce_sum3A_379 = tpu.scan <sum>, %select_n3A_377 masked %reduce_sum3A_378 : vector<16xi32>, vector<16xi1> -> vector<16xi32>
      %reduce_sum3A_380 = vector.extract %reduce_sum3A_379[15] : i32 from vector<16xi32>
      %add3A_381 = arith.addi %scan3A_346, %reduce_sum3A_380 : i32
      %min3A = arith.constant 2032 : i32
      %min3A_382 = arith.minsi %add3A_381, %min3A : i32
      scf.yield %min3A_382 : i32
    }
    %scan3A_274 = arith.constant 790 : i32
    %add3A_275 = arith.constant 75840 : i32
    %add3A_276 = arith.addi %add3A_59, %add3A_275 : i32
    %dma_start3A_277 = tpu.memref_slice %arg2[%add3A_276] : memref<3640320xf32, #tpu.memory_space<hbm>> -> memref<12640xf32, #tpu.memory_space<hbm>>
    %dma_start3A_278 = tpu.memref_slice %arg2[%add3A_276] : memref<3640320xf32, #tpu.memory_space<hbm>> -> memref<12640xf32, #tpu.memory_space<hbm>>
    tpu.enqueue_dma source(%dma_start3A_278 : memref<12640xf32, #tpu.memory_space<hbm>>) target(%arg10 : memref<12640xf32, #tpu.memory_space<vmem>>) target_semaphore(%arg43 : memref<!tpu.dma_semaphore, #tpu.memory_space<semaphore_mem>>)
    %dma_wait3A_279 = tpu.memref_slice %arg2[%add3A_262] : memref<3640320xf32, #tpu.memory_space<hbm>> -> memref<12640xf32, #tpu.memory_space<hbm>>
    %dma_wait3A_280 = tpu.memref_slice %arg2[%add3A_262] : memref<3640320xf32, #tpu.memory_space<hbm>> -> memref<12640xf32, #tpu.memory_space<hbm>>
    tpu.wait_dma2 semaphore(%arg44 : memref<!tpu.dma_semaphore, #tpu.memory_space<semaphore_mem>>) src(%dma_wait3A_280 : memref<12640xf32, #tpu.memory_space<hbm>>) dst(%arg11 : memref<12640xf32, #tpu.memory_space<vmem>>)
    %add3A_281 = arith.constant 63200 : i32
    %add3A_282 = arith.addi %mul3A_56, %add3A_281 : i32
    %scan3A_283 = arith.constant 0 : i32
    %scan3A_284 = arith.constant 790 : i32
    %scan3A_285 = arith.addi %scan3A_283, %scan3A_284 : i32
    %scan3A_286 = arith.constant 1 : i32
    %scan3A_287 = scf.for %scan3A_345 = %scan3A_283 to %scan3A_285 step %scan3A_286 iter_args(%scan3A_346 = %scan3A_273) -> (i32)  : i32 {
      %mul3A_347 = arith.constant 16 : i32
      %mul3A_348 = arith.muli %scan3A_345, %mul3A_347 : i32
      %get3A_349 = arith.index_cast %mul3A_348 : i32 to index
      %get3A_350 = tpu.vector_load %arg11[%get3A_349] {strides = array<i32>} : memref<12640xf32, #tpu.memory_space<vmem>>, vector<16xf32>,
      %bitcast_convert_type3A_351 = tpu.bitcast %get3A_350 : vector<16xf32> -> vector<16xi32>
      %shift_right_logical3A = arith.constant 31 : i32
      %shift_right_logical3A_352 = vector.broadcast %shift_right_logical3A : i32 to vector<16xi32>
      %shift_right_logical3A_353 = arith.shrui %bitcast_convert_type3A_351, %shift_right_logical3A_352 : vector<16xi32>
      %eq3A_354 = arith.constant 1 : i32
      %eq3A_355 = vector.broadcast %eq3A_354 : i32 to vector<16xi32>
      %eq3A_356 = arith.cmpi eq, %shift_right_logical3A_353, %eq3A_355 : vector<16xi32>
      %not3A = arith.constant dense<-1> : vector<16xi32>
      %not3A_357 = arith.xori %bitcast_convert_type3A_351, %not3A : vector<16xi32>
      %or3A = arith.constant -2147483648 : i32
      %or3A_358 = vector.broadcast %or3A : i32 to vector<16xi32>
      %or3A_359 = arith.ori %bitcast_convert_type3A_351, %or3A_358 : vector<16xi32>
      %select_n3A_360 = arith.select %eq3A_356, %not3A_357, %or3A_359 : vector<16xi1>, vector<16xi32>
      %xor3A_361 = arith.constant -2147483648 : i32
      %xor3A_362 = vector.broadcast %xor3A_361 : i32 to vector<16xi32>
      %xor3A_363 = arith.xori %select_n3A_360, %xor3A_362 : vector<16xi32>
      %bitcast_convert_type3A_364 = tpu.bitcast %xor3A_363 : vector<16xi32> -> vector<16xi32>
      %ge3A = arith.cmpi sge, %bitcast_convert_type3A_364, %bitcast_convert_type3A_201 : vector<16xi32>
      %broadcast_in_dim3A_365 = arith.constant 0 : i32
      %broadcast_in_dim3A_366 = vector.broadcast %broadcast_in_dim3A_365 : i32 to vector<16xi32>
      %mul3A_367 = arith.constant 16 : i32
      %mul3A_368 = arith.muli %scan3A_345, %mul3A_367 : i32
      %add3A_369 = arith.addi %add3A_282, %mul3A_368 : i32
      %add3A_370 = vector.broadcast %add3A_369 : i32 to vector<16xi32>
      %add3A_371 = arith.addi %broadcast_in_dim3A_366, %add3A_370 : vector<16xi32>
      %add3A_372 = arith.addi %add3A_371, %iota3A : vector<16xi32>
      %swap3A_373 = arith.index_cast %scan3A_346 : i32 to index
      %swap3A_374 = tpu.vector_load %arg13[%swap3A_373] masked %ge3A {strides = array<i32>} : memref<2048xi32, #tpu.memory_space<vmem>>, vector<16xi32>, vector<16xi1>
      tpu.vector_store %arg13[%swap3A_373], %bitcast_convert_type3A_364 masked %ge3A {strides = array<i32>} : memref<2048xi32, #tpu.memory_space<vmem>>, vector<16xi32>, vector<16xi1>
      %swap3A_375 = arith.index_cast %scan3A_346 : i32 to index
      %swap3A_376 = tpu.vector_load %arg14[%swap3A_375] masked %ge3A {strides = array<i32>} : memref<2048xi32, #tpu.memory_space<vmem>>, vector<16xi32>, vector<16xi1>
      tpu.vector_store %arg14[%swap3A_375], %add3A_372 masked %ge3A {strides = array<i32>} : memref<2048xi32, #tpu.memory_space<vmem>>, vector<16xi32>, vector<16xi1>
      %select_n3A_377 = arith.select %ge3A, %broadcast_in_dim3A_62, %broadcast_in_dim3A_60 : vector<16xi1>, vector<16xi32>
      %reduce_sum3A = arith.constant true
      %reduce_sum3A_378 = vector.broadcast %reduce_sum3A : i1 to vector<16xi1>
      %reduce_sum3A_379 = tpu.scan <sum>, %select_n3A_377 masked %reduce_sum3A_378 : vector<16xi32>, vector<16xi1> -> vector<16xi32>
      %reduce_sum3A_380 = vector.extract %reduce_sum3A_379[15] : i32 from vector<16xi32>
      %add3A_381 = arith.addi %scan3A_346, %reduce_sum3A_380 : i32
      %min3A = arith.constant 2032 : i32
      %min3A_382 = arith.minsi %add3A_381, %min3A : i32
      scf.yield %min3A_382 : i32
    }
    %scan3A_288 = arith.constant 790 : i32
    %add3A_289 = arith.constant 88480 : i32
    %add3A_290 = arith.addi %add3A_59, %add3A_289 : i32
    %dma_start3A_291 = tpu.memref_slice %arg2[%add3A_290] : memref<3640320xf32, #tpu.memory_space<hbm>> -> memref<12640xf32, #tpu.memory_space<hbm>>
    %dma_start3A_292 = tpu.memref_slice %arg2[%add3A_290] : memref<3640320xf32, #tpu.memory_space<hbm>> -> memref<12640xf32, #tpu.memory_space<hbm>>
    tpu.enqueue_dma source(%dma_start3A_292 : memref<12640xf32, #tpu.memory_space<hbm>>) target(%arg11 : memref<12640xf32, #tpu.memory_space<vmem>>) target_semaphore(%arg44 : memref<!tpu.dma_semaphore, #tpu.memory_space<semaphore_mem>>)
    %dma_wait3A_293 = tpu.memref_slice %arg2[%add3A_276] : memref<3640320xf32, #tpu.memory_space<hbm>> -> memref<12640xf32, #tpu.memory_space<hbm>>
    %dma_wait3A_294 = tpu.memref_slice %arg2[%add3A_276] : memref<3640320xf32, #tpu.memory_space<hbm>> -> memref<12640xf32, #tpu.memory_space<hbm>>
    tpu.wait_dma2 semaphore(%arg43 : memref<!tpu.dma_semaphore, #tpu.memory_space<semaphore_mem>>) src(%dma_wait3A_294 : memref<12640xf32, #tpu.memory_space<hbm>>) dst(%arg10 : memref<12640xf32, #tpu.memory_space<vmem>>)
    %add3A_295 = arith.constant 75840 : i32
    %add3A_296 = arith.addi %mul3A_56, %add3A_295 : i32
    %scan3A_297 = arith.constant 0 : i32
    %scan3A_298 = arith.constant 790 : i32
    %scan3A_299 = arith.addi %scan3A_297, %scan3A_298 : i32
    %scan3A_300 = arith.constant 1 : i32
    %scan3A_301 = scf.for %scan3A_345 = %scan3A_297 to %scan3A_299 step %scan3A_300 iter_args(%scan3A_346 = %scan3A_287) -> (i32)  : i32 {
      %mul3A_347 = arith.constant 16 : i32
      %mul3A_348 = arith.muli %scan3A_345, %mul3A_347 : i32
      %get3A_349 = arith.index_cast %mul3A_348 : i32 to index
      %get3A_350 = tpu.vector_load %arg10[%get3A_349] {strides = array<i32>} : memref<12640xf32, #tpu.memory_space<vmem>>, vector<16xf32>,
      %bitcast_convert_type3A_351 = tpu.bitcast %get3A_350 : vector<16xf32> -> vector<16xi32>
      %shift_right_logical3A = arith.constant 31 : i32
      %shift_right_logical3A_352 = vector.broadcast %shift_right_logical3A : i32 to vector<16xi32>
      %shift_right_logical3A_353 = arith.shrui %bitcast_convert_type3A_351, %shift_right_logical3A_352 : vector<16xi32>
      %eq3A_354 = arith.constant 1 : i32
      %eq3A_355 = vector.broadcast %eq3A_354 : i32 to vector<16xi32>
      %eq3A_356 = arith.cmpi eq, %shift_right_logical3A_353, %eq3A_355 : vector<16xi32>
      %not3A = arith.constant dense<-1> : vector<16xi32>
      %not3A_357 = arith.xori %bitcast_convert_type3A_351, %not3A : vector<16xi32>
      %or3A = arith.constant -2147483648 : i32
      %or3A_358 = vector.broadcast %or3A : i32 to vector<16xi32>
      %or3A_359 = arith.ori %bitcast_convert_type3A_351, %or3A_358 : vector<16xi32>
      %select_n3A_360 = arith.select %eq3A_356, %not3A_357, %or3A_359 : vector<16xi1>, vector<16xi32>
      %xor3A_361 = arith.constant -2147483648 : i32
      %xor3A_362 = vector.broadcast %xor3A_361 : i32 to vector<16xi32>
      %xor3A_363 = arith.xori %select_n3A_360, %xor3A_362 : vector<16xi32>
      %bitcast_convert_type3A_364 = tpu.bitcast %xor3A_363 : vector<16xi32> -> vector<16xi32>
      %ge3A = arith.cmpi sge, %bitcast_convert_type3A_364, %bitcast_convert_type3A_201 : vector<16xi32>
      %broadcast_in_dim3A_365 = arith.constant 0 : i32
      %broadcast_in_dim3A_366 = vector.broadcast %broadcast_in_dim3A_365 : i32 to vector<16xi32>
      %mul3A_367 = arith.constant 16 : i32
      %mul3A_368 = arith.muli %scan3A_345, %mul3A_367 : i32
      %add3A_369 = arith.addi %add3A_296, %mul3A_368 : i32
      %add3A_370 = vector.broadcast %add3A_369 : i32 to vector<16xi32>
      %add3A_371 = arith.addi %broadcast_in_dim3A_366, %add3A_370 : vector<16xi32>
      %add3A_372 = arith.addi %add3A_371, %iota3A : vector<16xi32>
      %swap3A_373 = arith.index_cast %scan3A_346 : i32 to index
      %swap3A_374 = tpu.vector_load %arg13[%swap3A_373] masked %ge3A {strides = array<i32>} : memref<2048xi32, #tpu.memory_space<vmem>>, vector<16xi32>, vector<16xi1>
      tpu.vector_store %arg13[%swap3A_373], %bitcast_convert_type3A_364 masked %ge3A {strides = array<i32>} : memref<2048xi32, #tpu.memory_space<vmem>>, vector<16xi32>, vector<16xi1>
      %swap3A_375 = arith.index_cast %scan3A_346 : i32 to index
      %swap3A_376 = tpu.vector_load %arg14[%swap3A_375] masked %ge3A {strides = array<i32>} : memref<2048xi32, #tpu.memory_space<vmem>>, vector<16xi32>, vector<16xi1>
      tpu.vector_store %arg14[%swap3A_375], %add3A_372 masked %ge3A {strides = array<i32>} : memref<2048xi32, #tpu.memory_space<vmem>>, vector<16xi32>, vector<16xi1>
      %select_n3A_377 = arith.select %ge3A, %broadcast_in_dim3A_62, %broadcast_in_dim3A_60 : vector<16xi1>, vector<16xi32>
      %reduce_sum3A = arith.constant true
      %reduce_sum3A_378 = vector.broadcast %reduce_sum3A : i1 to vector<16xi1>
      %reduce_sum3A_379 = tpu.scan <sum>, %select_n3A_377 masked %reduce_sum3A_378 : vector<16xi32>, vector<16xi1> -> vector<16xi32>
      %reduce_sum3A_380 = vector.extract %reduce_sum3A_379[15] : i32 from vector<16xi32>
      %add3A_381 = arith.addi %scan3A_346, %reduce_sum3A_380 : i32
      %min3A = arith.constant 2032 : i32
      %min3A_382 = arith.minsi %add3A_381, %min3A : i32
      scf.yield %min3A_382 : i32
    }
    %scan3A_302 = arith.constant 790 : i32
    %add3A_303 = arith.constant 101120 : i32
    %add3A_304 = arith.addi %add3A_59, %add3A_303 : i32
    %dma_start3A_305 = tpu.memref_slice %arg2[%add3A_304] : memref<3640320xf32, #tpu.memory_space<hbm>> -> memref<12640xf32, #tpu.memory_space<hbm>>
    %dma_start3A_306 = tpu.memref_slice %arg2[%add3A_304] : memref<3640320xf32, #tpu.memory_space<hbm>> -> memref<12640xf32, #tpu.memory_space<hbm>>
    tpu.enqueue_dma source(%dma_start3A_306 : memref<12640xf32, #tpu.memory_space<hbm>>) target(%arg10 : memref<12640xf32, #tpu.memory_space<vmem>>) target_semaphore(%arg43 : memref<!tpu.dma_semaphore, #tpu.memory_space<semaphore_mem>>)
    %dma_wait3A_307 = tpu.memref_slice %arg2[%add3A_290] : memref<3640320xf32, #tpu.memory_space<hbm>> -> memref<12640xf32, #tpu.memory_space<hbm>>
    %dma_wait3A_308 = tpu.memref_slice %arg2[%add3A_290] : memref<3640320xf32, #tpu.memory_space<hbm>> -> memref<12640xf32, #tpu.memory_space<hbm>>
    tpu.wait_dma2 semaphore(%arg44 : memref<!tpu.dma_semaphore, #tpu.memory_space<semaphore_mem>>) src(%dma_wait3A_308 : memref<12640xf32, #tpu.memory_space<hbm>>) dst(%arg11 : memref<12640xf32, #tpu.memory_space<vmem>>)
    %add3A_309 = arith.constant 88480 : i32
    %add3A_310 = arith.addi %mul3A_56, %add3A_309 : i32
    %scan3A_311 = arith.constant 0 : i32
    %scan3A_312 = arith.constant 790 : i32
    %scan3A_313 = arith.addi %scan3A_311, %scan3A_312 : i32
    %scan3A_314 = arith.constant 1 : i32
    %scan3A_315 = scf.for %scan3A_345 = %scan3A_311 to %scan3A_313 step %scan3A_314 iter_args(%scan3A_346 = %scan3A_301) -> (i32)  : i32 {
      %mul3A_347 = arith.constant 16 : i32
      %mul3A_348 = arith.muli %scan3A_345, %mul3A_347 : i32
      %get3A_349 = arith.index_cast %mul3A_348 : i32 to index
      %get3A_350 = tpu.vector_load %arg11[%get3A_349] {strides = array<i32>} : memref<12640xf32, #tpu.memory_space<vmem>>, vector<16xf32>,
      %bitcast_convert_type3A_351 = tpu.bitcast %get3A_350 : vector<16xf32> -> vector<16xi32>
      %shift_right_logical3A = arith.constant 31 : i32
      %shift_right_logical3A_352 = vector.broadcast %shift_right_logical3A : i32 to vector<16xi32>
      %shift_right_logical3A_353 = arith.shrui %bitcast_convert_type3A_351, %shift_right_logical3A_352 : vector<16xi32>
      %eq3A_354 = arith.constant 1 : i32
      %eq3A_355 = vector.broadcast %eq3A_354 : i32 to vector<16xi32>
      %eq3A_356 = arith.cmpi eq, %shift_right_logical3A_353, %eq3A_355 : vector<16xi32>
      %not3A = arith.constant dense<-1> : vector<16xi32>
      %not3A_357 = arith.xori %bitcast_convert_type3A_351, %not3A : vector<16xi32>
      %or3A = arith.constant -2147483648 : i32
      %or3A_358 = vector.broadcast %or3A : i32 to vector<16xi32>
      %or3A_359 = arith.ori %bitcast_convert_type3A_351, %or3A_358 : vector<16xi32>
      %select_n3A_360 = arith.select %eq3A_356, %not3A_357, %or3A_359 : vector<16xi1>, vector<16xi32>
      %xor3A_361 = arith.constant -2147483648 : i32
      %xor3A_362 = vector.broadcast %xor3A_361 : i32 to vector<16xi32>
      %xor3A_363 = arith.xori %select_n3A_360, %xor3A_362 : vector<16xi32>
      %bitcast_convert_type3A_364 = tpu.bitcast %xor3A_363 : vector<16xi32> -> vector<16xi32>
      %ge3A = arith.cmpi sge, %bitcast_convert_type3A_364, %bitcast_convert_type3A_201 : vector<16xi32>
      %broadcast_in_dim3A_365 = arith.constant 0 : i32
      %broadcast_in_dim3A_366 = vector.broadcast %broadcast_in_dim3A_365 : i32 to vector<16xi32>
      %mul3A_367 = arith.constant 16 : i32
      %mul3A_368 = arith.muli %scan3A_345, %mul3A_367 : i32
      %add3A_369 = arith.addi %add3A_310, %mul3A_368 : i32
      %add3A_370 = vector.broadcast %add3A_369 : i32 to vector<16xi32>
      %add3A_371 = arith.addi %broadcast_in_dim3A_366, %add3A_370 : vector<16xi32>
      %add3A_372 = arith.addi %add3A_371, %iota3A : vector<16xi32>
      %swap3A_373 = arith.index_cast %scan3A_346 : i32 to index
      %swap3A_374 = tpu.vector_load %arg13[%swap3A_373] masked %ge3A {strides = array<i32>} : memref<2048xi32, #tpu.memory_space<vmem>>, vector<16xi32>, vector<16xi1>
      tpu.vector_store %arg13[%swap3A_373], %bitcast_convert_type3A_364 masked %ge3A {strides = array<i32>} : memref<2048xi32, #tpu.memory_space<vmem>>, vector<16xi32>, vector<16xi1>
      %swap3A_375 = arith.index_cast %scan3A_346 : i32 to index
      %swap3A_376 = tpu.vector_load %arg14[%swap3A_375] masked %ge3A {strides = array<i32>} : memref<2048xi32, #tpu.memory_space<vmem>>, vector<16xi32>, vector<16xi1>
      tpu.vector_store %arg14[%swap3A_375], %add3A_372 masked %ge3A {strides = array<i32>} : memref<2048xi32, #tpu.memory_space<vmem>>, vector<16xi32>, vector<16xi1>
      %select_n3A_377 = arith.select %ge3A, %broadcast_in_dim3A_62, %broadcast_in_dim3A_60 : vector<16xi1>, vector<16xi32>
      %reduce_sum3A = arith.constant true
      %reduce_sum3A_378 = vector.broadcast %reduce_sum3A : i1 to vector<16xi1>
      %reduce_sum3A_379 = tpu.scan <sum>, %select_n3A_377 masked %reduce_sum3A_378 : vector<16xi32>, vector<16xi1> -> vector<16xi32>
      %reduce_sum3A_380 = vector.extract %reduce_sum3A_379[15] : i32 from vector<16xi32>
      %add3A_381 = arith.addi %scan3A_346, %reduce_sum3A_380 : i32
      %min3A = arith.constant 2032 : i32
      %min3A_382 = arith.minsi %add3A_381, %min3A : i32
      scf.yield %min3A_382 : i32
    }
    %scan3A_316 = arith.constant 790 : i32
    %dma_wait3A_317 = tpu.memref_slice %arg2[%add3A_304] : memref<3640320xf32, #tpu.memory_space<hbm>> -> memref<12640xf32, #tpu.memory_space<hbm>>
    %dma_wait3A_318 = tpu.memref_slice %arg2[%add3A_304] : memref<3640320xf32, #tpu.memory_space<hbm>> -> memref<12640xf32, #tpu.memory_space<hbm>>
    tpu.wait_dma2 semaphore(%arg43 : memref<!tpu.dma_semaphore, #tpu.memory_space<semaphore_mem>>) src(%dma_wait3A_318 : memref<12640xf32, #tpu.memory_space<hbm>>) dst(%arg10 : memref<12640xf32, #tpu.memory_space<vmem>>)
    %add3A_319 = arith.constant 101120 : i32
    %add3A_320 = arith.addi %mul3A_56, %add3A_319 : i32
    %scan3A_321 = arith.constant 0 : i32
    %scan3A_322 = arith.constant 790 : i32
    %scan3A_323 = arith.addi %scan3A_321, %scan3A_322 : i32
    %scan3A_324 = arith.constant 1 : i32
    %scan3A_325 = scf.for %scan3A_345 = %scan3A_321 to %scan3A_323 step %scan3A_324 iter_args(%scan3A_346 = %scan3A_315) -> (i32)  : i32 {
      %mul3A_347 = arith.constant 16 : i32
      %mul3A_348 = arith.muli %scan3A_345, %mul3A_347 : i32
      %get3A_349 = arith.index_cast %mul3A_348 : i32 to index
      %get3A_350 = tpu.vector_load %arg10[%get3A_349] {strides = array<i32>} : memref<12640xf32, #tpu.memory_space<vmem>>, vector<16xf32>,
      %bitcast_convert_type3A_351 = tpu.bitcast %get3A_350 : vector<16xf32> -> vector<16xi32>
      %shift_right_logical3A = arith.constant 31 : i32
      %shift_right_logical3A_352 = vector.broadcast %shift_right_logical3A : i32 to vector<16xi32>
      %shift_right_logical3A_353 = arith.shrui %bitcast_convert_type3A_351, %shift_right_logical3A_352 : vector<16xi32>
      %eq3A_354 = arith.constant 1 : i32
      %eq3A_355 = vector.broadcast %eq3A_354 : i32 to vector<16xi32>
      %eq3A_356 = arith.cmpi eq, %shift_right_logical3A_353, %eq3A_355 : vector<16xi32>
      %not3A = arith.constant dense<-1> : vector<16xi32>
      %not3A_357 = arith.xori %bitcast_convert_type3A_351, %not3A : vector<16xi32>
      %or3A = arith.constant -2147483648 : i32
      %or3A_358 = vector.broadcast %or3A : i32 to vector<16xi32>
      %or3A_359 = arith.ori %bitcast_convert_type3A_351, %or3A_358 : vector<16xi32>
      %select_n3A_360 = arith.select %eq3A_356, %not3A_357, %or3A_359 : vector<16xi1>, vector<16xi32>
      %xor3A_361 = arith.constant -2147483648 : i32
      %xor3A_362 = vector.broadcast %xor3A_361 : i32 to vector<16xi32>
      %xor3A_363 = arith.xori %select_n3A_360, %xor3A_362 : vector<16xi32>
      %bitcast_convert_type3A_364 = tpu.bitcast %xor3A_363 : vector<16xi32> -> vector<16xi32>
      %ge3A = arith.cmpi sge, %bitcast_convert_type3A_364, %bitcast_convert_type3A_201 : vector<16xi32>
      %broadcast_in_dim3A_365 = arith.constant 0 : i32
      %broadcast_in_dim3A_366 = vector.broadcast %broadcast_in_dim3A_365 : i32 to vector<16xi32>
      %mul3A_367 = arith.constant 16 : i32
      %mul3A_368 = arith.muli %scan3A_345, %mul3A_367 : i32
      %add3A_369 = arith.addi %add3A_320, %mul3A_368 : i32
      %add3A_370 = vector.broadcast %add3A_369 : i32 to vector<16xi32>
      %add3A_371 = arith.addi %broadcast_in_dim3A_366, %add3A_370 : vector<16xi32>
      %add3A_372 = arith.addi %add3A_371, %iota3A : vector<16xi32>
      %swap3A_373 = arith.index_cast %scan3A_346 : i32 to index
      %swap3A_374 = tpu.vector_load %arg13[%swap3A_373] masked %ge3A {strides = array<i32>} : memref<2048xi32, #tpu.memory_space<vmem>>, vector<16xi32>, vector<16xi1>
      tpu.vector_store %arg13[%swap3A_373], %bitcast_convert_type3A_364 masked %ge3A {strides = array<i32>} : memref<2048xi32, #tpu.memory_space<vmem>>, vector<16xi32>, vector<16xi1>
      %swap3A_375 = arith.index_cast %scan3A_346 : i32 to index
      %swap3A_376 = tpu.vector_load %arg14[%swap3A_375] masked %ge3A {strides = array<i32>} : memref<2048xi32, #tpu.memory_space<vmem>>, vector<16xi32>, vector<16xi1>
      tpu.vector_store %arg14[%swap3A_375], %add3A_372 masked %ge3A {strides = array<i32>} : memref<2048xi32, #tpu.memory_space<vmem>>, vector<16xi32>, vector<16xi1>
      %select_n3A_377 = arith.select %ge3A, %broadcast_in_dim3A_62, %broadcast_in_dim3A_60 : vector<16xi1>, vector<16xi32>
      %reduce_sum3A = arith.constant true
      %reduce_sum3A_378 = vector.broadcast %reduce_sum3A : i1 to vector<16xi1>
      %reduce_sum3A_379 = tpu.scan <sum>, %select_n3A_377 masked %reduce_sum3A_378 : vector<16xi32>, vector<16xi1> -> vector<16xi32>
      %reduce_sum3A_380 = vector.extract %reduce_sum3A_379[15] : i32 from vector<16xi32>
      %add3A_381 = arith.addi %scan3A_346, %reduce_sum3A_380 : i32
      %min3A = arith.constant 2032 : i32
      %min3A_382 = arith.minsi %add3A_381, %min3A : i32
      scf.yield %min3A_382 : i32
    }
    %scan3A_326 = arith.constant 790 : i32
    %broadcast_in_dim3A_327 = arith.constant 0 : i32
    %broadcast_in_dim3A_328 = vector.broadcast %broadcast_in_dim3A_327 : i32 to vector<16xi32>
    %add3A_329 = arith.constant -2147483648 : i32
    %add3A_330 = vector.broadcast %add3A_329 : i32 to vector<16xi32>
    %add3A_331 = arith.addi %broadcast_in_dim3A_328, %add3A_330 : vector<16xi32>
    %swap3A = arith.index_cast %scan3A_325 : i32 to index
    %swap3A_332 = tpu.vector_load %arg13[%swap3A] {strides = array<i32>} : memref<2048xi32, #tpu.memory_space<vmem>>, vector<16xi32>,
    tpu.vector_store %arg13[%swap3A], %add3A_331 {strides = array<i32>} : memref<2048xi32, #tpu.memory_space<vmem>>, vector<16xi32>,
    %swap3A_333 = arith.index_cast %scan3A_325 : i32 to index
    %swap3A_334 = tpu.vector_load %arg14[%swap3A_333] {strides = array<i32>} : memref<2048xi32, #tpu.memory_space<vmem>>, vector<16xi32>,
    tpu.vector_store %arg14[%swap3A_333], %broadcast_in_dim3A_60 {strides = array<i32>} : memref<2048xi32, #tpu.memory_space<vmem>>, vector<16xi32>,
    %add3A_335 = vector.broadcast %scan3A_325 : i32 to vector<16xi32>
    %add3A_336 = arith.addi %broadcast_in_dim3A_60, %add3A_335 : vector<16xi32>
    %swap3A_337 = arith.constant 0 : index
    %swap3A_338 = tpu.vector_load %arg28[%swap3A_337] {strides = array<i32>} : memref<16xi32, #tpu.memory_space<vmem>>, vector<16xi32>,
    tpu.vector_store %arg28[%swap3A_337], %add3A_336 {strides = array<i32>} : memref<16xi32, #tpu.memory_space<vmem>>, vector<16xi32>,
    "tpu.region"() ({
      %run_scoped3A = tpu.sem_alloc : memref<!tpu.dma_semaphore, #tpu.memory_space<semaphore_mem>>
      %dma_start3A_345 = arith.constant 0 : i32
      %dma_start3A_346 = tpu.memref_slice %arg40[%arg1, %dma_start3A_345] : memref<16x2048xi32, #tpu.memory_space<vmem_shared>> -> memref<1x2048xi32, #tpu.memory_space<vmem_shared>>
      %dma_start3A_347 = tpu.memref_squeeze %dma_start3A_346 : memref<1x2048xi32, #tpu.memory_space<vmem_shared>> -> memref<2048xi32, #tpu.memory_space<vmem_shared>>
      %dma_start3A_348 = arith.constant 0 : i32
      %dma_start3A_349 = tpu.memref_slice %arg40[%arg1, %dma_start3A_348] : memref<16x2048xi32, #tpu.memory_space<vmem_shared>> -> memref<1x2048xi32, #tpu.memory_space<vmem_shared>>
      %dma_start3A_350 = tpu.memref_squeeze %dma_start3A_349 : memref<1x2048xi32, #tpu.memory_space<vmem_shared>> -> memref<2048xi32, #tpu.memory_space<vmem_shared>>
      tpu.enqueue_dma source(%arg13 : memref<2048xi32, #tpu.memory_space<vmem>>) target(%dma_start3A_350 : memref<2048xi32, #tpu.memory_space<vmem_shared>>) target_semaphore(%run_scoped3A : memref<!tpu.dma_semaphore, #tpu.memory_space<semaphore_mem>>)
      %dma_wait3A_351 = arith.constant 0 : i32
      %dma_wait3A_352 = tpu.memref_slice %arg40[%arg1, %dma_wait3A_351] : memref<16x2048xi32, #tpu.memory_space<vmem_shared>> -> memref<1x2048xi32, #tpu.memory_space<vmem_shared>>
      %dma_wait3A_353 = tpu.memref_squeeze %dma_wait3A_352 : memref<1x2048xi32, #tpu.memory_space<vmem_shared>> -> memref<2048xi32, #tpu.memory_space<vmem_shared>>
      %dma_wait3A_354 = arith.constant 0 : i32
      %dma_wait3A_355 = tpu.memref_slice %arg40[%arg1, %dma_wait3A_354] : memref<16x2048xi32, #tpu.memory_space<vmem_shared>> -> memref<1x2048xi32, #tpu.memory_space<vmem_shared>>
      %dma_wait3A_356 = tpu.memref_squeeze %dma_wait3A_355 : memref<1x2048xi32, #tpu.memory_space<vmem_shared>> -> memref<2048xi32, #tpu.memory_space<vmem_shared>>
      tpu.wait_dma2 semaphore(%run_scoped3A : memref<!tpu.dma_semaphore, #tpu.memory_space<semaphore_mem>>) src(%arg13 : memref<2048xi32, #tpu.memory_space<vmem>>) dst(%dma_wait3A_356 : memref<2048xi32, #tpu.memory_space<vmem_shared>>)
      tpu.yield
    }) : () -> ()
    "tpu.region"() ({
      %run_scoped3A = tpu.sem_alloc : memref<!tpu.dma_semaphore, #tpu.memory_space<semaphore_mem>>
      %dma_start3A_345 = arith.constant 0 : i32
      %dma_start3A_346 = tpu.memref_slice %arg41[%arg1, %dma_start3A_345] : memref<16x2048xi32, #tpu.memory_space<vmem_shared>> -> memref<1x2048xi32, #tpu.memory_space<vmem_shared>>
      %dma_start3A_347 = tpu.memref_squeeze %dma_start3A_346 : memref<1x2048xi32, #tpu.memory_space<vmem_shared>> -> memref<2048xi32, #tpu.memory_space<vmem_shared>>
      %dma_start3A_348 = arith.constant 0 : i32
      %dma_start3A_349 = tpu.memref_slice %arg41[%arg1, %dma_start3A_348] : memref<16x2048xi32, #tpu.memory_space<vmem_shared>> -> memref<1x2048xi32, #tpu.memory_space<vmem_shared>>
      %dma_start3A_350 = tpu.memref_squeeze %dma_start3A_349 : memref<1x2048xi32, #tpu.memory_space<vmem_shared>> -> memref<2048xi32, #tpu.memory_space<vmem_shared>>
      tpu.enqueue_dma source(%arg14 : memref<2048xi32, #tpu.memory_space<vmem>>) target(%dma_start3A_350 : memref<2048xi32, #tpu.memory_space<vmem_shared>>) target_semaphore(%run_scoped3A : memref<!tpu.dma_semaphore, #tpu.memory_space<semaphore_mem>>)
      %dma_wait3A_351 = arith.constant 0 : i32
      %dma_wait3A_352 = tpu.memref_slice %arg41[%arg1, %dma_wait3A_351] : memref<16x2048xi32, #tpu.memory_space<vmem_shared>> -> memref<1x2048xi32, #tpu.memory_space<vmem_shared>>
      %dma_wait3A_353 = tpu.memref_squeeze %dma_wait3A_352 : memref<1x2048xi32, #tpu.memory_space<vmem_shared>> -> memref<2048xi32, #tpu.memory_space<vmem_shared>>
      %dma_wait3A_354 = arith.constant 0 : i32
      %dma_wait3A_355 = tpu.memref_slice %arg41[%arg1, %dma_wait3A_354] : memref<16x2048xi32, #tpu.memory_space<vmem_shared>> -> memref<1x2048xi32, #tpu.memory_space<vmem_shared>>
      %dma_wait3A_356 = tpu.memref_squeeze %dma_wait3A_355 : memref<1x2048xi32, #tpu.memory_space<vmem_shared>> -> memref<2048xi32, #tpu.memory_space<vmem_shared>>
      tpu.wait_dma2 semaphore(%run_scoped3A : memref<!tpu.dma_semaphore, #tpu.memory_space<semaphore_mem>>) src(%arg14 : memref<2048xi32, #tpu.memory_space<vmem>>) dst(%dma_wait3A_356 : memref<2048xi32, #tpu.memory_space<vmem_shared>>)
      tpu.yield
    }) : () -> ()
    "tpu.region"() ({
      %run_scoped3A = tpu.sem_alloc : memref<!tpu.dma_semaphore, #tpu.memory_space<semaphore_mem>>
      %dma_start3A_345 = arith.constant 0 : i32
      %dma_start3A_346 = tpu.memref_slice %arg42[%arg1, %dma_start3A_345] : memref<16x16xi32, #tpu.memory_space<vmem_shared>> -> memref<1x16xi32, #tpu.memory_space<vmem_shared>>
      %dma_start3A_347 = tpu.memref_squeeze %dma_start3A_346 : memref<1x16xi32, #tpu.memory_space<vmem_shared>> -> memref<16xi32, #tpu.memory_space<vmem_shared>>
      %dma_start3A_348 = arith.constant 0 : i32
      %dma_start3A_349 = tpu.memref_slice %arg42[%arg1, %dma_start3A_348] : memref<16x16xi32, #tpu.memory_space<vmem_shared>> -> memref<1x16xi32, #tpu.memory_space<vmem_shared>>
      %dma_start3A_350 = tpu.memref_squeeze %dma_start3A_349 : memref<1x16xi32, #tpu.memory_space<vmem_shared>> -> memref<16xi32, #tpu.memory_space<vmem_shared>>
      tpu.enqueue_dma source(%arg28 : memref<16xi32, #tpu.memory_space<vmem>>) target(%dma_start3A_350 : memref<16xi32, #tpu.memory_space<vmem_shared>>) target_semaphore(%run_scoped3A : memref<!tpu.dma_semaphore, #tpu.memory_space<semaphore_mem>>)
      %dma_wait3A_351 = arith.constant 0 : i32
      %dma_wait3A_352 = tpu.memref_slice %arg42[%arg1, %dma_wait3A_351] : memref<16x16xi32, #tpu.memory_space<vmem_shared>> -> memref<1x16xi32, #tpu.memory_space<vmem_shared>>
      %dma_wait3A_353 = tpu.memref_squeeze %dma_wait3A_352 : memref<1x16xi32, #tpu.memory_space<vmem_shared>> -> memref<16xi32, #tpu.memory_space<vmem_shared>>
      %dma_wait3A_354 = arith.constant 0 : i32
      %dma_wait3A_355 = tpu.memref_slice %arg42[%arg1, %dma_wait3A_354] : memref<16x16xi32, #tpu.memory_space<vmem_shared>> -> memref<1x16xi32, #tpu.memory_space<vmem_shared>>
      %dma_wait3A_356 = tpu.memref_squeeze %dma_wait3A_355 : memref<1x16xi32, #tpu.memory_space<vmem_shared>> -> memref<16xi32, #tpu.memory_space<vmem_shared>>
      tpu.wait_dma2 semaphore(%run_scoped3A : memref<!tpu.dma_semaphore, #tpu.memory_space<semaphore_mem>>) src(%arg28 : memref<16xi32, #tpu.memory_space<vmem>>) dst(%dma_wait3A_356 : memref<16xi32, #tpu.memory_space<vmem_shared>>)
      tpu.yield
    }) : () -> ()
    %barrier3A_339 = arith.constant 0 : index
    tpu.barrier barrier_id(%barrier3A_339)
    %eq3A_340 = arith.constant 0 : i32
    %eq3A_341 = arith.cmpi eq, %select_n3A_30, %eq3A_340 : i32
    %convert_element_type3A_342 = arith.extui %eq3A_341 : i1 to i32
    %cond3A_343 = arith.constant 0 : i32
    %cond3A_344 = arith.cmpi ne, %convert_element_type3A_342, %cond3A_343 : i32
    scf.if %cond3A_344 {
      %add3A_345 = arith.constant 0 : i32
      %add3A_346 = arith.addi %arg1, %add3A_345 : i32
      "tpu.region"() ({
        %run_scoped3A = tpu.sem_alloc : memref<!tpu.dma_semaphore, #tpu.memory_space<semaphore_mem>>
        %dma_start3A_2265 = arith.constant 0 : i32
        %dma_start3A_2266 = tpu.memref_slice %arg40[%add3A_346, %dma_start3A_2265] : memref<16x2048xi32, #tpu.memory_space<vmem_shared>> -> memref<1x2048xi32, #tpu.memory_space<vmem_shared>>
        %dma_start3A_2267 = tpu.memref_squeeze %dma_start3A_2266 : memref<1x2048xi32, #tpu.memory_space<vmem_shared>> -> memref<2048xi32, #tpu.memory_space<vmem_shared>>
        %dma_start3A_2268 = arith.constant 0 : i32
        %dma_start3A_2269 = tpu.memref_slice %arg40[%add3A_346, %dma_start3A_2268] : memref<16x2048xi32, #tpu.memory_space<vmem_shared>> -> memref<1x2048xi32, #tpu.memory_space<vmem_shared>>
        %dma_start3A_2270 = tpu.memref_squeeze %dma_start3A_2269 : memref<1x2048xi32, #tpu.memory_space<vmem_shared>> -> memref<2048xi32, #tpu.memory_space<vmem_shared>>
        tpu.enqueue_dma source(%dma_start3A_2270 : memref<2048xi32, #tpu.memory_space<vmem_shared>>) target(%arg15 : memref<2048xi32, #tpu.memory_space<vmem>>) target_semaphore(%run_scoped3A : memref<!tpu.dma_semaphore, #tpu.memory_space<semaphore_mem>>)
        %dma_wait3A_2271 = arith.constant 0 : i32
        %dma_wait3A_2272 = tpu.memref_slice %arg40[%add3A_346, %dma_wait3A_2271] : memref<16x2048xi32, #tpu.memory_space<vmem_shared>> -> memref<1x2048xi32, #tpu.memory_space<vmem_shared>>
        %dma_wait3A_2273 = tpu.memref_squeeze %dma_wait3A_2272 : memref<1x2048xi32, #tpu.memory_space<vmem_shared>> -> memref<2048xi32, #tpu.memory_space<vmem_shared>>
        %dma_wait3A_2274 = arith.constant 0 : i32
        %dma_wait3A_2275 = tpu.memref_slice %arg40[%add3A_346, %dma_wait3A_2274] : memref<16x2048xi32, #tpu.memory_space<vmem_shared>> -> memref<1x2048xi32, #tpu.memory_space<vmem_shared>>
        %dma_wait3A_2276 = tpu.memref_squeeze %dma_wait3A_2275 : memref<1x2048xi32, #tpu.memory_space<vmem_shared>> -> memref<2048xi32, #tpu.memory_space<vmem_shared>>
        tpu.wait_dma2 semaphore(%run_scoped3A : memref<!tpu.dma_semaphore, #tpu.memory_space<semaphore_mem>>) src(%dma_wait3A_2276 : memref<2048xi32, #tpu.memory_space<vmem_shared>>) dst(%arg15 : memref<2048xi32, #tpu.memory_space<vmem>>)
        tpu.yield
      }) : () -> ()
      %add3A_347 = arith.constant 0 : i32
      %add3A_348 = arith.addi %arg1, %add3A_347 : i32
      "tpu.region"() ({
        %run_scoped3A = tpu.sem_alloc : memref<!tpu.dma_semaphore, #tpu.memory_space<semaphore_mem>>
        %dma_start3A_2265 = arith.constant 0 : i32
        %dma_start3A_2266 = tpu.memref_slice %arg41[%add3A_348, %dma_start3A_2265] : memref<16x2048xi32, #tpu.memory_space<vmem_shared>> -> memref<1x2048xi32, #tpu.memory_space<vmem_shared>>
        %dma_start3A_2267 = tpu.memref_squeeze %dma_start3A_2266 : memref<1x2048xi32, #tpu.memory_space<vmem_shared>> -> memref<2048xi32, #tpu.memory_space<vmem_shared>>
        %dma_start3A_2268 = arith.constant 0 : i32
        %dma_start3A_2269 = tpu.memref_slice %arg41[%add3A_348, %dma_start3A_2268] : memref<16x2048xi32, #tpu.memory_space<vmem_shared>> -> memref<1x2048xi32, #tpu.memory_space<vmem_shared>>
        %dma_start3A_2270 = tpu.memref_squeeze %dma_start3A_2269 : memref<1x2048xi32, #tpu.memory_space<vmem_shared>> -> memref<2048xi32, #tpu.memory_space<vmem_shared>>
        tpu.enqueue_dma source(%dma_start3A_2270 : memref<2048xi32, #tpu.memory_space<vmem_shared>>) target(%arg19 : memref<2048xi32, #tpu.memory_space<vmem>>) target_semaphore(%run_scoped3A : memref<!tpu.dma_semaphore, #tpu.memory_space<semaphore_mem>>)
        %dma_wait3A_2271 = arith.constant 0 : i32
        %dma_wait3A_2272 = tpu.memref_slice %arg41[%add3A_348, %dma_wait3A_2271] : memref<16x2048xi32, #tpu.memory_space<vmem_shared>> -> memref<1x2048xi32, #tpu.memory_space<vmem_shared>>
        %dma_wait3A_2273 = tpu.memref_squeeze %dma_wait3A_2272 : memref<1x2048xi32, #tpu.memory_space<vmem_shared>> -> memref<2048xi32, #tpu.memory_space<vmem_shared>>
        %dma_wait3A_2274 = arith.constant 0 : i32
        %dma_wait3A_2275 = tpu.memref_slice %arg41[%add3A_348, %dma_wait3A_2274] : memref<16x2048xi32, #tpu.memory_space<vmem_shared>> -> memref<1x2048xi32, #tpu.memory_space<vmem_shared>>
        %dma_wait3A_2276 = tpu.memref_squeeze %dma_wait3A_2275 : memref<1x2048xi32, #tpu.memory_space<vmem_shared>> -> memref<2048xi32, #tpu.memory_space<vmem_shared>>
        tpu.wait_dma2 semaphore(%run_scoped3A : memref<!tpu.dma_semaphore, #tpu.memory_space<semaphore_mem>>) src(%dma_wait3A_2276 : memref<2048xi32, #tpu.memory_space<vmem_shared>>) dst(%arg19 : memref<2048xi32, #tpu.memory_space<vmem>>)
        tpu.yield
      }) : () -> ()
      %add3A_349 = arith.constant 0 : i32
      %add3A_350 = arith.addi %arg1, %add3A_349 : i32
      "tpu.region"() ({
        %run_scoped3A = tpu.sem_alloc : memref<!tpu.dma_semaphore, #tpu.memory_space<semaphore_mem>>
        %dma_start3A_2265 = arith.constant 0 : i32
        %dma_start3A_2266 = tpu.memref_slice %arg42[%add3A_350, %dma_start3A_2265] : memref<16x16xi32, #tpu.memory_space<vmem_shared>> -> memref<1x16xi32, #tpu.memory_space<vmem_shared>>
        %dma_start3A_2267 = tpu.memref_squeeze %dma_start3A_2266 : memref<1x16xi32, #tpu.memory_space<vmem_shared>> -> memref<16xi32, #tpu.memory_space<vmem_shared>>
        %dma_start3A_2268 = arith.constant 0 : i32
        %dma_start3A_2269 = tpu.memref_slice %arg42[%add3A_350, %dma_start3A_2268] : memref<16x16xi32, #tpu.memory_space<vmem_shared>> -> memref<1x16xi32, #tpu.memory_space<vmem_shared>>
        %dma_start3A_2270 = tpu.memref_squeeze %dma_start3A_2269 : memref<1x16xi32, #tpu.memory_space<vmem_shared>> -> memref<16xi32, #tpu.memory_space<vmem_shared>>
        tpu.enqueue_dma source(%dma_start3A_2270 : memref<16xi32, #tpu.memory_space<vmem_shared>>) target(%arg28 : memref<16xi32, #tpu.memory_space<vmem>>) target_semaphore(%run_scoped3A : memref<!tpu.dma_semaphore, #tpu.memory_space<semaphore_mem>>)
        %dma_wait3A_2271 = arith.constant 0 : i32
        %dma_wait3A_2272 = tpu.memref_slice %arg42[%add3A_350, %dma_wait3A_2271] : memref<16x16xi32, #tpu.memory_space<vmem_shared>> -> memref<1x16xi32, #tpu.memory_space<vmem_shared>>
        %dma_wait3A_2273 = tpu.memref_squeeze %dma_wait3A_2272 : memref<1x16xi32, #tpu.memory_space<vmem_shared>> -> memref<16xi32, #tpu.memory_space<vmem_shared>>
        %dma_wait3A_2274 = arith.constant 0 : i32
        %dma_wait3A_2275 = tpu.memref_slice %arg42[%add3A_350, %dma_wait3A_2274] : memref<16x16xi32, #tpu.memory_space<vmem_shared>> -> memref<1x16xi32, #tpu.memory_space<vmem_shared>>
        %dma_wait3A_2276 = tpu.memref_squeeze %dma_wait3A_2275 : memref<1x16xi32, #tpu.memory_space<vmem_shared>> -> memref<16xi32, #tpu.memory_space<vmem_shared>>
        tpu.wait_dma2 semaphore(%run_scoped3A : memref<!tpu.dma_semaphore, #tpu.memory_space<semaphore_mem>>) src(%dma_wait3A_2276 : memref<16xi32, #tpu.memory_space<vmem_shared>>) dst(%arg28 : memref<16xi32, #tpu.memory_space<vmem>>)
        tpu.yield
      }) : () -> ()
      %get3A_351 = arith.constant 0 : index
      %get3A_352 = tpu.vector_load %arg28[%get3A_351] {strides = array<i32>} : memref<16xi32, #tpu.memory_space<vmem>>, vector<16xi32>,
      %reduce_max3A = arith.constant true
      %reduce_max3A_353 = vector.broadcast %reduce_max3A : i1 to vector<16xi1>
      %reduce_max3A_354 = arith.constant -2147483648 : i32
      %reduce_max3A_355 = vector.broadcast %reduce_max3A_354 : i32 to vector<16xi32>
      %reduce_max3A_356 = arith.xori %get3A_352, %reduce_max3A_355 : vector<16xi32>
      %reduce_max3A_357 = tpu.scan <max>, %reduce_max3A_356 masked %reduce_max3A_353 : vector<16xi32>, vector<16xi1> -> vector<16xi32>
      %reduce_max3A_358 = arith.xori %reduce_max3A_357, %reduce_max3A_355 : vector<16xi32>
      %reduce_max3A_359 = vector.extract %reduce_max3A_358[15] : i32 from vector<16xi32>
      %add3A_360 = arith.constant 15 : i32
      %add3A_361 = arith.addi %reduce_max3A_359, %add3A_360 : i32
      %jit3A_362 = arith.constant 16 : i32
      %div3A_363 = arith.divsi %add3A_361, %jit3A_362 : i32
      %sign3A_364 = arith.constant 0 : i32
      %sign3A_365 = arith.cmpi sgt, %add3A_361, %sign3A_364 : i32
      %sign3A_366 = arith.extui %sign3A_365 : i1 to i32
      %sign3A_367 = arith.constant 0 : i32
      %sign3A_368 = arith.cmpi slt, %add3A_361, %sign3A_367 : i32
      %sign3A_369 = arith.extui %sign3A_368 : i1 to i32
      %sign3A_370 = arith.subi %sign3A_366, %sign3A_369 : i32
      %sign3A_371 = arith.constant 0 : i32
      %sign3A_372 = arith.cmpi sgt, %jit3A_362, %sign3A_371 : i32
      %sign3A_373 = arith.extui %sign3A_372 : i1 to i32
      %sign3A_374 = arith.constant 0 : i32
      %sign3A_375 = arith.cmpi slt, %jit3A_362, %sign3A_374 : i32
      %sign3A_376 = arith.extui %sign3A_375 : i1 to i32
      %sign3A_377 = arith.subi %sign3A_373, %sign3A_376 : i32
      %ne3A_378 = arith.cmpi ne, %sign3A_370, %sign3A_377 : i32
      %rem3A_379 = arith.remsi %add3A_361, %jit3A_362 : i32
      %ne3A_380 = arith.constant 0 : i32
      %ne3A_381 = arith.cmpi ne, %rem3A_379, %ne3A_380 : i32
      %and3A_382 = arith.andi %ne3A_378, %ne3A_381 : i1
      %sub3A_383 = arith.constant 1 : i32
      %sub3A_384 = arith.subi %div3A_363, %sub3A_383 : i32
      %select_n3A_385 = arith.select %and3A_382, %sub3A_384, %div3A_363 : i32
      %add3A_386 = arith.constant 1 : i32
      %add3A_387 = arith.addi %arg1, %add3A_386 : i32
      "tpu.region"() ({
        %run_scoped3A = tpu.sem_alloc : memref<!tpu.dma_semaphore, #tpu.memory_space<semaphore_mem>>
        %dma_start3A_2265 = arith.constant 0 : i32
        %dma_start3A_2266 = tpu.memref_slice %arg40[%add3A_387, %dma_start3A_2265] : memref<16x2048xi32, #tpu.memory_space<vmem_shared>> -> memref<1x2048xi32, #tpu.memory_space<vmem_shared>>
        %dma_start3A_2267 = tpu.memref_squeeze %dma_start3A_2266 : memref<1x2048xi32, #tpu.memory_space<vmem_shared>> -> memref<2048xi32, #tpu.memory_space<vmem_shared>>
        %dma_start3A_2268 = arith.constant 0 : i32
        %dma_start3A_2269 = tpu.memref_slice %arg40[%add3A_387, %dma_start3A_2268] : memref<16x2048xi32, #tpu.memory_space<vmem_shared>> -> memref<1x2048xi32, #tpu.memory_space<vmem_shared>>
        %dma_start3A_2270 = tpu.memref_squeeze %dma_start3A_2269 : memref<1x2048xi32, #tpu.memory_space<vmem_shared>> -> memref<2048xi32, #tpu.memory_space<vmem_shared>>
        tpu.enqueue_dma source(%dma_start3A_2270 : memref<2048xi32, #tpu.memory_space<vmem_shared>>) target(%arg16 : memref<2048xi32, #tpu.memory_space<vmem>>) target_semaphore(%run_scoped3A : memref<!tpu.dma_semaphore, #tpu.memory_space<semaphore_mem>>)
        %dma_wait3A_2271 = arith.constant 0 : i32
        %dma_wait3A_2272 = tpu.memref_slice %arg40[%add3A_387, %dma_wait3A_2271] : memref<16x2048xi32, #tpu.memory_space<vmem_shared>> -> memref<1x2048xi32, #tpu.memory_space<vmem_shared>>
        %dma_wait3A_2273 = tpu.memref_squeeze %dma_wait3A_2272 : memref<1x2048xi32, #tpu.memory_space<vmem_shared>> -> memref<2048xi32, #tpu.memory_space<vmem_shared>>
        %dma_wait3A_2274 = arith.constant 0 : i32
        %dma_wait3A_2275 = tpu.memref_slice %arg40[%add3A_387, %dma_wait3A_2274] : memref<16x2048xi32, #tpu.memory_space<vmem_shared>> -> memref<1x2048xi32, #tpu.memory_space<vmem_shared>>
        %dma_wait3A_2276 = tpu.memref_squeeze %dma_wait3A_2275 : memref<1x2048xi32, #tpu.memory_space<vmem_shared>> -> memref<2048xi32, #tpu.memory_space<vmem_shared>>
        tpu.wait_dma2 semaphore(%run_scoped3A : memref<!tpu.dma_semaphore, #tpu.memory_space<semaphore_mem>>) src(%dma_wait3A_2276 : memref<2048xi32, #tpu.memory_space<vmem_shared>>) dst(%arg16 : memref<2048xi32, #tpu.memory_space<vmem>>)
        tpu.yield
      }) : () -> ()
      %add3A_388 = arith.constant 1 : i32
      %add3A_389 = arith.addi %arg1, %add3A_388 : i32
      "tpu.region"() ({
        %run_scoped3A = tpu.sem_alloc : memref<!tpu.dma_semaphore, #tpu.memory_space<semaphore_mem>>
        %dma_start3A_2265 = arith.constant 0 : i32
        %dma_start3A_2266 = tpu.memref_slice %arg41[%add3A_389, %dma_start3A_2265] : memref<16x2048xi32, #tpu.memory_space<vmem_shared>> -> memref<1x2048xi32, #tpu.memory_space<vmem_shared>>
        %dma_start3A_2267 = tpu.memref_squeeze %dma_start3A_2266 : memref<1x2048xi32, #tpu.memory_space<vmem_shared>> -> memref<2048xi32, #tpu.memory_space<vmem_shared>>
        %dma_start3A_2268 = arith.constant 0 : i32
        %dma_start3A_2269 = tpu.memref_slice %arg41[%add3A_389, %dma_start3A_2268] : memref<16x2048xi32, #tpu.memory_space<vmem_shared>> -> memref<1x2048xi32, #tpu.memory_space<vmem_shared>>
        %dma_start3A_2270 = tpu.memref_squeeze %dma_start3A_2269 : memref<1x2048xi32, #tpu.memory_space<vmem_shared>> -> memref<2048xi32, #tpu.memory_space<vmem_shared>>
        tpu.enqueue_dma source(%dma_start3A_2270 : memref<2048xi32, #tpu.memory_space<vmem_shared>>) target(%arg20 : memref<2048xi32, #tpu.memory_space<vmem>>) target_semaphore(%run_scoped3A : memref<!tpu.dma_semaphore, #tpu.memory_space<semaphore_mem>>)
        %dma_wait3A_2271 = arith.constant 0 : i32
        %dma_wait3A_2272 = tpu.memref_slice %arg41[%add3A_389, %dma_wait3A_2271] : memref<16x2048xi32, #tpu.memory_space<vmem_shared>> -> memref<1x2048xi32, #tpu.memory_space<vmem_shared>>
        %dma_wait3A_2273 = tpu.memref_squeeze %dma_wait3A_2272 : memref<1x2048xi32, #tpu.memory_space<vmem_shared>> -> memref<2048xi32, #tpu.memory_space<vmem_shared>>
        %dma_wait3A_2274 = arith.constant 0 : i32
        %dma_wait3A_2275 = tpu.memref_slice %arg41[%add3A_389, %dma_wait3A_2274] : memref<16x2048xi32, #tpu.memory_space<vmem_shared>> -> memref<1x2048xi32, #tpu.memory_space<vmem_shared>>
        %dma_wait3A_2276 = tpu.memref_squeeze %dma_wait3A_2275 : memref<1x2048xi32, #tpu.memory_space<vmem_shared>> -> memref<2048xi32, #tpu.memory_space<vmem_shared>>
        tpu.wait_dma2 semaphore(%run_scoped3A : memref<!tpu.dma_semaphore, #tpu.memory_space<semaphore_mem>>) src(%dma_wait3A_2276 : memref<2048xi32, #tpu.memory_space<vmem_shared>>) dst(%arg20 : memref<2048xi32, #tpu.memory_space<vmem>>)
        tpu.yield
      }) : () -> ()
      %add3A_390 = arith.constant 1 : i32
      %add3A_391 = arith.addi %arg1, %add3A_390 : i32
      "tpu.region"() ({
        %run_scoped3A = tpu.sem_alloc : memref<!tpu.dma_semaphore, #tpu.memory_space<semaphore_mem>>
        %dma_start3A_2265 = arith.constant 0 : i32
        %dma_start3A_2266 = tpu.memref_slice %arg42[%add3A_391, %dma_start3A_2265] : memref<16x16xi32, #tpu.memory_space<vmem_shared>> -> memref<1x16xi32, #tpu.memory_space<vmem_shared>>
        %dma_start3A_2267 = tpu.memref_squeeze %dma_start3A_2266 : memref<1x16xi32, #tpu.memory_space<vmem_shared>> -> memref<16xi32, #tpu.memory_space<vmem_shared>>
        %dma_start3A_2268 = arith.constant 0 : i32
        %dma_start3A_2269 = tpu.memref_slice %arg42[%add3A_391, %dma_start3A_2268] : memref<16x16xi32, #tpu.memory_space<vmem_shared>> -> memref<1x16xi32, #tpu.memory_space<vmem_shared>>
        %dma_start3A_2270 = tpu.memref_squeeze %dma_start3A_2269 : memref<1x16xi32, #tpu.memory_space<vmem_shared>> -> memref<16xi32, #tpu.memory_space<vmem_shared>>
        tpu.enqueue_dma source(%dma_start3A_2270 : memref<16xi32, #tpu.memory_space<vmem_shared>>) target(%arg28 : memref<16xi32, #tpu.memory_space<vmem>>) target_semaphore(%run_scoped3A : memref<!tpu.dma_semaphore, #tpu.memory_space<semaphore_mem>>)
        %dma_wait3A_2271 = arith.constant 0 : i32
        %dma_wait3A_2272 = tpu.memref_slice %arg42[%add3A_391, %dma_wait3A_2271] : memref<16x16xi32, #tpu.memory_space<vmem_shared>> -> memref<1x16xi32, #tpu.memory_space<vmem_shared>>
        %dma_wait3A_2273 = tpu.memref_squeeze %dma_wait3A_2272 : memref<1x16xi32, #tpu.memory_space<vmem_shared>> -> memref<16xi32, #tpu.memory_space<vmem_shared>>
        %dma_wait3A_2274 = arith.constant 0 : i32
        %dma_wait3A_2275 = tpu.memref_slice %arg42[%add3A_391, %dma_wait3A_2274] : memref<16x16xi32, #tpu.memory_space<vmem_shared>> -> memref<1x16xi32, #tpu.memory_space<vmem_shared>>
        %dma_wait3A_2276 = tpu.memref_squeeze %dma_wait3A_2275 : memref<1x16xi32, #tpu.memory_space<vmem_shared>> -> memref<16xi32, #tpu.memory_space<vmem_shared>>
        tpu.wait_dma2 semaphore(%run_scoped3A : memref<!tpu.dma_semaphore, #tpu.memory_space<semaphore_mem>>) src(%dma_wait3A_2276 : memref<16xi32, #tpu.memory_space<vmem_shared>>) dst(%arg28 : memref<16xi32, #tpu.memory_space<vmem>>)
        tpu.yield
      }) : () -> ()
      %get3A_392 = arith.constant 0 : index
      %get3A_393 = tpu.vector_load %arg28[%get3A_392] {strides = array<i32>} : memref<16xi32, #tpu.memory_space<vmem>>, vector<16xi32>,
      %reduce_max3A_394 = arith.constant true
      %reduce_max3A_395 = vector.broadcast %reduce_max3A_394 : i1 to vector<16xi1>
      %reduce_max3A_396 = arith.constant -2147483648 : i32
      %reduce_max3A_397 = vector.broadcast %reduce_max3A_396 : i32 to vector<16xi32>
      %reduce_max3A_398 = arith.xori %get3A_393, %reduce_max3A_397 : vector<16xi32>
      %reduce_max3A_399 = tpu.scan <max>, %reduce_max3A_398 masked %reduce_max3A_395 : vector<16xi32>, vector<16xi1> -> vector<16xi32>
      %reduce_max3A_400 = arith.xori %reduce_max3A_399, %reduce_max3A_397 : vector<16xi32>
      %reduce_max3A_401 = vector.extract %reduce_max3A_400[15] : i32 from vector<16xi32>
      %add3A_402 = arith.constant 15 : i32
      %add3A_403 = arith.addi %reduce_max3A_401, %add3A_402 : i32
      %jit3A_404 = arith.constant 16 : i32
      %div3A_405 = arith.divsi %add3A_403, %jit3A_404 : i32
      %sign3A_406 = arith.constant 0 : i32
      %sign3A_407 = arith.cmpi sgt, %add3A_403, %sign3A_406 : i32
      %sign3A_408 = arith.extui %sign3A_407 : i1 to i32
      %sign3A_409 = arith.constant 0 : i32
      %sign3A_410 = arith.cmpi slt, %add3A_403, %sign3A_409 : i32
      %sign3A_411 = arith.extui %sign3A_410 : i1 to i32
      %sign3A_412 = arith.subi %sign3A_408, %sign3A_411 : i32
      %sign3A_413 = arith.constant 0 : i32
      %sign3A_414 = arith.cmpi sgt, %jit3A_404, %sign3A_413 : i32
      %sign3A_415 = arith.extui %sign3A_414 : i1 to i32
      %sign3A_416 = arith.constant 0 : i32
      %sign3A_417 = arith.cmpi slt, %jit3A_404, %sign3A_416 : i32
      %sign3A_418 = arith.extui %sign3A_417 : i1 to i32
      %sign3A_419 = arith.subi %sign3A_415, %sign3A_418 : i32
      %ne3A_420 = arith.cmpi ne, %sign3A_412, %sign3A_419 : i32
      %rem3A_421 = arith.remsi %add3A_403, %jit3A_404 : i32
      %ne3A_422 = arith.constant 0 : i32
      %ne3A_423 = arith.cmpi ne, %rem3A_421, %ne3A_422 : i32
      %and3A_424 = arith.andi %ne3A_420, %ne3A_423 : i1
      %sub3A_425 = arith.constant 1 : i32
      %sub3A_426 = arith.subi %div3A_405, %sub3A_425 : i32
      %select_n3A_427 = arith.select %and3A_424, %sub3A_426, %div3A_405 : i32
      %add3A_428 = arith.constant 2 : i32
      %add3A_429 = arith.addi %arg1, %add3A_428 : i32
      "tpu.region"() ({
        %run_scoped3A = tpu.sem_alloc : memref<!tpu.dma_semaphore, #tpu.memory_space<semaphore_mem>>
        %dma_start3A_2265 = arith.constant 0 : i32
        %dma_start3A_2266 = tpu.memref_slice %arg40[%add3A_429, %dma_start3A_2265] : memref<16x2048xi32, #tpu.memory_space<vmem_shared>> -> memref<1x2048xi32, #tpu.memory_space<vmem_shared>>
        %dma_start3A_2267 = tpu.memref_squeeze %dma_start3A_2266 : memref<1x2048xi32, #tpu.memory_space<vmem_shared>> -> memref<2048xi32, #tpu.memory_space<vmem_shared>>
        %dma_start3A_2268 = arith.constant 0 : i32
        %dma_start3A_2269 = tpu.memref_slice %arg40[%add3A_429, %dma_start3A_2268] : memref<16x2048xi32, #tpu.memory_space<vmem_shared>> -> memref<1x2048xi32, #tpu.memory_space<vmem_shared>>
        %dma_start3A_2270 = tpu.memref_squeeze %dma_start3A_2269 : memref<1x2048xi32, #tpu.memory_space<vmem_shared>> -> memref<2048xi32, #tpu.memory_space<vmem_shared>>
        tpu.enqueue_dma source(%dma_start3A_2270 : memref<2048xi32, #tpu.memory_space<vmem_shared>>) target(%arg17 : memref<2048xi32, #tpu.memory_space<vmem>>) target_semaphore(%run_scoped3A : memref<!tpu.dma_semaphore, #tpu.memory_space<semaphore_mem>>)
        %dma_wait3A_2271 = arith.constant 0 : i32
        %dma_wait3A_2272 = tpu.memref_slice %arg40[%add3A_429, %dma_wait3A_2271] : memref<16x2048xi32, #tpu.memory_space<vmem_shared>> -> memref<1x2048xi32, #tpu.memory_space<vmem_shared>>
        %dma_wait3A_2273 = tpu.memref_squeeze %dma_wait3A_2272 : memref<1x2048xi32, #tpu.memory_space<vmem_shared>> -> memref<2048xi32, #tpu.memory_space<vmem_shared>>
        %dma_wait3A_2274 = arith.constant 0 : i32
        %dma_wait3A_2275 = tpu.memref_slice %arg40[%add3A_429, %dma_wait3A_2274] : memref<16x2048xi32, #tpu.memory_space<vmem_shared>> -> memref<1x2048xi32, #tpu.memory_space<vmem_shared>>
        %dma_wait3A_2276 = tpu.memref_squeeze %dma_wait3A_2275 : memref<1x2048xi32, #tpu.memory_space<vmem_shared>> -> memref<2048xi32, #tpu.memory_space<vmem_shared>>
        tpu.wait_dma2 semaphore(%run_scoped3A : memref<!tpu.dma_semaphore, #tpu.memory_space<semaphore_mem>>) src(%dma_wait3A_2276 : memref<2048xi32, #tpu.memory_space<vmem_shared>>) dst(%arg17 : memref<2048xi32, #tpu.memory_space<vmem>>)
        tpu.yield
      }) : () -> ()
      %add3A_430 = arith.constant 2 : i32
      %add3A_431 = arith.addi %arg1, %add3A_430 : i32
      "tpu.region"() ({
        %run_scoped3A = tpu.sem_alloc : memref<!tpu.dma_semaphore, #tpu.memory_space<semaphore_mem>>
        %dma_start3A_2265 = arith.constant 0 : i32
        %dma_start3A_2266 = tpu.memref_slice %arg41[%add3A_431, %dma_start3A_2265] : memref<16x2048xi32, #tpu.memory_space<vmem_shared>> -> memref<1x2048xi32, #tpu.memory_space<vmem_shared>>
        %dma_start3A_2267 = tpu.memref_squeeze %dma_start3A_2266 : memref<1x2048xi32, #tpu.memory_space<vmem_shared>> -> memref<2048xi32, #tpu.memory_space<vmem_shared>>
        %dma_start3A_2268 = arith.constant 0 : i32
        %dma_start3A_2269 = tpu.memref_slice %arg41[%add3A_431, %dma_start3A_2268] : memref<16x2048xi32, #tpu.memory_space<vmem_shared>> -> memref<1x2048xi32, #tpu.memory_space<vmem_shared>>
        %dma_start3A_2270 = tpu.memref_squeeze %dma_start3A_2269 : memref<1x2048xi32, #tpu.memory_space<vmem_shared>> -> memref<2048xi32, #tpu.memory_space<vmem_shared>>
        tpu.enqueue_dma source(%dma_start3A_2270 : memref<2048xi32, #tpu.memory_space<vmem_shared>>) target(%arg21 : memref<2048xi32, #tpu.memory_space<vmem>>) target_semaphore(%run_scoped3A : memref<!tpu.dma_semaphore, #tpu.memory_space<semaphore_mem>>)
        %dma_wait3A_2271 = arith.constant 0 : i32
        %dma_wait3A_2272 = tpu.memref_slice %arg41[%add3A_431, %dma_wait3A_2271] : memref<16x2048xi32, #tpu.memory_space<vmem_shared>> -> memref<1x2048xi32, #tpu.memory_space<vmem_shared>>
        %dma_wait3A_2273 = tpu.memref_squeeze %dma_wait3A_2272 : memref<1x2048xi32, #tpu.memory_space<vmem_shared>> -> memref<2048xi32, #tpu.memory_space<vmem_shared>>
        %dma_wait3A_2274 = arith.constant 0 : i32
        %dma_wait3A_2275 = tpu.memref_slice %arg41[%add3A_431, %dma_wait3A_2274] : memref<16x2048xi32, #tpu.memory_space<vmem_shared>> -> memref<1x2048xi32, #tpu.memory_space<vmem_shared>>
        %dma_wait3A_2276 = tpu.memref_squeeze %dma_wait3A_2275 : memref<1x2048xi32, #tpu.memory_space<vmem_shared>> -> memref<2048xi32, #tpu.memory_space<vmem_shared>>
        tpu.wait_dma2 semaphore(%run_scoped3A : memref<!tpu.dma_semaphore, #tpu.memory_space<semaphore_mem>>) src(%dma_wait3A_2276 : memref<2048xi32, #tpu.memory_space<vmem_shared>>) dst(%arg21 : memref<2048xi32, #tpu.memory_space<vmem>>)
        tpu.yield
      }) : () -> ()
      %add3A_432 = arith.constant 2 : i32
      %add3A_433 = arith.addi %arg1, %add3A_432 : i32
      "tpu.region"() ({
        %run_scoped3A = tpu.sem_alloc : memref<!tpu.dma_semaphore, #tpu.memory_space<semaphore_mem>>
        %dma_start3A_2265 = arith.constant 0 : i32
        %dma_start3A_2266 = tpu.memref_slice %arg42[%add3A_433, %dma_start3A_2265] : memref<16x16xi32, #tpu.memory_space<vmem_shared>> -> memref<1x16xi32, #tpu.memory_space<vmem_shared>>
        %dma_start3A_2267 = tpu.memref_squeeze %dma_start3A_2266 : memref<1x16xi32, #tpu.memory_space<vmem_shared>> -> memref<16xi32, #tpu.memory_space<vmem_shared>>
        %dma_start3A_2268 = arith.constant 0 : i32
        %dma_start3A_2269 = tpu.memref_slice %arg42[%add3A_433, %dma_start3A_2268] : memref<16x16xi32, #tpu.memory_space<vmem_shared>> -> memref<1x16xi32, #tpu.memory_space<vmem_shared>>
        %dma_start3A_2270 = tpu.memref_squeeze %dma_start3A_2269 : memref<1x16xi32, #tpu.memory_space<vmem_shared>> -> memref<16xi32, #tpu.memory_space<vmem_shared>>
        tpu.enqueue_dma source(%dma_start3A_2270 : memref<16xi32, #tpu.memory_space<vmem_shared>>) target(%arg28 : memref<16xi32, #tpu.memory_space<vmem>>) target_semaphore(%run_scoped3A : memref<!tpu.dma_semaphore, #tpu.memory_space<semaphore_mem>>)
        %dma_wait3A_2271 = arith.constant 0 : i32
        %dma_wait3A_2272 = tpu.memref_slice %arg42[%add3A_433, %dma_wait3A_2271] : memref<16x16xi32, #tpu.memory_space<vmem_shared>> -> memref<1x16xi32, #tpu.memory_space<vmem_shared>>
        %dma_wait3A_2273 = tpu.memref_squeeze %dma_wait3A_2272 : memref<1x16xi32, #tpu.memory_space<vmem_shared>> -> memref<16xi32, #tpu.memory_space<vmem_shared>>
        %dma_wait3A_2274 = arith.constant 0 : i32
        %dma_wait3A_2275 = tpu.memref_slice %arg42[%add3A_433, %dma_wait3A_2274] : memref<16x16xi32, #tpu.memory_space<vmem_shared>> -> memref<1x16xi32, #tpu.memory_space<vmem_shared>>
        %dma_wait3A_2276 = tpu.memref_squeeze %dma_wait3A_2275 : memref<1x16xi32, #tpu.memory_space<vmem_shared>> -> memref<16xi32, #tpu.memory_space<vmem_shared>>
        tpu.wait_dma2 semaphore(%run_scoped3A : memref<!tpu.dma_semaphore, #tpu.memory_space<semaphore_mem>>) src(%dma_wait3A_2276 : memref<16xi32, #tpu.memory_space<vmem_shared>>) dst(%arg28 : memref<16xi32, #tpu.memory_space<vmem>>)
        tpu.yield
      }) : () -> ()
      %get3A_434 = arith.constant 0 : index
      %get3A_435 = tpu.vector_load %arg28[%get3A_434] {strides = array<i32>} : memref<16xi32, #tpu.memory_space<vmem>>, vector<16xi32>,
      %reduce_max3A_436 = arith.constant true
      %reduce_max3A_437 = vector.broadcast %reduce_max3A_436 : i1 to vector<16xi1>
      %reduce_max3A_438 = arith.constant -2147483648 : i32
      %reduce_max3A_439 = vector.broadcast %reduce_max3A_438 : i32 to vector<16xi32>
      %reduce_max3A_440 = arith.xori %get3A_435, %reduce_max3A_439 : vector<16xi32>
      %reduce_max3A_441 = tpu.scan <max>, %reduce_max3A_440 masked %reduce_max3A_437 : vector<16xi32>, vector<16xi1> -> vector<16xi32>
      %reduce_max3A_442 = arith.xori %reduce_max3A_441, %reduce_max3A_439 : vector<16xi32>
      %reduce_max3A_443 = vector.extract %reduce_max3A_442[15] : i32 from vector<16xi32>
      %add3A_444 = arith.constant 15 : i32
      %add3A_445 = arith.addi %reduce_max3A_443, %add3A_444 : i32
      %jit3A_446 = arith.constant 16 : i32
      %div3A_447 = arith.divsi %add3A_445, %jit3A_446 : i32
      %sign3A_448 = arith.constant 0 : i32
      %sign3A_449 = arith.cmpi sgt, %add3A_445, %sign3A_448 : i32
      %sign3A_450 = arith.extui %sign3A_449 : i1 to i32
      %sign3A_451 = arith.constant 0 : i32
      %sign3A_452 = arith.cmpi slt, %add3A_445, %sign3A_451 : i32
      %sign3A_453 = arith.extui %sign3A_452 : i1 to i32
      %sign3A_454 = arith.subi %sign3A_450, %sign3A_453 : i32
      %sign3A_455 = arith.constant 0 : i32
      %sign3A_456 = arith.cmpi sgt, %jit3A_446, %sign3A_455 : i32
      %sign3A_457 = arith.extui %sign3A_456 : i1 to i32
      %sign3A_458 = arith.constant 0 : i32
      %sign3A_459 = arith.cmpi slt, %jit3A_446, %sign3A_458 : i32
      %sign3A_460 = arith.extui %sign3A_459 : i1 to i32
      %sign3A_461 = arith.subi %sign3A_457, %sign3A_460 : i32
      %ne3A_462 = arith.cmpi ne, %sign3A_454, %sign3A_461 : i32
      %rem3A_463 = arith.remsi %add3A_445, %jit3A_446 : i32
      %ne3A_464 = arith.constant 0 : i32
      %ne3A_465 = arith.cmpi ne, %rem3A_463, %ne3A_464 : i32
      %and3A_466 = arith.andi %ne3A_462, %ne3A_465 : i1
      %sub3A_467 = arith.constant 1 : i32
      %sub3A_468 = arith.subi %div3A_447, %sub3A_467 : i32
      %select_n3A_469 = arith.select %and3A_466, %sub3A_468, %div3A_447 : i32
      %add3A_470 = arith.constant 3 : i32
      %add3A_471 = arith.addi %arg1, %add3A_470 : i32
      "tpu.region"() ({
        %run_scoped3A = tpu.sem_alloc : memref<!tpu.dma_semaphore, #tpu.memory_space<semaphore_mem>>
        %dma_start3A_2265 = arith.constant 0 : i32
        %dma_start3A_2266 = tpu.memref_slice %arg40[%add3A_471, %dma_start3A_2265] : memref<16x2048xi32, #tpu.memory_space<vmem_shared>> -> memref<1x2048xi32, #tpu.memory_space<vmem_shared>>
        %dma_start3A_2267 = tpu.memref_squeeze %dma_start3A_2266 : memref<1x2048xi32, #tpu.memory_space<vmem_shared>> -> memref<2048xi32, #tpu.memory_space<vmem_shared>>
        %dma_start3A_2268 = arith.constant 0 : i32
        %dma_start3A_2269 = tpu.memref_slice %arg40[%add3A_471, %dma_start3A_2268] : memref<16x2048xi32, #tpu.memory_space<vmem_shared>> -> memref<1x2048xi32, #tpu.memory_space<vmem_shared>>
        %dma_start3A_2270 = tpu.memref_squeeze %dma_start3A_2269 : memref<1x2048xi32, #tpu.memory_space<vmem_shared>> -> memref<2048xi32, #tpu.memory_space<vmem_shared>>
        tpu.enqueue_dma source(%dma_start3A_2270 : memref<2048xi32, #tpu.memory_space<vmem_shared>>) target(%arg18 : memref<2048xi32, #tpu.memory_space<vmem>>) target_semaphore(%run_scoped3A : memref<!tpu.dma_semaphore, #tpu.memory_space<semaphore_mem>>)
        %dma_wait3A_2271 = arith.constant 0 : i32
        %dma_wait3A_2272 = tpu.memref_slice %arg40[%add3A_471, %dma_wait3A_2271] : memref<16x2048xi32, #tpu.memory_space<vmem_shared>> -> memref<1x2048xi32, #tpu.memory_space<vmem_shared>>
        %dma_wait3A_2273 = tpu.memref_squeeze %dma_wait3A_2272 : memref<1x2048xi32, #tpu.memory_space<vmem_shared>> -> memref<2048xi32, #tpu.memory_space<vmem_shared>>
        %dma_wait3A_2274 = arith.constant 0 : i32
        %dma_wait3A_2275 = tpu.memref_slice %arg40[%add3A_471, %dma_wait3A_2274] : memref<16x2048xi32, #tpu.memory_space<vmem_shared>> -> memref<1x2048xi32, #tpu.memory_space<vmem_shared>>
        %dma_wait3A_2276 = tpu.memref_squeeze %dma_wait3A_2275 : memref<1x2048xi32, #tpu.memory_space<vmem_shared>> -> memref<2048xi32, #tpu.memory_space<vmem_shared>>
        tpu.wait_dma2 semaphore(%run_scoped3A : memref<!tpu.dma_semaphore, #tpu.memory_space<semaphore_mem>>) src(%dma_wait3A_2276 : memref<2048xi32, #tpu.memory_space<vmem_shared>>) dst(%arg18 : memref<2048xi32, #tpu.memory_space<vmem>>)
        tpu.yield
      }) : () -> ()
      %add3A_472 = arith.constant 3 : i32
      %add3A_473 = arith.addi %arg1, %add3A_472 : i32
      "tpu.region"() ({
        %run_scoped3A = tpu.sem_alloc : memref<!tpu.dma_semaphore, #tpu.memory_space<semaphore_mem>>
        %dma_start3A_2265 = arith.constant 0 : i32
        %dma_start3A_2266 = tpu.memref_slice %arg41[%add3A_473, %dma_start3A_2265] : memref<16x2048xi32, #tpu.memory_space<vmem_shared>> -> memref<1x2048xi32, #tpu.memory_space<vmem_shared>>
        %dma_start3A_2267 = tpu.memref_squeeze %dma_start3A_2266 : memref<1x2048xi32, #tpu.memory_space<vmem_shared>> -> memref<2048xi32, #tpu.memory_space<vmem_shared>>
        %dma_start3A_2268 = arith.constant 0 : i32
        %dma_start3A_2269 = tpu.memref_slice %arg41[%add3A_473, %dma_start3A_2268] : memref<16x2048xi32, #tpu.memory_space<vmem_shared>> -> memref<1x2048xi32, #tpu.memory_space<vmem_shared>>
        %dma_start3A_2270 = tpu.memref_squeeze %dma_start3A_2269 : memref<1x2048xi32, #tpu.memory_space<vmem_shared>> -> memref<2048xi32, #tpu.memory_space<vmem_shared>>
        tpu.enqueue_dma source(%dma_start3A_2270 : memref<2048xi32, #tpu.memory_space<vmem_shared>>) target(%arg22 : memref<2048xi32, #tpu.memory_space<vmem>>) target_semaphore(%run_scoped3A : memref<!tpu.dma_semaphore, #tpu.memory_space<semaphore_mem>>)
        %dma_wait3A_2271 = arith.constant 0 : i32
        %dma_wait3A_2272 = tpu.memref_slice %arg41[%add3A_473, %dma_wait3A_2271] : memref<16x2048xi32, #tpu.memory_space<vmem_shared>> -> memref<1x2048xi32, #tpu.memory_space<vmem_shared>>
        %dma_wait3A_2273 = tpu.memref_squeeze %dma_wait3A_2272 : memref<1x2048xi32, #tpu.memory_space<vmem_shared>> -> memref<2048xi32, #tpu.memory_space<vmem_shared>>
        %dma_wait3A_2274 = arith.constant 0 : i32
        %dma_wait3A_2275 = tpu.memref_slice %arg41[%add3A_473, %dma_wait3A_2274] : memref<16x2048xi32, #tpu.memory_space<vmem_shared>> -> memref<1x2048xi32, #tpu.memory_space<vmem_shared>>
        %dma_wait3A_2276 = tpu.memref_squeeze %dma_wait3A_2275 : memref<1x2048xi32, #tpu.memory_space<vmem_shared>> -> memref<2048xi32, #tpu.memory_space<vmem_shared>>
        tpu.wait_dma2 semaphore(%run_scoped3A : memref<!tpu.dma_semaphore, #tpu.memory_space<semaphore_mem>>) src(%dma_wait3A_2276 : memref<2048xi32, #tpu.memory_space<vmem_shared>>) dst(%arg22 : memref<2048xi32, #tpu.memory_space<vmem>>)
        tpu.yield
      }) : () -> ()
      %add3A_474 = arith.constant 3 : i32
      %add3A_475 = arith.addi %arg1, %add3A_474 : i32
      "tpu.region"() ({
        %run_scoped3A = tpu.sem_alloc : memref<!tpu.dma_semaphore, #tpu.memory_space<semaphore_mem>>
        %dma_start3A_2265 = arith.constant 0 : i32
        %dma_start3A_2266 = tpu.memref_slice %arg42[%add3A_475, %dma_start3A_2265] : memref<16x16xi32, #tpu.memory_space<vmem_shared>> -> memref<1x16xi32, #tpu.memory_space<vmem_shared>>
        %dma_start3A_2267 = tpu.memref_squeeze %dma_start3A_2266 : memref<1x16xi32, #tpu.memory_space<vmem_shared>> -> memref<16xi32, #tpu.memory_space<vmem_shared>>
        %dma_start3A_2268 = arith.constant 0 : i32
        %dma_start3A_2269 = tpu.memref_slice %arg42[%add3A_475, %dma_start3A_2268] : memref<16x16xi32, #tpu.memory_space<vmem_shared>> -> memref<1x16xi32, #tpu.memory_space<vmem_shared>>
        %dma_start3A_2270 = tpu.memref_squeeze %dma_start3A_2269 : memref<1x16xi32, #tpu.memory_space<vmem_shared>> -> memref<16xi32, #tpu.memory_space<vmem_shared>>
        tpu.enqueue_dma source(%dma_start3A_2270 : memref<16xi32, #tpu.memory_space<vmem_shared>>) target(%arg28 : memref<16xi32, #tpu.memory_space<vmem>>) target_semaphore(%run_scoped3A : memref<!tpu.dma_semaphore, #tpu.memory_space<semaphore_mem>>)
        %dma_wait3A_2271 = arith.constant 0 : i32
        %dma_wait3A_2272 = tpu.memref_slice %arg42[%add3A_475, %dma_wait3A_2271] : memref<16x16xi32, #tpu.memory_space<vmem_shared>> -> memref<1x16xi32, #tpu.memory_space<vmem_shared>>
        %dma_wait3A_2273 = tpu.memref_squeeze %dma_wait3A_2272 : memref<1x16xi32, #tpu.memory_space<vmem_shared>> -> memref<16xi32, #tpu.memory_space<vmem_shared>>
        %dma_wait3A_2274 = arith.constant 0 : i32
        %dma_wait3A_2275 = tpu.memref_slice %arg42[%add3A_475, %dma_wait3A_2274] : memref<16x16xi32, #tpu.memory_space<vmem_shared>> -> memref<1x16xi32, #tpu.memory_space<vmem_shared>>
        %dma_wait3A_2276 = tpu.memref_squeeze %dma_wait3A_2275 : memref<1x16xi32, #tpu.memory_space<vmem_shared>> -> memref<16xi32, #tpu.memory_space<vmem_shared>>
        tpu.wait_dma2 semaphore(%run_scoped3A : memref<!tpu.dma_semaphore, #tpu.memory_space<semaphore_mem>>) src(%dma_wait3A_2276 : memref<16xi32, #tpu.memory_space<vmem_shared>>) dst(%arg28 : memref<16xi32, #tpu.memory_space<vmem>>)
        tpu.yield
      }) : () -> ()
      %get3A_476 = arith.constant 0 : index
      %get3A_477 = tpu.vector_load %arg28[%get3A_476] {strides = array<i32>} : memref<16xi32, #tpu.memory_space<vmem>>, vector<16xi32>,
      %reduce_max3A_478 = arith.constant true
      %reduce_max3A_479 = vector.broadcast %reduce_max3A_478 : i1 to vector<16xi1>
      %reduce_max3A_480 = arith.constant -2147483648 : i32
      %reduce_max3A_481 = vector.broadcast %reduce_max3A_480 : i32 to vector<16xi32>
      %reduce_max3A_482 = arith.xori %get3A_477, %reduce_max3A_481 : vector<16xi32>
      %reduce_max3A_483 = tpu.scan <max>, %reduce_max3A_482 masked %reduce_max3A_479 : vector<16xi32>, vector<16xi1> -> vector<16xi32>
      %reduce_max3A_484 = arith.xori %reduce_max3A_483, %reduce_max3A_481 : vector<16xi32>
      %reduce_max3A_485 = vector.extract %reduce_max3A_484[15] : i32 from vector<16xi32>
      %add3A_486 = arith.constant 15 : i32
      %add3A_487 = arith.addi %reduce_max3A_485, %add3A_486 : i32
      %jit3A_488 = arith.constant 16 : i32
      %div3A_489 = arith.divsi %add3A_487, %jit3A_488 : i32
      %sign3A_490 = arith.constant 0 : i32
      %sign3A_491 = arith.cmpi sgt, %add3A_487, %sign3A_490 : i32
      %sign3A_492 = arith.extui %sign3A_491 : i1 to i32
      %sign3A_493 = arith.constant 0 : i32
      %sign3A_494 = arith.cmpi slt, %add3A_487, %sign3A_493 : i32
      %sign3A_495 = arith.extui %sign3A_494 : i1 to i32
      %sign3A_496 = arith.subi %sign3A_492, %sign3A_495 : i32
      %sign3A_497 = arith.constant 0 : i32
      %sign3A_498 = arith.cmpi sgt, %jit3A_488, %sign3A_497 : i32
      %sign3A_499 = arith.extui %sign3A_498 : i1 to i32
      %sign3A_500 = arith.constant 0 : i32
      %sign3A_501 = arith.cmpi slt, %jit3A_488, %sign3A_500 : i32
      %sign3A_502 = arith.extui %sign3A_501 : i1 to i32
      %sign3A_503 = arith.subi %sign3A_499, %sign3A_502 : i32
      %ne3A_504 = arith.cmpi ne, %sign3A_496, %sign3A_503 : i32
      %rem3A_505 = arith.remsi %add3A_487, %jit3A_488 : i32
      %ne3A_506 = arith.constant 0 : i32
      %ne3A_507 = arith.cmpi ne, %rem3A_505, %ne3A_506 : i32
      %and3A_508 = arith.andi %ne3A_504, %ne3A_507 : i1
      %sub3A_509 = arith.constant 1 : i32
      %sub3A_510 = arith.subi %div3A_489, %sub3A_509 : i32
      %select_n3A_511 = arith.select %and3A_508, %sub3A_510, %div3A_489 : i32
      %scan3A_512 = arith.constant 0 : i32
      %scan3A_513 = arith.constant 0 : i32
      %scan3A_514 = arith.constant 7 : i32
      %scan3A_515 = arith.addi %scan3A_513, %scan3A_514 : i32
      %scan3A_516 = arith.constant 1 : i32
      %scan3A_517 = scf.for %scan3A_2265 = %scan3A_513 to %scan3A_515 step %scan3A_516 iter_args(%scan3A_2266 = %scan3A_512) -> (i32)  : i32 {
        %mul3A_2267 = arith.constant 16 : i32
        %mul3A_2268 = arith.muli %scan3A_2265, %mul3A_2267 : i32
        %swap3A_2269 = arith.index_cast %mul3A_2268 : i32 to index
        %swap3A_2270 = tpu.vector_load %arg30[%swap3A_2269] {strides = array<i32>} : memref<112xi32, #tpu.memory_space<vmem>>, vector<16xi32>,
        tpu.vector_store %arg30[%swap3A_2269], %broadcast_in_dim3A_60 {strides = array<i32>} : memref<112xi32, #tpu.memory_space<vmem>>, vector<16xi32>,
        %mul3A_2271 = arith.constant 16 : i32
        %mul3A_2272 = arith.muli %scan3A_2265, %mul3A_2271 : i32
        %swap3A_2273 = arith.index_cast %mul3A_2272 : i32 to index
        %swap3A_2274 = tpu.vector_load %arg31[%swap3A_2273] {strides = array<i32>} : memref<112xi32, #tpu.memory_space<vmem>>, vector<16xi32>,
        tpu.vector_store %arg31[%swap3A_2273], %broadcast_in_dim3A_60 {strides = array<i32>} : memref<112xi32, #tpu.memory_space<vmem>>, vector<16xi32>,
        %scan3A_2275 = arith.constant 0 : i32
        scf.yield %scan3A_2275 : i32
      }
      %scan3A_518 = arith.constant 7 : i32
      %add3A_519 = arith.constant -2147483648 : i32
      %add3A_520 = vector.broadcast %add3A_519 : i32 to vector<16xi32>
      %add3A_521 = arith.addi %broadcast_in_dim3A_60, %add3A_520 : vector<16xi32>
      %add3A_522 = arith.constant 2147483647 : i32
      %add3A_523 = vector.broadcast %add3A_522 : i32 to vector<16xi32>
      %add3A_524 = arith.addi %broadcast_in_dim3A_60, %add3A_523 : vector<16xi32>
      %scan3A_525 = arith.constant 2147483647 : i32
      %scan3A_526 = arith.constant -1 : i32
      %scan3A_527 = arith.constant 0 : i32
      %scan3A_528 = arith.constant 100 : i32
      %scan3A_529 = arith.addi %scan3A_527, %scan3A_528 : i32
      %scan3A_530 = arith.constant 1 : i32
      %scan3A_531:2 = scf.for %scan3A_2265 = %scan3A_527 to %scan3A_529 step %scan3A_530 iter_args(%scan3A_2266 = %scan3A_525, %scan3A_2267 = %scan3A_526) -> (i32, i32)  : i32 {
        %add3A_2268 = vector.broadcast %scan3A_2266 : i32 to vector<16xi32>
        %add3A_2269 = arith.addi %broadcast_in_dim3A_60, %add3A_2268 : vector<16xi32>
        %add3A_2270 = vector.broadcast %scan3A_2267 : i32 to vector<16xi32>
        %add3A_2271 = arith.addi %broadcast_in_dim3A_60, %add3A_2270 : vector<16xi32>
        %while3A = arith.constant 0 : i32
        %while3A_2272 = arith.subi %select_n3A_385, %while3A : i32
        %while3A_2273 = arith.addi %while3A, %while3A_2272 : i32
        %while3A_2274 = arith.constant 1 : i32
        %while3A_2275 = arith.divsi %while3A_2272, %while3A_2274 : i32
        %while3A_2276 = arith.muli %while3A_2275, %while3A_2274 : i32
        %while3A_2277 = arith.addi %while3A, %while3A_2276 : i32
        %while3A_2278 = arith.constant 1 : i32
        %while3A_2279:2 = scf.for %while3A_2343 = %while3A to %while3A_2277 step %while3A_2278 iter_args(%while3A_2344 = %add3A_521, %while3A_2345 = %add3A_524) -> (vector<16xi32>, vector<16xi32>)  : i32 {
          %mul3A_2346 = arith.constant 16 : i32
          %mul3A_2347 = arith.muli %while3A_2343, %mul3A_2346 : i32
          %get3A_2348 = arith.index_cast %mul3A_2347 : i32 to index
          %get3A_2349 = tpu.vector_load %arg15[%get3A_2348] {strides = array<i32>} : memref<2048xi32, #tpu.memory_space<vmem>>, vector<16xi32>,
          %mul3A_2350 = arith.constant 16 : i32
          %mul3A_2351 = arith.muli %while3A_2343, %mul3A_2350 : i32
          %get3A_2352 = arith.index_cast %mul3A_2351 : i32 to index
          %get3A_2353 = tpu.vector_load %arg19[%get3A_2352] {strides = array<i32>} : memref<2048xi32, #tpu.memory_space<vmem>>, vector<16xi32>,
          %lt3A_2354 = arith.cmpi slt, %get3A_2349, %add3A_2269 : vector<16xi32>
          %eq3A_2355 = arith.cmpi eq, %get3A_2349, %add3A_2269 : vector<16xi32>
          %gt3A = arith.cmpi sgt, %get3A_2353, %add3A_2271 : vector<16xi32>
          %and3A_2356 = arith.andi %eq3A_2355, %gt3A : vector<16xi1>
          %or3A_2357 = arith.ori %lt3A_2354, %and3A_2356 : vector<16xi1>
          %select_n3A_2358 = arith.select %or3A_2357, %get3A_2349, %add3A_521 : vector<16xi1>, vector<16xi32>
          %gt3A_2359 = arith.cmpi sgt, %select_n3A_2358, %while3A_2344 : vector<16xi32>
          %eq3A_2360 = arith.cmpi eq, %select_n3A_2358, %while3A_2344 : vector<16xi32>
          %lt3A_2361 = arith.cmpi slt, %get3A_2353, %while3A_2345 : vector<16xi32>
          %and3A_2362 = arith.andi %eq3A_2360, %lt3A_2361 : vector<16xi1>
          %or3A_2363 = arith.ori %gt3A_2359, %and3A_2362 : vector<16xi1>
          %select_n3A_2364 = arith.select %or3A_2363, %select_n3A_2358, %while3A_2344 : vector<16xi1>, vector<16xi32>
          %select_n3A_2365 = arith.select %or3A_2363, %get3A_2353, %while3A_2345 : vector<16xi1>, vector<16xi32>
          scf.yield %select_n3A_2364, %select_n3A_2365 : vector<16xi32>, vector<16xi32>
        }
        %while3A_2280 = arith.constant 1 : i32
        %while3A_2281:2 = scf.for %while3A_2343 = %while3A_2277 to %while3A_2273 step %while3A_2280 iter_args(%while3A_2344 = %while3A_2279#0, %while3A_2345 = %while3A_2279#1) -> (vector<16xi32>, vector<16xi32>)  : i32 {
          %mul3A_2346 = arith.constant 16 : i32
          %mul3A_2347 = arith.muli %while3A_2343, %mul3A_2346 : i32
          %get3A_2348 = arith.index_cast %mul3A_2347 : i32 to index
          %get3A_2349 = tpu.vector_load %arg15[%get3A_2348] {strides = array<i32>} : memref<2048xi32, #tpu.memory_space<vmem>>, vector<16xi32>,
          %mul3A_2350 = arith.constant 16 : i32
          %mul3A_2351 = arith.muli %while3A_2343, %mul3A_2350 : i32
          %get3A_2352 = arith.index_cast %mul3A_2351 : i32 to index
          %get3A_2353 = tpu.vector_load %arg19[%get3A_2352] {strides = array<i32>} : memref<2048xi32, #tpu.memory_space<vmem>>, vector<16xi32>,
          %lt3A_2354 = arith.cmpi slt, %get3A_2349, %add3A_2269 : vector<16xi32>
          %eq3A_2355 = arith.cmpi eq, %get3A_2349, %add3A_2269 : vector<16xi32>
          %gt3A = arith.cmpi sgt, %get3A_2353, %add3A_2271 : vector<16xi32>
          %and3A_2356 = arith.andi %eq3A_2355, %gt3A : vector<16xi1>
          %or3A_2357 = arith.ori %lt3A_2354, %and3A_2356 : vector<16xi1>
          %select_n3A_2358 = arith.select %or3A_2357, %get3A_2349, %add3A_521 : vector<16xi1>, vector<16xi32>
          %gt3A_2359 = arith.cmpi sgt, %select_n3A_2358, %while3A_2344 : vector<16xi32>
          %eq3A_2360 = arith.cmpi eq, %select_n3A_2358, %while3A_2344 : vector<16xi32>
          %lt3A_2361 = arith.cmpi slt, %get3A_2353, %while3A_2345 : vector<16xi32>
          %and3A_2362 = arith.andi %eq3A_2360, %lt3A_2361 : vector<16xi1>
          %or3A_2363 = arith.ori %gt3A_2359, %and3A_2362 : vector<16xi1>
          %select_n3A_2364 = arith.select %or3A_2363, %select_n3A_2358, %while3A_2344 : vector<16xi1>, vector<16xi32>
          %select_n3A_2365 = arith.select %or3A_2363, %get3A_2353, %while3A_2345 : vector<16xi1>, vector<16xi32>
          scf.yield %select_n3A_2364, %select_n3A_2365 : vector<16xi32>, vector<16xi32>
        }
        %while3A_2282 = arith.constant 0 : i32
        %while3A_2283 = arith.subi %select_n3A_427, %while3A_2282 : i32
        %while3A_2284 = arith.addi %while3A_2282, %while3A_2283 : i32
        %while3A_2285 = arith.constant 1 : i32
        %while3A_2286 = arith.divsi %while3A_2283, %while3A_2285 : i32
        %while3A_2287 = arith.muli %while3A_2286, %while3A_2285 : i32
        %while3A_2288 = arith.addi %while3A_2282, %while3A_2287 : i32
        %while3A_2289 = arith.constant 1 : i32
        %while3A_2290:2 = scf.for %while3A_2343 = %while3A_2282 to %while3A_2288 step %while3A_2289 iter_args(%while3A_2344 = %while3A_2281#0, %while3A_2345 = %while3A_2281#1) -> (vector<16xi32>, vector<16xi32>)  : i32 {
          %mul3A_2346 = arith.constant 16 : i32
          %mul3A_2347 = arith.muli %while3A_2343, %mul3A_2346 : i32
          %get3A_2348 = arith.index_cast %mul3A_2347 : i32 to index
          %get3A_2349 = tpu.vector_load %arg16[%get3A_2348] {strides = array<i32>} : memref<2048xi32, #tpu.memory_space<vmem>>, vector<16xi32>,
          %mul3A_2350 = arith.constant 16 : i32
          %mul3A_2351 = arith.muli %while3A_2343, %mul3A_2350 : i32
          %get3A_2352 = arith.index_cast %mul3A_2351 : i32 to index
          %get3A_2353 = tpu.vector_load %arg20[%get3A_2352] {strides = array<i32>} : memref<2048xi32, #tpu.memory_space<vmem>>, vector<16xi32>,
          %lt3A_2354 = arith.cmpi slt, %get3A_2349, %add3A_2269 : vector<16xi32>
          %eq3A_2355 = arith.cmpi eq, %get3A_2349, %add3A_2269 : vector<16xi32>
          %gt3A = arith.cmpi sgt, %get3A_2353, %add3A_2271 : vector<16xi32>
          %and3A_2356 = arith.andi %eq3A_2355, %gt3A : vector<16xi1>
          %or3A_2357 = arith.ori %lt3A_2354, %and3A_2356 : vector<16xi1>
          %select_n3A_2358 = arith.select %or3A_2357, %get3A_2349, %add3A_521 : vector<16xi1>, vector<16xi32>
          %gt3A_2359 = arith.cmpi sgt, %select_n3A_2358, %while3A_2344 : vector<16xi32>
          %eq3A_2360 = arith.cmpi eq, %select_n3A_2358, %while3A_2344 : vector<16xi32>
          %lt3A_2361 = arith.cmpi slt, %get3A_2353, %while3A_2345 : vector<16xi32>
          %and3A_2362 = arith.andi %eq3A_2360, %lt3A_2361 : vector<16xi1>
          %or3A_2363 = arith.ori %gt3A_2359, %and3A_2362 : vector<16xi1>
          %select_n3A_2364 = arith.select %or3A_2363, %select_n3A_2358, %while3A_2344 : vector<16xi1>, vector<16xi32>
          %select_n3A_2365 = arith.select %or3A_2363, %get3A_2353, %while3A_2345 : vector<16xi1>, vector<16xi32>
          scf.yield %select_n3A_2364, %select_n3A_2365 : vector<16xi32>, vector<16xi32>
        }
        %while3A_2291 = arith.constant 1 : i32
        %while3A_2292:2 = scf.for %while3A_2343 = %while3A_2288 to %while3A_2284 step %while3A_2291 iter_args(%while3A_2344 = %while3A_2290#0, %while3A_2345 = %while3A_2290#1) -> (vector<16xi32>, vector<16xi32>)  : i32 {
          %mul3A_2346 = arith.constant 16 : i32
          %mul3A_2347 = arith.muli %while3A_2343, %mul3A_2346 : i32
          %get3A_2348 = arith.index_cast %mul3A_2347 : i32 to index
          %get3A_2349 = tpu.vector_load %arg16[%get3A_2348] {strides = array<i32>} : memref<2048xi32, #tpu.memory_space<vmem>>, vector<16xi32>,
          %mul3A_2350 = arith.constant 16 : i32
          %mul3A_2351 = arith.muli %while3A_2343, %mul3A_2350 : i32
          %get3A_2352 = arith.index_cast %mul3A_2351 : i32 to index
          %get3A_2353 = tpu.vector_load %arg20[%get3A_2352] {strides = array<i32>} : memref<2048xi32, #tpu.memory_space<vmem>>, vector<16xi32>,
          %lt3A_2354 = arith.cmpi slt, %get3A_2349, %add3A_2269 : vector<16xi32>
          %eq3A_2355 = arith.cmpi eq, %get3A_2349, %add3A_2269 : vector<16xi32>
          %gt3A = arith.cmpi sgt, %get3A_2353, %add3A_2271 : vector<16xi32>
          %and3A_2356 = arith.andi %eq3A_2355, %gt3A : vector<16xi1>
          %or3A_2357 = arith.ori %lt3A_2354, %and3A_2356 : vector<16xi1>
          %select_n3A_2358 = arith.select %or3A_2357, %get3A_2349, %add3A_521 : vector<16xi1>, vector<16xi32>
          %gt3A_2359 = arith.cmpi sgt, %select_n3A_2358, %while3A_2344 : vector<16xi32>
          %eq3A_2360 = arith.cmpi eq, %select_n3A_2358, %while3A_2344 : vector<16xi32>
          %lt3A_2361 = arith.cmpi slt, %get3A_2353, %while3A_2345 : vector<16xi32>
          %and3A_2362 = arith.andi %eq3A_2360, %lt3A_2361 : vector<16xi1>
          %or3A_2363 = arith.ori %gt3A_2359, %and3A_2362 : vector<16xi1>
          %select_n3A_2364 = arith.select %or3A_2363, %select_n3A_2358, %while3A_2344 : vector<16xi1>, vector<16xi32>
          %select_n3A_2365 = arith.select %or3A_2363, %get3A_2353, %while3A_2345 : vector<16xi1>, vector<16xi32>
          scf.yield %select_n3A_2364, %select_n3A_2365 : vector<16xi32>, vector<16xi32>
        }
        %while3A_2293 = arith.constant 0 : i32
        %while3A_2294 = arith.subi %select_n3A_469, %while3A_2293 : i32
        %while3A_2295 = arith.addi %while3A_2293, %while3A_2294 : i32
        %while3A_2296 = arith.constant 1 : i32
        %while3A_2297 = arith.divsi %while3A_2294, %while3A_2296 : i32
        %while3A_2298 = arith.muli %while3A_2297, %while3A_2296 : i32
        %while3A_2299 = arith.addi %while3A_2293, %while3A_2298 : i32
        %while3A_2300 = arith.constant 1 : i32
        %while3A_2301:2 = scf.for %while3A_2343 = %while3A_2293 to %while3A_2299 step %while3A_2300 iter_args(%while3A_2344 = %while3A_2292#0, %while3A_2345 = %while3A_2292#1) -> (vector<16xi32>, vector<16xi32>)  : i32 {
          %mul3A_2346 = arith.constant 16 : i32
          %mul3A_2347 = arith.muli %while3A_2343, %mul3A_2346 : i32
          %get3A_2348 = arith.index_cast %mul3A_2347 : i32 to index
          %get3A_2349 = tpu.vector_load %arg17[%get3A_2348] {strides = array<i32>} : memref<2048xi32, #tpu.memory_space<vmem>>, vector<16xi32>,
          %mul3A_2350 = arith.constant 16 : i32
          %mul3A_2351 = arith.muli %while3A_2343, %mul3A_2350 : i32
          %get3A_2352 = arith.index_cast %mul3A_2351 : i32 to index
          %get3A_2353 = tpu.vector_load %arg21[%get3A_2352] {strides = array<i32>} : memref<2048xi32, #tpu.memory_space<vmem>>, vector<16xi32>,
          %lt3A_2354 = arith.cmpi slt, %get3A_2349, %add3A_2269 : vector<16xi32>
          %eq3A_2355 = arith.cmpi eq, %get3A_2349, %add3A_2269 : vector<16xi32>
          %gt3A = arith.cmpi sgt, %get3A_2353, %add3A_2271 : vector<16xi32>
          %and3A_2356 = arith.andi %eq3A_2355, %gt3A : vector<16xi1>
          %or3A_2357 = arith.ori %lt3A_2354, %and3A_2356 : vector<16xi1>
          %select_n3A_2358 = arith.select %or3A_2357, %get3A_2349, %add3A_521 : vector<16xi1>, vector<16xi32>
          %gt3A_2359 = arith.cmpi sgt, %select_n3A_2358, %while3A_2344 : vector<16xi32>
          %eq3A_2360 = arith.cmpi eq, %select_n3A_2358, %while3A_2344 : vector<16xi32>
          %lt3A_2361 = arith.cmpi slt, %get3A_2353, %while3A_2345 : vector<16xi32>
          %and3A_2362 = arith.andi %eq3A_2360, %lt3A_2361 : vector<16xi1>
          %or3A_2363 = arith.ori %gt3A_2359, %and3A_2362 : vector<16xi1>
          %select_n3A_2364 = arith.select %or3A_2363, %select_n3A_2358, %while3A_2344 : vector<16xi1>, vector<16xi32>
          %select_n3A_2365 = arith.select %or3A_2363, %get3A_2353, %while3A_2345 : vector<16xi1>, vector<16xi32>
          scf.yield %select_n3A_2364, %select_n3A_2365 : vector<16xi32>, vector<16xi32>
        }
        %while3A_2302 = arith.constant 1 : i32
        %while3A_2303:2 = scf.for %while3A_2343 = %while3A_2299 to %while3A_2295 step %while3A_2302 iter_args(%while3A_2344 = %while3A_2301#0, %while3A_2345 = %while3A_2301#1) -> (vector<16xi32>, vector<16xi32>)  : i32 {
          %mul3A_2346 = arith.constant 16 : i32
          %mul3A_2347 = arith.muli %while3A_2343, %mul3A_2346 : i32
          %get3A_2348 = arith.index_cast %mul3A_2347 : i32 to index
          %get3A_2349 = tpu.vector_load %arg17[%get3A_2348] {strides = array<i32>} : memref<2048xi32, #tpu.memory_space<vmem>>, vector<16xi32>,
          %mul3A_2350 = arith.constant 16 : i32
          %mul3A_2351 = arith.muli %while3A_2343, %mul3A_2350 : i32
          %get3A_2352 = arith.index_cast %mul3A_2351 : i32 to index
          %get3A_2353 = tpu.vector_load %arg21[%get3A_2352] {strides = array<i32>} : memref<2048xi32, #tpu.memory_space<vmem>>, vector<16xi32>,
          %lt3A_2354 = arith.cmpi slt, %get3A_2349, %add3A_2269 : vector<16xi32>
          %eq3A_2355 = arith.cmpi eq, %get3A_2349, %add3A_2269 : vector<16xi32>
          %gt3A = arith.cmpi sgt, %get3A_2353, %add3A_2271 : vector<16xi32>
          %and3A_2356 = arith.andi %eq3A_2355, %gt3A : vector<16xi1>
          %or3A_2357 = arith.ori %lt3A_2354, %and3A_2356 : vector<16xi1>
          %select_n3A_2358 = arith.select %or3A_2357, %get3A_2349, %add3A_521 : vector<16xi1>, vector<16xi32>
          %gt3A_2359 = arith.cmpi sgt, %select_n3A_2358, %while3A_2344 : vector<16xi32>
          %eq3A_2360 = arith.cmpi eq, %select_n3A_2358, %while3A_2344 : vector<16xi32>
          %lt3A_2361 = arith.cmpi slt, %get3A_2353, %while3A_2345 : vector<16xi32>
          %and3A_2362 = arith.andi %eq3A_2360, %lt3A_2361 : vector<16xi1>
          %or3A_2363 = arith.ori %gt3A_2359, %and3A_2362 : vector<16xi1>
          %select_n3A_2364 = arith.select %or3A_2363, %select_n3A_2358, %while3A_2344 : vector<16xi1>, vector<16xi32>
          %select_n3A_2365 = arith.select %or3A_2363, %get3A_2353, %while3A_2345 : vector<16xi1>, vector<16xi32>
          scf.yield %select_n3A_2364, %select_n3A_2365 : vector<16xi32>, vector<16xi32>
        }
        %while3A_2304 = arith.constant 0 : i32
        %while3A_2305 = arith.subi %select_n3A_511, %while3A_2304 : i32
        %while3A_2306 = arith.addi %while3A_2304, %while3A_2305 : i32
        %while3A_2307 = arith.constant 1 : i32
        %while3A_2308 = arith.divsi %while3A_2305, %while3A_2307 : i32
        %while3A_2309 = arith.muli %while3A_2308, %while3A_2307 : i32
        %while3A_2310 = arith.addi %while3A_2304, %while3A_2309 : i32
        %while3A_2311 = arith.constant 1 : i32
        %while3A_2312:2 = scf.for %while3A_2343 = %while3A_2304 to %while3A_2310 step %while3A_2311 iter_args(%while3A_2344 = %while3A_2303#0, %while3A_2345 = %while3A_2303#1) -> (vector<16xi32>, vector<16xi32>)  : i32 {
          %mul3A_2346 = arith.constant 16 : i32
          %mul3A_2347 = arith.muli %while3A_2343, %mul3A_2346 : i32
          %get3A_2348 = arith.index_cast %mul3A_2347 : i32 to index
          %get3A_2349 = tpu.vector_load %arg18[%get3A_2348] {strides = array<i32>} : memref<2048xi32, #tpu.memory_space<vmem>>, vector<16xi32>,
          %mul3A_2350 = arith.constant 16 : i32
          %mul3A_2351 = arith.muli %while3A_2343, %mul3A_2350 : i32
          %get3A_2352 = arith.index_cast %mul3A_2351 : i32 to index
          %get3A_2353 = tpu.vector_load %arg22[%get3A_2352] {strides = array<i32>} : memref<2048xi32, #tpu.memory_space<vmem>>, vector<16xi32>,
          %lt3A_2354 = arith.cmpi slt, %get3A_2349, %add3A_2269 : vector<16xi32>
          %eq3A_2355 = arith.cmpi eq, %get3A_2349, %add3A_2269 : vector<16xi32>
          %gt3A = arith.cmpi sgt, %get3A_2353, %add3A_2271 : vector<16xi32>
          %and3A_2356 = arith.andi %eq3A_2355, %gt3A : vector<16xi1>
          %or3A_2357 = arith.ori %lt3A_2354, %and3A_2356 : vector<16xi1>
          %select_n3A_2358 = arith.select %or3A_2357, %get3A_2349, %add3A_521 : vector<16xi1>, vector<16xi32>
          %gt3A_2359 = arith.cmpi sgt, %select_n3A_2358, %while3A_2344 : vector<16xi32>
          %eq3A_2360 = arith.cmpi eq, %select_n3A_2358, %while3A_2344 : vector<16xi32>
          %lt3A_2361 = arith.cmpi slt, %get3A_2353, %while3A_2345 : vector<16xi32>
          %and3A_2362 = arith.andi %eq3A_2360, %lt3A_2361 : vector<16xi1>
          %or3A_2363 = arith.ori %gt3A_2359, %and3A_2362 : vector<16xi1>
          %select_n3A_2364 = arith.select %or3A_2363, %select_n3A_2358, %while3A_2344 : vector<16xi1>, vector<16xi32>
          %select_n3A_2365 = arith.select %or3A_2363, %get3A_2353, %while3A_2345 : vector<16xi1>, vector<16xi32>
          scf.yield %select_n3A_2364, %select_n3A_2365 : vector<16xi32>, vector<16xi32>
        }
        %while3A_2313 = arith.constant 1 : i32
        %while3A_2314:2 = scf.for %while3A_2343 = %while3A_2310 to %while3A_2306 step %while3A_2313 iter_args(%while3A_2344 = %while3A_2312#0, %while3A_2345 = %while3A_2312#1) -> (vector<16xi32>, vector<16xi32>)  : i32 {
          %mul3A_2346 = arith.constant 16 : i32
          %mul3A_2347 = arith.muli %while3A_2343, %mul3A_2346 : i32
          %get3A_2348 = arith.index_cast %mul3A_2347 : i32 to index
          %get3A_2349 = tpu.vector_load %arg18[%get3A_2348] {strides = array<i32>} : memref<2048xi32, #tpu.memory_space<vmem>>, vector<16xi32>,
          %mul3A_2350 = arith.constant 16 : i32
          %mul3A_2351 = arith.muli %while3A_2343, %mul3A_2350 : i32
          %get3A_2352 = arith.index_cast %mul3A_2351 : i32 to index
          %get3A_2353 = tpu.vector_load %arg22[%get3A_2352] {strides = array<i32>} : memref<2048xi32, #tpu.memory_space<vmem>>, vector<16xi32>,
          %lt3A_2354 = arith.cmpi slt, %get3A_2349, %add3A_2269 : vector<16xi32>
          %eq3A_2355 = arith.cmpi eq, %get3A_2349, %add3A_2269 : vector<16xi32>
          %gt3A = arith.cmpi sgt, %get3A_2353, %add3A_2271 : vector<16xi32>
          %and3A_2356 = arith.andi %eq3A_2355, %gt3A : vector<16xi1>
          %or3A_2357 = arith.ori %lt3A_2354, %and3A_2356 : vector<16xi1>
          %select_n3A_2358 = arith.select %or3A_2357, %get3A_2349, %add3A_521 : vector<16xi1>, vector<16xi32>
          %gt3A_2359 = arith.cmpi sgt, %select_n3A_2358, %while3A_2344 : vector<16xi32>
          %eq3A_2360 = arith.cmpi eq, %select_n3A_2358, %while3A_2344 : vector<16xi32>
          %lt3A_2361 = arith.cmpi slt, %get3A_2353, %while3A_2345 : vector<16xi32>
          %and3A_2362 = arith.andi %eq3A_2360, %lt3A_2361 : vector<16xi1>
          %or3A_2363 = arith.ori %gt3A_2359, %and3A_2362 : vector<16xi1>
          %select_n3A_2364 = arith.select %or3A_2363, %select_n3A_2358, %while3A_2344 : vector<16xi1>, vector<16xi32>
          %select_n3A_2365 = arith.select %or3A_2363, %get3A_2353, %while3A_2345 : vector<16xi1>, vector<16xi32>
          scf.yield %select_n3A_2364, %select_n3A_2365 : vector<16xi32>, vector<16xi32>
        }
        %reduce_max3A_2315 = arith.constant true
        %reduce_max3A_2316 = vector.broadcast %reduce_max3A_2315 : i1 to vector<16xi1>
        %reduce_max3A_2317 = arith.constant -2147483648 : i32
        %reduce_max3A_2318 = vector.broadcast %reduce_max3A_2317 : i32 to vector<16xi32>
        %reduce_max3A_2319 = arith.xori %while3A_2314#0, %reduce_max3A_2318 : vector<16xi32>
        %reduce_max3A_2320 = tpu.scan <max>, %reduce_max3A_2319 masked %reduce_max3A_2316 : vector<16xi32>, vector<16xi1> -> vector<16xi32>
        %reduce_max3A_2321 = arith.xori %reduce_max3A_2320, %reduce_max3A_2318 : vector<16xi32>
        %reduce_max3A_2322 = vector.extract %reduce_max3A_2321[15] : i32 from vector<16xi32>
        %add3A_2323 = vector.broadcast %reduce_max3A_2322 : i32 to vector<16xi32>
        %add3A_2324 = arith.addi %broadcast_in_dim3A_60, %add3A_2323 : vector<16xi32>
        %eq3A_2325 = arith.cmpi eq, %while3A_2314#0, %add3A_2324 : vector<16xi32>
        %select_n3A_2326 = arith.select %eq3A_2325, %while3A_2314#1, %add3A_524 : vector<16xi1>, vector<16xi32>
        %reduce_min3A = arith.constant true
        %reduce_min3A_2327 = vector.broadcast %reduce_min3A : i1 to vector<16xi1>
        %reduce_min3A_2328 = arith.constant -2147483648 : i32
        %reduce_min3A_2329 = vector.broadcast %reduce_min3A_2328 : i32 to vector<16xi32>
        %reduce_min3A_2330 = arith.xori %select_n3A_2326, %reduce_min3A_2329 : vector<16xi32>
        %reduce_min3A_2331 = tpu.scan <min>, %reduce_min3A_2330 masked %reduce_min3A_2327 : vector<16xi32>, vector<16xi1> -> vector<16xi32>
        %reduce_min3A_2332 = arith.xori %reduce_min3A_2331, %reduce_min3A_2329 : vector<16xi32>
        %reduce_min3A_2333 = vector.extract %reduce_min3A_2332[15] : i32 from vector<16xi32>
        %eq3A_2334 = arith.constant 0 : i32
        %eq3A_2335 = vector.broadcast %eq3A_2334 : i32 to vector<16xi32>
        %eq3A_2336 = arith.cmpi eq, %iota3A, %eq3A_2335 : vector<16xi32>
        %add3A_2337 = vector.broadcast %scan3A_2265 : i32 to vector<16xi32>
        %add3A_2338 = arith.addi %broadcast_in_dim3A_60, %add3A_2337 : vector<16xi32>
        tpu.vector_store_idx %arg30[%add3A_2338], %add3A_2324 masked %eq3A_2336 : memref<112xi32, #tpu.memory_space<vmem>>[vector<16xi32>], vector<16xi32>, vector<16xi1>
        %add3A_2339 = vector.broadcast %scan3A_2265 : i32 to vector<16xi32>
        %add3A_2340 = arith.addi %broadcast_in_dim3A_60, %add3A_2339 : vector<16xi32>
        %add3A_2341 = vector.broadcast %reduce_min3A_2333 : i32 to vector<16xi32>
        %add3A_2342 = arith.addi %broadcast_in_dim3A_60, %add3A_2341 : vector<16xi32>
        tpu.vector_store_idx %arg31[%add3A_2340], %add3A_2342 masked %eq3A_2336 : memref<112xi32, #tpu.memory_space<vmem>>[vector<16xi32>], vector<16xi32>, vector<16xi1>
        scf.yield %reduce_max3A_2322, %reduce_min3A_2333 : i32, i32
      }
      %scan3A_532 = arith.constant 100 : i32
      "tpu.region"() ({
        %run_scoped3A = tpu.sem_alloc : memref<!tpu.dma_semaphore, #tpu.memory_space<semaphore_mem>>
        %dma_start3A_2265 = arith.constant 0 : i32
        %dma_start3A_2266 = tpu.memref_slice %arg5[%dma_start3A_2265] : memref<128xf32, #tpu.memory_space<hbm>> -> memref<16xf32, #tpu.memory_space<hbm>>
        %dma_start3A_2267 = arith.constant 0 : i32
        %dma_start3A_2268 = tpu.memref_slice %arg5[%dma_start3A_2267] : memref<128xf32, #tpu.memory_space<hbm>> -> memref<16xf32, #tpu.memory_space<hbm>>
        tpu.enqueue_dma source(%dma_start3A_2268 : memref<16xf32, #tpu.memory_space<hbm>>) target(%arg29 : memref<16xf32, #tpu.memory_space<vmem>>) target_semaphore(%run_scoped3A : memref<!tpu.dma_semaphore, #tpu.memory_space<semaphore_mem>>)
        %dma_wait3A_2269 = arith.constant 0 : i32
        %dma_wait3A_2270 = tpu.memref_slice %arg5[%dma_wait3A_2269] : memref<128xf32, #tpu.memory_space<hbm>> -> memref<16xf32, #tpu.memory_space<hbm>>
        %dma_wait3A_2271 = arith.constant 0 : i32
        %dma_wait3A_2272 = tpu.memref_slice %arg5[%dma_wait3A_2271] : memref<128xf32, #tpu.memory_space<hbm>> -> memref<16xf32, #tpu.memory_space<hbm>>
        tpu.wait_dma2 semaphore(%run_scoped3A : memref<!tpu.dma_semaphore, #tpu.memory_space<semaphore_mem>>) src(%dma_wait3A_2272 : memref<16xf32, #tpu.memory_space<hbm>>) dst(%arg29 : memref<16xf32, #tpu.memory_space<vmem>>)
        tpu.yield
      }) : () -> ()
      %mul3A_533 = arith.constant 2 : i32
      %mul3A_534 = arith.muli %mul3A_533, %add3A : i32
      %add3A_535 = arith.constant 1 : i32
      %add3A_536 = arith.addi %mul3A_534, %add3A_535 : i32
      %add3A_537 = vector.broadcast %add3A_536 : i32 to vector<16xi32>
      %add3A_538 = arith.addi %broadcast_in_dim3A_60, %add3A_537 : vector<16xi32>
      %and3A_539 = arith.constant 1 : i32
      %and3A_540 = vector.broadcast %and3A_539 : i32 to vector<16xi32>
      %and3A_541 = arith.andi %iota3A, %and3A_540 : vector<16xi32>
      %sub3A_542 = arith.subi %add3A_538, %and3A_541 : vector<16xi32>
      %gather3A = tpu.vector_load_idx %arg29[%sub3A_542] : memref<16xf32, #tpu.memory_space<vmem>>[vector<16xi32>], vector<16xf32>,
      %get3A_543 = arith.constant 0 : index
      %get3A_544 = tpu.vector_load %arg30[%get3A_543] {strides = array<i32>} : memref<112xi32, #tpu.memory_space<vmem>>, vector<16xi32>,
      %get3A_545 = arith.constant 0 : index
      %get3A_546 = tpu.vector_load %arg31[%get3A_545] {strides = array<i32>} : memref<112xi32, #tpu.memory_space<vmem>>, vector<16xi32>,
      %bitcast_convert_type3A_547 = tpu.bitcast %get3A_544 : vector<16xi32> -> vector<16xi32>
      %xor3A_548 = arith.constant -2147483648 : i32
      %xor3A_549 = vector.broadcast %xor3A_548 : i32 to vector<16xi32>
      %xor3A_550 = arith.xori %bitcast_convert_type3A_547, %xor3A_549 : vector<16xi32>
      %ge3A = arith.constant 0 : i32
      %ge3A_551 = vector.broadcast %ge3A : i32 to vector<16xi32>
      %ge3A_552 = arith.cmpi sge, %get3A_544, %ge3A_551 : vector<16xi32>
      %xor3A_553 = arith.constant -2147483648 : i32
      %xor3A_554 = vector.broadcast %xor3A_553 : i32 to vector<16xi32>
      %xor3A_555 = arith.xori %xor3A_550, %xor3A_554 : vector<16xi32>
      %not3A = arith.constant dense<-1> : vector<16xi32>
      %not3A_556 = arith.xori %xor3A_550, %not3A : vector<16xi32>
      %select_n3A_557 = arith.select %ge3A_552, %xor3A_555, %not3A_556 : vector<16xi1>, vector<16xi32>
      %bitcast_convert_type3A_558 = tpu.bitcast %select_n3A_557 : vector<16xi32> -> vector<16xf32>
      %neg3A = arith.constant 0.000000e+00 : f32
      %neg3A_559 = vector.broadcast %neg3A : f32 to vector<16xf32>
      %neg3A_560 = arith.subf %neg3A_559, %bitcast_convert_type3A_558 : vector<16xf32>
      %exp3A = math.exp %neg3A_560 : vector<16xf32>
      %add3A_561 = arith.constant 1.000000e+00 : f32
      %add3A_562 = vector.broadcast %add3A_561 : f32 to vector<16xf32>
      %add3A_563 = arith.addf %add3A_562, %exp3A : vector<16xf32>
      %div3A_564 = arith.constant 1.000000e+00 : f32
      %div3A_565 = vector.broadcast %div3A_564 : f32 to vector<16xf32>
      %div3A_566 = arith.divf %div3A_565, %add3A_563 : vector<16xf32>
      %swap3A_567 = arith.constant 0 : index
      %swap3A_568 = tpu.vector_load %arg32[%swap3A_567] {strides = array<i32>} : memref<112xf32, #tpu.memory_space<vmem>>, vector<16xf32>,
      tpu.vector_store %arg32[%swap3A_567], %div3A_566 {strides = array<i32>} : memref<112xf32, #tpu.memory_space<vmem>>, vector<16xf32>,
      %jit3A_569 = arith.constant 91 : i32
      %div3A_570 = vector.broadcast %jit3A_569 : i32 to vector<16xi32>
      %div3A_571 = arith.divsi %get3A_546, %div3A_570 : vector<16xi32>
      %sign3A_572 = arith.constant 0 : i32
      %sign3A_573 = vector.broadcast %sign3A_572 : i32 to vector<16xi32>
      %sign3A_574 = arith.cmpi sgt, %get3A_546, %sign3A_573 : vector<16xi32>
      %sign3A_575 = arith.extui %sign3A_574 : vector<16xi1> to vector<16xi32>
      %sign3A_576 = arith.constant 0 : i32
      %sign3A_577 = vector.broadcast %sign3A_576 : i32 to vector<16xi32>
      %sign3A_578 = arith.cmpi slt, %get3A_546, %sign3A_577 : vector<16xi32>
      %sign3A_579 = arith.extui %sign3A_578 : vector<16xi1> to vector<16xi32>
      %sign3A_580 = arith.subi %sign3A_575, %sign3A_579 : vector<16xi32>
      %sign3A_581 = arith.constant 0 : i32
      %sign3A_582 = arith.cmpi sgt, %jit3A_569, %sign3A_581 : i32
      %sign3A_583 = arith.extui %sign3A_582 : i1 to i32
      %sign3A_584 = arith.constant 0 : i32
      %sign3A_585 = arith.cmpi slt, %jit3A_569, %sign3A_584 : i32
      %sign3A_586 = arith.extui %sign3A_585 : i1 to i32
      %sign3A_587 = arith.subi %sign3A_583, %sign3A_586 : i32
      %ne3A_588 = vector.broadcast %sign3A_587 : i32 to vector<16xi32>
      %ne3A_589 = arith.cmpi ne, %sign3A_580, %ne3A_588 : vector<16xi32>
      %rem3A_590 = vector.broadcast %jit3A_569 : i32 to vector<16xi32>
      %rem3A_591 = arith.remsi %get3A_546, %rem3A_590 : vector<16xi32>
      %ne3A_592 = arith.constant 0 : i32
      %ne3A_593 = vector.broadcast %ne3A_592 : i32 to vector<16xi32>
      %ne3A_594 = arith.cmpi ne, %rem3A_591, %ne3A_593 : vector<16xi32>
      %and3A_595 = arith.andi %ne3A_589, %ne3A_594 : vector<16xi1>
      %sub3A_596 = arith.constant 1 : i32
      %sub3A_597 = vector.broadcast %sub3A_596 : i32 to vector<16xi32>
      %sub3A_598 = arith.subi %div3A_571, %sub3A_597 : vector<16xi32>
      %select_n3A_599 = arith.select %and3A_595, %sub3A_598, %div3A_571 : vector<16xi1>, vector<16xi32>
      %mul3A_600 = arith.constant 91 : i32
      %mul3A_601 = vector.broadcast %mul3A_600 : i32 to vector<16xi32>
      %mul3A_602 = arith.muli %select_n3A_599, %mul3A_601 : vector<16xi32>
      %sub3A_603 = arith.subi %get3A_546, %mul3A_602 : vector<16xi32>
      %swap3A_604 = arith.constant 0 : index
      %swap3A_605 = tpu.vector_load %arg33[%swap3A_604] {strides = array<i32>} : memref<112xi32, #tpu.memory_space<vmem>>, vector<16xi32>,
      tpu.vector_store %arg33[%swap3A_604], %sub3A_603 {strides = array<i32>} : memref<112xi32, #tpu.memory_space<vmem>>, vector<16xi32>,
      %swap3A_606 = arith.constant 0 : index
      %swap3A_607 = tpu.vector_load %arg35[%swap3A_606] {strides = array<i32>} : memref<112xi32, #tpu.memory_space<vmem>>, vector<16xi32>,
      tpu.vector_store %arg35[%swap3A_606], %select_n3A_599 {strides = array<i32>} : memref<112xi32, #tpu.memory_space<vmem>>, vector<16xi32>,
      %mul3A_608 = arith.constant 5000 : i32
      %mul3A_609 = arith.muli %add3A, %mul3A_608 : i32
      %add3A_610 = vector.broadcast %mul3A_609 : i32 to vector<16xi32>
      %add3A_611 = arith.addi %broadcast_in_dim3A_60, %add3A_610 : vector<16xi32>
      %add3A_612 = arith.addi %select_n3A_599, %add3A_611 : vector<16xi32>
      %swap3A_613 = arith.constant 0 : index
      %swap3A_614 = tpu.vector_load %arg34[%swap3A_613] {strides = array<i32>} : memref<112xi32, #tpu.memory_space<vmem>>, vector<16xi32>,
      tpu.vector_store %arg34[%swap3A_613], %add3A_612 {strides = array<i32>} : memref<112xi32, #tpu.memory_space<vmem>>, vector<16xi32>,
      %get3A_615 = arith.constant 16 : index
      %get3A_616 = tpu.vector_load %arg30[%get3A_615] {strides = array<i32>} : memref<112xi32, #tpu.memory_space<vmem>>, vector<16xi32>,
      %get3A_617 = arith.constant 16 : index
      %get3A_618 = tpu.vector_load %arg31[%get3A_617] {strides = array<i32>} : memref<112xi32, #tpu.memory_space<vmem>>, vector<16xi32>,
      %bitcast_convert_type3A_619 = tpu.bitcast %get3A_616 : vector<16xi32> -> vector<16xi32>
      %xor3A_620 = arith.constant -2147483648 : i32
      %xor3A_621 = vector.broadcast %xor3A_620 : i32 to vector<16xi32>
      %xor3A_622 = arith.xori %bitcast_convert_type3A_619, %xor3A_621 : vector<16xi32>
      %ge3A_623 = arith.constant 0 : i32
      %ge3A_624 = vector.broadcast %ge3A_623 : i32 to vector<16xi32>
      %ge3A_625 = arith.cmpi sge, %get3A_616, %ge3A_624 : vector<16xi32>
      %xor3A_626 = arith.constant -2147483648 : i32
      %xor3A_627 = vector.broadcast %xor3A_626 : i32 to vector<16xi32>
      %xor3A_628 = arith.xori %xor3A_622, %xor3A_627 : vector<16xi32>
      %not3A_629 = arith.constant dense<-1> : vector<16xi32>
      %not3A_630 = arith.xori %xor3A_622, %not3A_629 : vector<16xi32>
      %select_n3A_631 = arith.select %ge3A_625, %xor3A_628, %not3A_630 : vector<16xi1>, vector<16xi32>
      %bitcast_convert_type3A_632 = tpu.bitcast %select_n3A_631 : vector<16xi32> -> vector<16xf32>
      %neg3A_633 = arith.constant 0.000000e+00 : f32
      %neg3A_634 = vector.broadcast %neg3A_633 : f32 to vector<16xf32>
      %neg3A_635 = arith.subf %neg3A_634, %bitcast_convert_type3A_632 : vector<16xf32>
      %exp3A_636 = math.exp %neg3A_635 : vector<16xf32>
      %add3A_637 = arith.constant 1.000000e+00 : f32
      %add3A_638 = vector.broadcast %add3A_637 : f32 to vector<16xf32>
      %add3A_639 = arith.addf %add3A_638, %exp3A_636 : vector<16xf32>
      %div3A_640 = arith.constant 1.000000e+00 : f32
      %div3A_641 = vector.broadcast %div3A_640 : f32 to vector<16xf32>
      %div3A_642 = arith.divf %div3A_641, %add3A_639 : vector<16xf32>
      %swap3A_643 = arith.constant 16 : index
      %swap3A_644 = tpu.vector_load %arg32[%swap3A_643] {strides = array<i32>} : memref<112xf32, #tpu.memory_space<vmem>>, vector<16xf32>,
      tpu.vector_store %arg32[%swap3A_643], %div3A_642 {strides = array<i32>} : memref<112xf32, #tpu.memory_space<vmem>>, vector<16xf32>,
      %jit3A_645 = arith.constant 91 : i32
      %div3A_646 = vector.broadcast %jit3A_645 : i32 to vector<16xi32>
      %div3A_647 = arith.divsi %get3A_618, %div3A_646 : vector<16xi32>
      %sign3A_648 = arith.constant 0 : i32
      %sign3A_649 = vector.broadcast %sign3A_648 : i32 to vector<16xi32>
      %sign3A_650 = arith.cmpi sgt, %get3A_618, %sign3A_649 : vector<16xi32>
      %sign3A_651 = arith.extui %sign3A_650 : vector<16xi1> to vector<16xi32>
      %sign3A_652 = arith.constant 0 : i32
      %sign3A_653 = vector.broadcast %sign3A_652 : i32 to vector<16xi32>
      %sign3A_654 = arith.cmpi slt, %get3A_618, %sign3A_653 : vector<16xi32>
      %sign3A_655 = arith.extui %sign3A_654 : vector<16xi1> to vector<16xi32>
      %sign3A_656 = arith.subi %sign3A_651, %sign3A_655 : vector<16xi32>
      %sign3A_657 = arith.constant 0 : i32
      %sign3A_658 = arith.cmpi sgt, %jit3A_645, %sign3A_657 : i32
      %sign3A_659 = arith.extui %sign3A_658 : i1 to i32
      %sign3A_660 = arith.constant 0 : i32
      %sign3A_661 = arith.cmpi slt, %jit3A_645, %sign3A_660 : i32
      %sign3A_662 = arith.extui %sign3A_661 : i1 to i32
      %sign3A_663 = arith.subi %sign3A_659, %sign3A_662 : i32
      %ne3A_664 = vector.broadcast %sign3A_663 : i32 to vector<16xi32>
      %ne3A_665 = arith.cmpi ne, %sign3A_656, %ne3A_664 : vector<16xi32>
      %rem3A_666 = vector.broadcast %jit3A_645 : i32 to vector<16xi32>
      %rem3A_667 = arith.remsi %get3A_618, %rem3A_666 : vector<16xi32>
      %ne3A_668 = arith.constant 0 : i32
      %ne3A_669 = vector.broadcast %ne3A_668 : i32 to vector<16xi32>
      %ne3A_670 = arith.cmpi ne, %rem3A_667, %ne3A_669 : vector<16xi32>
      %and3A_671 = arith.andi %ne3A_665, %ne3A_670 : vector<16xi1>
      %sub3A_672 = arith.constant 1 : i32
      %sub3A_673 = vector.broadcast %sub3A_672 : i32 to vector<16xi32>
      %sub3A_674 = arith.subi %div3A_647, %sub3A_673 : vector<16xi32>
      %select_n3A_675 = arith.select %and3A_671, %sub3A_674, %div3A_647 : vector<16xi1>, vector<16xi32>
      %mul3A_676 = arith.constant 91 : i32
      %mul3A_677 = vector.broadcast %mul3A_676 : i32 to vector<16xi32>
      %mul3A_678 = arith.muli %select_n3A_675, %mul3A_677 : vector<16xi32>
      %sub3A_679 = arith.subi %get3A_618, %mul3A_678 : vector<16xi32>
      %swap3A_680 = arith.constant 16 : index
      %swap3A_681 = tpu.vector_load %arg33[%swap3A_680] {strides = array<i32>} : memref<112xi32, #tpu.memory_space<vmem>>, vector<16xi32>,
      tpu.vector_store %arg33[%swap3A_680], %sub3A_679 {strides = array<i32>} : memref<112xi32, #tpu.memory_space<vmem>>, vector<16xi32>,
      %swap3A_682 = arith.constant 16 : index
      %swap3A_683 = tpu.vector_load %arg35[%swap3A_682] {strides = array<i32>} : memref<112xi32, #tpu.memory_space<vmem>>, vector<16xi32>,
      tpu.vector_store %arg35[%swap3A_682], %select_n3A_675 {strides = array<i32>} : memref<112xi32, #tpu.memory_space<vmem>>, vector<16xi32>,
      %mul3A_684 = arith.constant 5000 : i32
      %mul3A_685 = arith.muli %add3A, %mul3A_684 : i32
      %add3A_686 = vector.broadcast %mul3A_685 : i32 to vector<16xi32>
      %add3A_687 = arith.addi %broadcast_in_dim3A_60, %add3A_686 : vector<16xi32>
      %add3A_688 = arith.addi %select_n3A_675, %add3A_687 : vector<16xi32>
      %swap3A_689 = arith.constant 16 : index
      %swap3A_690 = tpu.vector_load %arg34[%swap3A_689] {strides = array<i32>} : memref<112xi32, #tpu.memory_space<vmem>>, vector<16xi32>,
      tpu.vector_store %arg34[%swap3A_689], %add3A_688 {strides = array<i32>} : memref<112xi32, #tpu.memory_space<vmem>>, vector<16xi32>,
      %get3A_691 = arith.constant 32 : index
      %get3A_692 = tpu.vector_load %arg30[%get3A_691] {strides = array<i32>} : memref<112xi32, #tpu.memory_space<vmem>>, vector<16xi32>,
      %get3A_693 = arith.constant 32 : index
      %get3A_694 = tpu.vector_load %arg31[%get3A_693] {strides = array<i32>} : memref<112xi32, #tpu.memory_space<vmem>>, vector<16xi32>,
      %bitcast_convert_type3A_695 = tpu.bitcast %get3A_692 : vector<16xi32> -> vector<16xi32>
      %xor3A_696 = arith.constant -2147483648 : i32
      %xor3A_697 = vector.broadcast %xor3A_696 : i32 to vector<16xi32>
      %xor3A_698 = arith.xori %bitcast_convert_type3A_695, %xor3A_697 : vector<16xi32>
      %ge3A_699 = arith.constant 0 : i32
      %ge3A_700 = vector.broadcast %ge3A_699 : i32 to vector<16xi32>
      %ge3A_701 = arith.cmpi sge, %get3A_692, %ge3A_700 : vector<16xi32>
      %xor3A_702 = arith.constant -2147483648 : i32
      %xor3A_703 = vector.broadcast %xor3A_702 : i32 to vector<16xi32>
      %xor3A_704 = arith.xori %xor3A_698, %xor3A_703 : vector<16xi32>
      %not3A_705 = arith.constant dense<-1> : vector<16xi32>
      %not3A_706 = arith.xori %xor3A_698, %not3A_705 : vector<16xi32>
      %select_n3A_707 = arith.select %ge3A_701, %xor3A_704, %not3A_706 : vector<16xi1>, vector<16xi32>
      %bitcast_convert_type3A_708 = tpu.bitcast %select_n3A_707 : vector<16xi32> -> vector<16xf32>
      %neg3A_709 = arith.constant 0.000000e+00 : f32
      %neg3A_710 = vector.broadcast %neg3A_709 : f32 to vector<16xf32>
      %neg3A_711 = arith.subf %neg3A_710, %bitcast_convert_type3A_708 : vector<16xf32>
      %exp3A_712 = math.exp %neg3A_711 : vector<16xf32>
      %add3A_713 = arith.constant 1.000000e+00 : f32
      %add3A_714 = vector.broadcast %add3A_713 : f32 to vector<16xf32>
      %add3A_715 = arith.addf %add3A_714, %exp3A_712 : vector<16xf32>
      %div3A_716 = arith.constant 1.000000e+00 : f32
      %div3A_717 = vector.broadcast %div3A_716 : f32 to vector<16xf32>
      %div3A_718 = arith.divf %div3A_717, %add3A_715 : vector<16xf32>
      %swap3A_719 = arith.constant 32 : index
      %swap3A_720 = tpu.vector_load %arg32[%swap3A_719] {strides = array<i32>} : memref<112xf32, #tpu.memory_space<vmem>>, vector<16xf32>,
      tpu.vector_store %arg32[%swap3A_719], %div3A_718 {strides = array<i32>} : memref<112xf32, #tpu.memory_space<vmem>>, vector<16xf32>,
      %jit3A_721 = arith.constant 91 : i32
      %div3A_722 = vector.broadcast %jit3A_721 : i32 to vector<16xi32>
      %div3A_723 = arith.divsi %get3A_694, %div3A_722 : vector<16xi32>
      %sign3A_724 = arith.constant 0 : i32
      %sign3A_725 = vector.broadcast %sign3A_724 : i32 to vector<16xi32>
      %sign3A_726 = arith.cmpi sgt, %get3A_694, %sign3A_725 : vector<16xi32>
      %sign3A_727 = arith.extui %sign3A_726 : vector<16xi1> to vector<16xi32>
      %sign3A_728 = arith.constant 0 : i32
      %sign3A_729 = vector.broadcast %sign3A_728 : i32 to vector<16xi32>
      %sign3A_730 = arith.cmpi slt, %get3A_694, %sign3A_729 : vector<16xi32>
      %sign3A_731 = arith.extui %sign3A_730 : vector<16xi1> to vector<16xi32>
      %sign3A_732 = arith.subi %sign3A_727, %sign3A_731 : vector<16xi32>
      %sign3A_733 = arith.constant 0 : i32
      %sign3A_734 = arith.cmpi sgt, %jit3A_721, %sign3A_733 : i32
      %sign3A_735 = arith.extui %sign3A_734 : i1 to i32
      %sign3A_736 = arith.constant 0 : i32
      %sign3A_737 = arith.cmpi slt, %jit3A_721, %sign3A_736 : i32
      %sign3A_738 = arith.extui %sign3A_737 : i1 to i32
      %sign3A_739 = arith.subi %sign3A_735, %sign3A_738 : i32
      %ne3A_740 = vector.broadcast %sign3A_739 : i32 to vector<16xi32>
      %ne3A_741 = arith.cmpi ne, %sign3A_732, %ne3A_740 : vector<16xi32>
      %rem3A_742 = vector.broadcast %jit3A_721 : i32 to vector<16xi32>
      %rem3A_743 = arith.remsi %get3A_694, %rem3A_742 : vector<16xi32>
      %ne3A_744 = arith.constant 0 : i32
      %ne3A_745 = vector.broadcast %ne3A_744 : i32 to vector<16xi32>
      %ne3A_746 = arith.cmpi ne, %rem3A_743, %ne3A_745 : vector<16xi32>
      %and3A_747 = arith.andi %ne3A_741, %ne3A_746 : vector<16xi1>
      %sub3A_748 = arith.constant 1 : i32
      %sub3A_749 = vector.broadcast %sub3A_748 : i32 to vector<16xi32>
      %sub3A_750 = arith.subi %div3A_723, %sub3A_749 : vector<16xi32>
      %select_n3A_751 = arith.select %and3A_747, %sub3A_750, %div3A_723 : vector<16xi1>, vector<16xi32>
      %mul3A_752 = arith.constant 91 : i32
      %mul3A_753 = vector.broadcast %mul3A_752 : i32 to vector<16xi32>
      %mul3A_754 = arith.muli %select_n3A_751, %mul3A_753 : vector<16xi32>
      %sub3A_755 = arith.subi %get3A_694, %mul3A_754 : vector<16xi32>
      %swap3A_756 = arith.constant 32 : index
      %swap3A_757 = tpu.vector_load %arg33[%swap3A_756] {strides = array<i32>} : memref<112xi32, #tpu.memory_space<vmem>>, vector<16xi32>,
      tpu.vector_store %arg33[%swap3A_756], %sub3A_755 {strides = array<i32>} : memref<112xi32, #tpu.memory_space<vmem>>, vector<16xi32>,
      %swap3A_758 = arith.constant 32 : index
      %swap3A_759 = tpu.vector_load %arg35[%swap3A_758] {strides = array<i32>} : memref<112xi32, #tpu.memory_space<vmem>>, vector<16xi32>,
      tpu.vector_store %arg35[%swap3A_758], %select_n3A_751 {strides = array<i32>} : memref<112xi32, #tpu.memory_space<vmem>>, vector<16xi32>,
      %mul3A_760 = arith.constant 5000 : i32
      %mul3A_761 = arith.muli %add3A, %mul3A_760 : i32
      %add3A_762 = vector.broadcast %mul3A_761 : i32 to vector<16xi32>
      %add3A_763 = arith.addi %broadcast_in_dim3A_60, %add3A_762 : vector<16xi32>
      %add3A_764 = arith.addi %select_n3A_751, %add3A_763 : vector<16xi32>
      %swap3A_765 = arith.constant 32 : index
      %swap3A_766 = tpu.vector_load %arg34[%swap3A_765] {strides = array<i32>} : memref<112xi32, #tpu.memory_space<vmem>>, vector<16xi32>,
      tpu.vector_store %arg34[%swap3A_765], %add3A_764 {strides = array<i32>} : memref<112xi32, #tpu.memory_space<vmem>>, vector<16xi32>,
      %get3A_767 = arith.constant 48 : index
      %get3A_768 = tpu.vector_load %arg30[%get3A_767] {strides = array<i32>} : memref<112xi32, #tpu.memory_space<vmem>>, vector<16xi32>,
      %get3A_769 = arith.constant 48 : index
      %get3A_770 = tpu.vector_load %arg31[%get3A_769] {strides = array<i32>} : memref<112xi32, #tpu.memory_space<vmem>>, vector<16xi32>,
      %bitcast_convert_type3A_771 = tpu.bitcast %get3A_768 : vector<16xi32> -> vector<16xi32>
      %xor3A_772 = arith.constant -2147483648 : i32
      %xor3A_773 = vector.broadcast %xor3A_772 : i32 to vector<16xi32>
      %xor3A_774 = arith.xori %bitcast_convert_type3A_771, %xor3A_773 : vector<16xi32>
      %ge3A_775 = arith.constant 0 : i32
      %ge3A_776 = vector.broadcast %ge3A_775 : i32 to vector<16xi32>
      %ge3A_777 = arith.cmpi sge, %get3A_768, %ge3A_776 : vector<16xi32>
      %xor3A_778 = arith.constant -2147483648 : i32
      %xor3A_779 = vector.broadcast %xor3A_778 : i32 to vector<16xi32>
      %xor3A_780 = arith.xori %xor3A_774, %xor3A_779 : vector<16xi32>
      %not3A_781 = arith.constant dense<-1> : vector<16xi32>
      %not3A_782 = arith.xori %xor3A_774, %not3A_781 : vector<16xi32>
      %select_n3A_783 = arith.select %ge3A_777, %xor3A_780, %not3A_782 : vector<16xi1>, vector<16xi32>
      %bitcast_convert_type3A_784 = tpu.bitcast %select_n3A_783 : vector<16xi32> -> vector<16xf32>
      %neg3A_785 = arith.constant 0.000000e+00 : f32
      %neg3A_786 = vector.broadcast %neg3A_785 : f32 to vector<16xf32>
      %neg3A_787 = arith.subf %neg3A_786, %bitcast_convert_type3A_784 : vector<16xf32>
      %exp3A_788 = math.exp %neg3A_787 : vector<16xf32>
      %add3A_789 = arith.constant 1.000000e+00 : f32
      %add3A_790 = vector.broadcast %add3A_789 : f32 to vector<16xf32>
      %add3A_791 = arith.addf %add3A_790, %exp3A_788 : vector<16xf32>
      %div3A_792 = arith.constant 1.000000e+00 : f32
      %div3A_793 = vector.broadcast %div3A_792 : f32 to vector<16xf32>
      %div3A_794 = arith.divf %div3A_793, %add3A_791 : vector<16xf32>
      %swap3A_795 = arith.constant 48 : index
      %swap3A_796 = tpu.vector_load %arg32[%swap3A_795] {strides = array<i32>} : memref<112xf32, #tpu.memory_space<vmem>>, vector<16xf32>,
      tpu.vector_store %arg32[%swap3A_795], %div3A_794 {strides = array<i32>} : memref<112xf32, #tpu.memory_space<vmem>>, vector<16xf32>,
      %jit3A_797 = arith.constant 91 : i32
      %div3A_798 = vector.broadcast %jit3A_797 : i32 to vector<16xi32>
      %div3A_799 = arith.divsi %get3A_770, %div3A_798 : vector<16xi32>
      %sign3A_800 = arith.constant 0 : i32
      %sign3A_801 = vector.broadcast %sign3A_800 : i32 to vector<16xi32>
      %sign3A_802 = arith.cmpi sgt, %get3A_770, %sign3A_801 : vector<16xi32>
      %sign3A_803 = arith.extui %sign3A_802 : vector<16xi1> to vector<16xi32>
      %sign3A_804 = arith.constant 0 : i32
      %sign3A_805 = vector.broadcast %sign3A_804 : i32 to vector<16xi32>
      %sign3A_806 = arith.cmpi slt, %get3A_770, %sign3A_805 : vector<16xi32>
      %sign3A_807 = arith.extui %sign3A_806 : vector<16xi1> to vector<16xi32>
      %sign3A_808 = arith.subi %sign3A_803, %sign3A_807 : vector<16xi32>
      %sign3A_809 = arith.constant 0 : i32
      %sign3A_810 = arith.cmpi sgt, %jit3A_797, %sign3A_809 : i32
      %sign3A_811 = arith.extui %sign3A_810 : i1 to i32
      %sign3A_812 = arith.constant 0 : i32
      %sign3A_813 = arith.cmpi slt, %jit3A_797, %sign3A_812 : i32
      %sign3A_814 = arith.extui %sign3A_813 : i1 to i32
      %sign3A_815 = arith.subi %sign3A_811, %sign3A_814 : i32
      %ne3A_816 = vector.broadcast %sign3A_815 : i32 to vector<16xi32>
      %ne3A_817 = arith.cmpi ne, %sign3A_808, %ne3A_816 : vector<16xi32>
      %rem3A_818 = vector.broadcast %jit3A_797 : i32 to vector<16xi32>
      %rem3A_819 = arith.remsi %get3A_770, %rem3A_818 : vector<16xi32>
      %ne3A_820 = arith.constant 0 : i32
      %ne3A_821 = vector.broadcast %ne3A_820 : i32 to vector<16xi32>
      %ne3A_822 = arith.cmpi ne, %rem3A_819, %ne3A_821 : vector<16xi32>
      %and3A_823 = arith.andi %ne3A_817, %ne3A_822 : vector<16xi1>
      %sub3A_824 = arith.constant 1 : i32
      %sub3A_825 = vector.broadcast %sub3A_824 : i32 to vector<16xi32>
      %sub3A_826 = arith.subi %div3A_799, %sub3A_825 : vector<16xi32>
      %select_n3A_827 = arith.select %and3A_823, %sub3A_826, %div3A_799 : vector<16xi1>, vector<16xi32>
      %mul3A_828 = arith.constant 91 : i32
      %mul3A_829 = vector.broadcast %mul3A_828 : i32 to vector<16xi32>
      %mul3A_830 = arith.muli %select_n3A_827, %mul3A_829 : vector<16xi32>
      %sub3A_831 = arith.subi %get3A_770, %mul3A_830 : vector<16xi32>
      %swap3A_832 = arith.constant 48 : index
      %swap3A_833 = tpu.vector_load %arg33[%swap3A_832] {strides = array<i32>} : memref<112xi32, #tpu.memory_space<vmem>>, vector<16xi32>,
      tpu.vector_store %arg33[%swap3A_832], %sub3A_831 {strides = array<i32>} : memref<112xi32, #tpu.memory_space<vmem>>, vector<16xi32>,
      %swap3A_834 = arith.constant 48 : index
      %swap3A_835 = tpu.vector_load %arg35[%swap3A_834] {strides = array<i32>} : memref<112xi32, #tpu.memory_space<vmem>>, vector<16xi32>,
      tpu.vector_store %arg35[%swap3A_834], %select_n3A_827 {strides = array<i32>} : memref<112xi32, #tpu.memory_space<vmem>>, vector<16xi32>,
      %mul3A_836 = arith.constant 5000 : i32
      %mul3A_837 = arith.muli %add3A, %mul3A_836 : i32
      %add3A_838 = vector.broadcast %mul3A_837 : i32 to vector<16xi32>
      %add3A_839 = arith.addi %broadcast_in_dim3A_60, %add3A_838 : vector<16xi32>
      %add3A_840 = arith.addi %select_n3A_827, %add3A_839 : vector<16xi32>
      %swap3A_841 = arith.constant 48 : index
      %swap3A_842 = tpu.vector_load %arg34[%swap3A_841] {strides = array<i32>} : memref<112xi32, #tpu.memory_space<vmem>>, vector<16xi32>,
      tpu.vector_store %arg34[%swap3A_841], %add3A_840 {strides = array<i32>} : memref<112xi32, #tpu.memory_space<vmem>>, vector<16xi32>,
      %get3A_843 = arith.constant 64 : index
      %get3A_844 = tpu.vector_load %arg30[%get3A_843] {strides = array<i32>} : memref<112xi32, #tpu.memory_space<vmem>>, vector<16xi32>,
      %get3A_845 = arith.constant 64 : index
      %get3A_846 = tpu.vector_load %arg31[%get3A_845] {strides = array<i32>} : memref<112xi32, #tpu.memory_space<vmem>>, vector<16xi32>,
      %bitcast_convert_type3A_847 = tpu.bitcast %get3A_844 : vector<16xi32> -> vector<16xi32>
      %xor3A_848 = arith.constant -2147483648 : i32
      %xor3A_849 = vector.broadcast %xor3A_848 : i32 to vector<16xi32>
      %xor3A_850 = arith.xori %bitcast_convert_type3A_847, %xor3A_849 : vector<16xi32>
      %ge3A_851 = arith.constant 0 : i32
      %ge3A_852 = vector.broadcast %ge3A_851 : i32 to vector<16xi32>
      %ge3A_853 = arith.cmpi sge, %get3A_844, %ge3A_852 : vector<16xi32>
      %xor3A_854 = arith.constant -2147483648 : i32
      %xor3A_855 = vector.broadcast %xor3A_854 : i32 to vector<16xi32>
      %xor3A_856 = arith.xori %xor3A_850, %xor3A_855 : vector<16xi32>
      %not3A_857 = arith.constant dense<-1> : vector<16xi32>
      %not3A_858 = arith.xori %xor3A_850, %not3A_857 : vector<16xi32>
      %select_n3A_859 = arith.select %ge3A_853, %xor3A_856, %not3A_858 : vector<16xi1>, vector<16xi32>
      %bitcast_convert_type3A_860 = tpu.bitcast %select_n3A_859 : vector<16xi32> -> vector<16xf32>
      %neg3A_861 = arith.constant 0.000000e+00 : f32
      %neg3A_862 = vector.broadcast %neg3A_861 : f32 to vector<16xf32>
      %neg3A_863 = arith.subf %neg3A_862, %bitcast_convert_type3A_860 : vector<16xf32>
      %exp3A_864 = math.exp %neg3A_863 : vector<16xf32>
      %add3A_865 = arith.constant 1.000000e+00 : f32
      %add3A_866 = vector.broadcast %add3A_865 : f32 to vector<16xf32>
      %add3A_867 = arith.addf %add3A_866, %exp3A_864 : vector<16xf32>
      %div3A_868 = arith.constant 1.000000e+00 : f32
      %div3A_869 = vector.broadcast %div3A_868 : f32 to vector<16xf32>
      %div3A_870 = arith.divf %div3A_869, %add3A_867 : vector<16xf32>
      %swap3A_871 = arith.constant 64 : index
      %swap3A_872 = tpu.vector_load %arg32[%swap3A_871] {strides = array<i32>} : memref<112xf32, #tpu.memory_space<vmem>>, vector<16xf32>,
      tpu.vector_store %arg32[%swap3A_871], %div3A_870 {strides = array<i32>} : memref<112xf32, #tpu.memory_space<vmem>>, vector<16xf32>,
      %jit3A_873 = arith.constant 91 : i32
      %div3A_874 = vector.broadcast %jit3A_873 : i32 to vector<16xi32>
      %div3A_875 = arith.divsi %get3A_846, %div3A_874 : vector<16xi32>
      %sign3A_876 = arith.constant 0 : i32
      %sign3A_877 = vector.broadcast %sign3A_876 : i32 to vector<16xi32>
      %sign3A_878 = arith.cmpi sgt, %get3A_846, %sign3A_877 : vector<16xi32>
      %sign3A_879 = arith.extui %sign3A_878 : vector<16xi1> to vector<16xi32>
      %sign3A_880 = arith.constant 0 : i32
      %sign3A_881 = vector.broadcast %sign3A_880 : i32 to vector<16xi32>
      %sign3A_882 = arith.cmpi slt, %get3A_846, %sign3A_881 : vector<16xi32>
      %sign3A_883 = arith.extui %sign3A_882 : vector<16xi1> to vector<16xi32>
      %sign3A_884 = arith.subi %sign3A_879, %sign3A_883 : vector<16xi32>
      %sign3A_885 = arith.constant 0 : i32
      %sign3A_886 = arith.cmpi sgt, %jit3A_873, %sign3A_885 : i32
      %sign3A_887 = arith.extui %sign3A_886 : i1 to i32
      %sign3A_888 = arith.constant 0 : i32
      %sign3A_889 = arith.cmpi slt, %jit3A_873, %sign3A_888 : i32
      %sign3A_890 = arith.extui %sign3A_889 : i1 to i32
      %sign3A_891 = arith.subi %sign3A_887, %sign3A_890 : i32
      %ne3A_892 = vector.broadcast %sign3A_891 : i32 to vector<16xi32>
      %ne3A_893 = arith.cmpi ne, %sign3A_884, %ne3A_892 : vector<16xi32>
      %rem3A_894 = vector.broadcast %jit3A_873 : i32 to vector<16xi32>
      %rem3A_895 = arith.remsi %get3A_846, %rem3A_894 : vector<16xi32>
      %ne3A_896 = arith.constant 0 : i32
      %ne3A_897 = vector.broadcast %ne3A_896 : i32 to vector<16xi32>
      %ne3A_898 = arith.cmpi ne, %rem3A_895, %ne3A_897 : vector<16xi32>
      %and3A_899 = arith.andi %ne3A_893, %ne3A_898 : vector<16xi1>
      %sub3A_900 = arith.constant 1 : i32
      %sub3A_901 = vector.broadcast %sub3A_900 : i32 to vector<16xi32>
      %sub3A_902 = arith.subi %div3A_875, %sub3A_901 : vector<16xi32>
      %select_n3A_903 = arith.select %and3A_899, %sub3A_902, %div3A_875 : vector<16xi1>, vector<16xi32>
      %mul3A_904 = arith.constant 91 : i32
      %mul3A_905 = vector.broadcast %mul3A_904 : i32 to vector<16xi32>
      %mul3A_906 = arith.muli %select_n3A_903, %mul3A_905 : vector<16xi32>
      %sub3A_907 = arith.subi %get3A_846, %mul3A_906 : vector<16xi32>
      %swap3A_908 = arith.constant 64 : index
      %swap3A_909 = tpu.vector_load %arg33[%swap3A_908] {strides = array<i32>} : memref<112xi32, #tpu.memory_space<vmem>>, vector<16xi32>,
      tpu.vector_store %arg33[%swap3A_908], %sub3A_907 {strides = array<i32>} : memref<112xi32, #tpu.memory_space<vmem>>, vector<16xi32>,
      %swap3A_910 = arith.constant 64 : index
      %swap3A_911 = tpu.vector_load %arg35[%swap3A_910] {strides = array<i32>} : memref<112xi32, #tpu.memory_space<vmem>>, vector<16xi32>,
      tpu.vector_store %arg35[%swap3A_910], %select_n3A_903 {strides = array<i32>} : memref<112xi32, #tpu.memory_space<vmem>>, vector<16xi32>,
      %mul3A_912 = arith.constant 5000 : i32
      %mul3A_913 = arith.muli %add3A, %mul3A_912 : i32
      %add3A_914 = vector.broadcast %mul3A_913 : i32 to vector<16xi32>
      %add3A_915 = arith.addi %broadcast_in_dim3A_60, %add3A_914 : vector<16xi32>
      %add3A_916 = arith.addi %select_n3A_903, %add3A_915 : vector<16xi32>
      %swap3A_917 = arith.constant 64 : index
      %swap3A_918 = tpu.vector_load %arg34[%swap3A_917] {strides = array<i32>} : memref<112xi32, #tpu.memory_space<vmem>>, vector<16xi32>,
      tpu.vector_store %arg34[%swap3A_917], %add3A_916 {strides = array<i32>} : memref<112xi32, #tpu.memory_space<vmem>>, vector<16xi32>,
      %get3A_919 = arith.constant 80 : index
      %get3A_920 = tpu.vector_load %arg30[%get3A_919] {strides = array<i32>} : memref<112xi32, #tpu.memory_space<vmem>>, vector<16xi32>,
      %get3A_921 = arith.constant 80 : index
      %get3A_922 = tpu.vector_load %arg31[%get3A_921] {strides = array<i32>} : memref<112xi32, #tpu.memory_space<vmem>>, vector<16xi32>,
      %bitcast_convert_type3A_923 = tpu.bitcast %get3A_920 : vector<16xi32> -> vector<16xi32>
      %xor3A_924 = arith.constant -2147483648 : i32
      %xor3A_925 = vector.broadcast %xor3A_924 : i32 to vector<16xi32>
      %xor3A_926 = arith.xori %bitcast_convert_type3A_923, %xor3A_925 : vector<16xi32>
      %ge3A_927 = arith.constant 0 : i32
      %ge3A_928 = vector.broadcast %ge3A_927 : i32 to vector<16xi32>
      %ge3A_929 = arith.cmpi sge, %get3A_920, %ge3A_928 : vector<16xi32>
      %xor3A_930 = arith.constant -2147483648 : i32
      %xor3A_931 = vector.broadcast %xor3A_930 : i32 to vector<16xi32>
      %xor3A_932 = arith.xori %xor3A_926, %xor3A_931 : vector<16xi32>
      %not3A_933 = arith.constant dense<-1> : vector<16xi32>
      %not3A_934 = arith.xori %xor3A_926, %not3A_933 : vector<16xi32>
      %select_n3A_935 = arith.select %ge3A_929, %xor3A_932, %not3A_934 : vector<16xi1>, vector<16xi32>
      %bitcast_convert_type3A_936 = tpu.bitcast %select_n3A_935 : vector<16xi32> -> vector<16xf32>
      %neg3A_937 = arith.constant 0.000000e+00 : f32
      %neg3A_938 = vector.broadcast %neg3A_937 : f32 to vector<16xf32>
      %neg3A_939 = arith.subf %neg3A_938, %bitcast_convert_type3A_936 : vector<16xf32>
      %exp3A_940 = math.exp %neg3A_939 : vector<16xf32>
      %add3A_941 = arith.constant 1.000000e+00 : f32
      %add3A_942 = vector.broadcast %add3A_941 : f32 to vector<16xf32>
      %add3A_943 = arith.addf %add3A_942, %exp3A_940 : vector<16xf32>
      %div3A_944 = arith.constant 1.000000e+00 : f32
      %div3A_945 = vector.broadcast %div3A_944 : f32 to vector<16xf32>
      %div3A_946 = arith.divf %div3A_945, %add3A_943 : vector<16xf32>
      %swap3A_947 = arith.constant 80 : index
      %swap3A_948 = tpu.vector_load %arg32[%swap3A_947] {strides = array<i32>} : memref<112xf32, #tpu.memory_space<vmem>>, vector<16xf32>,
      tpu.vector_store %arg32[%swap3A_947], %div3A_946 {strides = array<i32>} : memref<112xf32, #tpu.memory_space<vmem>>, vector<16xf32>,
      %jit3A_949 = arith.constant 91 : i32
      %div3A_950 = vector.broadcast %jit3A_949 : i32 to vector<16xi32>
      %div3A_951 = arith.divsi %get3A_922, %div3A_950 : vector<16xi32>
      %sign3A_952 = arith.constant 0 : i32
      %sign3A_953 = vector.broadcast %sign3A_952 : i32 to vector<16xi32>
      %sign3A_954 = arith.cmpi sgt, %get3A_922, %sign3A_953 : vector<16xi32>
      %sign3A_955 = arith.extui %sign3A_954 : vector<16xi1> to vector<16xi32>
      %sign3A_956 = arith.constant 0 : i32
      %sign3A_957 = vector.broadcast %sign3A_956 : i32 to vector<16xi32>
      %sign3A_958 = arith.cmpi slt, %get3A_922, %sign3A_957 : vector<16xi32>
      %sign3A_959 = arith.extui %sign3A_958 : vector<16xi1> to vector<16xi32>
      %sign3A_960 = arith.subi %sign3A_955, %sign3A_959 : vector<16xi32>
      %sign3A_961 = arith.constant 0 : i32
      %sign3A_962 = arith.cmpi sgt, %jit3A_949, %sign3A_961 : i32
      %sign3A_963 = arith.extui %sign3A_962 : i1 to i32
      %sign3A_964 = arith.constant 0 : i32
      %sign3A_965 = arith.cmpi slt, %jit3A_949, %sign3A_964 : i32
      %sign3A_966 = arith.extui %sign3A_965 : i1 to i32
      %sign3A_967 = arith.subi %sign3A_963, %sign3A_966 : i32
      %ne3A_968 = vector.broadcast %sign3A_967 : i32 to vector<16xi32>
      %ne3A_969 = arith.cmpi ne, %sign3A_960, %ne3A_968 : vector<16xi32>
      %rem3A_970 = vector.broadcast %jit3A_949 : i32 to vector<16xi32>
      %rem3A_971 = arith.remsi %get3A_922, %rem3A_970 : vector<16xi32>
      %ne3A_972 = arith.constant 0 : i32
      %ne3A_973 = vector.broadcast %ne3A_972 : i32 to vector<16xi32>
      %ne3A_974 = arith.cmpi ne, %rem3A_971, %ne3A_973 : vector<16xi32>
      %and3A_975 = arith.andi %ne3A_969, %ne3A_974 : vector<16xi1>
      %sub3A_976 = arith.constant 1 : i32
      %sub3A_977 = vector.broadcast %sub3A_976 : i32 to vector<16xi32>
      %sub3A_978 = arith.subi %div3A_951, %sub3A_977 : vector<16xi32>
      %select_n3A_979 = arith.select %and3A_975, %sub3A_978, %div3A_951 : vector<16xi1>, vector<16xi32>
      %mul3A_980 = arith.constant 91 : i32
      %mul3A_981 = vector.broadcast %mul3A_980 : i32 to vector<16xi32>
      %mul3A_982 = arith.muli %select_n3A_979, %mul3A_981 : vector<16xi32>
      %sub3A_983 = arith.subi %get3A_922, %mul3A_982 : vector<16xi32>
      %swap3A_984 = arith.constant 80 : index
      %swap3A_985 = tpu.vector_load %arg33[%swap3A_984] {strides = array<i32>} : memref<112xi32, #tpu.memory_space<vmem>>, vector<16xi32>,
      tpu.vector_store %arg33[%swap3A_984], %sub3A_983 {strides = array<i32>} : memref<112xi32, #tpu.memory_space<vmem>>, vector<16xi32>,
      %swap3A_986 = arith.constant 80 : index
      %swap3A_987 = tpu.vector_load %arg35[%swap3A_986] {strides = array<i32>} : memref<112xi32, #tpu.memory_space<vmem>>, vector<16xi32>,
      tpu.vector_store %arg35[%swap3A_986], %select_n3A_979 {strides = array<i32>} : memref<112xi32, #tpu.memory_space<vmem>>, vector<16xi32>,
      %mul3A_988 = arith.constant 5000 : i32
      %mul3A_989 = arith.muli %add3A, %mul3A_988 : i32
      %add3A_990 = vector.broadcast %mul3A_989 : i32 to vector<16xi32>
      %add3A_991 = arith.addi %broadcast_in_dim3A_60, %add3A_990 : vector<16xi32>
      %add3A_992 = arith.addi %select_n3A_979, %add3A_991 : vector<16xi32>
      %swap3A_993 = arith.constant 80 : index
      %swap3A_994 = tpu.vector_load %arg34[%swap3A_993] {strides = array<i32>} : memref<112xi32, #tpu.memory_space<vmem>>, vector<16xi32>,
      tpu.vector_store %arg34[%swap3A_993], %add3A_992 {strides = array<i32>} : memref<112xi32, #tpu.memory_space<vmem>>, vector<16xi32>,
      %get3A_995 = arith.constant 96 : index
      %get3A_996 = tpu.vector_load %arg30[%get3A_995] {strides = array<i32>} : memref<112xi32, #tpu.memory_space<vmem>>, vector<16xi32>,
      %get3A_997 = arith.constant 96 : index
      %get3A_998 = tpu.vector_load %arg31[%get3A_997] {strides = array<i32>} : memref<112xi32, #tpu.memory_space<vmem>>, vector<16xi32>,
      %bitcast_convert_type3A_999 = tpu.bitcast %get3A_996 : vector<16xi32> -> vector<16xi32>
      %xor3A_1000 = arith.constant -2147483648 : i32
      %xor3A_1001 = vector.broadcast %xor3A_1000 : i32 to vector<16xi32>
      %xor3A_1002 = arith.xori %bitcast_convert_type3A_999, %xor3A_1001 : vector<16xi32>
      %ge3A_1003 = arith.constant 0 : i32
      %ge3A_1004 = vector.broadcast %ge3A_1003 : i32 to vector<16xi32>
      %ge3A_1005 = arith.cmpi sge, %get3A_996, %ge3A_1004 : vector<16xi32>
      %xor3A_1006 = arith.constant -2147483648 : i32
      %xor3A_1007 = vector.broadcast %xor3A_1006 : i32 to vector<16xi32>
      %xor3A_1008 = arith.xori %xor3A_1002, %xor3A_1007 : vector<16xi32>
      %not3A_1009 = arith.constant dense<-1> : vector<16xi32>
      %not3A_1010 = arith.xori %xor3A_1002, %not3A_1009 : vector<16xi32>
      %select_n3A_1011 = arith.select %ge3A_1005, %xor3A_1008, %not3A_1010 : vector<16xi1>, vector<16xi32>
      %bitcast_convert_type3A_1012 = tpu.bitcast %select_n3A_1011 : vector<16xi32> -> vector<16xf32>
      %neg3A_1013 = arith.constant 0.000000e+00 : f32
      %neg3A_1014 = vector.broadcast %neg3A_1013 : f32 to vector<16xf32>
      %neg3A_1015 = arith.subf %neg3A_1014, %bitcast_convert_type3A_1012 : vector<16xf32>
      %exp3A_1016 = math.exp %neg3A_1015 : vector<16xf32>
      %add3A_1017 = arith.constant 1.000000e+00 : f32
      %add3A_1018 = vector.broadcast %add3A_1017 : f32 to vector<16xf32>
      %add3A_1019 = arith.addf %add3A_1018, %exp3A_1016 : vector<16xf32>
      %div3A_1020 = arith.constant 1.000000e+00 : f32
      %div3A_1021 = vector.broadcast %div3A_1020 : f32 to vector<16xf32>
      %div3A_1022 = arith.divf %div3A_1021, %add3A_1019 : vector<16xf32>
      %swap3A_1023 = arith.constant 96 : index
      %swap3A_1024 = tpu.vector_load %arg32[%swap3A_1023] {strides = array<i32>} : memref<112xf32, #tpu.memory_space<vmem>>, vector<16xf32>,
      tpu.vector_store %arg32[%swap3A_1023], %div3A_1022 {strides = array<i32>} : memref<112xf32, #tpu.memory_space<vmem>>, vector<16xf32>,
      %jit3A_1025 = arith.constant 91 : i32
      %div3A_1026 = vector.broadcast %jit3A_1025 : i32 to vector<16xi32>
      %div3A_1027 = arith.divsi %get3A_998, %div3A_1026 : vector<16xi32>
      %sign3A_1028 = arith.constant 0 : i32
      %sign3A_1029 = vector.broadcast %sign3A_1028 : i32 to vector<16xi32>
      %sign3A_1030 = arith.cmpi sgt, %get3A_998, %sign3A_1029 : vector<16xi32>
      %sign3A_1031 = arith.extui %sign3A_1030 : vector<16xi1> to vector<16xi32>
      %sign3A_1032 = arith.constant 0 : i32
      %sign3A_1033 = vector.broadcast %sign3A_1032 : i32 to vector<16xi32>
      %sign3A_1034 = arith.cmpi slt, %get3A_998, %sign3A_1033 : vector<16xi32>
      %sign3A_1035 = arith.extui %sign3A_1034 : vector<16xi1> to vector<16xi32>
      %sign3A_1036 = arith.subi %sign3A_1031, %sign3A_1035 : vector<16xi32>
      %sign3A_1037 = arith.constant 0 : i32
      %sign3A_1038 = arith.cmpi sgt, %jit3A_1025, %sign3A_1037 : i32
      %sign3A_1039 = arith.extui %sign3A_1038 : i1 to i32
      %sign3A_1040 = arith.constant 0 : i32
      %sign3A_1041 = arith.cmpi slt, %jit3A_1025, %sign3A_1040 : i32
      %sign3A_1042 = arith.extui %sign3A_1041 : i1 to i32
      %sign3A_1043 = arith.subi %sign3A_1039, %sign3A_1042 : i32
      %ne3A_1044 = vector.broadcast %sign3A_1043 : i32 to vector<16xi32>
      %ne3A_1045 = arith.cmpi ne, %sign3A_1036, %ne3A_1044 : vector<16xi32>
      %rem3A_1046 = vector.broadcast %jit3A_1025 : i32 to vector<16xi32>
      %rem3A_1047 = arith.remsi %get3A_998, %rem3A_1046 : vector<16xi32>
      %ne3A_1048 = arith.constant 0 : i32
      %ne3A_1049 = vector.broadcast %ne3A_1048 : i32 to vector<16xi32>
      %ne3A_1050 = arith.cmpi ne, %rem3A_1047, %ne3A_1049 : vector<16xi32>
      %and3A_1051 = arith.andi %ne3A_1045, %ne3A_1050 : vector<16xi1>
      %sub3A_1052 = arith.constant 1 : i32
      %sub3A_1053 = vector.broadcast %sub3A_1052 : i32 to vector<16xi32>
      %sub3A_1054 = arith.subi %div3A_1027, %sub3A_1053 : vector<16xi32>
      %select_n3A_1055 = arith.select %and3A_1051, %sub3A_1054, %div3A_1027 : vector<16xi1>, vector<16xi32>
      %mul3A_1056 = arith.constant 91 : i32
      %mul3A_1057 = vector.broadcast %mul3A_1056 : i32 to vector<16xi32>
      %mul3A_1058 = arith.muli %select_n3A_1055, %mul3A_1057 : vector<16xi32>
      %sub3A_1059 = arith.subi %get3A_998, %mul3A_1058 : vector<16xi32>
      %swap3A_1060 = arith.constant 96 : index
      %swap3A_1061 = tpu.vector_load %arg33[%swap3A_1060] {strides = array<i32>} : memref<112xi32, #tpu.memory_space<vmem>>, vector<16xi32>,
      tpu.vector_store %arg33[%swap3A_1060], %sub3A_1059 {strides = array<i32>} : memref<112xi32, #tpu.memory_space<vmem>>, vector<16xi32>,
      %swap3A_1062 = arith.constant 96 : index
      %swap3A_1063 = tpu.vector_load %arg35[%swap3A_1062] {strides = array<i32>} : memref<112xi32, #tpu.memory_space<vmem>>, vector<16xi32>,
      tpu.vector_store %arg35[%swap3A_1062], %select_n3A_1055 {strides = array<i32>} : memref<112xi32, #tpu.memory_space<vmem>>, vector<16xi32>,
      %mul3A_1064 = arith.constant 5000 : i32
      %mul3A_1065 = arith.muli %add3A, %mul3A_1064 : i32
      %add3A_1066 = vector.broadcast %mul3A_1065 : i32 to vector<16xi32>
      %add3A_1067 = arith.addi %broadcast_in_dim3A_60, %add3A_1066 : vector<16xi32>
      %add3A_1068 = arith.addi %select_n3A_1055, %add3A_1067 : vector<16xi32>
      %swap3A_1069 = arith.constant 96 : index
      %swap3A_1070 = tpu.vector_load %arg34[%swap3A_1069] {strides = array<i32>} : memref<112xi32, #tpu.memory_space<vmem>>, vector<16xi32>,
      tpu.vector_store %arg34[%swap3A_1069], %add3A_1068 {strides = array<i32>} : memref<112xi32, #tpu.memory_space<vmem>>, vector<16xi32>,
      %dma_start3A_1071 = arith.constant 0 : i32
      %dma_start3A_1072 = arith.constant 0 : i32
      %dma_start3A_1073 = tpu.memref_slice %arg4[%dma_start3A_1071, %dma_start3A_1072] : memref<40000x256xf32, #tpu.memory_space<hbm>> -> memref<40000x256xf32, #tpu.memory_space<hbm>>
      tpu.enqueue_indirect_dma source(%dma_start3A_1073 : memref<40000x256xf32, #tpu.memory_space<hbm>>) target(%arg37 : memref<112x256xf32, #tpu.memory_space<vmem>>) offsets(%arg34 : memref<112xi32, #tpu.memory_space<vmem>>) semaphore(%arg43 : memref<!tpu.dma_semaphore, #tpu.memory_space<semaphore_mem>>)
      %mul3A_1074 = arith.constant 5000 : i32
      %mul3A_1075 = arith.muli %add3A, %mul3A_1074 : i32
      %mul3A_1076 = arith.constant 4 : i32
      %mul3A_1077 = arith.muli %mul3A_1075, %mul3A_1076 : i32
      "tpu.region"() ({
        %run_scoped3A = tpu.sem_alloc : memref<!tpu.dma_semaphore, #tpu.memory_space<semaphore_mem>>
        %dma_start3A_2265 = arith.constant 0 : i32
        %dma_start3A_2266 = tpu.memref_slice %arg12[%dma_start3A_2265] : memref<32768xi32, #tpu.memory_space<vmem>> -> memref<20000xi32, #tpu.memory_space<vmem>>
        %dma_start3A_2267 = tpu.memref_slice %arg3[%mul3A_1077] : memref<160000xi32, #tpu.memory_space<hbm>> -> memref<20000xi32, #tpu.memory_space<hbm>>
        %dma_start3A_2268 = arith.constant 0 : i32
        %dma_start3A_2269 = tpu.memref_slice %arg12[%dma_start3A_2268] : memref<32768xi32, #tpu.memory_space<vmem>> -> memref<20000xi32, #tpu.memory_space<vmem>>
        %dma_start3A_2270 = tpu.memref_slice %arg3[%mul3A_1077] : memref<160000xi32, #tpu.memory_space<hbm>> -> memref<20000xi32, #tpu.memory_space<hbm>>
        tpu.enqueue_dma source(%dma_start3A_2270 : memref<20000xi32, #tpu.memory_space<hbm>>) target(%dma_start3A_2269 : memref<20000xi32, #tpu.memory_space<vmem>>) target_semaphore(%run_scoped3A : memref<!tpu.dma_semaphore, #tpu.memory_space<semaphore_mem>>)
        %dma_wait3A_2271 = arith.constant 0 : i32
        %dma_wait3A_2272 = tpu.memref_slice %arg12[%dma_wait3A_2271] : memref<32768xi32, #tpu.memory_space<vmem>> -> memref<20000xi32, #tpu.memory_space<vmem>>
        %dma_wait3A_2273 = tpu.memref_slice %arg3[%mul3A_1077] : memref<160000xi32, #tpu.memory_space<hbm>> -> memref<20000xi32, #tpu.memory_space<hbm>>
        %dma_wait3A_2274 = arith.constant 0 : i32
        %dma_wait3A_2275 = tpu.memref_slice %arg12[%dma_wait3A_2274] : memref<32768xi32, #tpu.memory_space<vmem>> -> memref<20000xi32, #tpu.memory_space<vmem>>
        %dma_wait3A_2276 = tpu.memref_slice %arg3[%mul3A_1077] : memref<160000xi32, #tpu.memory_space<hbm>> -> memref<20000xi32, #tpu.memory_space<hbm>>
        tpu.wait_dma2 semaphore(%run_scoped3A : memref<!tpu.dma_semaphore, #tpu.memory_space<semaphore_mem>>) src(%dma_wait3A_2276 : memref<20000xi32, #tpu.memory_space<hbm>>) dst(%dma_wait3A_2275 : memref<20000xi32, #tpu.memory_space<vmem>>)
        tpu.yield
      }) : () -> ()
      %dma_wait3A_1078 = arith.constant 0 : i32
      %dma_wait3A_1079 = arith.constant 0 : i32
      %dma_wait3A_1080 = tpu.memref_slice %arg4[%dma_wait3A_1078, %dma_wait3A_1079] : memref<40000x256xf32, #tpu.memory_space<hbm>> -> memref<40000x256xf32, #tpu.memory_space<hbm>>
      tpu.wait_indirect_dma semaphore(%arg43 : memref<!tpu.dma_semaphore, #tpu.memory_space<semaphore_mem>>) src(%dma_wait3A_1080 : memref<40000x256xf32, #tpu.memory_space<hbm>>) dst(%arg37 : memref<112x256xf32, #tpu.memory_space<vmem>>)
      %add3A_1081 = arith.constant 0 : i32
      %add3A_1082 = vector.broadcast %add3A_1081 : i32 to vector<16xi32>
      %add3A_1083 = arith.addi %broadcast_in_dim3A_60, %add3A_1082 : vector<16xi32>
      %add3A_1084 = arith.addi %add3A_1083, %iota3A : vector<16xi32>
      %shift_right_arithmetic3A = arith.constant 2 : i32
      %shift_right_arithmetic3A_1085 = vector.broadcast %shift_right_arithmetic3A : i32 to vector<16xi32>
      %shift_right_arithmetic3A_1086 = arith.shrsi %add3A_1084, %shift_right_arithmetic3A_1085 : vector<16xi32>
      %gather3A_1087 = tpu.vector_load_idx %arg35[%shift_right_arithmetic3A_1086] : memref<112xi32, #tpu.memory_space<vmem>>[vector<16xi32>], vector<16xi32>,
      %and3A_1088 = arith.constant 1 : i32
      %and3A_1089 = vector.broadcast %and3A_1088 : i32 to vector<16xi32>
      %and3A_1090 = arith.andi %add3A_1084, %and3A_1089 : vector<16xi32>
      %mul3A_1091 = arith.constant 4 : i32
      %mul3A_1092 = vector.broadcast %mul3A_1091 : i32 to vector<16xi32>
      %mul3A_1093 = arith.muli %gather3A_1087, %mul3A_1092 : vector<16xi32>
      %add3A_1094 = arith.addi %mul3A_1093, %and3A_1090 : vector<16xi32>
      %gather3A_1095 = tpu.vector_load_idx %arg12[%add3A_1094] : memref<32768xi32, #tpu.memory_space<vmem>>[vector<16xi32>], vector<16xi32>,
      %bitcast_convert_type3A_1096 = tpu.bitcast %gather3A_1095 : vector<16xi32> -> vector<16xf32>
      %mul3A_1097 = arith.constant 4 : i32
      %mul3A_1098 = vector.broadcast %mul3A_1097 : i32 to vector<16xi32>
      %mul3A_1099 = arith.muli %gather3A_1087, %mul3A_1098 : vector<16xi32>
      %or3A = arith.constant 2 : i32
      %or3A_1100 = vector.broadcast %or3A : i32 to vector<16xi32>
      %or3A_1101 = arith.ori %and3A_1090, %or3A_1100 : vector<16xi32>
      %add3A_1102 = arith.addi %mul3A_1099, %or3A_1101 : vector<16xi32>
      %gather3A_1103 = tpu.vector_load_idx %arg12[%add3A_1102] : memref<32768xi32, #tpu.memory_space<vmem>>[vector<16xi32>], vector<16xi32>,
      %bitcast_convert_type3A_1104 = tpu.bitcast %gather3A_1103 : vector<16xi32> -> vector<16xf32>
      %and3A_1105 = arith.constant 2 : i32
      %and3A_1106 = vector.broadcast %and3A_1105 : i32 to vector<16xi32>
      %and3A_1107 = arith.andi %add3A_1084, %and3A_1106 : vector<16xi32>
      %eq3A_1108 = arith.constant 0 : i32
      %eq3A_1109 = vector.broadcast %eq3A_1108 : i32 to vector<16xi32>
      %eq3A_1110 = arith.cmpi eq, %and3A_1107, %eq3A_1109 : vector<16xi32>
      %jit3A_1111 = arith.constant -5.000000e-01 : f32
      %jit3A_1112 = arith.constant 5.000000e-01 : f32
      %broadcast_in_dim3A_1113 = vector.broadcast %jit3A_1111 : f32 to vector<16xf32>
      %broadcast_in_dim3A_1114 = vector.broadcast %jit3A_1112 : f32 to vector<16xf32>
      %select_n3A_1115 = arith.select %eq3A_1110, %broadcast_in_dim3A_1113, %broadcast_in_dim3A_1114 : vector<16xi1>, vector<16xf32>
      %mul3A_1116 = arith.mulf %select_n3A_1115, %bitcast_convert_type3A_1104 : vector<16xf32>
      %add3A_1117 = arith.addf %bitcast_convert_type3A_1096, %mul3A_1116 : vector<16xf32>
      %mul3A_1118 = arith.mulf %add3A_1117, %gather3A : vector<16xf32>
      %swap3A_1119 = arith.constant 0 : index
      %swap3A_1120 = tpu.vector_load %arg36[%swap3A_1119] {strides = array<i32>} : memref<448xf32, #tpu.memory_space<vmem>>, vector<16xf32>,
      tpu.vector_store %arg36[%swap3A_1119], %mul3A_1118 {strides = array<i32>} : memref<448xf32, #tpu.memory_space<vmem>>, vector<16xf32>,
      %add3A_1121 = arith.constant 16 : i32
      %add3A_1122 = vector.broadcast %add3A_1121 : i32 to vector<16xi32>
      %add3A_1123 = arith.addi %broadcast_in_dim3A_60, %add3A_1122 : vector<16xi32>
      %add3A_1124 = arith.addi %add3A_1123, %iota3A : vector<16xi32>
      %shift_right_arithmetic3A_1125 = arith.constant 2 : i32
      %shift_right_arithmetic3A_1126 = vector.broadcast %shift_right_arithmetic3A_1125 : i32 to vector<16xi32>
      %shift_right_arithmetic3A_1127 = arith.shrsi %add3A_1124, %shift_right_arithmetic3A_1126 : vector<16xi32>
      %gather3A_1128 = tpu.vector_load_idx %arg35[%shift_right_arithmetic3A_1127] : memref<112xi32, #tpu.memory_space<vmem>>[vector<16xi32>], vector<16xi32>,
      %and3A_1129 = arith.constant 1 : i32
      %and3A_1130 = vector.broadcast %and3A_1129 : i32 to vector<16xi32>
      %and3A_1131 = arith.andi %add3A_1124, %and3A_1130 : vector<16xi32>
      %mul3A_1132 = arith.constant 4 : i32
      %mul3A_1133 = vector.broadcast %mul3A_1132 : i32 to vector<16xi32>
      %mul3A_1134 = arith.muli %gather3A_1128, %mul3A_1133 : vector<16xi32>
      %add3A_1135 = arith.addi %mul3A_1134, %and3A_1131 : vector<16xi32>
      %gather3A_1136 = tpu.vector_load_idx %arg12[%add3A_1135] : memref<32768xi32, #tpu.memory_space<vmem>>[vector<16xi32>], vector<16xi32>,
      %bitcast_convert_type3A_1137 = tpu.bitcast %gather3A_1136 : vector<16xi32> -> vector<16xf32>
      %mul3A_1138 = arith.constant 4 : i32
      %mul3A_1139 = vector.broadcast %mul3A_1138 : i32 to vector<16xi32>
      %mul3A_1140 = arith.muli %gather3A_1128, %mul3A_1139 : vector<16xi32>
      %or3A_1141 = arith.constant 2 : i32
      %or3A_1142 = vector.broadcast %or3A_1141 : i32 to vector<16xi32>
      %or3A_1143 = arith.ori %and3A_1131, %or3A_1142 : vector<16xi32>
      %add3A_1144 = arith.addi %mul3A_1140, %or3A_1143 : vector<16xi32>
      %gather3A_1145 = tpu.vector_load_idx %arg12[%add3A_1144] : memref<32768xi32, #tpu.memory_space<vmem>>[vector<16xi32>], vector<16xi32>,
      %bitcast_convert_type3A_1146 = tpu.bitcast %gather3A_1145 : vector<16xi32> -> vector<16xf32>
      %and3A_1147 = arith.constant 2 : i32
      %and3A_1148 = vector.broadcast %and3A_1147 : i32 to vector<16xi32>
      %and3A_1149 = arith.andi %add3A_1124, %and3A_1148 : vector<16xi32>
      %eq3A_1150 = arith.constant 0 : i32
      %eq3A_1151 = vector.broadcast %eq3A_1150 : i32 to vector<16xi32>
      %eq3A_1152 = arith.cmpi eq, %and3A_1149, %eq3A_1151 : vector<16xi32>
      %jit3A_1153 = arith.constant -5.000000e-01 : f32
      %jit3A_1154 = arith.constant 5.000000e-01 : f32
      %broadcast_in_dim3A_1155 = vector.broadcast %jit3A_1153 : f32 to vector<16xf32>
      %broadcast_in_dim3A_1156 = vector.broadcast %jit3A_1154 : f32 to vector<16xf32>
      %select_n3A_1157 = arith.select %eq3A_1152, %broadcast_in_dim3A_1155, %broadcast_in_dim3A_1156 : vector<16xi1>, vector<16xf32>
      %mul3A_1158 = arith.mulf %select_n3A_1157, %bitcast_convert_type3A_1146 : vector<16xf32>
      %add3A_1159 = arith.addf %bitcast_convert_type3A_1137, %mul3A_1158 : vector<16xf32>
      %mul3A_1160 = arith.mulf %add3A_1159, %gather3A : vector<16xf32>
      %swap3A_1161 = arith.constant 16 : index
      %swap3A_1162 = tpu.vector_load %arg36[%swap3A_1161] {strides = array<i32>} : memref<448xf32, #tpu.memory_space<vmem>>, vector<16xf32>,
      tpu.vector_store %arg36[%swap3A_1161], %mul3A_1160 {strides = array<i32>} : memref<448xf32, #tpu.memory_space<vmem>>, vector<16xf32>,
      %add3A_1163 = arith.constant 32 : i32
      %add3A_1164 = vector.broadcast %add3A_1163 : i32 to vector<16xi32>
      %add3A_1165 = arith.addi %broadcast_in_dim3A_60, %add3A_1164 : vector<16xi32>
      %add3A_1166 = arith.addi %add3A_1165, %iota3A : vector<16xi32>
      %shift_right_arithmetic3A_1167 = arith.constant 2 : i32
      %shift_right_arithmetic3A_1168 = vector.broadcast %shift_right_arithmetic3A_1167 : i32 to vector<16xi32>
      %shift_right_arithmetic3A_1169 = arith.shrsi %add3A_1166, %shift_right_arithmetic3A_1168 : vector<16xi32>
      %gather3A_1170 = tpu.vector_load_idx %arg35[%shift_right_arithmetic3A_1169] : memref<112xi32, #tpu.memory_space<vmem>>[vector<16xi32>], vector<16xi32>,
      %and3A_1171 = arith.constant 1 : i32
      %and3A_1172 = vector.broadcast %and3A_1171 : i32 to vector<16xi32>
      %and3A_1173 = arith.andi %add3A_1166, %and3A_1172 : vector<16xi32>
      %mul3A_1174 = arith.constant 4 : i32
      %mul3A_1175 = vector.broadcast %mul3A_1174 : i32 to vector<16xi32>
      %mul3A_1176 = arith.muli %gather3A_1170, %mul3A_1175 : vector<16xi32>
      %add3A_1177 = arith.addi %mul3A_1176, %and3A_1173 : vector<16xi32>
      %gather3A_1178 = tpu.vector_load_idx %arg12[%add3A_1177] : memref<32768xi32, #tpu.memory_space<vmem>>[vector<16xi32>], vector<16xi32>,
      %bitcast_convert_type3A_1179 = tpu.bitcast %gather3A_1178 : vector<16xi32> -> vector<16xf32>
      %mul3A_1180 = arith.constant 4 : i32
      %mul3A_1181 = vector.broadcast %mul3A_1180 : i32 to vector<16xi32>
      %mul3A_1182 = arith.muli %gather3A_1170, %mul3A_1181 : vector<16xi32>
      %or3A_1183 = arith.constant 2 : i32
      %or3A_1184 = vector.broadcast %or3A_1183 : i32 to vector<16xi32>
      %or3A_1185 = arith.ori %and3A_1173, %or3A_1184 : vector<16xi32>
      %add3A_1186 = arith.addi %mul3A_1182, %or3A_1185 : vector<16xi32>
      %gather3A_1187 = tpu.vector_load_idx %arg12[%add3A_1186] : memref<32768xi32, #tpu.memory_space<vmem>>[vector<16xi32>], vector<16xi32>,
      %bitcast_convert_type3A_1188 = tpu.bitcast %gather3A_1187 : vector<16xi32> -> vector<16xf32>
      %and3A_1189 = arith.constant 2 : i32
      %and3A_1190 = vector.broadcast %and3A_1189 : i32 to vector<16xi32>
      %and3A_1191 = arith.andi %add3A_1166, %and3A_1190 : vector<16xi32>
      %eq3A_1192 = arith.constant 0 : i32
      %eq3A_1193 = vector.broadcast %eq3A_1192 : i32 to vector<16xi32>
      %eq3A_1194 = arith.cmpi eq, %and3A_1191, %eq3A_1193 : vector<16xi32>
      %jit3A_1195 = arith.constant -5.000000e-01 : f32
      %jit3A_1196 = arith.constant 5.000000e-01 : f32
      %broadcast_in_dim3A_1197 = vector.broadcast %jit3A_1195 : f32 to vector<16xf32>
      %broadcast_in_dim3A_1198 = vector.broadcast %jit3A_1196 : f32 to vector<16xf32>
      %select_n3A_1199 = arith.select %eq3A_1194, %broadcast_in_dim3A_1197, %broadcast_in_dim3A_1198 : vector<16xi1>, vector<16xf32>
      %mul3A_1200 = arith.mulf %select_n3A_1199, %bitcast_convert_type3A_1188 : vector<16xf32>
      %add3A_1201 = arith.addf %bitcast_convert_type3A_1179, %mul3A_1200 : vector<16xf32>
      %mul3A_1202 = arith.mulf %add3A_1201, %gather3A : vector<16xf32>
      %swap3A_1203 = arith.constant 32 : index
      %swap3A_1204 = tpu.vector_load %arg36[%swap3A_1203] {strides = array<i32>} : memref<448xf32, #tpu.memory_space<vmem>>, vector<16xf32>,
      tpu.vector_store %arg36[%swap3A_1203], %mul3A_1202 {strides = array<i32>} : memref<448xf32, #tpu.memory_space<vmem>>, vector<16xf32>,
      %add3A_1205 = arith.constant 48 : i32
      %add3A_1206 = vector.broadcast %add3A_1205 : i32 to vector<16xi32>
      %add3A_1207 = arith.addi %broadcast_in_dim3A_60, %add3A_1206 : vector<16xi32>
      %add3A_1208 = arith.addi %add3A_1207, %iota3A : vector<16xi32>
      %shift_right_arithmetic3A_1209 = arith.constant 2 : i32
      %shift_right_arithmetic3A_1210 = vector.broadcast %shift_right_arithmetic3A_1209 : i32 to vector<16xi32>
      %shift_right_arithmetic3A_1211 = arith.shrsi %add3A_1208, %shift_right_arithmetic3A_1210 : vector<16xi32>
      %gather3A_1212 = tpu.vector_load_idx %arg35[%shift_right_arithmetic3A_1211] : memref<112xi32, #tpu.memory_space<vmem>>[vector<16xi32>], vector<16xi32>,
      %and3A_1213 = arith.constant 1 : i32
      %and3A_1214 = vector.broadcast %and3A_1213 : i32 to vector<16xi32>
      %and3A_1215 = arith.andi %add3A_1208, %and3A_1214 : vector<16xi32>
      %mul3A_1216 = arith.constant 4 : i32
      %mul3A_1217 = vector.broadcast %mul3A_1216 : i32 to vector<16xi32>
      %mul3A_1218 = arith.muli %gather3A_1212, %mul3A_1217 : vector<16xi32>
      %add3A_1219 = arith.addi %mul3A_1218, %and3A_1215 : vector<16xi32>
      %gather3A_1220 = tpu.vector_load_idx %arg12[%add3A_1219] : memref<32768xi32, #tpu.memory_space<vmem>>[vector<16xi32>], vector<16xi32>,
      %bitcast_convert_type3A_1221 = tpu.bitcast %gather3A_1220 : vector<16xi32> -> vector<16xf32>
      %mul3A_1222 = arith.constant 4 : i32
      %mul3A_1223 = vector.broadcast %mul3A_1222 : i32 to vector<16xi32>
      %mul3A_1224 = arith.muli %gather3A_1212, %mul3A_1223 : vector<16xi32>
      %or3A_1225 = arith.constant 2 : i32
      %or3A_1226 = vector.broadcast %or3A_1225 : i32 to vector<16xi32>
      %or3A_1227 = arith.ori %and3A_1215, %or3A_1226 : vector<16xi32>
      %add3A_1228 = arith.addi %mul3A_1224, %or3A_1227 : vector<16xi32>
      %gather3A_1229 = tpu.vector_load_idx %arg12[%add3A_1228] : memref<32768xi32, #tpu.memory_space<vmem>>[vector<16xi32>], vector<16xi32>,
      %bitcast_convert_type3A_1230 = tpu.bitcast %gather3A_1229 : vector<16xi32> -> vector<16xf32>
      %and3A_1231 = arith.constant 2 : i32
      %and3A_1232 = vector.broadcast %and3A_1231 : i32 to vector<16xi32>
      %and3A_1233 = arith.andi %add3A_1208, %and3A_1232 : vector<16xi32>
      %eq3A_1234 = arith.constant 0 : i32
      %eq3A_1235 = vector.broadcast %eq3A_1234 : i32 to vector<16xi32>
      %eq3A_1236 = arith.cmpi eq, %and3A_1233, %eq3A_1235 : vector<16xi32>
      %jit3A_1237 = arith.constant -5.000000e-01 : f32
      %jit3A_1238 = arith.constant 5.000000e-01 : f32
      %broadcast_in_dim3A_1239 = vector.broadcast %jit3A_1237 : f32 to vector<16xf32>
      %broadcast_in_dim3A_1240 = vector.broadcast %jit3A_1238 : f32 to vector<16xf32>
      %select_n3A_1241 = arith.select %eq3A_1236, %broadcast_in_dim3A_1239, %broadcast_in_dim3A_1240 : vector<16xi1>, vector<16xf32>
      %mul3A_1242 = arith.mulf %select_n3A_1241, %bitcast_convert_type3A_1230 : vector<16xf32>
      %add3A_1243 = arith.addf %bitcast_convert_type3A_1221, %mul3A_1242 : vector<16xf32>
      %mul3A_1244 = arith.mulf %add3A_1243, %gather3A : vector<16xf32>
      %swap3A_1245 = arith.constant 48 : index
      %swap3A_1246 = tpu.vector_load %arg36[%swap3A_1245] {strides = array<i32>} : memref<448xf32, #tpu.memory_space<vmem>>, vector<16xf32>,
      tpu.vector_store %arg36[%swap3A_1245], %mul3A_1244 {strides = array<i32>} : memref<448xf32, #tpu.memory_space<vmem>>, vector<16xf32>,
      %add3A_1247 = arith.constant 64 : i32
      %add3A_1248 = vector.broadcast %add3A_1247 : i32 to vector<16xi32>
      %add3A_1249 = arith.addi %broadcast_in_dim3A_60, %add3A_1248 : vector<16xi32>
      %add3A_1250 = arith.addi %add3A_1249, %iota3A : vector<16xi32>
      %shift_right_arithmetic3A_1251 = arith.constant 2 : i32
      %shift_right_arithmetic3A_1252 = vector.broadcast %shift_right_arithmetic3A_1251 : i32 to vector<16xi32>
      %shift_right_arithmetic3A_1253 = arith.shrsi %add3A_1250, %shift_right_arithmetic3A_1252 : vector<16xi32>
      %gather3A_1254 = tpu.vector_load_idx %arg35[%shift_right_arithmetic3A_1253] : memref<112xi32, #tpu.memory_space<vmem>>[vector<16xi32>], vector<16xi32>,
      %and3A_1255 = arith.constant 1 : i32
      %and3A_1256 = vector.broadcast %and3A_1255 : i32 to vector<16xi32>
      %and3A_1257 = arith.andi %add3A_1250, %and3A_1256 : vector<16xi32>
      %mul3A_1258 = arith.constant 4 : i32
      %mul3A_1259 = vector.broadcast %mul3A_1258 : i32 to vector<16xi32>
      %mul3A_1260 = arith.muli %gather3A_1254, %mul3A_1259 : vector<16xi32>
      %add3A_1261 = arith.addi %mul3A_1260, %and3A_1257 : vector<16xi32>
      %gather3A_1262 = tpu.vector_load_idx %arg12[%add3A_1261] : memref<32768xi32, #tpu.memory_space<vmem>>[vector<16xi32>], vector<16xi32>,
      %bitcast_convert_type3A_1263 = tpu.bitcast %gather3A_1262 : vector<16xi32> -> vector<16xf32>
      %mul3A_1264 = arith.constant 4 : i32
      %mul3A_1265 = vector.broadcast %mul3A_1264 : i32 to vector<16xi32>
      %mul3A_1266 = arith.muli %gather3A_1254, %mul3A_1265 : vector<16xi32>
      %or3A_1267 = arith.constant 2 : i32
      %or3A_1268 = vector.broadcast %or3A_1267 : i32 to vector<16xi32>
      %or3A_1269 = arith.ori %and3A_1257, %or3A_1268 : vector<16xi32>
      %add3A_1270 = arith.addi %mul3A_1266, %or3A_1269 : vector<16xi32>
      %gather3A_1271 = tpu.vector_load_idx %arg12[%add3A_1270] : memref<32768xi32, #tpu.memory_space<vmem>>[vector<16xi32>], vector<16xi32>,
      %bitcast_convert_type3A_1272 = tpu.bitcast %gather3A_1271 : vector<16xi32> -> vector<16xf32>
      %and3A_1273 = arith.constant 2 : i32
      %and3A_1274 = vector.broadcast %and3A_1273 : i32 to vector<16xi32>
      %and3A_1275 = arith.andi %add3A_1250, %and3A_1274 : vector<16xi32>
      %eq3A_1276 = arith.constant 0 : i32
      %eq3A_1277 = vector.broadcast %eq3A_1276 : i32 to vector<16xi32>
      %eq3A_1278 = arith.cmpi eq, %and3A_1275, %eq3A_1277 : vector<16xi32>
      %jit3A_1279 = arith.constant -5.000000e-01 : f32
      %jit3A_1280 = arith.constant 5.000000e-01 : f32
      %broadcast_in_dim3A_1281 = vector.broadcast %jit3A_1279 : f32 to vector<16xf32>
      %broadcast_in_dim3A_1282 = vector.broadcast %jit3A_1280 : f32 to vector<16xf32>
      %select_n3A_1283 = arith.select %eq3A_1278, %broadcast_in_dim3A_1281, %broadcast_in_dim3A_1282 : vector<16xi1>, vector<16xf32>
      %mul3A_1284 = arith.mulf %select_n3A_1283, %bitcast_convert_type3A_1272 : vector<16xf32>
      %add3A_1285 = arith.addf %bitcast_convert_type3A_1263, %mul3A_1284 : vector<16xf32>
      %mul3A_1286 = arith.mulf %add3A_1285, %gather3A : vector<16xf32>
      %swap3A_1287 = arith.constant 64 : index
      %swap3A_1288 = tpu.vector_load %arg36[%swap3A_1287] {strides = array<i32>} : memref<448xf32, #tpu.memory_space<vmem>>, vector<16xf32>,
      tpu.vector_store %arg36[%swap3A_1287], %mul3A_1286 {strides = array<i32>} : memref<448xf32, #tpu.memory_space<vmem>>, vector<16xf32>,
      %add3A_1289 = arith.constant 80 : i32
      %add3A_1290 = vector.broadcast %add3A_1289 : i32 to vector<16xi32>
      %add3A_1291 = arith.addi %broadcast_in_dim3A_60, %add3A_1290 : vector<16xi32>
      %add3A_1292 = arith.addi %add3A_1291, %iota3A : vector<16xi32>
      %shift_right_arithmetic3A_1293 = arith.constant 2 : i32
      %shift_right_arithmetic3A_1294 = vector.broadcast %shift_right_arithmetic3A_1293 : i32 to vector<16xi32>
      %shift_right_arithmetic3A_1295 = arith.shrsi %add3A_1292, %shift_right_arithmetic3A_1294 : vector<16xi32>
      %gather3A_1296 = tpu.vector_load_idx %arg35[%shift_right_arithmetic3A_1295] : memref<112xi32, #tpu.memory_space<vmem>>[vector<16xi32>], vector<16xi32>,
      %and3A_1297 = arith.constant 1 : i32
      %and3A_1298 = vector.broadcast %and3A_1297 : i32 to vector<16xi32>
      %and3A_1299 = arith.andi %add3A_1292, %and3A_1298 : vector<16xi32>
      %mul3A_1300 = arith.constant 4 : i32
      %mul3A_1301 = vector.broadcast %mul3A_1300 : i32 to vector<16xi32>
      %mul3A_1302 = arith.muli %gather3A_1296, %mul3A_1301 : vector<16xi32>
      %add3A_1303 = arith.addi %mul3A_1302, %and3A_1299 : vector<16xi32>
      %gather3A_1304 = tpu.vector_load_idx %arg12[%add3A_1303] : memref<32768xi32, #tpu.memory_space<vmem>>[vector<16xi32>], vector<16xi32>,
      %bitcast_convert_type3A_1305 = tpu.bitcast %gather3A_1304 : vector<16xi32> -> vector<16xf32>
      %mul3A_1306 = arith.constant 4 : i32
      %mul3A_1307 = vector.broadcast %mul3A_1306 : i32 to vector<16xi32>
      %mul3A_1308 = arith.muli %gather3A_1296, %mul3A_1307 : vector<16xi32>
      %or3A_1309 = arith.constant 2 : i32
      %or3A_1310 = vector.broadcast %or3A_1309 : i32 to vector<16xi32>
      %or3A_1311 = arith.ori %and3A_1299, %or3A_1310 : vector<16xi32>
      %add3A_1312 = arith.addi %mul3A_1308, %or3A_1311 : vector<16xi32>
      %gather3A_1313 = tpu.vector_load_idx %arg12[%add3A_1312] : memref<32768xi32, #tpu.memory_space<vmem>>[vector<16xi32>], vector<16xi32>,
      %bitcast_convert_type3A_1314 = tpu.bitcast %gather3A_1313 : vector<16xi32> -> vector<16xf32>
      %and3A_1315 = arith.constant 2 : i32
      %and3A_1316 = vector.broadcast %and3A_1315 : i32 to vector<16xi32>
      %and3A_1317 = arith.andi %add3A_1292, %and3A_1316 : vector<16xi32>
      %eq3A_1318 = arith.constant 0 : i32
      %eq3A_1319 = vector.broadcast %eq3A_1318 : i32 to vector<16xi32>
      %eq3A_1320 = arith.cmpi eq, %and3A_1317, %eq3A_1319 : vector<16xi32>
      %jit3A_1321 = arith.constant -5.000000e-01 : f32
      %jit3A_1322 = arith.constant 5.000000e-01 : f32
      %broadcast_in_dim3A_1323 = vector.broadcast %jit3A_1321 : f32 to vector<16xf32>
      %broadcast_in_dim3A_1324 = vector.broadcast %jit3A_1322 : f32 to vector<16xf32>
      %select_n3A_1325 = arith.select %eq3A_1320, %broadcast_in_dim3A_1323, %broadcast_in_dim3A_1324 : vector<16xi1>, vector<16xf32>
      %mul3A_1326 = arith.mulf %select_n3A_1325, %bitcast_convert_type3A_1314 : vector<16xf32>
      %add3A_1327 = arith.addf %bitcast_convert_type3A_1305, %mul3A_1326 : vector<16xf32>
      %mul3A_1328 = arith.mulf %add3A_1327, %gather3A : vector<16xf32>
      %swap3A_1329 = arith.constant 80 : index
      %swap3A_1330 = tpu.vector_load %arg36[%swap3A_1329] {strides = array<i32>} : memref<448xf32, #tpu.memory_space<vmem>>, vector<16xf32>,
      tpu.vector_store %arg36[%swap3A_1329], %mul3A_1328 {strides = array<i32>} : memref<448xf32, #tpu.memory_space<vmem>>, vector<16xf32>,
      %add3A_1331 = arith.constant 96 : i32
      %add3A_1332 = vector.broadcast %add3A_1331 : i32 to vector<16xi32>
      %add3A_1333 = arith.addi %broadcast_in_dim3A_60, %add3A_1332 : vector<16xi32>
      %add3A_1334 = arith.addi %add3A_1333, %iota3A : vector<16xi32>
      %shift_right_arithmetic3A_1335 = arith.constant 2 : i32
      %shift_right_arithmetic3A_1336 = vector.broadcast %shift_right_arithmetic3A_1335 : i32 to vector<16xi32>
      %shift_right_arithmetic3A_1337 = arith.shrsi %add3A_1334, %shift_right_arithmetic3A_1336 : vector<16xi32>
      %gather3A_1338 = tpu.vector_load_idx %arg35[%shift_right_arithmetic3A_1337] : memref<112xi32, #tpu.memory_space<vmem>>[vector<16xi32>], vector<16xi32>,
      %and3A_1339 = arith.constant 1 : i32
      %and3A_1340 = vector.broadcast %and3A_1339 : i32 to vector<16xi32>
      %and3A_1341 = arith.andi %add3A_1334, %and3A_1340 : vector<16xi32>
      %mul3A_1342 = arith.constant 4 : i32
      %mul3A_1343 = vector.broadcast %mul3A_1342 : i32 to vector<16xi32>
      %mul3A_1344 = arith.muli %gather3A_1338, %mul3A_1343 : vector<16xi32>
      %add3A_1345 = arith.addi %mul3A_1344, %and3A_1341 : vector<16xi32>
      %gather3A_1346 = tpu.vector_load_idx %arg12[%add3A_1345] : memref<32768xi32, #tpu.memory_space<vmem>>[vector<16xi32>], vector<16xi32>,
      %bitcast_convert_type3A_1347 = tpu.bitcast %gather3A_1346 : vector<16xi32> -> vector<16xf32>
      %mul3A_1348 = arith.constant 4 : i32
      %mul3A_1349 = vector.broadcast %mul3A_1348 : i32 to vector<16xi32>
      %mul3A_1350 = arith.muli %gather3A_1338, %mul3A_1349 : vector<16xi32>
      %or3A_1351 = arith.constant 2 : i32
      %or3A_1352 = vector.broadcast %or3A_1351 : i32 to vector<16xi32>
      %or3A_1353 = arith.ori %and3A_1341, %or3A_1352 : vector<16xi32>
      %add3A_1354 = arith.addi %mul3A_1350, %or3A_1353 : vector<16xi32>
      %gather3A_1355 = tpu.vector_load_idx %arg12[%add3A_1354] : memref<32768xi32, #tpu.memory_space<vmem>>[vector<16xi32>], vector<16xi32>,
      %bitcast_convert_type3A_1356 = tpu.bitcast %gather3A_1355 : vector<16xi32> -> vector<16xf32>
      %and3A_1357 = arith.constant 2 : i32
      %and3A_1358 = vector.broadcast %and3A_1357 : i32 to vector<16xi32>
      %and3A_1359 = arith.andi %add3A_1334, %and3A_1358 : vector<16xi32>
      %eq3A_1360 = arith.constant 0 : i32
      %eq3A_1361 = vector.broadcast %eq3A_1360 : i32 to vector<16xi32>
      %eq3A_1362 = arith.cmpi eq, %and3A_1359, %eq3A_1361 : vector<16xi32>
      %jit3A_1363 = arith.constant -5.000000e-01 : f32
      %jit3A_1364 = arith.constant 5.000000e-01 : f32
      %broadcast_in_dim3A_1365 = vector.broadcast %jit3A_1363 : f32 to vector<16xf32>
      %broadcast_in_dim3A_1366 = vector.broadcast %jit3A_1364 : f32 to vector<16xf32>
      %select_n3A_1367 = arith.select %eq3A_1362, %broadcast_in_dim3A_1365, %broadcast_in_dim3A_1366 : vector<16xi1>, vector<16xf32>
      %mul3A_1368 = arith.mulf %select_n3A_1367, %bitcast_convert_type3A_1356 : vector<16xf32>
      %add3A_1369 = arith.addf %bitcast_convert_type3A_1347, %mul3A_1368 : vector<16xf32>
      %mul3A_1370 = arith.mulf %add3A_1369, %gather3A : vector<16xf32>
      %swap3A_1371 = arith.constant 96 : index
      %swap3A_1372 = tpu.vector_load %arg36[%swap3A_1371] {strides = array<i32>} : memref<448xf32, #tpu.memory_space<vmem>>, vector<16xf32>,
      tpu.vector_store %arg36[%swap3A_1371], %mul3A_1370 {strides = array<i32>} : memref<448xf32, #tpu.memory_space<vmem>>, vector<16xf32>,
      %add3A_1373 = arith.constant 112 : i32
      %add3A_1374 = vector.broadcast %add3A_1373 : i32 to vector<16xi32>
      %add3A_1375 = arith.addi %broadcast_in_dim3A_60, %add3A_1374 : vector<16xi32>
      %add3A_1376 = arith.addi %add3A_1375, %iota3A : vector<16xi32>
      %shift_right_arithmetic3A_1377 = arith.constant 2 : i32
      %shift_right_arithmetic3A_1378 = vector.broadcast %shift_right_arithmetic3A_1377 : i32 to vector<16xi32>
      %shift_right_arithmetic3A_1379 = arith.shrsi %add3A_1376, %shift_right_arithmetic3A_1378 : vector<16xi32>
      %gather3A_1380 = tpu.vector_load_idx %arg35[%shift_right_arithmetic3A_1379] : memref<112xi32, #tpu.memory_space<vmem>>[vector<16xi32>], vector<16xi32>,
      %and3A_1381 = arith.constant 1 : i32
      %and3A_1382 = vector.broadcast %and3A_1381 : i32 to vector<16xi32>
      %and3A_1383 = arith.andi %add3A_1376, %and3A_1382 : vector<16xi32>
      %mul3A_1384 = arith.constant 4 : i32
      %mul3A_1385 = vector.broadcast %mul3A_1384 : i32 to vector<16xi32>
      %mul3A_1386 = arith.muli %gather3A_1380, %mul3A_1385 : vector<16xi32>
      %add3A_1387 = arith.addi %mul3A_1386, %and3A_1383 : vector<16xi32>
      %gather3A_1388 = tpu.vector_load_idx %arg12[%add3A_1387] : memref<32768xi32, #tpu.memory_space<vmem>>[vector<16xi32>], vector<16xi32>,
      %bitcast_convert_type3A_1389 = tpu.bitcast %gather3A_1388 : vector<16xi32> -> vector<16xf32>
      %mul3A_1390 = arith.constant 4 : i32
      %mul3A_1391 = vector.broadcast %mul3A_1390 : i32 to vector<16xi32>
      %mul3A_1392 = arith.muli %gather3A_1380, %mul3A_1391 : vector<16xi32>
      %or3A_1393 = arith.constant 2 : i32
      %or3A_1394 = vector.broadcast %or3A_1393 : i32 to vector<16xi32>
      %or3A_1395 = arith.ori %and3A_1383, %or3A_1394 : vector<16xi32>
      %add3A_1396 = arith.addi %mul3A_1392, %or3A_1395 : vector<16xi32>
      %gather3A_1397 = tpu.vector_load_idx %arg12[%add3A_1396] : memref<32768xi32, #tpu.memory_space<vmem>>[vector<16xi32>], vector<16xi32>,
      %bitcast_convert_type3A_1398 = tpu.bitcast %gather3A_1397 : vector<16xi32> -> vector<16xf32>
      %and3A_1399 = arith.constant 2 : i32
      %and3A_1400 = vector.broadcast %and3A_1399 : i32 to vector<16xi32>
      %and3A_1401 = arith.andi %add3A_1376, %and3A_1400 : vector<16xi32>
      %eq3A_1402 = arith.constant 0 : i32
      %eq3A_1403 = vector.broadcast %eq3A_1402 : i32 to vector<16xi32>
      %eq3A_1404 = arith.cmpi eq, %and3A_1401, %eq3A_1403 : vector<16xi32>
      %jit3A_1405 = arith.constant -5.000000e-01 : f32
      %jit3A_1406 = arith.constant 5.000000e-01 : f32
      %broadcast_in_dim3A_1407 = vector.broadcast %jit3A_1405 : f32 to vector<16xf32>
      %broadcast_in_dim3A_1408 = vector.broadcast %jit3A_1406 : f32 to vector<16xf32>
      %select_n3A_1409 = arith.select %eq3A_1404, %broadcast_in_dim3A_1407, %broadcast_in_dim3A_1408 : vector<16xi1>, vector<16xf32>
      %mul3A_1410 = arith.mulf %select_n3A_1409, %bitcast_convert_type3A_1398 : vector<16xf32>
      %add3A_1411 = arith.addf %bitcast_convert_type3A_1389, %mul3A_1410 : vector<16xf32>
      %mul3A_1412 = arith.mulf %add3A_1411, %gather3A : vector<16xf32>
      %swap3A_1413 = arith.constant 112 : index
      %swap3A_1414 = tpu.vector_load %arg36[%swap3A_1413] {strides = array<i32>} : memref<448xf32, #tpu.memory_space<vmem>>, vector<16xf32>,
      tpu.vector_store %arg36[%swap3A_1413], %mul3A_1412 {strides = array<i32>} : memref<448xf32, #tpu.memory_space<vmem>>, vector<16xf32>,
      %add3A_1415 = arith.constant 128 : i32
      %add3A_1416 = vector.broadcast %add3A_1415 : i32 to vector<16xi32>
      %add3A_1417 = arith.addi %broadcast_in_dim3A_60, %add3A_1416 : vector<16xi32>
      %add3A_1418 = arith.addi %add3A_1417, %iota3A : vector<16xi32>
      %shift_right_arithmetic3A_1419 = arith.constant 2 : i32
      %shift_right_arithmetic3A_1420 = vector.broadcast %shift_right_arithmetic3A_1419 : i32 to vector<16xi32>
      %shift_right_arithmetic3A_1421 = arith.shrsi %add3A_1418, %shift_right_arithmetic3A_1420 : vector<16xi32>
      %gather3A_1422 = tpu.vector_load_idx %arg35[%shift_right_arithmetic3A_1421] : memref<112xi32, #tpu.memory_space<vmem>>[vector<16xi32>], vector<16xi32>,
      %and3A_1423 = arith.constant 1 : i32
      %and3A_1424 = vector.broadcast %and3A_1423 : i32 to vector<16xi32>
      %and3A_1425 = arith.andi %add3A_1418, %and3A_1424 : vector<16xi32>
      %mul3A_1426 = arith.constant 4 : i32
      %mul3A_1427 = vector.broadcast %mul3A_1426 : i32 to vector<16xi32>
      %mul3A_1428 = arith.muli %gather3A_1422, %mul3A_1427 : vector<16xi32>
      %add3A_1429 = arith.addi %mul3A_1428, %and3A_1425 : vector<16xi32>
      %gather3A_1430 = tpu.vector_load_idx %arg12[%add3A_1429] : memref<32768xi32, #tpu.memory_space<vmem>>[vector<16xi32>], vector<16xi32>,
      %bitcast_convert_type3A_1431 = tpu.bitcast %gather3A_1430 : vector<16xi32> -> vector<16xf32>
      %mul3A_1432 = arith.constant 4 : i32
      %mul3A_1433 = vector.broadcast %mul3A_1432 : i32 to vector<16xi32>
      %mul3A_1434 = arith.muli %gather3A_1422, %mul3A_1433 : vector<16xi32>
      %or3A_1435 = arith.constant 2 : i32
      %or3A_1436 = vector.broadcast %or3A_1435 : i32 to vector<16xi32>
      %or3A_1437 = arith.ori %and3A_1425, %or3A_1436 : vector<16xi32>
      %add3A_1438 = arith.addi %mul3A_1434, %or3A_1437 : vector<16xi32>
      %gather3A_1439 = tpu.vector_load_idx %arg12[%add3A_1438] : memref<32768xi32, #tpu.memory_space<vmem>>[vector<16xi32>], vector<16xi32>,
      %bitcast_convert_type3A_1440 = tpu.bitcast %gather3A_1439 : vector<16xi32> -> vector<16xf32>
      %and3A_1441 = arith.constant 2 : i32
      %and3A_1442 = vector.broadcast %and3A_1441 : i32 to vector<16xi32>
      %and3A_1443 = arith.andi %add3A_1418, %and3A_1442 : vector<16xi32>
      %eq3A_1444 = arith.constant 0 : i32
      %eq3A_1445 = vector.broadcast %eq3A_1444 : i32 to vector<16xi32>
      %eq3A_1446 = arith.cmpi eq, %and3A_1443, %eq3A_1445 : vector<16xi32>
      %jit3A_1447 = arith.constant -5.000000e-01 : f32
      %jit3A_1448 = arith.constant 5.000000e-01 : f32
      %broadcast_in_dim3A_1449 = vector.broadcast %jit3A_1447 : f32 to vector<16xf32>
      %broadcast_in_dim3A_1450 = vector.broadcast %jit3A_1448 : f32 to vector<16xf32>
      %select_n3A_1451 = arith.select %eq3A_1446, %broadcast_in_dim3A_1449, %broadcast_in_dim3A_1450 : vector<16xi1>, vector<16xf32>
      %mul3A_1452 = arith.mulf %select_n3A_1451, %bitcast_convert_type3A_1440 : vector<16xf32>
      %add3A_1453 = arith.addf %bitcast_convert_type3A_1431, %mul3A_1452 : vector<16xf32>
      %mul3A_1454 = arith.mulf %add3A_1453, %gather3A : vector<16xf32>
      %swap3A_1455 = arith.constant 128 : index
      %swap3A_1456 = tpu.vector_load %arg36[%swap3A_1455] {strides = array<i32>} : memref<448xf32, #tpu.memory_space<vmem>>, vector<16xf32>,
      tpu.vector_store %arg36[%swap3A_1455], %mul3A_1454 {strides = array<i32>} : memref<448xf32, #tpu.memory_space<vmem>>, vector<16xf32>,
      %add3A_1457 = arith.constant 144 : i32
      %add3A_1458 = vector.broadcast %add3A_1457 : i32 to vector<16xi32>
      %add3A_1459 = arith.addi %broadcast_in_dim3A_60, %add3A_1458 : vector<16xi32>
      %add3A_1460 = arith.addi %add3A_1459, %iota3A : vector<16xi32>
      %shift_right_arithmetic3A_1461 = arith.constant 2 : i32
      %shift_right_arithmetic3A_1462 = vector.broadcast %shift_right_arithmetic3A_1461 : i32 to vector<16xi32>
      %shift_right_arithmetic3A_1463 = arith.shrsi %add3A_1460, %shift_right_arithmetic3A_1462 : vector<16xi32>
      %gather3A_1464 = tpu.vector_load_idx %arg35[%shift_right_arithmetic3A_1463] : memref<112xi32, #tpu.memory_space<vmem>>[vector<16xi32>], vector<16xi32>,
      %and3A_1465 = arith.constant 1 : i32
      %and3A_1466 = vector.broadcast %and3A_1465 : i32 to vector<16xi32>
      %and3A_1467 = arith.andi %add3A_1460, %and3A_1466 : vector<16xi32>
      %mul3A_1468 = arith.constant 4 : i32
      %mul3A_1469 = vector.broadcast %mul3A_1468 : i32 to vector<16xi32>
      %mul3A_1470 = arith.muli %gather3A_1464, %mul3A_1469 : vector<16xi32>
      %add3A_1471 = arith.addi %mul3A_1470, %and3A_1467 : vector<16xi32>
      %gather3A_1472 = tpu.vector_load_idx %arg12[%add3A_1471] : memref<32768xi32, #tpu.memory_space<vmem>>[vector<16xi32>], vector<16xi32>,
      %bitcast_convert_type3A_1473 = tpu.bitcast %gather3A_1472 : vector<16xi32> -> vector<16xf32>
      %mul3A_1474 = arith.constant 4 : i32
      %mul3A_1475 = vector.broadcast %mul3A_1474 : i32 to vector<16xi32>
      %mul3A_1476 = arith.muli %gather3A_1464, %mul3A_1475 : vector<16xi32>
      %or3A_1477 = arith.constant 2 : i32
      %or3A_1478 = vector.broadcast %or3A_1477 : i32 to vector<16xi32>
      %or3A_1479 = arith.ori %and3A_1467, %or3A_1478 : vector<16xi32>
      %add3A_1480 = arith.addi %mul3A_1476, %or3A_1479 : vector<16xi32>
      %gather3A_1481 = tpu.vector_load_idx %arg12[%add3A_1480] : memref<32768xi32, #tpu.memory_space<vmem>>[vector<16xi32>], vector<16xi32>,
      %bitcast_convert_type3A_1482 = tpu.bitcast %gather3A_1481 : vector<16xi32> -> vector<16xf32>
      %and3A_1483 = arith.constant 2 : i32
      %and3A_1484 = vector.broadcast %and3A_1483 : i32 to vector<16xi32>
      %and3A_1485 = arith.andi %add3A_1460, %and3A_1484 : vector<16xi32>
      %eq3A_1486 = arith.constant 0 : i32
      %eq3A_1487 = vector.broadcast %eq3A_1486 : i32 to vector<16xi32>
      %eq3A_1488 = arith.cmpi eq, %and3A_1485, %eq3A_1487 : vector<16xi32>
      %jit3A_1489 = arith.constant -5.000000e-01 : f32
      %jit3A_1490 = arith.constant 5.000000e-01 : f32
      %broadcast_in_dim3A_1491 = vector.broadcast %jit3A_1489 : f32 to vector<16xf32>
      %broadcast_in_dim3A_1492 = vector.broadcast %jit3A_1490 : f32 to vector<16xf32>
      %select_n3A_1493 = arith.select %eq3A_1488, %broadcast_in_dim3A_1491, %broadcast_in_dim3A_1492 : vector<16xi1>, vector<16xf32>
      %mul3A_1494 = arith.mulf %select_n3A_1493, %bitcast_convert_type3A_1482 : vector<16xf32>
      %add3A_1495 = arith.addf %bitcast_convert_type3A_1473, %mul3A_1494 : vector<16xf32>
      %mul3A_1496 = arith.mulf %add3A_1495, %gather3A : vector<16xf32>
      %swap3A_1497 = arith.constant 144 : index
      %swap3A_1498 = tpu.vector_load %arg36[%swap3A_1497] {strides = array<i32>} : memref<448xf32, #tpu.memory_space<vmem>>, vector<16xf32>,
      tpu.vector_store %arg36[%swap3A_1497], %mul3A_1496 {strides = array<i32>} : memref<448xf32, #tpu.memory_space<vmem>>, vector<16xf32>,
      %add3A_1499 = arith.constant 160 : i32
      %add3A_1500 = vector.broadcast %add3A_1499 : i32 to vector<16xi32>
      %add3A_1501 = arith.addi %broadcast_in_dim3A_60, %add3A_1500 : vector<16xi32>
      %add3A_1502 = arith.addi %add3A_1501, %iota3A : vector<16xi32>
      %shift_right_arithmetic3A_1503 = arith.constant 2 : i32
      %shift_right_arithmetic3A_1504 = vector.broadcast %shift_right_arithmetic3A_1503 : i32 to vector<16xi32>
      %shift_right_arithmetic3A_1505 = arith.shrsi %add3A_1502, %shift_right_arithmetic3A_1504 : vector<16xi32>
      %gather3A_1506 = tpu.vector_load_idx %arg35[%shift_right_arithmetic3A_1505] : memref<112xi32, #tpu.memory_space<vmem>>[vector<16xi32>], vector<16xi32>,
      %and3A_1507 = arith.constant 1 : i32
      %and3A_1508 = vector.broadcast %and3A_1507 : i32 to vector<16xi32>
      %and3A_1509 = arith.andi %add3A_1502, %and3A_1508 : vector<16xi32>
      %mul3A_1510 = arith.constant 4 : i32
      %mul3A_1511 = vector.broadcast %mul3A_1510 : i32 to vector<16xi32>
      %mul3A_1512 = arith.muli %gather3A_1506, %mul3A_1511 : vector<16xi32>
      %add3A_1513 = arith.addi %mul3A_1512, %and3A_1509 : vector<16xi32>
      %gather3A_1514 = tpu.vector_load_idx %arg12[%add3A_1513] : memref<32768xi32, #tpu.memory_space<vmem>>[vector<16xi32>], vector<16xi32>,
      %bitcast_convert_type3A_1515 = tpu.bitcast %gather3A_1514 : vector<16xi32> -> vector<16xf32>
      %mul3A_1516 = arith.constant 4 : i32
      %mul3A_1517 = vector.broadcast %mul3A_1516 : i32 to vector<16xi32>
      %mul3A_1518 = arith.muli %gather3A_1506, %mul3A_1517 : vector<16xi32>
      %or3A_1519 = arith.constant 2 : i32
      %or3A_1520 = vector.broadcast %or3A_1519 : i32 to vector<16xi32>
      %or3A_1521 = arith.ori %and3A_1509, %or3A_1520 : vector<16xi32>
      %add3A_1522 = arith.addi %mul3A_1518, %or3A_1521 : vector<16xi32>
      %gather3A_1523 = tpu.vector_load_idx %arg12[%add3A_1522] : memref<32768xi32, #tpu.memory_space<vmem>>[vector<16xi32>], vector<16xi32>,
      %bitcast_convert_type3A_1524 = tpu.bitcast %gather3A_1523 : vector<16xi32> -> vector<16xf32>
      %and3A_1525 = arith.constant 2 : i32
      %and3A_1526 = vector.broadcast %and3A_1525 : i32 to vector<16xi32>
      %and3A_1527 = arith.andi %add3A_1502, %and3A_1526 : vector<16xi32>
      %eq3A_1528 = arith.constant 0 : i32
      %eq3A_1529 = vector.broadcast %eq3A_1528 : i32 to vector<16xi32>
      %eq3A_1530 = arith.cmpi eq, %and3A_1527, %eq3A_1529 : vector<16xi32>
      %jit3A_1531 = arith.constant -5.000000e-01 : f32
      %jit3A_1532 = arith.constant 5.000000e-01 : f32
      %broadcast_in_dim3A_1533 = vector.broadcast %jit3A_1531 : f32 to vector<16xf32>
      %broadcast_in_dim3A_1534 = vector.broadcast %jit3A_1532 : f32 to vector<16xf32>
      %select_n3A_1535 = arith.select %eq3A_1530, %broadcast_in_dim3A_1533, %broadcast_in_dim3A_1534 : vector<16xi1>, vector<16xf32>
      %mul3A_1536 = arith.mulf %select_n3A_1535, %bitcast_convert_type3A_1524 : vector<16xf32>
      %add3A_1537 = arith.addf %bitcast_convert_type3A_1515, %mul3A_1536 : vector<16xf32>
      %mul3A_1538 = arith.mulf %add3A_1537, %gather3A : vector<16xf32>
      %swap3A_1539 = arith.constant 160 : index
      %swap3A_1540 = tpu.vector_load %arg36[%swap3A_1539] {strides = array<i32>} : memref<448xf32, #tpu.memory_space<vmem>>, vector<16xf32>,
      tpu.vector_store %arg36[%swap3A_1539], %mul3A_1538 {strides = array<i32>} : memref<448xf32, #tpu.memory_space<vmem>>, vector<16xf32>,
      %add3A_1541 = arith.constant 176 : i32
      %add3A_1542 = vector.broadcast %add3A_1541 : i32 to vector<16xi32>
      %add3A_1543 = arith.addi %broadcast_in_dim3A_60, %add3A_1542 : vector<16xi32>
      %add3A_1544 = arith.addi %add3A_1543, %iota3A : vector<16xi32>
      %shift_right_arithmetic3A_1545 = arith.constant 2 : i32
      %shift_right_arithmetic3A_1546 = vector.broadcast %shift_right_arithmetic3A_1545 : i32 to vector<16xi32>
      %shift_right_arithmetic3A_1547 = arith.shrsi %add3A_1544, %shift_right_arithmetic3A_1546 : vector<16xi32>
      %gather3A_1548 = tpu.vector_load_idx %arg35[%shift_right_arithmetic3A_1547] : memref<112xi32, #tpu.memory_space<vmem>>[vector<16xi32>], vector<16xi32>,
      %and3A_1549 = arith.constant 1 : i32
      %and3A_1550 = vector.broadcast %and3A_1549 : i32 to vector<16xi32>
      %and3A_1551 = arith.andi %add3A_1544, %and3A_1550 : vector<16xi32>
      %mul3A_1552 = arith.constant 4 : i32
      %mul3A_1553 = vector.broadcast %mul3A_1552 : i32 to vector<16xi32>
      %mul3A_1554 = arith.muli %gather3A_1548, %mul3A_1553 : vector<16xi32>
      %add3A_1555 = arith.addi %mul3A_1554, %and3A_1551 : vector<16xi32>
      %gather3A_1556 = tpu.vector_load_idx %arg12[%add3A_1555] : memref<32768xi32, #tpu.memory_space<vmem>>[vector<16xi32>], vector<16xi32>,
      %bitcast_convert_type3A_1557 = tpu.bitcast %gather3A_1556 : vector<16xi32> -> vector<16xf32>
      %mul3A_1558 = arith.constant 4 : i32
      %mul3A_1559 = vector.broadcast %mul3A_1558 : i32 to vector<16xi32>
      %mul3A_1560 = arith.muli %gather3A_1548, %mul3A_1559 : vector<16xi32>
      %or3A_1561 = arith.constant 2 : i32
      %or3A_1562 = vector.broadcast %or3A_1561 : i32 to vector<16xi32>
      %or3A_1563 = arith.ori %and3A_1551, %or3A_1562 : vector<16xi32>
      %add3A_1564 = arith.addi %mul3A_1560, %or3A_1563 : vector<16xi32>
      %gather3A_1565 = tpu.vector_load_idx %arg12[%add3A_1564] : memref<32768xi32, #tpu.memory_space<vmem>>[vector<16xi32>], vector<16xi32>,
      %bitcast_convert_type3A_1566 = tpu.bitcast %gather3A_1565 : vector<16xi32> -> vector<16xf32>
      %and3A_1567 = arith.constant 2 : i32
      %and3A_1568 = vector.broadcast %and3A_1567 : i32 to vector<16xi32>
      %and3A_1569 = arith.andi %add3A_1544, %and3A_1568 : vector<16xi32>
      %eq3A_1570 = arith.constant 0 : i32
      %eq3A_1571 = vector.broadcast %eq3A_1570 : i32 to vector<16xi32>
      %eq3A_1572 = arith.cmpi eq, %and3A_1569, %eq3A_1571 : vector<16xi32>
      %jit3A_1573 = arith.constant -5.000000e-01 : f32
      %jit3A_1574 = arith.constant 5.000000e-01 : f32
      %broadcast_in_dim3A_1575 = vector.broadcast %jit3A_1573 : f32 to vector<16xf32>
      %broadcast_in_dim3A_1576 = vector.broadcast %jit3A_1574 : f32 to vector<16xf32>
      %select_n3A_1577 = arith.select %eq3A_1572, %broadcast_in_dim3A_1575, %broadcast_in_dim3A_1576 : vector<16xi1>, vector<16xf32>
      %mul3A_1578 = arith.mulf %select_n3A_1577, %bitcast_convert_type3A_1566 : vector<16xf32>
      %add3A_1579 = arith.addf %bitcast_convert_type3A_1557, %mul3A_1578 : vector<16xf32>
      %mul3A_1580 = arith.mulf %add3A_1579, %gather3A : vector<16xf32>
      %swap3A_1581 = arith.constant 176 : index
      %swap3A_1582 = tpu.vector_load %arg36[%swap3A_1581] {strides = array<i32>} : memref<448xf32, #tpu.memory_space<vmem>>, vector<16xf32>,
      tpu.vector_store %arg36[%swap3A_1581], %mul3A_1580 {strides = array<i32>} : memref<448xf32, #tpu.memory_space<vmem>>, vector<16xf32>,
      %add3A_1583 = arith.constant 192 : i32
      %add3A_1584 = vector.broadcast %add3A_1583 : i32 to vector<16xi32>
      %add3A_1585 = arith.addi %broadcast_in_dim3A_60, %add3A_1584 : vector<16xi32>
      %add3A_1586 = arith.addi %add3A_1585, %iota3A : vector<16xi32>
      %shift_right_arithmetic3A_1587 = arith.constant 2 : i32
      %shift_right_arithmetic3A_1588 = vector.broadcast %shift_right_arithmetic3A_1587 : i32 to vector<16xi32>
      %shift_right_arithmetic3A_1589 = arith.shrsi %add3A_1586, %shift_right_arithmetic3A_1588 : vector<16xi32>
      %gather3A_1590 = tpu.vector_load_idx %arg35[%shift_right_arithmetic3A_1589] : memref<112xi32, #tpu.memory_space<vmem>>[vector<16xi32>], vector<16xi32>,
      %and3A_1591 = arith.constant 1 : i32
      %and3A_1592 = vector.broadcast %and3A_1591 : i32 to vector<16xi32>
      %and3A_1593 = arith.andi %add3A_1586, %and3A_1592 : vector<16xi32>
      %mul3A_1594 = arith.constant 4 : i32
      %mul3A_1595 = vector.broadcast %mul3A_1594 : i32 to vector<16xi32>
      %mul3A_1596 = arith.muli %gather3A_1590, %mul3A_1595 : vector<16xi32>
      %add3A_1597 = arith.addi %mul3A_1596, %and3A_1593 : vector<16xi32>
      %gather3A_1598 = tpu.vector_load_idx %arg12[%add3A_1597] : memref<32768xi32, #tpu.memory_space<vmem>>[vector<16xi32>], vector<16xi32>,
      %bitcast_convert_type3A_1599 = tpu.bitcast %gather3A_1598 : vector<16xi32> -> vector<16xf32>
      %mul3A_1600 = arith.constant 4 : i32
      %mul3A_1601 = vector.broadcast %mul3A_1600 : i32 to vector<16xi32>
      %mul3A_1602 = arith.muli %gather3A_1590, %mul3A_1601 : vector<16xi32>
      %or3A_1603 = arith.constant 2 : i32
      %or3A_1604 = vector.broadcast %or3A_1603 : i32 to vector<16xi32>
      %or3A_1605 = arith.ori %and3A_1593, %or3A_1604 : vector<16xi32>
      %add3A_1606 = arith.addi %mul3A_1602, %or3A_1605 : vector<16xi32>
      %gather3A_1607 = tpu.vector_load_idx %arg12[%add3A_1606] : memref<32768xi32, #tpu.memory_space<vmem>>[vector<16xi32>], vector<16xi32>,
      %bitcast_convert_type3A_1608 = tpu.bitcast %gather3A_1607 : vector<16xi32> -> vector<16xf32>
      %and3A_1609 = arith.constant 2 : i32
      %and3A_1610 = vector.broadcast %and3A_1609 : i32 to vector<16xi32>
      %and3A_1611 = arith.andi %add3A_1586, %and3A_1610 : vector<16xi32>
      %eq3A_1612 = arith.constant 0 : i32
      %eq3A_1613 = vector.broadcast %eq3A_1612 : i32 to vector<16xi32>
      %eq3A_1614 = arith.cmpi eq, %and3A_1611, %eq3A_1613 : vector<16xi32>
      %jit3A_1615 = arith.constant -5.000000e-01 : f32
      %jit3A_1616 = arith.constant 5.000000e-01 : f32
      %broadcast_in_dim3A_1617 = vector.broadcast %jit3A_1615 : f32 to vector<16xf32>
      %broadcast_in_dim3A_1618 = vector.broadcast %jit3A_1616 : f32 to vector<16xf32>
      %select_n3A_1619 = arith.select %eq3A_1614, %broadcast_in_dim3A_1617, %broadcast_in_dim3A_1618 : vector<16xi1>, vector<16xf32>
      %mul3A_1620 = arith.mulf %select_n3A_1619, %bitcast_convert_type3A_1608 : vector<16xf32>
      %add3A_1621 = arith.addf %bitcast_convert_type3A_1599, %mul3A_1620 : vector<16xf32>
      %mul3A_1622 = arith.mulf %add3A_1621, %gather3A : vector<16xf32>
      %swap3A_1623 = arith.constant 192 : index
      %swap3A_1624 = tpu.vector_load %arg36[%swap3A_1623] {strides = array<i32>} : memref<448xf32, #tpu.memory_space<vmem>>, vector<16xf32>,
      tpu.vector_store %arg36[%swap3A_1623], %mul3A_1622 {strides = array<i32>} : memref<448xf32, #tpu.memory_space<vmem>>, vector<16xf32>,
      %add3A_1625 = arith.constant 208 : i32
      %add3A_1626 = vector.broadcast %add3A_1625 : i32 to vector<16xi32>
      %add3A_1627 = arith.addi %broadcast_in_dim3A_60, %add3A_1626 : vector<16xi32>
      %add3A_1628 = arith.addi %add3A_1627, %iota3A : vector<16xi32>
      %shift_right_arithmetic3A_1629 = arith.constant 2 : i32
      %shift_right_arithmetic3A_1630 = vector.broadcast %shift_right_arithmetic3A_1629 : i32 to vector<16xi32>
      %shift_right_arithmetic3A_1631 = arith.shrsi %add3A_1628, %shift_right_arithmetic3A_1630 : vector<16xi32>
      %gather3A_1632 = tpu.vector_load_idx %arg35[%shift_right_arithmetic3A_1631] : memref<112xi32, #tpu.memory_space<vmem>>[vector<16xi32>], vector<16xi32>,
      %and3A_1633 = arith.constant 1 : i32
      %and3A_1634 = vector.broadcast %and3A_1633 : i32 to vector<16xi32>
      %and3A_1635 = arith.andi %add3A_1628, %and3A_1634 : vector<16xi32>
      %mul3A_1636 = arith.constant 4 : i32
      %mul3A_1637 = vector.broadcast %mul3A_1636 : i32 to vector<16xi32>
      %mul3A_1638 = arith.muli %gather3A_1632, %mul3A_1637 : vector<16xi32>
      %add3A_1639 = arith.addi %mul3A_1638, %and3A_1635 : vector<16xi32>
      %gather3A_1640 = tpu.vector_load_idx %arg12[%add3A_1639] : memref<32768xi32, #tpu.memory_space<vmem>>[vector<16xi32>], vector<16xi32>,
      %bitcast_convert_type3A_1641 = tpu.bitcast %gather3A_1640 : vector<16xi32> -> vector<16xf32>
      %mul3A_1642 = arith.constant 4 : i32
      %mul3A_1643 = vector.broadcast %mul3A_1642 : i32 to vector<16xi32>
      %mul3A_1644 = arith.muli %gather3A_1632, %mul3A_1643 : vector<16xi32>
      %or3A_1645 = arith.constant 2 : i32
      %or3A_1646 = vector.broadcast %or3A_1645 : i32 to vector<16xi32>
      %or3A_1647 = arith.ori %and3A_1635, %or3A_1646 : vector<16xi32>
      %add3A_1648 = arith.addi %mul3A_1644, %or3A_1647 : vector<16xi32>
      %gather3A_1649 = tpu.vector_load_idx %arg12[%add3A_1648] : memref<32768xi32, #tpu.memory_space<vmem>>[vector<16xi32>], vector<16xi32>,
      %bitcast_convert_type3A_1650 = tpu.bitcast %gather3A_1649 : vector<16xi32> -> vector<16xf32>
      %and3A_1651 = arith.constant 2 : i32
      %and3A_1652 = vector.broadcast %and3A_1651 : i32 to vector<16xi32>
      %and3A_1653 = arith.andi %add3A_1628, %and3A_1652 : vector<16xi32>
      %eq3A_1654 = arith.constant 0 : i32
      %eq3A_1655 = vector.broadcast %eq3A_1654 : i32 to vector<16xi32>
      %eq3A_1656 = arith.cmpi eq, %and3A_1653, %eq3A_1655 : vector<16xi32>
      %jit3A_1657 = arith.constant -5.000000e-01 : f32
      %jit3A_1658 = arith.constant 5.000000e-01 : f32
      %broadcast_in_dim3A_1659 = vector.broadcast %jit3A_1657 : f32 to vector<16xf32>
      %broadcast_in_dim3A_1660 = vector.broadcast %jit3A_1658 : f32 to vector<16xf32>
      %select_n3A_1661 = arith.select %eq3A_1656, %broadcast_in_dim3A_1659, %broadcast_in_dim3A_1660 : vector<16xi1>, vector<16xf32>
      %mul3A_1662 = arith.mulf %select_n3A_1661, %bitcast_convert_type3A_1650 : vector<16xf32>
      %add3A_1663 = arith.addf %bitcast_convert_type3A_1641, %mul3A_1662 : vector<16xf32>
      %mul3A_1664 = arith.mulf %add3A_1663, %gather3A : vector<16xf32>
      %swap3A_1665 = arith.constant 208 : index
      %swap3A_1666 = tpu.vector_load %arg36[%swap3A_1665] {strides = array<i32>} : memref<448xf32, #tpu.memory_space<vmem>>, vector<16xf32>,
      tpu.vector_store %arg36[%swap3A_1665], %mul3A_1664 {strides = array<i32>} : memref<448xf32, #tpu.memory_space<vmem>>, vector<16xf32>,
      %add3A_1667 = arith.constant 224 : i32
      %add3A_1668 = vector.broadcast %add3A_1667 : i32 to vector<16xi32>
      %add3A_1669 = arith.addi %broadcast_in_dim3A_60, %add3A_1668 : vector<16xi32>
      %add3A_1670 = arith.addi %add3A_1669, %iota3A : vector<16xi32>
      %shift_right_arithmetic3A_1671 = arith.constant 2 : i32
      %shift_right_arithmetic3A_1672 = vector.broadcast %shift_right_arithmetic3A_1671 : i32 to vector<16xi32>
      %shift_right_arithmetic3A_1673 = arith.shrsi %add3A_1670, %shift_right_arithmetic3A_1672 : vector<16xi32>
      %gather3A_1674 = tpu.vector_load_idx %arg35[%shift_right_arithmetic3A_1673] : memref<112xi32, #tpu.memory_space<vmem>>[vector<16xi32>], vector<16xi32>,
      %and3A_1675 = arith.constant 1 : i32
      %and3A_1676 = vector.broadcast %and3A_1675 : i32 to vector<16xi32>
      %and3A_1677 = arith.andi %add3A_1670, %and3A_1676 : vector<16xi32>
      %mul3A_1678 = arith.constant 4 : i32
      %mul3A_1679 = vector.broadcast %mul3A_1678 : i32 to vector<16xi32>
      %mul3A_1680 = arith.muli %gather3A_1674, %mul3A_1679 : vector<16xi32>
      %add3A_1681 = arith.addi %mul3A_1680, %and3A_1677 : vector<16xi32>
      %gather3A_1682 = tpu.vector_load_idx %arg12[%add3A_1681] : memref<32768xi32, #tpu.memory_space<vmem>>[vector<16xi32>], vector<16xi32>,
      %bitcast_convert_type3A_1683 = tpu.bitcast %gather3A_1682 : vector<16xi32> -> vector<16xf32>
      %mul3A_1684 = arith.constant 4 : i32
      %mul3A_1685 = vector.broadcast %mul3A_1684 : i32 to vector<16xi32>
      %mul3A_1686 = arith.muli %gather3A_1674, %mul3A_1685 : vector<16xi32>
      %or3A_1687 = arith.constant 2 : i32
      %or3A_1688 = vector.broadcast %or3A_1687 : i32 to vector<16xi32>
      %or3A_1689 = arith.ori %and3A_1677, %or3A_1688 : vector<16xi32>
      %add3A_1690 = arith.addi %mul3A_1686, %or3A_1689 : vector<16xi32>
      %gather3A_1691 = tpu.vector_load_idx %arg12[%add3A_1690] : memref<32768xi32, #tpu.memory_space<vmem>>[vector<16xi32>], vector<16xi32>,
      %bitcast_convert_type3A_1692 = tpu.bitcast %gather3A_1691 : vector<16xi32> -> vector<16xf32>
      %and3A_1693 = arith.constant 2 : i32
      %and3A_1694 = vector.broadcast %and3A_1693 : i32 to vector<16xi32>
      %and3A_1695 = arith.andi %add3A_1670, %and3A_1694 : vector<16xi32>
      %eq3A_1696 = arith.constant 0 : i32
      %eq3A_1697 = vector.broadcast %eq3A_1696 : i32 to vector<16xi32>
      %eq3A_1698 = arith.cmpi eq, %and3A_1695, %eq3A_1697 : vector<16xi32>
      %jit3A_1699 = arith.constant -5.000000e-01 : f32
      %jit3A_1700 = arith.constant 5.000000e-01 : f32
      %broadcast_in_dim3A_1701 = vector.broadcast %jit3A_1699 : f32 to vector<16xf32>
      %broadcast_in_dim3A_1702 = vector.broadcast %jit3A_1700 : f32 to vector<16xf32>
      %select_n3A_1703 = arith.select %eq3A_1698, %broadcast_in_dim3A_1701, %broadcast_in_dim3A_1702 : vector<16xi1>, vector<16xf32>
      %mul3A_1704 = arith.mulf %select_n3A_1703, %bitcast_convert_type3A_1692 : vector<16xf32>
      %add3A_1705 = arith.addf %bitcast_convert_type3A_1683, %mul3A_1704 : vector<16xf32>
      %mul3A_1706 = arith.mulf %add3A_1705, %gather3A : vector<16xf32>
      %swap3A_1707 = arith.constant 224 : index
      %swap3A_1708 = tpu.vector_load %arg36[%swap3A_1707] {strides = array<i32>} : memref<448xf32, #tpu.memory_space<vmem>>, vector<16xf32>,
      tpu.vector_store %arg36[%swap3A_1707], %mul3A_1706 {strides = array<i32>} : memref<448xf32, #tpu.memory_space<vmem>>, vector<16xf32>,
      %add3A_1709 = arith.constant 240 : i32
      %add3A_1710 = vector.broadcast %add3A_1709 : i32 to vector<16xi32>
      %add3A_1711 = arith.addi %broadcast_in_dim3A_60, %add3A_1710 : vector<16xi32>
      %add3A_1712 = arith.addi %add3A_1711, %iota3A : vector<16xi32>
      %shift_right_arithmetic3A_1713 = arith.constant 2 : i32
      %shift_right_arithmetic3A_1714 = vector.broadcast %shift_right_arithmetic3A_1713 : i32 to vector<16xi32>
      %shift_right_arithmetic3A_1715 = arith.shrsi %add3A_1712, %shift_right_arithmetic3A_1714 : vector<16xi32>
      %gather3A_1716 = tpu.vector_load_idx %arg35[%shift_right_arithmetic3A_1715] : memref<112xi32, #tpu.memory_space<vmem>>[vector<16xi32>], vector<16xi32>,
      %and3A_1717 = arith.constant 1 : i32
      %and3A_1718 = vector.broadcast %and3A_1717 : i32 to vector<16xi32>
      %and3A_1719 = arith.andi %add3A_1712, %and3A_1718 : vector<16xi32>
      %mul3A_1720 = arith.constant 4 : i32
      %mul3A_1721 = vector.broadcast %mul3A_1720 : i32 to vector<16xi32>
      %mul3A_1722 = arith.muli %gather3A_1716, %mul3A_1721 : vector<16xi32>
      %add3A_1723 = arith.addi %mul3A_1722, %and3A_1719 : vector<16xi32>
      %gather3A_1724 = tpu.vector_load_idx %arg12[%add3A_1723] : memref<32768xi32, #tpu.memory_space<vmem>>[vector<16xi32>], vector<16xi32>,
      %bitcast_convert_type3A_1725 = tpu.bitcast %gather3A_1724 : vector<16xi32> -> vector<16xf32>
      %mul3A_1726 = arith.constant 4 : i32
      %mul3A_1727 = vector.broadcast %mul3A_1726 : i32 to vector<16xi32>
      %mul3A_1728 = arith.muli %gather3A_1716, %mul3A_1727 : vector<16xi32>
      %or3A_1729 = arith.constant 2 : i32
      %or3A_1730 = vector.broadcast %or3A_1729 : i32 to vector<16xi32>
      %or3A_1731 = arith.ori %and3A_1719, %or3A_1730 : vector<16xi32>
      %add3A_1732 = arith.addi %mul3A_1728, %or3A_1731 : vector<16xi32>
      %gather3A_1733 = tpu.vector_load_idx %arg12[%add3A_1732] : memref<32768xi32, #tpu.memory_space<vmem>>[vector<16xi32>], vector<16xi32>,
      %bitcast_convert_type3A_1734 = tpu.bitcast %gather3A_1733 : vector<16xi32> -> vector<16xf32>
      %and3A_1735 = arith.constant 2 : i32
      %and3A_1736 = vector.broadcast %and3A_1735 : i32 to vector<16xi32>
      %and3A_1737 = arith.andi %add3A_1712, %and3A_1736 : vector<16xi32>
      %eq3A_1738 = arith.constant 0 : i32
      %eq3A_1739 = vector.broadcast %eq3A_1738 : i32 to vector<16xi32>
      %eq3A_1740 = arith.cmpi eq, %and3A_1737, %eq3A_1739 : vector<16xi32>
      %jit3A_1741 = arith.constant -5.000000e-01 : f32
      %jit3A_1742 = arith.constant 5.000000e-01 : f32
      %broadcast_in_dim3A_1743 = vector.broadcast %jit3A_1741 : f32 to vector<16xf32>
      %broadcast_in_dim3A_1744 = vector.broadcast %jit3A_1742 : f32 to vector<16xf32>
      %select_n3A_1745 = arith.select %eq3A_1740, %broadcast_in_dim3A_1743, %broadcast_in_dim3A_1744 : vector<16xi1>, vector<16xf32>
      %mul3A_1746 = arith.mulf %select_n3A_1745, %bitcast_convert_type3A_1734 : vector<16xf32>
      %add3A_1747 = arith.addf %bitcast_convert_type3A_1725, %mul3A_1746 : vector<16xf32>
      %mul3A_1748 = arith.mulf %add3A_1747, %gather3A : vector<16xf32>
      %swap3A_1749 = arith.constant 240 : index
      %swap3A_1750 = tpu.vector_load %arg36[%swap3A_1749] {strides = array<i32>} : memref<448xf32, #tpu.memory_space<vmem>>, vector<16xf32>,
      tpu.vector_store %arg36[%swap3A_1749], %mul3A_1748 {strides = array<i32>} : memref<448xf32, #tpu.memory_space<vmem>>, vector<16xf32>,
      %add3A_1751 = arith.constant 256 : i32
      %add3A_1752 = vector.broadcast %add3A_1751 : i32 to vector<16xi32>
      %add3A_1753 = arith.addi %broadcast_in_dim3A_60, %add3A_1752 : vector<16xi32>
      %add3A_1754 = arith.addi %add3A_1753, %iota3A : vector<16xi32>
      %shift_right_arithmetic3A_1755 = arith.constant 2 : i32
      %shift_right_arithmetic3A_1756 = vector.broadcast %shift_right_arithmetic3A_1755 : i32 to vector<16xi32>
      %shift_right_arithmetic3A_1757 = arith.shrsi %add3A_1754, %shift_right_arithmetic3A_1756 : vector<16xi32>
      %gather3A_1758 = tpu.vector_load_idx %arg35[%shift_right_arithmetic3A_1757] : memref<112xi32, #tpu.memory_space<vmem>>[vector<16xi32>], vector<16xi32>,
      %and3A_1759 = arith.constant 1 : i32
      %and3A_1760 = vector.broadcast %and3A_1759 : i32 to vector<16xi32>
      %and3A_1761 = arith.andi %add3A_1754, %and3A_1760 : vector<16xi32>
      %mul3A_1762 = arith.constant 4 : i32
      %mul3A_1763 = vector.broadcast %mul3A_1762 : i32 to vector<16xi32>
      %mul3A_1764 = arith.muli %gather3A_1758, %mul3A_1763 : vector<16xi32>
      %add3A_1765 = arith.addi %mul3A_1764, %and3A_1761 : vector<16xi32>
      %gather3A_1766 = tpu.vector_load_idx %arg12[%add3A_1765] : memref<32768xi32, #tpu.memory_space<vmem>>[vector<16xi32>], vector<16xi32>,
      %bitcast_convert_type3A_1767 = tpu.bitcast %gather3A_1766 : vector<16xi32> -> vector<16xf32>
      %mul3A_1768 = arith.constant 4 : i32
      %mul3A_1769 = vector.broadcast %mul3A_1768 : i32 to vector<16xi32>
      %mul3A_1770 = arith.muli %gather3A_1758, %mul3A_1769 : vector<16xi32>
      %or3A_1771 = arith.constant 2 : i32
      %or3A_1772 = vector.broadcast %or3A_1771 : i32 to vector<16xi32>
      %or3A_1773 = arith.ori %and3A_1761, %or3A_1772 : vector<16xi32>
      %add3A_1774 = arith.addi %mul3A_1770, %or3A_1773 : vector<16xi32>
      %gather3A_1775 = tpu.vector_load_idx %arg12[%add3A_1774] : memref<32768xi32, #tpu.memory_space<vmem>>[vector<16xi32>], vector<16xi32>,
      %bitcast_convert_type3A_1776 = tpu.bitcast %gather3A_1775 : vector<16xi32> -> vector<16xf32>
      %and3A_1777 = arith.constant 2 : i32
      %and3A_1778 = vector.broadcast %and3A_1777 : i32 to vector<16xi32>
      %and3A_1779 = arith.andi %add3A_1754, %and3A_1778 : vector<16xi32>
      %eq3A_1780 = arith.constant 0 : i32
      %eq3A_1781 = vector.broadcast %eq3A_1780 : i32 to vector<16xi32>
      %eq3A_1782 = arith.cmpi eq, %and3A_1779, %eq3A_1781 : vector<16xi32>
      %jit3A_1783 = arith.constant -5.000000e-01 : f32
      %jit3A_1784 = arith.constant 5.000000e-01 : f32
      %broadcast_in_dim3A_1785 = vector.broadcast %jit3A_1783 : f32 to vector<16xf32>
      %broadcast_in_dim3A_1786 = vector.broadcast %jit3A_1784 : f32 to vector<16xf32>
      %select_n3A_1787 = arith.select %eq3A_1782, %broadcast_in_dim3A_1785, %broadcast_in_dim3A_1786 : vector<16xi1>, vector<16xf32>
      %mul3A_1788 = arith.mulf %select_n3A_1787, %bitcast_convert_type3A_1776 : vector<16xf32>
      %add3A_1789 = arith.addf %bitcast_convert_type3A_1767, %mul3A_1788 : vector<16xf32>
      %mul3A_1790 = arith.mulf %add3A_1789, %gather3A : vector<16xf32>
      %swap3A_1791 = arith.constant 256 : index
      %swap3A_1792 = tpu.vector_load %arg36[%swap3A_1791] {strides = array<i32>} : memref<448xf32, #tpu.memory_space<vmem>>, vector<16xf32>,
      tpu.vector_store %arg36[%swap3A_1791], %mul3A_1790 {strides = array<i32>} : memref<448xf32, #tpu.memory_space<vmem>>, vector<16xf32>,
      %add3A_1793 = arith.constant 272 : i32
      %add3A_1794 = vector.broadcast %add3A_1793 : i32 to vector<16xi32>
      %add3A_1795 = arith.addi %broadcast_in_dim3A_60, %add3A_1794 : vector<16xi32>
      %add3A_1796 = arith.addi %add3A_1795, %iota3A : vector<16xi32>
      %shift_right_arithmetic3A_1797 = arith.constant 2 : i32
      %shift_right_arithmetic3A_1798 = vector.broadcast %shift_right_arithmetic3A_1797 : i32 to vector<16xi32>
      %shift_right_arithmetic3A_1799 = arith.shrsi %add3A_1796, %shift_right_arithmetic3A_1798 : vector<16xi32>
      %gather3A_1800 = tpu.vector_load_idx %arg35[%shift_right_arithmetic3A_1799] : memref<112xi32, #tpu.memory_space<vmem>>[vector<16xi32>], vector<16xi32>,
      %and3A_1801 = arith.constant 1 : i32
      %and3A_1802 = vector.broadcast %and3A_1801 : i32 to vector<16xi32>
      %and3A_1803 = arith.andi %add3A_1796, %and3A_1802 : vector<16xi32>
      %mul3A_1804 = arith.constant 4 : i32
      %mul3A_1805 = vector.broadcast %mul3A_1804 : i32 to vector<16xi32>
      %mul3A_1806 = arith.muli %gather3A_1800, %mul3A_1805 : vector<16xi32>
      %add3A_1807 = arith.addi %mul3A_1806, %and3A_1803 : vector<16xi32>
      %gather3A_1808 = tpu.vector_load_idx %arg12[%add3A_1807] : memref<32768xi32, #tpu.memory_space<vmem>>[vector<16xi32>], vector<16xi32>,
      %bitcast_convert_type3A_1809 = tpu.bitcast %gather3A_1808 : vector<16xi32> -> vector<16xf32>
      %mul3A_1810 = arith.constant 4 : i32
      %mul3A_1811 = vector.broadcast %mul3A_1810 : i32 to vector<16xi32>
      %mul3A_1812 = arith.muli %gather3A_1800, %mul3A_1811 : vector<16xi32>
      %or3A_1813 = arith.constant 2 : i32
      %or3A_1814 = vector.broadcast %or3A_1813 : i32 to vector<16xi32>
      %or3A_1815 = arith.ori %and3A_1803, %or3A_1814 : vector<16xi32>
      %add3A_1816 = arith.addi %mul3A_1812, %or3A_1815 : vector<16xi32>
      %gather3A_1817 = tpu.vector_load_idx %arg12[%add3A_1816] : memref<32768xi32, #tpu.memory_space<vmem>>[vector<16xi32>], vector<16xi32>,
      %bitcast_convert_type3A_1818 = tpu.bitcast %gather3A_1817 : vector<16xi32> -> vector<16xf32>
      %and3A_1819 = arith.constant 2 : i32
      %and3A_1820 = vector.broadcast %and3A_1819 : i32 to vector<16xi32>
      %and3A_1821 = arith.andi %add3A_1796, %and3A_1820 : vector<16xi32>
      %eq3A_1822 = arith.constant 0 : i32
      %eq3A_1823 = vector.broadcast %eq3A_1822 : i32 to vector<16xi32>
      %eq3A_1824 = arith.cmpi eq, %and3A_1821, %eq3A_1823 : vector<16xi32>
      %jit3A_1825 = arith.constant -5.000000e-01 : f32
      %jit3A_1826 = arith.constant 5.000000e-01 : f32
      %broadcast_in_dim3A_1827 = vector.broadcast %jit3A_1825 : f32 to vector<16xf32>
      %broadcast_in_dim3A_1828 = vector.broadcast %jit3A_1826 : f32 to vector<16xf32>
      %select_n3A_1829 = arith.select %eq3A_1824, %broadcast_in_dim3A_1827, %broadcast_in_dim3A_1828 : vector<16xi1>, vector<16xf32>
      %mul3A_1830 = arith.mulf %select_n3A_1829, %bitcast_convert_type3A_1818 : vector<16xf32>
      %add3A_1831 = arith.addf %bitcast_convert_type3A_1809, %mul3A_1830 : vector<16xf32>
      %mul3A_1832 = arith.mulf %add3A_1831, %gather3A : vector<16xf32>
      %swap3A_1833 = arith.constant 272 : index
      %swap3A_1834 = tpu.vector_load %arg36[%swap3A_1833] {strides = array<i32>} : memref<448xf32, #tpu.memory_space<vmem>>, vector<16xf32>,
      tpu.vector_store %arg36[%swap3A_1833], %mul3A_1832 {strides = array<i32>} : memref<448xf32, #tpu.memory_space<vmem>>, vector<16xf32>,
      %add3A_1835 = arith.constant 288 : i32
      %add3A_1836 = vector.broadcast %add3A_1835 : i32 to vector<16xi32>
      %add3A_1837 = arith.addi %broadcast_in_dim3A_60, %add3A_1836 : vector<16xi32>
      %add3A_1838 = arith.addi %add3A_1837, %iota3A : vector<16xi32>
      %shift_right_arithmetic3A_1839 = arith.constant 2 : i32
      %shift_right_arithmetic3A_1840 = vector.broadcast %shift_right_arithmetic3A_1839 : i32 to vector<16xi32>
      %shift_right_arithmetic3A_1841 = arith.shrsi %add3A_1838, %shift_right_arithmetic3A_1840 : vector<16xi32>
      %gather3A_1842 = tpu.vector_load_idx %arg35[%shift_right_arithmetic3A_1841] : memref<112xi32, #tpu.memory_space<vmem>>[vector<16xi32>], vector<16xi32>,
      %and3A_1843 = arith.constant 1 : i32
      %and3A_1844 = vector.broadcast %and3A_1843 : i32 to vector<16xi32>
      %and3A_1845 = arith.andi %add3A_1838, %and3A_1844 : vector<16xi32>
      %mul3A_1846 = arith.constant 4 : i32
      %mul3A_1847 = vector.broadcast %mul3A_1846 : i32 to vector<16xi32>
      %mul3A_1848 = arith.muli %gather3A_1842, %mul3A_1847 : vector<16xi32>
      %add3A_1849 = arith.addi %mul3A_1848, %and3A_1845 : vector<16xi32>
      %gather3A_1850 = tpu.vector_load_idx %arg12[%add3A_1849] : memref<32768xi32, #tpu.memory_space<vmem>>[vector<16xi32>], vector<16xi32>,
      %bitcast_convert_type3A_1851 = tpu.bitcast %gather3A_1850 : vector<16xi32> -> vector<16xf32>
      %mul3A_1852 = arith.constant 4 : i32
      %mul3A_1853 = vector.broadcast %mul3A_1852 : i32 to vector<16xi32>
      %mul3A_1854 = arith.muli %gather3A_1842, %mul3A_1853 : vector<16xi32>
      %or3A_1855 = arith.constant 2 : i32
      %or3A_1856 = vector.broadcast %or3A_1855 : i32 to vector<16xi32>
      %or3A_1857 = arith.ori %and3A_1845, %or3A_1856 : vector<16xi32>
      %add3A_1858 = arith.addi %mul3A_1854, %or3A_1857 : vector<16xi32>
      %gather3A_1859 = tpu.vector_load_idx %arg12[%add3A_1858] : memref<32768xi32, #tpu.memory_space<vmem>>[vector<16xi32>], vector<16xi32>,
      %bitcast_convert_type3A_1860 = tpu.bitcast %gather3A_1859 : vector<16xi32> -> vector<16xf32>
      %and3A_1861 = arith.constant 2 : i32
      %and3A_1862 = vector.broadcast %and3A_1861 : i32 to vector<16xi32>
      %and3A_1863 = arith.andi %add3A_1838, %and3A_1862 : vector<16xi32>
      %eq3A_1864 = arith.constant 0 : i32
      %eq3A_1865 = vector.broadcast %eq3A_1864 : i32 to vector<16xi32>
      %eq3A_1866 = arith.cmpi eq, %and3A_1863, %eq3A_1865 : vector<16xi32>
      %jit3A_1867 = arith.constant -5.000000e-01 : f32
      %jit3A_1868 = arith.constant 5.000000e-01 : f32
      %broadcast_in_dim3A_1869 = vector.broadcast %jit3A_1867 : f32 to vector<16xf32>
      %broadcast_in_dim3A_1870 = vector.broadcast %jit3A_1868 : f32 to vector<16xf32>
      %select_n3A_1871 = arith.select %eq3A_1866, %broadcast_in_dim3A_1869, %broadcast_in_dim3A_1870 : vector<16xi1>, vector<16xf32>
      %mul3A_1872 = arith.mulf %select_n3A_1871, %bitcast_convert_type3A_1860 : vector<16xf32>
      %add3A_1873 = arith.addf %bitcast_convert_type3A_1851, %mul3A_1872 : vector<16xf32>
      %mul3A_1874 = arith.mulf %add3A_1873, %gather3A : vector<16xf32>
      %swap3A_1875 = arith.constant 288 : index
      %swap3A_1876 = tpu.vector_load %arg36[%swap3A_1875] {strides = array<i32>} : memref<448xf32, #tpu.memory_space<vmem>>, vector<16xf32>,
      tpu.vector_store %arg36[%swap3A_1875], %mul3A_1874 {strides = array<i32>} : memref<448xf32, #tpu.memory_space<vmem>>, vector<16xf32>,
      %add3A_1877 = arith.constant 304 : i32
      %add3A_1878 = vector.broadcast %add3A_1877 : i32 to vector<16xi32>
      %add3A_1879 = arith.addi %broadcast_in_dim3A_60, %add3A_1878 : vector<16xi32>
      %add3A_1880 = arith.addi %add3A_1879, %iota3A : vector<16xi32>
      %shift_right_arithmetic3A_1881 = arith.constant 2 : i32
      %shift_right_arithmetic3A_1882 = vector.broadcast %shift_right_arithmetic3A_1881 : i32 to vector<16xi32>
      %shift_right_arithmetic3A_1883 = arith.shrsi %add3A_1880, %shift_right_arithmetic3A_1882 : vector<16xi32>
      %gather3A_1884 = tpu.vector_load_idx %arg35[%shift_right_arithmetic3A_1883] : memref<112xi32, #tpu.memory_space<vmem>>[vector<16xi32>], vector<16xi32>,
      %and3A_1885 = arith.constant 1 : i32
      %and3A_1886 = vector.broadcast %and3A_1885 : i32 to vector<16xi32>
      %and3A_1887 = arith.andi %add3A_1880, %and3A_1886 : vector<16xi32>
      %mul3A_1888 = arith.constant 4 : i32
      %mul3A_1889 = vector.broadcast %mul3A_1888 : i32 to vector<16xi32>
      %mul3A_1890 = arith.muli %gather3A_1884, %mul3A_1889 : vector<16xi32>
      %add3A_1891 = arith.addi %mul3A_1890, %and3A_1887 : vector<16xi32>
      %gather3A_1892 = tpu.vector_load_idx %arg12[%add3A_1891] : memref<32768xi32, #tpu.memory_space<vmem>>[vector<16xi32>], vector<16xi32>,
      %bitcast_convert_type3A_1893 = tpu.bitcast %gather3A_1892 : vector<16xi32> -> vector<16xf32>
      %mul3A_1894 = arith.constant 4 : i32
      %mul3A_1895 = vector.broadcast %mul3A_1894 : i32 to vector<16xi32>
      %mul3A_1896 = arith.muli %gather3A_1884, %mul3A_1895 : vector<16xi32>
      %or3A_1897 = arith.constant 2 : i32
      %or3A_1898 = vector.broadcast %or3A_1897 : i32 to vector<16xi32>
      %or3A_1899 = arith.ori %and3A_1887, %or3A_1898 : vector<16xi32>
      %add3A_1900 = arith.addi %mul3A_1896, %or3A_1899 : vector<16xi32>
      %gather3A_1901 = tpu.vector_load_idx %arg12[%add3A_1900] : memref<32768xi32, #tpu.memory_space<vmem>>[vector<16xi32>], vector<16xi32>,
      %bitcast_convert_type3A_1902 = tpu.bitcast %gather3A_1901 : vector<16xi32> -> vector<16xf32>
      %and3A_1903 = arith.constant 2 : i32
      %and3A_1904 = vector.broadcast %and3A_1903 : i32 to vector<16xi32>
      %and3A_1905 = arith.andi %add3A_1880, %and3A_1904 : vector<16xi32>
      %eq3A_1906 = arith.constant 0 : i32
      %eq3A_1907 = vector.broadcast %eq3A_1906 : i32 to vector<16xi32>
      %eq3A_1908 = arith.cmpi eq, %and3A_1905, %eq3A_1907 : vector<16xi32>
      %jit3A_1909 = arith.constant -5.000000e-01 : f32
      %jit3A_1910 = arith.constant 5.000000e-01 : f32
      %broadcast_in_dim3A_1911 = vector.broadcast %jit3A_1909 : f32 to vector<16xf32>
      %broadcast_in_dim3A_1912 = vector.broadcast %jit3A_1910 : f32 to vector<16xf32>
      %select_n3A_1913 = arith.select %eq3A_1908, %broadcast_in_dim3A_1911, %broadcast_in_dim3A_1912 : vector<16xi1>, vector<16xf32>
      %mul3A_1914 = arith.mulf %select_n3A_1913, %bitcast_convert_type3A_1902 : vector<16xf32>
      %add3A_1915 = arith.addf %bitcast_convert_type3A_1893, %mul3A_1914 : vector<16xf32>
      %mul3A_1916 = arith.mulf %add3A_1915, %gather3A : vector<16xf32>
      %swap3A_1917 = arith.constant 304 : index
      %swap3A_1918 = tpu.vector_load %arg36[%swap3A_1917] {strides = array<i32>} : memref<448xf32, #tpu.memory_space<vmem>>, vector<16xf32>,
      tpu.vector_store %arg36[%swap3A_1917], %mul3A_1916 {strides = array<i32>} : memref<448xf32, #tpu.memory_space<vmem>>, vector<16xf32>,
      %add3A_1919 = arith.constant 320 : i32
      %add3A_1920 = vector.broadcast %add3A_1919 : i32 to vector<16xi32>
      %add3A_1921 = arith.addi %broadcast_in_dim3A_60, %add3A_1920 : vector<16xi32>
      %add3A_1922 = arith.addi %add3A_1921, %iota3A : vector<16xi32>
      %shift_right_arithmetic3A_1923 = arith.constant 2 : i32
      %shift_right_arithmetic3A_1924 = vector.broadcast %shift_right_arithmetic3A_1923 : i32 to vector<16xi32>
      %shift_right_arithmetic3A_1925 = arith.shrsi %add3A_1922, %shift_right_arithmetic3A_1924 : vector<16xi32>
      %gather3A_1926 = tpu.vector_load_idx %arg35[%shift_right_arithmetic3A_1925] : memref<112xi32, #tpu.memory_space<vmem>>[vector<16xi32>], vector<16xi32>,
      %and3A_1927 = arith.constant 1 : i32
      %and3A_1928 = vector.broadcast %and3A_1927 : i32 to vector<16xi32>
      %and3A_1929 = arith.andi %add3A_1922, %and3A_1928 : vector<16xi32>
      %mul3A_1930 = arith.constant 4 : i32
      %mul3A_1931 = vector.broadcast %mul3A_1930 : i32 to vector<16xi32>
      %mul3A_1932 = arith.muli %gather3A_1926, %mul3A_1931 : vector<16xi32>
      %add3A_1933 = arith.addi %mul3A_1932, %and3A_1929 : vector<16xi32>
      %gather3A_1934 = tpu.vector_load_idx %arg12[%add3A_1933] : memref<32768xi32, #tpu.memory_space<vmem>>[vector<16xi32>], vector<16xi32>,
      %bitcast_convert_type3A_1935 = tpu.bitcast %gather3A_1934 : vector<16xi32> -> vector<16xf32>
      %mul3A_1936 = arith.constant 4 : i32
      %mul3A_1937 = vector.broadcast %mul3A_1936 : i32 to vector<16xi32>
      %mul3A_1938 = arith.muli %gather3A_1926, %mul3A_1937 : vector<16xi32>
      %or3A_1939 = arith.constant 2 : i32
      %or3A_1940 = vector.broadcast %or3A_1939 : i32 to vector<16xi32>
      %or3A_1941 = arith.ori %and3A_1929, %or3A_1940 : vector<16xi32>
      %add3A_1942 = arith.addi %mul3A_1938, %or3A_1941 : vector<16xi32>
      %gather3A_1943 = tpu.vector_load_idx %arg12[%add3A_1942] : memref<32768xi32, #tpu.memory_space<vmem>>[vector<16xi32>], vector<16xi32>,
      %bitcast_convert_type3A_1944 = tpu.bitcast %gather3A_1943 : vector<16xi32> -> vector<16xf32>
      %and3A_1945 = arith.constant 2 : i32
      %and3A_1946 = vector.broadcast %and3A_1945 : i32 to vector<16xi32>
      %and3A_1947 = arith.andi %add3A_1922, %and3A_1946 : vector<16xi32>
      %eq3A_1948 = arith.constant 0 : i32
      %eq3A_1949 = vector.broadcast %eq3A_1948 : i32 to vector<16xi32>
      %eq3A_1950 = arith.cmpi eq, %and3A_1947, %eq3A_1949 : vector<16xi32>
      %jit3A_1951 = arith.constant -5.000000e-01 : f32
      %jit3A_1952 = arith.constant 5.000000e-01 : f32
      %broadcast_in_dim3A_1953 = vector.broadcast %jit3A_1951 : f32 to vector<16xf32>
      %broadcast_in_dim3A_1954 = vector.broadcast %jit3A_1952 : f32 to vector<16xf32>
      %select_n3A_1955 = arith.select %eq3A_1950, %broadcast_in_dim3A_1953, %broadcast_in_dim3A_1954 : vector<16xi1>, vector<16xf32>
      %mul3A_1956 = arith.mulf %select_n3A_1955, %bitcast_convert_type3A_1944 : vector<16xf32>
      %add3A_1957 = arith.addf %bitcast_convert_type3A_1935, %mul3A_1956 : vector<16xf32>
      %mul3A_1958 = arith.mulf %add3A_1957, %gather3A : vector<16xf32>
      %swap3A_1959 = arith.constant 320 : index
      %swap3A_1960 = tpu.vector_load %arg36[%swap3A_1959] {strides = array<i32>} : memref<448xf32, #tpu.memory_space<vmem>>, vector<16xf32>,
      tpu.vector_store %arg36[%swap3A_1959], %mul3A_1958 {strides = array<i32>} : memref<448xf32, #tpu.memory_space<vmem>>, vector<16xf32>,
      %add3A_1961 = arith.constant 336 : i32
      %add3A_1962 = vector.broadcast %add3A_1961 : i32 to vector<16xi32>
      %add3A_1963 = arith.addi %broadcast_in_dim3A_60, %add3A_1962 : vector<16xi32>
      %add3A_1964 = arith.addi %add3A_1963, %iota3A : vector<16xi32>
      %shift_right_arithmetic3A_1965 = arith.constant 2 : i32
      %shift_right_arithmetic3A_1966 = vector.broadcast %shift_right_arithmetic3A_1965 : i32 to vector<16xi32>
      %shift_right_arithmetic3A_1967 = arith.shrsi %add3A_1964, %shift_right_arithmetic3A_1966 : vector<16xi32>
      %gather3A_1968 = tpu.vector_load_idx %arg35[%shift_right_arithmetic3A_1967] : memref<112xi32, #tpu.memory_space<vmem>>[vector<16xi32>], vector<16xi32>,
      %and3A_1969 = arith.constant 1 : i32
      %and3A_1970 = vector.broadcast %and3A_1969 : i32 to vector<16xi32>
      %and3A_1971 = arith.andi %add3A_1964, %and3A_1970 : vector<16xi32>
      %mul3A_1972 = arith.constant 4 : i32
      %mul3A_1973 = vector.broadcast %mul3A_1972 : i32 to vector<16xi32>
      %mul3A_1974 = arith.muli %gather3A_1968, %mul3A_1973 : vector<16xi32>
      %add3A_1975 = arith.addi %mul3A_1974, %and3A_1971 : vector<16xi32>
      %gather3A_1976 = tpu.vector_load_idx %arg12[%add3A_1975] : memref<32768xi32, #tpu.memory_space<vmem>>[vector<16xi32>], vector<16xi32>,
      %bitcast_convert_type3A_1977 = tpu.bitcast %gather3A_1976 : vector<16xi32> -> vector<16xf32>
      %mul3A_1978 = arith.constant 4 : i32
      %mul3A_1979 = vector.broadcast %mul3A_1978 : i32 to vector<16xi32>
      %mul3A_1980 = arith.muli %gather3A_1968, %mul3A_1979 : vector<16xi32>
      %or3A_1981 = arith.constant 2 : i32
      %or3A_1982 = vector.broadcast %or3A_1981 : i32 to vector<16xi32>
      %or3A_1983 = arith.ori %and3A_1971, %or3A_1982 : vector<16xi32>
      %add3A_1984 = arith.addi %mul3A_1980, %or3A_1983 : vector<16xi32>
      %gather3A_1985 = tpu.vector_load_idx %arg12[%add3A_1984] : memref<32768xi32, #tpu.memory_space<vmem>>[vector<16xi32>], vector<16xi32>,
      %bitcast_convert_type3A_1986 = tpu.bitcast %gather3A_1985 : vector<16xi32> -> vector<16xf32>
      %and3A_1987 = arith.constant 2 : i32
      %and3A_1988 = vector.broadcast %and3A_1987 : i32 to vector<16xi32>
      %and3A_1989 = arith.andi %add3A_1964, %and3A_1988 : vector<16xi32>
      %eq3A_1990 = arith.constant 0 : i32
      %eq3A_1991 = vector.broadcast %eq3A_1990 : i32 to vector<16xi32>
      %eq3A_1992 = arith.cmpi eq, %and3A_1989, %eq3A_1991 : vector<16xi32>
      %jit3A_1993 = arith.constant -5.000000e-01 : f32
      %jit3A_1994 = arith.constant 5.000000e-01 : f32
      %broadcast_in_dim3A_1995 = vector.broadcast %jit3A_1993 : f32 to vector<16xf32>
      %broadcast_in_dim3A_1996 = vector.broadcast %jit3A_1994 : f32 to vector<16xf32>
      %select_n3A_1997 = arith.select %eq3A_1992, %broadcast_in_dim3A_1995, %broadcast_in_dim3A_1996 : vector<16xi1>, vector<16xf32>
      %mul3A_1998 = arith.mulf %select_n3A_1997, %bitcast_convert_type3A_1986 : vector<16xf32>
      %add3A_1999 = arith.addf %bitcast_convert_type3A_1977, %mul3A_1998 : vector<16xf32>
      %mul3A_2000 = arith.mulf %add3A_1999, %gather3A : vector<16xf32>
      %swap3A_2001 = arith.constant 336 : index
      %swap3A_2002 = tpu.vector_load %arg36[%swap3A_2001] {strides = array<i32>} : memref<448xf32, #tpu.memory_space<vmem>>, vector<16xf32>,
      tpu.vector_store %arg36[%swap3A_2001], %mul3A_2000 {strides = array<i32>} : memref<448xf32, #tpu.memory_space<vmem>>, vector<16xf32>,
      %add3A_2003 = arith.constant 352 : i32
      %add3A_2004 = vector.broadcast %add3A_2003 : i32 to vector<16xi32>
      %add3A_2005 = arith.addi %broadcast_in_dim3A_60, %add3A_2004 : vector<16xi32>
      %add3A_2006 = arith.addi %add3A_2005, %iota3A : vector<16xi32>
      %shift_right_arithmetic3A_2007 = arith.constant 2 : i32
      %shift_right_arithmetic3A_2008 = vector.broadcast %shift_right_arithmetic3A_2007 : i32 to vector<16xi32>
      %shift_right_arithmetic3A_2009 = arith.shrsi %add3A_2006, %shift_right_arithmetic3A_2008 : vector<16xi32>
      %gather3A_2010 = tpu.vector_load_idx %arg35[%shift_right_arithmetic3A_2009] : memref<112xi32, #tpu.memory_space<vmem>>[vector<16xi32>], vector<16xi32>,
      %and3A_2011 = arith.constant 1 : i32
      %and3A_2012 = vector.broadcast %and3A_2011 : i32 to vector<16xi32>
      %and3A_2013 = arith.andi %add3A_2006, %and3A_2012 : vector<16xi32>
      %mul3A_2014 = arith.constant 4 : i32
      %mul3A_2015 = vector.broadcast %mul3A_2014 : i32 to vector<16xi32>
      %mul3A_2016 = arith.muli %gather3A_2010, %mul3A_2015 : vector<16xi32>
      %add3A_2017 = arith.addi %mul3A_2016, %and3A_2013 : vector<16xi32>
      %gather3A_2018 = tpu.vector_load_idx %arg12[%add3A_2017] : memref<32768xi32, #tpu.memory_space<vmem>>[vector<16xi32>], vector<16xi32>,
      %bitcast_convert_type3A_2019 = tpu.bitcast %gather3A_2018 : vector<16xi32> -> vector<16xf32>
      %mul3A_2020 = arith.constant 4 : i32
      %mul3A_2021 = vector.broadcast %mul3A_2020 : i32 to vector<16xi32>
      %mul3A_2022 = arith.muli %gather3A_2010, %mul3A_2021 : vector<16xi32>
      %or3A_2023 = arith.constant 2 : i32
      %or3A_2024 = vector.broadcast %or3A_2023 : i32 to vector<16xi32>
      %or3A_2025 = arith.ori %and3A_2013, %or3A_2024 : vector<16xi32>
      %add3A_2026 = arith.addi %mul3A_2022, %or3A_2025 : vector<16xi32>
      %gather3A_2027 = tpu.vector_load_idx %arg12[%add3A_2026] : memref<32768xi32, #tpu.memory_space<vmem>>[vector<16xi32>], vector<16xi32>,
      %bitcast_convert_type3A_2028 = tpu.bitcast %gather3A_2027 : vector<16xi32> -> vector<16xf32>
      %and3A_2029 = arith.constant 2 : i32
      %and3A_2030 = vector.broadcast %and3A_2029 : i32 to vector<16xi32>
      %and3A_2031 = arith.andi %add3A_2006, %and3A_2030 : vector<16xi32>
      %eq3A_2032 = arith.constant 0 : i32
      %eq3A_2033 = vector.broadcast %eq3A_2032 : i32 to vector<16xi32>
      %eq3A_2034 = arith.cmpi eq, %and3A_2031, %eq3A_2033 : vector<16xi32>
      %jit3A_2035 = arith.constant -5.000000e-01 : f32
      %jit3A_2036 = arith.constant 5.000000e-01 : f32
      %broadcast_in_dim3A_2037 = vector.broadcast %jit3A_2035 : f32 to vector<16xf32>
      %broadcast_in_dim3A_2038 = vector.broadcast %jit3A_2036 : f32 to vector<16xf32>
      %select_n3A_2039 = arith.select %eq3A_2034, %broadcast_in_dim3A_2037, %broadcast_in_dim3A_2038 : vector<16xi1>, vector<16xf32>
      %mul3A_2040 = arith.mulf %select_n3A_2039, %bitcast_convert_type3A_2028 : vector<16xf32>
      %add3A_2041 = arith.addf %bitcast_convert_type3A_2019, %mul3A_2040 : vector<16xf32>
      %mul3A_2042 = arith.mulf %add3A_2041, %gather3A : vector<16xf32>
      %swap3A_2043 = arith.constant 352 : index
      %swap3A_2044 = tpu.vector_load %arg36[%swap3A_2043] {strides = array<i32>} : memref<448xf32, #tpu.memory_space<vmem>>, vector<16xf32>,
      tpu.vector_store %arg36[%swap3A_2043], %mul3A_2042 {strides = array<i32>} : memref<448xf32, #tpu.memory_space<vmem>>, vector<16xf32>,
      %add3A_2045 = arith.constant 368 : i32
      %add3A_2046 = vector.broadcast %add3A_2045 : i32 to vector<16xi32>
      %add3A_2047 = arith.addi %broadcast_in_dim3A_60, %add3A_2046 : vector<16xi32>
      %add3A_2048 = arith.addi %add3A_2047, %iota3A : vector<16xi32>
      %shift_right_arithmetic3A_2049 = arith.constant 2 : i32
      %shift_right_arithmetic3A_2050 = vector.broadcast %shift_right_arithmetic3A_2049 : i32 to vector<16xi32>
      %shift_right_arithmetic3A_2051 = arith.shrsi %add3A_2048, %shift_right_arithmetic3A_2050 : vector<16xi32>
      %gather3A_2052 = tpu.vector_load_idx %arg35[%shift_right_arithmetic3A_2051] : memref<112xi32, #tpu.memory_space<vmem>>[vector<16xi32>], vector<16xi32>,
      %and3A_2053 = arith.constant 1 : i32
      %and3A_2054 = vector.broadcast %and3A_2053 : i32 to vector<16xi32>
      %and3A_2055 = arith.andi %add3A_2048, %and3A_2054 : vector<16xi32>
      %mul3A_2056 = arith.constant 4 : i32
      %mul3A_2057 = vector.broadcast %mul3A_2056 : i32 to vector<16xi32>
      %mul3A_2058 = arith.muli %gather3A_2052, %mul3A_2057 : vector<16xi32>
      %add3A_2059 = arith.addi %mul3A_2058, %and3A_2055 : vector<16xi32>
      %gather3A_2060 = tpu.vector_load_idx %arg12[%add3A_2059] : memref<32768xi32, #tpu.memory_space<vmem>>[vector<16xi32>], vector<16xi32>,
      %bitcast_convert_type3A_2061 = tpu.bitcast %gather3A_2060 : vector<16xi32> -> vector<16xf32>
      %mul3A_2062 = arith.constant 4 : i32
      %mul3A_2063 = vector.broadcast %mul3A_2062 : i32 to vector<16xi32>
      %mul3A_2064 = arith.muli %gather3A_2052, %mul3A_2063 : vector<16xi32>
      %or3A_2065 = arith.constant 2 : i32
      %or3A_2066 = vector.broadcast %or3A_2065 : i32 to vector<16xi32>
      %or3A_2067 = arith.ori %and3A_2055, %or3A_2066 : vector<16xi32>
      %add3A_2068 = arith.addi %mul3A_2064, %or3A_2067 : vector<16xi32>
      %gather3A_2069 = tpu.vector_load_idx %arg12[%add3A_2068] : memref<32768xi32, #tpu.memory_space<vmem>>[vector<16xi32>], vector<16xi32>,
      %bitcast_convert_type3A_2070 = tpu.bitcast %gather3A_2069 : vector<16xi32> -> vector<16xf32>
      %and3A_2071 = arith.constant 2 : i32
      %and3A_2072 = vector.broadcast %and3A_2071 : i32 to vector<16xi32>
      %and3A_2073 = arith.andi %add3A_2048, %and3A_2072 : vector<16xi32>
      %eq3A_2074 = arith.constant 0 : i32
      %eq3A_2075 = vector.broadcast %eq3A_2074 : i32 to vector<16xi32>
      %eq3A_2076 = arith.cmpi eq, %and3A_2073, %eq3A_2075 : vector<16xi32>
      %jit3A_2077 = arith.constant -5.000000e-01 : f32
      %jit3A_2078 = arith.constant 5.000000e-01 : f32
      %broadcast_in_dim3A_2079 = vector.broadcast %jit3A_2077 : f32 to vector<16xf32>
      %broadcast_in_dim3A_2080 = vector.broadcast %jit3A_2078 : f32 to vector<16xf32>
      %select_n3A_2081 = arith.select %eq3A_2076, %broadcast_in_dim3A_2079, %broadcast_in_dim3A_2080 : vector<16xi1>, vector<16xf32>
      %mul3A_2082 = arith.mulf %select_n3A_2081, %bitcast_convert_type3A_2070 : vector<16xf32>
      %add3A_2083 = arith.addf %bitcast_convert_type3A_2061, %mul3A_2082 : vector<16xf32>
      %mul3A_2084 = arith.mulf %add3A_2083, %gather3A : vector<16xf32>
      %swap3A_2085 = arith.constant 368 : index
      %swap3A_2086 = tpu.vector_load %arg36[%swap3A_2085] {strides = array<i32>} : memref<448xf32, #tpu.memory_space<vmem>>, vector<16xf32>,
      tpu.vector_store %arg36[%swap3A_2085], %mul3A_2084 {strides = array<i32>} : memref<448xf32, #tpu.memory_space<vmem>>, vector<16xf32>,
      %add3A_2087 = arith.constant 384 : i32
      %add3A_2088 = vector.broadcast %add3A_2087 : i32 to vector<16xi32>
      %add3A_2089 = arith.addi %broadcast_in_dim3A_60, %add3A_2088 : vector<16xi32>
      %add3A_2090 = arith.addi %add3A_2089, %iota3A : vector<16xi32>
      %shift_right_arithmetic3A_2091 = arith.constant 2 : i32
      %shift_right_arithmetic3A_2092 = vector.broadcast %shift_right_arithmetic3A_2091 : i32 to vector<16xi32>
      %shift_right_arithmetic3A_2093 = arith.shrsi %add3A_2090, %shift_right_arithmetic3A_2092 : vector<16xi32>
      %gather3A_2094 = tpu.vector_load_idx %arg35[%shift_right_arithmetic3A_2093] : memref<112xi32, #tpu.memory_space<vmem>>[vector<16xi32>], vector<16xi32>,
      %and3A_2095 = arith.constant 1 : i32
      %and3A_2096 = vector.broadcast %and3A_2095 : i32 to vector<16xi32>
      %and3A_2097 = arith.andi %add3A_2090, %and3A_2096 : vector<16xi32>
      %mul3A_2098 = arith.constant 4 : i32
      %mul3A_2099 = vector.broadcast %mul3A_2098 : i32 to vector<16xi32>
      %mul3A_2100 = arith.muli %gather3A_2094, %mul3A_2099 : vector<16xi32>
      %add3A_2101 = arith.addi %mul3A_2100, %and3A_2097 : vector<16xi32>
      %gather3A_2102 = tpu.vector_load_idx %arg12[%add3A_2101] : memref<32768xi32, #tpu.memory_space<vmem>>[vector<16xi32>], vector<16xi32>,
      %bitcast_convert_type3A_2103 = tpu.bitcast %gather3A_2102 : vector<16xi32> -> vector<16xf32>
      %mul3A_2104 = arith.constant 4 : i32
      %mul3A_2105 = vector.broadcast %mul3A_2104 : i32 to vector<16xi32>
      %mul3A_2106 = arith.muli %gather3A_2094, %mul3A_2105 : vector<16xi32>
      %or3A_2107 = arith.constant 2 : i32
      %or3A_2108 = vector.broadcast %or3A_2107 : i32 to vector<16xi32>
      %or3A_2109 = arith.ori %and3A_2097, %or3A_2108 : vector<16xi32>
      %add3A_2110 = arith.addi %mul3A_2106, %or3A_2109 : vector<16xi32>
      %gather3A_2111 = tpu.vector_load_idx %arg12[%add3A_2110] : memref<32768xi32, #tpu.memory_space<vmem>>[vector<16xi32>], vector<16xi32>,
      %bitcast_convert_type3A_2112 = tpu.bitcast %gather3A_2111 : vector<16xi32> -> vector<16xf32>
      %and3A_2113 = arith.constant 2 : i32
      %and3A_2114 = vector.broadcast %and3A_2113 : i32 to vector<16xi32>
      %and3A_2115 = arith.andi %add3A_2090, %and3A_2114 : vector<16xi32>
      %eq3A_2116 = arith.constant 0 : i32
      %eq3A_2117 = vector.broadcast %eq3A_2116 : i32 to vector<16xi32>
      %eq3A_2118 = arith.cmpi eq, %and3A_2115, %eq3A_2117 : vector<16xi32>
      %jit3A_2119 = arith.constant -5.000000e-01 : f32
      %jit3A_2120 = arith.constant 5.000000e-01 : f32
      %broadcast_in_dim3A_2121 = vector.broadcast %jit3A_2119 : f32 to vector<16xf32>
      %broadcast_in_dim3A_2122 = vector.broadcast %jit3A_2120 : f32 to vector<16xf32>
      %select_n3A_2123 = arith.select %eq3A_2118, %broadcast_in_dim3A_2121, %broadcast_in_dim3A_2122 : vector<16xi1>, vector<16xf32>
      %mul3A_2124 = arith.mulf %select_n3A_2123, %bitcast_convert_type3A_2112 : vector<16xf32>
      %add3A_2125 = arith.addf %bitcast_convert_type3A_2103, %mul3A_2124 : vector<16xf32>
      %mul3A_2126 = arith.mulf %add3A_2125, %gather3A : vector<16xf32>
      %swap3A_2127 = arith.constant 384 : index
      %swap3A_2128 = tpu.vector_load %arg36[%swap3A_2127] {strides = array<i32>} : memref<448xf32, #tpu.memory_space<vmem>>, vector<16xf32>,
      tpu.vector_store %arg36[%swap3A_2127], %mul3A_2126 {strides = array<i32>} : memref<448xf32, #tpu.memory_space<vmem>>, vector<16xf32>,
      %add3A_2129 = arith.constant 400 : i32
      %add3A_2130 = vector.broadcast %add3A_2129 : i32 to vector<16xi32>
      %add3A_2131 = arith.addi %broadcast_in_dim3A_60, %add3A_2130 : vector<16xi32>
      %add3A_2132 = arith.addi %add3A_2131, %iota3A : vector<16xi32>
      %shift_right_arithmetic3A_2133 = arith.constant 2 : i32
      %shift_right_arithmetic3A_2134 = vector.broadcast %shift_right_arithmetic3A_2133 : i32 to vector<16xi32>
      %shift_right_arithmetic3A_2135 = arith.shrsi %add3A_2132, %shift_right_arithmetic3A_2134 : vector<16xi32>
      %gather3A_2136 = tpu.vector_load_idx %arg35[%shift_right_arithmetic3A_2135] : memref<112xi32, #tpu.memory_space<vmem>>[vector<16xi32>], vector<16xi32>,
      %and3A_2137 = arith.constant 1 : i32
      %and3A_2138 = vector.broadcast %and3A_2137 : i32 to vector<16xi32>
      %and3A_2139 = arith.andi %add3A_2132, %and3A_2138 : vector<16xi32>
      %mul3A_2140 = arith.constant 4 : i32
      %mul3A_2141 = vector.broadcast %mul3A_2140 : i32 to vector<16xi32>
      %mul3A_2142 = arith.muli %gather3A_2136, %mul3A_2141 : vector<16xi32>
      %add3A_2143 = arith.addi %mul3A_2142, %and3A_2139 : vector<16xi32>
      %gather3A_2144 = tpu.vector_load_idx %arg12[%add3A_2143] : memref<32768xi32, #tpu.memory_space<vmem>>[vector<16xi32>], vector<16xi32>,
      %bitcast_convert_type3A_2145 = tpu.bitcast %gather3A_2144 : vector<16xi32> -> vector<16xf32>
      %mul3A_2146 = arith.constant 4 : i32
      %mul3A_2147 = vector.broadcast %mul3A_2146 : i32 to vector<16xi32>
      %mul3A_2148 = arith.muli %gather3A_2136, %mul3A_2147 : vector<16xi32>
      %or3A_2149 = arith.constant 2 : i32
      %or3A_2150 = vector.broadcast %or3A_2149 : i32 to vector<16xi32>
      %or3A_2151 = arith.ori %and3A_2139, %or3A_2150 : vector<16xi32>
      %add3A_2152 = arith.addi %mul3A_2148, %or3A_2151 : vector<16xi32>
      %gather3A_2153 = tpu.vector_load_idx %arg12[%add3A_2152] : memref<32768xi32, #tpu.memory_space<vmem>>[vector<16xi32>], vector<16xi32>,
      %bitcast_convert_type3A_2154 = tpu.bitcast %gather3A_2153 : vector<16xi32> -> vector<16xf32>
      %and3A_2155 = arith.constant 2 : i32
      %and3A_2156 = vector.broadcast %and3A_2155 : i32 to vector<16xi32>
      %and3A_2157 = arith.andi %add3A_2132, %and3A_2156 : vector<16xi32>
      %eq3A_2158 = arith.constant 0 : i32
      %eq3A_2159 = vector.broadcast %eq3A_2158 : i32 to vector<16xi32>
      %eq3A_2160 = arith.cmpi eq, %and3A_2157, %eq3A_2159 : vector<16xi32>
      %jit3A_2161 = arith.constant -5.000000e-01 : f32
      %jit3A_2162 = arith.constant 5.000000e-01 : f32
      %broadcast_in_dim3A_2163 = vector.broadcast %jit3A_2161 : f32 to vector<16xf32>
      %broadcast_in_dim3A_2164 = vector.broadcast %jit3A_2162 : f32 to vector<16xf32>
      %select_n3A_2165 = arith.select %eq3A_2160, %broadcast_in_dim3A_2163, %broadcast_in_dim3A_2164 : vector<16xi1>, vector<16xf32>
      %mul3A_2166 = arith.mulf %select_n3A_2165, %bitcast_convert_type3A_2154 : vector<16xf32>
      %add3A_2167 = arith.addf %bitcast_convert_type3A_2145, %mul3A_2166 : vector<16xf32>
      %mul3A_2168 = arith.mulf %add3A_2167, %gather3A : vector<16xf32>
      %swap3A_2169 = arith.constant 400 : index
      %swap3A_2170 = tpu.vector_load %arg36[%swap3A_2169] {strides = array<i32>} : memref<448xf32, #tpu.memory_space<vmem>>, vector<16xf32>,
      tpu.vector_store %arg36[%swap3A_2169], %mul3A_2168 {strides = array<i32>} : memref<448xf32, #tpu.memory_space<vmem>>, vector<16xf32>,
      %add3A_2171 = arith.constant 416 : i32
      %add3A_2172 = vector.broadcast %add3A_2171 : i32 to vector<16xi32>
      %add3A_2173 = arith.addi %broadcast_in_dim3A_60, %add3A_2172 : vector<16xi32>
      %add3A_2174 = arith.addi %add3A_2173, %iota3A : vector<16xi32>
      %shift_right_arithmetic3A_2175 = arith.constant 2 : i32
      %shift_right_arithmetic3A_2176 = vector.broadcast %shift_right_arithmetic3A_2175 : i32 to vector<16xi32>
      %shift_right_arithmetic3A_2177 = arith.shrsi %add3A_2174, %shift_right_arithmetic3A_2176 : vector<16xi32>
      %gather3A_2178 = tpu.vector_load_idx %arg35[%shift_right_arithmetic3A_2177] : memref<112xi32, #tpu.memory_space<vmem>>[vector<16xi32>], vector<16xi32>,
      %and3A_2179 = arith.constant 1 : i32
      %and3A_2180 = vector.broadcast %and3A_2179 : i32 to vector<16xi32>
      %and3A_2181 = arith.andi %add3A_2174, %and3A_2180 : vector<16xi32>
      %mul3A_2182 = arith.constant 4 : i32
      %mul3A_2183 = vector.broadcast %mul3A_2182 : i32 to vector<16xi32>
      %mul3A_2184 = arith.muli %gather3A_2178, %mul3A_2183 : vector<16xi32>
      %add3A_2185 = arith.addi %mul3A_2184, %and3A_2181 : vector<16xi32>
      %gather3A_2186 = tpu.vector_load_idx %arg12[%add3A_2185] : memref<32768xi32, #tpu.memory_space<vmem>>[vector<16xi32>], vector<16xi32>,
      %bitcast_convert_type3A_2187 = tpu.bitcast %gather3A_2186 : vector<16xi32> -> vector<16xf32>
      %mul3A_2188 = arith.constant 4 : i32
      %mul3A_2189 = vector.broadcast %mul3A_2188 : i32 to vector<16xi32>
      %mul3A_2190 = arith.muli %gather3A_2178, %mul3A_2189 : vector<16xi32>
      %or3A_2191 = arith.constant 2 : i32
      %or3A_2192 = vector.broadcast %or3A_2191 : i32 to vector<16xi32>
      %or3A_2193 = arith.ori %and3A_2181, %or3A_2192 : vector<16xi32>
      %add3A_2194 = arith.addi %mul3A_2190, %or3A_2193 : vector<16xi32>
      %gather3A_2195 = tpu.vector_load_idx %arg12[%add3A_2194] : memref<32768xi32, #tpu.memory_space<vmem>>[vector<16xi32>], vector<16xi32>,
      %bitcast_convert_type3A_2196 = tpu.bitcast %gather3A_2195 : vector<16xi32> -> vector<16xf32>
      %and3A_2197 = arith.constant 2 : i32
      %and3A_2198 = vector.broadcast %and3A_2197 : i32 to vector<16xi32>
      %and3A_2199 = arith.andi %add3A_2174, %and3A_2198 : vector<16xi32>
      %eq3A_2200 = arith.constant 0 : i32
      %eq3A_2201 = vector.broadcast %eq3A_2200 : i32 to vector<16xi32>
      %eq3A_2202 = arith.cmpi eq, %and3A_2199, %eq3A_2201 : vector<16xi32>
      %jit3A_2203 = arith.constant -5.000000e-01 : f32
      %jit3A_2204 = arith.constant 5.000000e-01 : f32
      %broadcast_in_dim3A_2205 = vector.broadcast %jit3A_2203 : f32 to vector<16xf32>
      %broadcast_in_dim3A_2206 = vector.broadcast %jit3A_2204 : f32 to vector<16xf32>
      %select_n3A_2207 = arith.select %eq3A_2202, %broadcast_in_dim3A_2205, %broadcast_in_dim3A_2206 : vector<16xi1>, vector<16xf32>
      %mul3A_2208 = arith.mulf %select_n3A_2207, %bitcast_convert_type3A_2196 : vector<16xf32>
      %add3A_2209 = arith.addf %bitcast_convert_type3A_2187, %mul3A_2208 : vector<16xf32>
      %mul3A_2210 = arith.mulf %add3A_2209, %gather3A : vector<16xf32>
      %swap3A_2211 = arith.constant 416 : index
      %swap3A_2212 = tpu.vector_load %arg36[%swap3A_2211] {strides = array<i32>} : memref<448xf32, #tpu.memory_space<vmem>>, vector<16xf32>,
      tpu.vector_store %arg36[%swap3A_2211], %mul3A_2210 {strides = array<i32>} : memref<448xf32, #tpu.memory_space<vmem>>, vector<16xf32>,
      %add3A_2213 = arith.constant 432 : i32
      %add3A_2214 = vector.broadcast %add3A_2213 : i32 to vector<16xi32>
      %add3A_2215 = arith.addi %broadcast_in_dim3A_60, %add3A_2214 : vector<16xi32>
      %add3A_2216 = arith.addi %add3A_2215, %iota3A : vector<16xi32>
      %shift_right_arithmetic3A_2217 = arith.constant 2 : i32
      %shift_right_arithmetic3A_2218 = vector.broadcast %shift_right_arithmetic3A_2217 : i32 to vector<16xi32>
      %shift_right_arithmetic3A_2219 = arith.shrsi %add3A_2216, %shift_right_arithmetic3A_2218 : vector<16xi32>
      %gather3A_2220 = tpu.vector_load_idx %arg35[%shift_right_arithmetic3A_2219] : memref<112xi32, #tpu.memory_space<vmem>>[vector<16xi32>], vector<16xi32>,
      %and3A_2221 = arith.constant 1 : i32
      %and3A_2222 = vector.broadcast %and3A_2221 : i32 to vector<16xi32>
      %and3A_2223 = arith.andi %add3A_2216, %and3A_2222 : vector<16xi32>
      %mul3A_2224 = arith.constant 4 : i32
      %mul3A_2225 = vector.broadcast %mul3A_2224 : i32 to vector<16xi32>
      %mul3A_2226 = arith.muli %gather3A_2220, %mul3A_2225 : vector<16xi32>
      %add3A_2227 = arith.addi %mul3A_2226, %and3A_2223 : vector<16xi32>
      %gather3A_2228 = tpu.vector_load_idx %arg12[%add3A_2227] : memref<32768xi32, #tpu.memory_space<vmem>>[vector<16xi32>], vector<16xi32>,
      %bitcast_convert_type3A_2229 = tpu.bitcast %gather3A_2228 : vector<16xi32> -> vector<16xf32>
      %mul3A_2230 = arith.constant 4 : i32
      %mul3A_2231 = vector.broadcast %mul3A_2230 : i32 to vector<16xi32>
      %mul3A_2232 = arith.muli %gather3A_2220, %mul3A_2231 : vector<16xi32>
      %or3A_2233 = arith.constant 2 : i32
      %or3A_2234 = vector.broadcast %or3A_2233 : i32 to vector<16xi32>
      %or3A_2235 = arith.ori %and3A_2223, %or3A_2234 : vector<16xi32>
      %add3A_2236 = arith.addi %mul3A_2232, %or3A_2235 : vector<16xi32>
      %gather3A_2237 = tpu.vector_load_idx %arg12[%add3A_2236] : memref<32768xi32, #tpu.memory_space<vmem>>[vector<16xi32>], vector<16xi32>,
      %bitcast_convert_type3A_2238 = tpu.bitcast %gather3A_2237 : vector<16xi32> -> vector<16xf32>
      %and3A_2239 = arith.constant 2 : i32
      %and3A_2240 = vector.broadcast %and3A_2239 : i32 to vector<16xi32>
      %and3A_2241 = arith.andi %add3A_2216, %and3A_2240 : vector<16xi32>
      %eq3A_2242 = arith.constant 0 : i32
      %eq3A_2243 = vector.broadcast %eq3A_2242 : i32 to vector<16xi32>
      %eq3A_2244 = arith.cmpi eq, %and3A_2241, %eq3A_2243 : vector<16xi32>
      %jit3A_2245 = arith.constant -5.000000e-01 : f32
      %jit3A_2246 = arith.constant 5.000000e-01 : f32
      %broadcast_in_dim3A_2247 = vector.broadcast %jit3A_2245 : f32 to vector<16xf32>
      %broadcast_in_dim3A_2248 = vector.broadcast %jit3A_2246 : f32 to vector<16xf32>
      %select_n3A_2249 = arith.select %eq3A_2244, %broadcast_in_dim3A_2247, %broadcast_in_dim3A_2248 : vector<16xi1>, vector<16xf32>
      %mul3A_2250 = arith.mulf %select_n3A_2249, %bitcast_convert_type3A_2238 : vector<16xf32>
      %add3A_2251 = arith.addf %bitcast_convert_type3A_2229, %mul3A_2250 : vector<16xf32>
      %mul3A_2252 = arith.mulf %add3A_2251, %gather3A : vector<16xf32>
      %swap3A_2253 = arith.constant 432 : index
      %swap3A_2254 = tpu.vector_load %arg36[%swap3A_2253] {strides = array<i32>} : memref<448xf32, #tpu.memory_space<vmem>>, vector<16xf32>,
      tpu.vector_store %arg36[%swap3A_2253], %mul3A_2252 {strides = array<i32>} : memref<448xf32, #tpu.memory_space<vmem>>, vector<16xf32>,
      %mul3A_2255 = arith.constant 112 : i32
      %mul3A_2256 = arith.muli %add3A, %mul3A_2255 : i32
      "tpu.region"() ({
        %run_scoped3A = tpu.sem_alloc : memref<!tpu.dma_semaphore, #tpu.memory_space<semaphore_mem>>
        %dma_start3A_2265 = tpu.memref_slice %arg6[%mul3A_2256] : memref<896xf32, #tpu.memory_space<hbm>> -> memref<112xf32, #tpu.memory_space<hbm>>
        %dma_start3A_2266 = tpu.memref_slice %arg6[%mul3A_2256] : memref<896xf32, #tpu.memory_space<hbm>> -> memref<112xf32, #tpu.memory_space<hbm>>
        tpu.enqueue_dma source(%arg32 : memref<112xf32, #tpu.memory_space<vmem>>) target(%dma_start3A_2266 : memref<112xf32, #tpu.memory_space<hbm>>) target_semaphore(%run_scoped3A : memref<!tpu.dma_semaphore, #tpu.memory_space<semaphore_mem>>)
        %dma_wait3A_2267 = tpu.memref_slice %arg6[%mul3A_2256] : memref<896xf32, #tpu.memory_space<hbm>> -> memref<112xf32, #tpu.memory_space<hbm>>
        %dma_wait3A_2268 = tpu.memref_slice %arg6[%mul3A_2256] : memref<896xf32, #tpu.memory_space<hbm>> -> memref<112xf32, #tpu.memory_space<hbm>>
        tpu.wait_dma2 semaphore(%run_scoped3A : memref<!tpu.dma_semaphore, #tpu.memory_space<semaphore_mem>>) src(%arg32 : memref<112xf32, #tpu.memory_space<vmem>>) dst(%dma_wait3A_2268 : memref<112xf32, #tpu.memory_space<hbm>>)
        tpu.yield
      }) : () -> ()
      %mul3A_2257 = arith.constant 112 : i32
      %mul3A_2258 = arith.muli %add3A, %mul3A_2257 : i32
      "tpu.region"() ({
        %run_scoped3A = tpu.sem_alloc : memref<!tpu.dma_semaphore, #tpu.memory_space<semaphore_mem>>
        %dma_start3A_2265 = tpu.memref_slice %arg7[%mul3A_2258] : memref<896xi32, #tpu.memory_space<hbm>> -> memref<112xi32, #tpu.memory_space<hbm>>
        %dma_start3A_2266 = tpu.memref_slice %arg7[%mul3A_2258] : memref<896xi32, #tpu.memory_space<hbm>> -> memref<112xi32, #tpu.memory_space<hbm>>
        tpu.enqueue_dma source(%arg33 : memref<112xi32, #tpu.memory_space<vmem>>) target(%dma_start3A_2266 : memref<112xi32, #tpu.memory_space<hbm>>) target_semaphore(%run_scoped3A : memref<!tpu.dma_semaphore, #tpu.memory_space<semaphore_mem>>)
        %dma_wait3A_2267 = tpu.memref_slice %arg7[%mul3A_2258] : memref<896xi32, #tpu.memory_space<hbm>> -> memref<112xi32, #tpu.memory_space<hbm>>
        %dma_wait3A_2268 = tpu.memref_slice %arg7[%mul3A_2258] : memref<896xi32, #tpu.memory_space<hbm>> -> memref<112xi32, #tpu.memory_space<hbm>>
        tpu.wait_dma2 semaphore(%run_scoped3A : memref<!tpu.dma_semaphore, #tpu.memory_space<semaphore_mem>>) src(%arg33 : memref<112xi32, #tpu.memory_space<vmem>>) dst(%dma_wait3A_2268 : memref<112xi32, #tpu.memory_space<hbm>>)
        tpu.yield
      }) : () -> ()
      %mul3A_2259 = arith.constant 112 : i32
      %mul3A_2260 = arith.muli %add3A, %mul3A_2259 : i32
      %mul3A_2261 = arith.constant 4 : i32
      %mul3A_2262 = arith.muli %mul3A_2260, %mul3A_2261 : i32
      "tpu.region"() ({
        %run_scoped3A = tpu.sem_alloc : memref<!tpu.dma_semaphore, #tpu.memory_space<semaphore_mem>>
        %dma_start3A_2265 = tpu.memref_slice %arg8[%mul3A_2262] : memref<3584xf32, #tpu.memory_space<hbm>> -> memref<448xf32, #tpu.memory_space<hbm>>
        %dma_start3A_2266 = tpu.memref_slice %arg8[%mul3A_2262] : memref<3584xf32, #tpu.memory_space<hbm>> -> memref<448xf32, #tpu.memory_space<hbm>>
        tpu.enqueue_dma source(%arg36 : memref<448xf32, #tpu.memory_space<vmem>>) target(%dma_start3A_2266 : memref<448xf32, #tpu.memory_space<hbm>>) target_semaphore(%run_scoped3A : memref<!tpu.dma_semaphore, #tpu.memory_space<semaphore_mem>>)
        %dma_wait3A_2267 = tpu.memref_slice %arg8[%mul3A_2262] : memref<3584xf32, #tpu.memory_space<hbm>> -> memref<448xf32, #tpu.memory_space<hbm>>
        %dma_wait3A_2268 = tpu.memref_slice %arg8[%mul3A_2262] : memref<3584xf32, #tpu.memory_space<hbm>> -> memref<448xf32, #tpu.memory_space<hbm>>
        tpu.wait_dma2 semaphore(%run_scoped3A : memref<!tpu.dma_semaphore, #tpu.memory_space<semaphore_mem>>) src(%arg36 : memref<448xf32, #tpu.memory_space<vmem>>) dst(%dma_wait3A_2268 : memref<448xf32, #tpu.memory_space<hbm>>)
        tpu.yield
      }) : () -> ()
      %mul3A_2263 = arith.constant 112 : i32
      %mul3A_2264 = arith.muli %add3A, %mul3A_2263 : i32
      "tpu.region"() ({
        %run_scoped3A = tpu.sem_alloc : memref<!tpu.dma_semaphore, #tpu.memory_space<semaphore_mem>>
        %dma_start3A_2265 = arith.constant 0 : i32
        %dma_start3A_2266 = tpu.memref_slice %arg9[%mul3A_2264, %dma_start3A_2265] : memref<896x256xf32, #tpu.memory_space<hbm>> -> memref<112x256xf32, #tpu.memory_space<hbm>>
        %dma_start3A_2267 = arith.constant 0 : i32
        %dma_start3A_2268 = tpu.memref_slice %arg9[%mul3A_2264, %dma_start3A_2267] : memref<896x256xf32, #tpu.memory_space<hbm>> -> memref<112x256xf32, #tpu.memory_space<hbm>>
        tpu.enqueue_dma source(%arg37 : memref<112x256xf32, #tpu.memory_space<vmem>>) target(%dma_start3A_2268 : memref<112x256xf32, #tpu.memory_space<hbm>>) target_semaphore(%run_scoped3A : memref<!tpu.dma_semaphore, #tpu.memory_space<semaphore_mem>>)
        %dma_wait3A_2269 = arith.constant 0 : i32
        %dma_wait3A_2270 = tpu.memref_slice %arg9[%mul3A_2264, %dma_wait3A_2269] : memref<896x256xf32, #tpu.memory_space<hbm>> -> memref<112x256xf32, #tpu.memory_space<hbm>>
        %dma_wait3A_2271 = arith.constant 0 : i32
        %dma_wait3A_2272 = tpu.memref_slice %arg9[%mul3A_2264, %dma_wait3A_2271] : memref<896x256xf32, #tpu.memory_space<hbm>> -> memref<112x256xf32, #tpu.memory_space<hbm>>
        tpu.wait_dma2 semaphore(%run_scoped3A : memref<!tpu.dma_semaphore, #tpu.memory_space<semaphore_mem>>) src(%arg37 : memref<112x256xf32, #tpu.memory_space<vmem>>) dst(%dma_wait3A_2272 : memref<112x256xf32, #tpu.memory_space<hbm>>)
        tpu.yield
      }) : () -> ()
    } else {
    }
    return
  }
}

</mosaic_0001>

<sc_bundles>
// kernel: kernel.3.cloned.1.call-start
scs
__scs_entry_jumppad:
0x0: {  	(pc) =	sbr.rel $0x88, $3  }
0x1: {  	(tag) =	ssettag $0x0;
	lr =	simm.s32 $0x1  }
0x2: {  	[smem:$0x3F9D] =	sst lr;
	_ =	strace $0xD0000000  }
0x3: {  	_ = 	snop  }
0x4: {  	_ = 	snop  }
0x5: {  	_ = 	snop  }
0x6: {  	_ = 	snop  }
0x7: {  	_ = 	snop  }
__scs_overlays_trampoline_lowered:
0x8: {  	[smem:$0x3FAC] =	sst s0  }
0x9: {  	[smem:$0x3FAD] =	sst s1  }
0xa: {  	[smem:$0x3FAE] =	sst s2  }
0xb: {  	[smem:$0x3FAF] =	sst s3  }
0xc: {  	[smem:$0x3FB0] =	sst s4  }
0xd: {  	[smem:$0x3FB1] =	sst s5  }
0xe: {  	[smem:$0x3FB2] =	sst s6  }
0xf: {  	[smem:$0x3FB3] =	sst s7  }
0x10: {  	[smem:$0x3FB4] =	sst s8  }
0x11: {  	[smem:$0x3FB5] =	sst s9;
	s0 =	simm.s32 @!p0 $0x0  }
0x12: {  	s1 =	sld [smem:$0x3F9B];
	s0 =	simm.s32 @p0 $0x1  }
0x13: {  	[smem:$0x3FB6] =	sst s0;
	s0 =	simm.s32 @!p1 $0x0  }
0x14: {  	s2 =	sld [smem:$0x3F9A];
	s0 =	simm.s32 @p1 $0x1  }
0x15: {  	[smem:$0x3FB7] =	sst s0;
	s0 =	simm.s32 @!p2 $0x0  }
0x16: {  	s3 =	sld [smem:$0x3FDB];
	s0 =	simm.s32 @p2 $0x1  }
0x17: {  	s4 =	simm.s32 $0x1BF5;
	[smem:$0x3FB9] =	sst s0  }
0x18: {  	s0 =	sld [smem:$0x3F9C];
	_ =	swait.ge [sflag:s4], $0x0  }
0x19: {  	s7 =	sld [smem:$0x3F9D]  }
0x1a: {  	s8 =	sadd.s32 $0xFFFFE003, lr  }
0x1b: {  	s9 =	sadd.s32 $0xFFFFFEF7, lr;
	s5 =	simm.s32 $0xFFFFFFFF;
	p2 =	slt.u32 s8, $0xFFFFF086  }
0x1c: {  	p1 =	slt.u32 s9, $0xF7A;
	s5 =	simm.s32 @!p2 $0x0  }
0x1d: {  	s5 =	simm.s32 @p1 $0x1;
	p0 =	seq.s32 s7, s2  }
0x1e: {  	s7 =	smul.u32 @!p0 $0xF7A, s2;
	p2 =	seq.s32 @!p0 s5, $0x0  }
0x1f: {  	s9 =	smul.u32 $0xF7A, s1;
	s8 =	simm.s32 @!p0 $0x1BF5;
	p2 =	por !p2, p0  }
0x20: {  	[sflag:s8] =	ssyncset.s32 @!p0 $0xFFFFF086;
	s6 =	sadd.s32 @!p0 s3, s7;
	s7 =	simm.s32 @!p0 $0x108  }
0x21: {  	s3 =	sadd.s32 s3, s9;
	s6 =	sadd.s32 @!p0 $0x88, s6;
	s7 =	simm.s32 @p2 $0x1082  }
0x22: {  	[simem:s7], [sflag:s8] =	dma.local @!p0 [hbm:s6], $0xF7A  }
0x23: {  	s9 =	sor.u32 $0xD0000000, s2;
	s6 =	simm.s32 $0x108;
	_ =	swait.ge @!p0 [sflag:s8], $0x0  }
0x24: {  	s3 =	sadd.s32 $0x88, s3;
	s6 =	simm.s32 @!p1 $0x1082;
	[sflag:s4] =	ssyncset.s32 $0xFFFFF086  }
0x25: {  	[simem:s6], [sflag:s4] =	dma.local [hbm:s3], $0xF7A  }
0x26: {  	[smem:$0x3F9D] =	sst s1;
	(tag) =	ssettag s2;
	_ =	strace s9  }
0x27: {  	s1 =	sld [smem:$0x3FAD]  }
0x28: {  	s2 =	sld [smem:$0x3FAE]  }
0x29: {  	s4 =	sld [smem:$0x3FB0]  }
0x2a: {  	p0 =	seq.s32 s5, $0x0;
	s5 =	sld [smem:$0x3FB1]  }
0x2b: {  	s6 =	sld [smem:$0x3FB2]  }
0x2c: {  	s7 =	sld [smem:$0x3FB3]  }
0x2d: {  	s3 =	simm.s32 $0x108;
	s8 =	sld [smem:$0x3FB4]  }
0x2e: {  	s3 =	simm.s32 @!p0 $0x1082;
	s9 =	sld [smem:$0x3FB5]  }
0x2f: {  	lr =	sadd.s32 s0, s3;
	s0 =	sld [smem:$0x3FAC]  }
0x30: {  	s3 =	sld [smem:$0x3FAF]  }
0x31: {  	[smem:$0x3FB8] =	sst s10  }
0x32: {  	s10 =	sld [smem:$0x3FB6];
	_ =	sdelay $0x3  }
0x33: {  	p0 =	seq.s32 s10, $0x1;
	s10 =	sld [smem:$0x3FB8];
	_ =	sdelay $0x3  }
0x34: {  	[smem:$0x3FB8] =	sst s10  }
0x35: {  	s10 =	sld [smem:$0x3FB7];
	_ =	sdelay $0x3  }
0x36: {  	p1 =	seq.s32 s10, $0x1;
	s10 =	sld [smem:$0x3FB8];
	_ =	sdelay $0x3  }
0x37: {  	[smem:$0x3FB8] =	sst s10  }
0x38: {  	s10 =	sld [smem:$0x3FB9]  }
0x39: {  	_ = 	snop;
	(pc) =	sbr.ind lr, $3  }
0x3a: {  	_ = 	snop  }
0x3b: {  	_ = 	snop  }
0x3c: {  	p2 =	seq.s32 s10, $0x1;
	s10 =	sld [smem:$0x3FB8]  }
0x3d: {  	_ =	shalt  }
0x3e: {  	_ =	shalt  }
0x3f: {  	_ =	shalt  }
0x40: {  	_ =	shalt  }
0x41: {  	_ =	shalt  }
0x42: {  	_ =	shalt  }
0x43: {  	_ =	shalt  }
0x44: {  	_ =	shalt  }
0x45: {  	_ =	shalt  }
0x46: {  	_ =	shalt  }
0x47: {  	_ =	shalt  }
0x48: {  	_ =	shalt  }
0x49: {  	_ =	shalt  }
0x4a: {  	_ =	shalt  }
0x4b: {  	_ =	shalt  }
0x4c: {  	_ =	shalt  }
0x4d: {  	_ =	shalt  }
0x4e: {  	_ =	shalt  }
0x4f: {  	_ =	shalt  }
0x50: {  	_ =	shalt  }
0x51: {  	_ =	shalt  }
0x52: {  	_ =	shalt  }
0x53: {  	_ =	shalt  }
0x54: {  	_ =	shalt  }
0x55: {  	_ =	shalt  }
0x56: {  	_ =	shalt  }
0x57: {  	_ =	shalt  }
0x58: {  	_ =	shalt  }
0x59: {  	_ =	shalt  }
0x5a: {  	_ =	shalt  }
0x5b: {  	_ =	shalt  }
0x5c: {  	_ =	shalt  }
0x5d: {  	_ =	shalt  }
0x5e: {  	_ =	shalt  }
0x5f: {  	_ =	shalt  }
0x60: {  	_ =	shalt  }
0x61: {  	_ =	shalt  }
0x62: {  	_ =	shalt  }
0x63: {  	_ =	shalt  }
0x64: {  	_ =	shalt  }
0x65: {  	_ =	shalt  }
0x66: {  	_ =	shalt  }
0x67: {  	_ =	shalt  }
0x68: {  	_ =	shalt  }
0x69: {  	_ =	shalt  }
0x6a: {  	_ =	shalt  }
0x6b: {  	_ =	shalt  }
0x6c: {  	_ =	shalt  }
0x6d: {  	_ =	shalt  }
0x6e: {  	_ =	shalt  }
0x6f: {  	_ =	shalt  }
0x70: {  	_ =	shalt  }
0x71: {  	_ =	shalt  }
0x72: {  	_ =	shalt  }
0x73: {  	_ =	shalt  }
0x74: {  	_ =	shalt  }
0x75: {  	_ =	shalt  }
0x76: {  	_ =	shalt  }
0x77: {  	_ =	shalt  }
0x78: {  	_ =	shalt  }
0x79: {  	_ =	shalt  }
0x7a: {  	_ =	shalt  }
0x7b: {  	_ =	shalt  }
0x7c: {  	_ =	shalt  }
0x7d: {  	_ =	shalt  }
0x7e: {  	_ =	shalt  }
0x7f: {  	_ =	shalt  }
0x80: {  	_ =	shalt  }
0x81: {  	_ =	shalt  }
0x82: {  	_ =	shalt  }
0x83: {  	_ =	shalt  }
0x84: {  	_ =	shalt  }
0x85: {  	_ =	shalt  }
0x86: {  	_ =	shalt  }
0x87: {  	_ =	shalt  }
.Lfunc_end0:
.L_simem_size_0:
called_computation_lowered:
.L_overlay_start_0:
0x88: {  	s2 =	sld [smem:$0x3FD9]  }
0x89: {  	s3 =	sld [smem:$0x3FFE];
	_ =	sdelay $0x1  }
0x8a: {  	s1 =	srdreg.scid  }
0x8b: {  	s0 =	sand.u32 $0x1, s1  }
0x8c: {  	s14 =	sshll.u32 s0, $0xA;
	s2 =	sadd.s32 s3, s2  }
0x8d: {  	s2 =	sadd.s32 s2, s14  }
0x8e: {  	[smem:$0x3FC4] =	sst s2  }
0x8f: {  	_ = 	snop  }
0x90: {  	s2 =	sld [smem:$0x3FD0];
	_ =	sdelay $0x2  }
0x91: {  	s4 =	simm.s32 $0xA;
	s5 =	simm.s32 $0x10;
	s15 =	sld [smem:$0x3FC6]  }
0x92: {  	[smem:s5], [sflag:s4] =	dma.local [hbm:s2], $0x1  }
0x93: {  	_ =	swait.eq [sflag:s4], $0x1  }
0x94: {  	s16 =	sld [smem:$0x10]  }
0x95: {  	s17 =	sld [smem:$0x11];
	[sflag:s4] =	ssyncset.done $0x0  }
0x96: {  	s6 =	sld [smem:$0x12];
	[sflag:s4] =	ssyncadd.s32 $0xFFFFFFFF  }
0x97: {  	s18 =	sld [smem:$0x13];
	(tm) =	ssettm $0x1  }
0x98: {  	s7 =	sld [smem:$0x3FFB];
	_ =	sdelay $0x3  }
0x99: {  	_ =	strace s7  }
0x9a: {  	s7 =	sld [smem:$0x3FFC];
	_ =	sdelay $0x3  }
0x9b: {  	_ =	strace s7  }
0x9c: {  	s7 =	sld [smem:$0x3FFD];
	_ =	sdelay $0x3  }
0x9d: {  	_ =	strace s7  }
0x9e: {  	_ =	strace $0x8FFFFFFF  }
0x9f: {  	s19 =	sld [smem:$0x3FDB];
	_ =	sdelay $0x1  }
0xa0: {  	s8 =	simm.s32 $_scs_section_size  }
0xa1: {  	s9 =	simm.s32 $_size__tile_overlayer_lowered;
	s10 =	simm.s32 $_tile_overlayer_lowered  }
0xa2: {  	s22 =	simm.s32 $0x1BFF;
	s21 =	sshll.u32 s10, $0x1;
	s7 =	sadd.s32 s8, s19  }
0xa3: {  	s11 =	simm.s32 $0x0;
	s20 =	sshll.u32 s9, $0x1;
	s9 =	sadd.s32 s21, s7  }
0xa4: {  	[timem:s11], [sflag:s22] =	dma.local [hbm:s9], s20  }
0xa5: {  	_ =	swait.ge [sflag:s22], s20  }
0xa6: {  	s8 =	ssub.s32 $0x0, s20;
	[sflag:s22] =	ssyncset.done $0x0  }
0xa7: {  	[sflag:s22] =	ssyncadd.s32 s8;
	_ =	sdelay $0x1  }
0xa8: {  	s23 =	simm.s32 $0x1B8B  }
0xa9: {  	_ =	swait.ge [sflag:s23], $0x1  }
0xaa: {  	[sflag:s23] =	ssyncset.done $0x0  }
0xab: {  	s25 =	simm.s32 $0x1B8E;
	s24 =	sld [smem:$0x3FFE];
	[sflag:s23] =	ssyncadd.s32 $0xFFFFFFFF  }
0xac: {  	s26 =	simm.s32 $execute0_lowered;
	[smem:$0x3FD2] =	sst s25  }
0xad: {  	s9 =	sshll.u32 s26, $0x1;
	_ =	strace $0x80000046;
	[dreg:$0x1] =	wrdreg $0xFFFFFFFF  }
0xae: {  	s28 =	simm.s32 $_size_execute0_lowered;
	s7 =	sadd.s32 s7, s9;
	[dreg:$0x0] =	wrdreg $0x0  }
0xaf: {  	s9 =	sshll.u32 s28, $0x1;
	[dreg:$0x2] =	wrdreg s7  }
0xb0: {  	[dreg:$0x3] =	wrdreg s9  }
0xb1: {  	[dreg:$0x4] =	wrdreg $0xC0  }
0xb2: {  	_ =	task [dreg:s11], $0x5FFFF  }
0xb3: {  	[dreg:$0x1] =	wrdreg $0xFFFFFFFF  }
0xb4: {  	[dreg:$0x0] =	wrdreg $0x60  }
0xb5: {  	[dreg:$0x2] =	wrdreg s24  }
0xb6: {  	[dreg:$0x3] =	wrdreg s18  }
0xb7: {  	[dreg:$0x4] =	wrdreg s15  }
0xb8: {  	[dreg:$0x5] =	wrdreg s16  }
0xb9: {  	[dreg:$0x6] =	wrdreg s17  }
0xba: {  	[dreg:$0x7] =	wrdreg s6  }
0xbb: {  	[dreg:$0x8] =	wrdreg $0x1D1800  }
0xbc: {  	[dreg:$0x9] =	wrdreg $0x1E1880  }
0xbd: {  	[dreg:$0xa] =	wrdreg $0x1C9800  }
0xbe: {  	[dreg:$0xb] =	wrdreg $0x1D1880  }
0xbf: {  	[dreg:$0xc] =	wrdreg $0x1D9880  }
0xc0: {  	[dreg:$0xd] =	wrdreg $0x9  }
0xc1: {  	_ =	task.clear_ibuf [dreg:s11], $0xEFFFF;
	_ =	strace $0x90000046  }
0xc2: {  	s29 =	simm.s32 $0x9;
	_ =	strace $0x80000048  }
0xc3: {  	_ =	swait.ge [sflag:s29], $0x1  }
0xc4: {  	[sflag:s29] =	ssyncadd.s32 $0xFFFFFFFF  }
0xc5: {  	_ =	strace $0x90000048  }
0xc6: {  	_ =	sfence  }
0xc7: {  	s30 =	sld [smem:$0x0];
	_ =	sdelay $0x2  }
0xc8: {  	s31 =	sshll.u32 s1, $0xD;
	s1 =	sshrl.u32 s1, $0x2  }
0xc9: {  	s3 =	sand.u32 $0x4000, s31;
	s1 =	sadd.s32 s1, s30  }
0xca: {  	s0 =	sor.u32 s3, s0;
	s1 =	sshll.u32 s1, $0x11  }
0xcb: {  	s0 =	sor.u32 s1, s0  }
0xcc: {  	s0 =	sadd.s32 $0x8F2B, s0  }
0xcd: {  	[sflag:s0] =	ssyncadd.remote.s32 $0x1  }
0xce: {  	_ =	sfence.sel $0xFFFF  }
0xcf: {  	[dreg:$0x0] =	wrdreg $0xFFFFFFFF;
	(pc) =	sbr.abs _section_cstart, $3  }
0xd0: {  	[dreg:$0x1] =	wrdreg $0xFFFFFFFF  }
0xd1: {  	_ =	task.clear_ibuf [dreg:s11], $0x2FFFF;
	_ =	strace $0x9FFFFFFF  }
0xd2: {  	(tm) =	ssettm $0x7FFFFFFF  }
0xd3: {  	_ =	shalt  }
tec
execute0_lowered:
.L_overlay_start_1:
0x0: {  	(tag) =	ssettag $0x1  }
0x1: {  	s2 =	rddreg [dreg:$0x0]  }
0x2: {  	s3 =	rddreg [dreg:$0x1]  }
0x3: {  	s4 =	rddreg [dreg:$0x6]  }
0x4: {  	s5 =	rddreg [dreg:$0x7]  }
0x5: {  	s6 =	rddreg [dreg:$0x8]  }
0x6: {  	s0 =	srdreg.scid;
	s7 =	rddreg [dreg:$0x9]  }
0x7: {  	s12 =	stileid.u32;
	s8 =	rddreg [dreg:$0xa];
	s16 =	simm.s32 $0x0  }
0x8: {  	s1 =	sand.u32 $0x1, s0;
	s9 =	sshrl.u32 s12, $0x2;
	s10 =	sand.u32 $0x3, s12  }
0x9: {  	s11 =	sshll.u32 s12, $0xB;
	s12 =	sshll.u32 s12, $0x7;
	[smem:$0x7FF] =	sst s16  }
0xa: {  	s16 =	rddreg [dreg:$0x5];
	s0 =	sshll.u32 s1, $0x2;
	s1 =	ssub.s32 $0x2, s1  }
0xb: {  	s14 =	sor.u32 s12, s11;
	s23 =	sand.u32 $0x4000, s11;
	s15 =	sand.u32 $0x200, s12  }
0xc: {  	s19 =	sor.u32 $0x180, s12;
	s0 =	sor.u32 s9, s0;
	s13 =	sshrl.u32 s1, $0x1  }
0xd: {  	s14 =	sand.u32 $0x4380, s14;
	s9 =	sshll.u32 s9, $0x7;
	s1 =	ssub.s32 s1, s13  }
0xe: {  	s18 =	sadd.s32 s14, s6;
	s6 =	sadd.s32 s23, s6;
	s13 =	sor.u32 $0x80, s12  }
0xf: {  	s20 =	sadd.s32 s9, s4;
	s21 =	sadd.s32 s14, s7;
	s25 =	sadd.s32 s14, s8  }
0x10: {  	s9 =	sor.u32 $0x100, s12;
	s12 =	sadd.s32 s12, s5;
	s6 =	sadd.s32 s15, s6  }
0x11: {  	s24 =	sor.u32 s11, s13;
	[smem:$0x7E9] =	sst s25;
	s25 =	sadd.s32 s13, s5  }
0x12: {  	s15 =	sor.u32 s11, s9;
	s9 =	sadd.s32 s9, s5;
	[dreg:$0x17] =	wrdreg s25  }
0x13: {  	s5 =	sadd.s32 s19, s5;
	s4 =	sand.u32 $0x4280, s24;
	[dreg:$0x18] =	wrdreg s9  }
0x14: {  	s11 =	sor.u32 s11, s19;
	[dreg:$0x19] =	wrdreg s5;
	s26 =	sadd.s32 s4, s7  }
0x15: {  	s22 =	sand.u32 $0x4300, s15;
	s4 =	sadd.s32 s4, s8;
	[dreg:$0x10] =	wrdreg s26  }
0x16: {  	s23 =	sand.u32 $0x4380, s11;
	s14 =	sadd.s32 s22, s7;
	[dreg:$0x11] =	wrdreg s4  }
0x17: {  	s17 =	smul.u32 $0x1BC60, s10;
	s7 =	sadd.s32 s23, s7;
	[dreg:$0x12] =	wrdreg s14  }
0x18: {  	s15 =	smul.u32 $0x38, s0;
	[dreg:$0x14] =	wrdreg s7  }
0x19: {  	p0 =	sne.s32 s10, $0x0;
	s4 =	sadd.s32 s22, s8;
	s14 =	rddreg [dreg:$0x4]  }
0x1a: {  	s26 =	smul.u32 $0x9C4, s0;
	s19 =	sadd.s32 s16, s15;
	[dreg:$0x13] =	wrdreg s4  }
0x1b: {  	s11 =	smul.u32 $0xE, s0;
	s4 =	sadd.s32 s23, s8;
	[dreg:$0x1c] =	wrdreg s19  }
0x1c: {  	s13 =	smul.u32 $0xE00, s0;
	[dreg:$0x15] =	wrdreg s4;
	s3 =	sadd.s32 s3, s26  }
0x1d: {  	s24 =	smul.u32 $0x6F180, s0;
	[dreg:$0x1a] =	wrdreg s3;
	s3 =	sadd.s32 s14, s11  }
0x1e: {  	s5 =	sadd.s32 s13, s2;
	s22 =	sadd.s32 $0x80, s6;
	[dreg:$0x1b] =	wrdreg s3  }
0x1f: {  	s7 =	sadd.s32 $0x6FC00, s5;
	_ =	strace $0x80000047;
	[smem:$0x7EA] =	sst s22  }
0x20: {  	s8 =	sadd.s32 $0x9420, s17;
	s4 =	sadd.s32 s17, s24;
	[smem:$0x7EE] =	sst s7  }
0x21: {  	s9 =	sadd.s32 $0xC580, s17;
	s4 =	sshrl.u32 s4, $0x3;
	[smem:$0x7EF] =	sst s8  }
0x22: {  	s10 =	sadd.s32 $0xF6E0, s17;
	s4 =	sadd.s32 s4, s2;
	[smem:$0x7F0] =	sst s9  }
0x23: {  	s2 =	sadd.s32 s11, s2;
	s11 =	sadd.s32 $0x12840, s17;
	[smem:$0x7F1] =	sst s10  }
0x24: {  	s19 =	sadd.s32 $0x159A0, s17;
	[smem:$0x7F2] =	sst s11  }
0x25: {  	[smem:$0x7F3] =	sst s19  }
0x26: {  	[dreg:$0xc] =	wrdreg s17  }
0x27: {  	s30 =	sadd.s32 $0x3160, s17;
	[dreg:$0xd] =	wrdreg s18  }
0x28: {  	s31 =	sadd.s32 $0x62C0, s17;
	s29 =	smax.u32 s1, $0x1;
	[dreg:$0xe] =	wrdreg s20  }
0x29: {  	s13 =	sadd.s32 $0x800, s4;
	s14 =	sadd.s32 $0xE2C, s4;
	[dreg:$0xf] =	wrdreg s21  }
0x2a: {  	s15 =	sadd.s32 $0x1458, s4;
	s16 =	sadd.s32 $0x1A84, s4;
	[dreg:$0x16] =	wrdreg s12  }
0x2b: {  	s23 =	sadd.s32 $0x20B0, s4;
	s24 =	sadd.s32 $0x26DC, s4;
	[smem:$0x7FB] =	sst s29  }
0x2c: {  	s25 =	sadd.s32 $0x2D08, s4;
	s26 =	sadd.s32 $0x3334, s4;
	[smem:$0x7FC] =	sst s30  }
0x2d: {  	s28 =	sadd.s32 $0x3960, s4;
	s4 =	sadd.s32 $0x100, s6;
	[smem:$0x7FD] =	sst s31  }
0x2e: {  	s6 =	sadd.s32 $0x180, s6;
	[smem:$0x7EB] =	sst s4  }
0x2f: {  	s2 =	sadd.s32 $0x6FA00, s2;
	[smem:$0x7EC] =	sst s6  }
0x30: {  	v0 =	vlaneseq.u32;
	v4 =	vimm.s32 $0x0;
	s22 =	sadd.s32 $0x18B00, s17;
	[smem:$0x7ED] =	sst s2  }
0x31: {  	v6 =	vimm.s32 $0x1;
	v10 =	vimm.s32 $0xECA86420;
	v9 =	vimm.s32 $0x80000000;
	[smem:$0x7F4] =	sst s22  }
0x32: {  	vm0 =	vcmask $0xB08;
	vm1 =	vcmask $0x1310;
	vm2 =	vcmask $0x1B18;
	[dreg:$0x1d] =	wrdreg s13  }
0x33: {  	v11 =	vimm.f32 $5.000000000e-01;
	vm4 =	vcmask $0x700;
	vm3 =	vcmask $0x300;
	[dreg:$0x1e] =	wrdreg s14  }
0x34: {  	vm5 =	vcmask $0x1710;
	vm6 =	vcmask $0x2720;
	vm8 =	vcmask $0x3730;
	[dreg:$0x1f] =	wrdreg s15  }
0x35: {  	vm7 =	vcmask $0x3B38;
	v1 =	vand.u32 $0x1, v0;
	v7 =	vmul.u32 $0xFFFFFFFF, v0;
	s3 =	sshllo.u32 s0, $0x1;
	[smem:$0x7F5] =	sst s16  }
.Ltmp0:
0x36: {  	v5 =	vmul.u32 $0x800, v0;
	v8 =	vor.u32 $0x80000000, v0;
	v10 =	vunpack.c.l.s4.s8 v10;
	s5 =	simm.s32 $0x3180;
	[smem:$0x7F6] =	sst s23;
	(pc) =	sbr.rel .LBB2_1-.Ltmp0, $4  }
0x37: {  	v11 =	vsel vm4, $0xBF000000, v11;
	vm4 =	vcmask $0x2320;
	v2 =	vmul.u32 $0xFFFFFFFF, v1;
	s0 =	smul.u32 $0x1388, s0;
	s19 =	simm.s32 $0x1;
	[smem:$0x7F7] =	sst s24  }
0x38: {  	v11 =	vsel vm5, $0xBF000000, v11;
	vm5 =	vcmask $0x2B28;
	v7 =	vadd.s32 $0xF, v7;
	s8 =	simm.s32 $0x6300;
	s9 =	simm.s32 $0x80;
	[smem:$0x7F8] =	sst s25  }
0x39: {  	v10 =	vunpack.c.0.s8.s32 v10;
	v11 =	vsel vm6, $0xBF000000, v11;
	vm6 =	vcmask $0x3330;
	s10 =	simm.s32 $0x400;
	s6 =	simm.s32 $0x2;
	[smem:$0x7F9] =	sst s26  }
0x3a: {  	v11 =	vsel vm8, $0xBF000000, v11;
	v2 =	vadd.s32 s3, v2;
	s4 =	simm.s32 $0x3;
	v3 =	vmov s0;
	s22 =	simm.s32 $0x0;
	[smem:$0x7FA] =	sst s28  }
.LBB2_80:
0x3b: {  	s2 =	simm.s32 $0x0;
	s0 =	rddreg [dreg:$0x3];
	s1 =	simm.s32 $0x15400  }
0x3c: {  	[tilespmem:s1], [sflag:$0x3] =	stream.linear.gather [hbm4b:s0+s2], $0x10, $0x38;
	[tilespmem:$0x1E198] =	vst v63  }
0x3d: {  	_ =	swait.ge [sflag:s4], $0x10  }
0x3e: {  	[sflag:s4] =	ssyncset.done $0x0  }
0x3f: {  	[sflag:s4] =	ssyncadd.s32 $0xFFFFFFF0  }
0x40: {  	v12 =	vld [tilespmem:$0x15500];
	_ =	sdelay $0x4  }
0x41: {  	(v2sf) =	vpush v12, $0xD;
	_ =	sdelay $0x1  }
0x42: {  	(v2sf) =	vpush v12, $0xC;
	_ =	sdelay $0x1  }
0x43: {  	(v2sf) =	vpush v12, $0xE  }
0x44: {  	(v2sf) =	vpush v12, $0xF;
	_ =	sdelay $0x1  }
0x45: {  	(v2sf) =	vpush v12, $0x9;
	_ =	sdelay $0x1  }
0x46: {  	(v2sf) =	vpush v12, $0x8;
	_ =	sdelay $0x1  }
0x47: {  	(v2sf) =	vpush v12, $0xA;
	_ =	sdelay $0x1  }
0x48: {  	(v2sf) =	vpush v12, $0xB;
	_ =	sdelay $0x1  }
0x49: {  	s23 =	spop (v2sf)  }
0x4a: {  	(v2sf) =	vpush v12, $0x1;
	s24 =	smulhi.u32 $0xB40B40B5, s23;
	s25 =	sshra.s32 s23, $0x1F  }
0x4b: {  	s3 =	spop (v2sf);
	s2 =	smul.u32 $0xB40B40B5, s25  }
0x4c: {  	(v2sf) =	vpush v12, $0x0;
	s26 =	smulhi.u32 $0xB40B40B5, s3;
	s5 =	sshra.s32 s3, $0x1F  }
0x4d: {  	s7 =	spop (v2sf);
	s0 =	ssub.s32 s24, s23;
	s5 =	smul.u32 $0xB40B40B5, s5  }
0x4e: {  	(v2sf) =	vpush v12, $0x2;
	s9 =	smulhi.u32 $0xB40B40B5, s7;
	s11 =	sshra.s32 s7, $0x1F;
	s13 =	spop (v2sf)  }
0x4f: {  	(v2sf) =	vpush v12, $0x3;
	s6 =	sadd.s32 s2, s0;
	s1 =	ssub.s32 s26, s3;
	s12 =	smul.u32 $0xB40B40B5, s11  }
0x50: {  	s14 =	smulhi.u32 $0xB40B40B5, s13;
	s15 =	sshra.s32 s13, $0x1F;
	s17 =	spop (v2sf)  }
0x51: {  	s10 =	sadd.s32 s5, s1;
	s2 =	ssub.s32 s9, s7;
	s16 =	smul.u32 $0xB40B40B5, s15  }
0x52: {  	(v2sf) =	vpush v12, $0x4;
	s18 =	smulhi.u32 $0xB40B40B5, s17;
	s20 =	sshra.s32 s17, $0x1F;
	s22 =	spop (v2sf)  }
0x53: {  	s9 =	sadd.s32 s12, s2;
	s1 =	ssub.s32 s14, s13;
	s21 =	smul.u32 $0xB40B40B5, s20  }
0x54: {  	(v2sf) =	vpush v12, $0x5;
	s23 =	smulhi.u32 $0xB40B40B5, s22;
	s24 =	sshra.s32 s22, $0x1F;
	s26 =	spop (v2sf)  }
0x55: {  	s15 =	sadd.s32 s16, s1;
	s2 =	ssub.s32 s18, s17;
	s25 =	smul.u32 $0xB40B40B5, s24  }
0x56: {  	(v2sf) =	vpush v12, $0x6;
	s7 =	smulhi.u32 $0xB40B40B5, s26;
	s11 =	sshra.s32 s26, $0x1F;
	s13 =	spop (v2sf)  }
0x57: {  	v13 =	vld [tilespmem:$0x15510];
	s17 =	sadd.s32 s21, s2;
	s1 =	ssub.s32 s23, s22;
	s12 =	smul.u32 $0xB40B40B5, s11  }
0x58: {  	(v2sf) =	vpush v12, $0x7;
	s14 =	smulhi.u32 $0xB40B40B5, s13;
	s16 =	sshra.s32 s13, $0x1F;
	s22 =	sadd.s32 s25, s1  }
0x59: {  	s2 =	ssub.s32 s7, s26;
	s20 =	smul.u32 $0xB40B40B5, s16;
	s21 =	spop (v2sf)  }
0x5a: {  	s18 =	sadd.s32 s12, s2;
	s23 =	smulhi.u32 $0xB40B40B5, s21;
	s24 =	sshra.s32 s21, $0x1F  }
0x5b: {  	s1 =	ssub.s32 s14, s13;
	s26 =	spop (v2sf);
	s25 =	smul.u32 $0xB40B40B5, s24  }
0x5c: {  	s16 =	sadd.s32 s20, s1;
	(v2sf) =	vpush v13, $0xD;
	s7 =	smulhi.u32 $0xB40B40B5, s26;
	s11 =	sshra.s32 s26, $0x1F  }
0x5d: {  	s13 =	spop (v2sf);
	s2 =	ssub.s32 s23, s21;
	s12 =	smul.u32 $0xB40B40B5, s11  }
0x5e: {  	(v2sf) =	vpush v13, $0xC;
	s14 =	smulhi.u32 $0xB40B40B5, s13;
	s20 =	sshra.s32 s13, $0x1F;
	s23 =	spop (v2sf)  }
0x5f: {  	s24 =	sadd.s32 s25, s2;
	s1 =	ssub.s32 s7, s26;
	s21 =	smul.u32 $0xB40B40B5, s20  }
0x60: {  	(v2sf) =	vpush v13, $0xE;
	s26 =	smulhi.u32 $0xB40B40B5, s23;
	s7 =	sshra.s32 s23, $0x1F;
	s0 =	sadd.s32 s12, s1  }
0x61: {  	s2 =	ssub.s32 s14, s13;
	s11 =	smul.u32 $0xB40B40B5, s7;
	s12 =	spop (v2sf)  }
0x62: {  	(v2sf) =	vpush v13, $0xF;
	s25 =	sadd.s32 s21, s2;
	s13 =	smulhi.u32 $0xB40B40B5, s12;
	s14 =	sshra.s32 s12, $0x1F  }
0x63: {  	s1 =	ssub.s32 s26, s23;
	s21 =	spop (v2sf);
	s20 =	smul.u32 $0xB40B40B5, s14  }
0x64: {  	(v2sf) =	vpush v13, $0x9;
	s26 =	sadd.s32 s11, s1;
	s23 =	smulhi.u32 $0xB40B40B5, s21;
	s7 =	sshra.s32 s21, $0x1F  }
0x65: {  	s2 =	ssub.s32 s13, s12;
	s11 =	smul.u32 $0xB40B40B5, s7;
	s12 =	spop (v2sf)  }
0x66: {  	(v2sf) =	vpush v13, $0x8;
	s30 =	sadd.s32 s20, s2;
	s13 =	smulhi.u32 $0xB40B40B5, s12;
	s14 =	sshra.s32 s12, $0x1F  }
0x67: {  	s1 =	ssub.s32 s23, s21;
	s21 =	spop (v2sf);
	s20 =	smul.u32 $0xB40B40B5, s14  }
0x68: {  	s23 =	smulhi.u32 $0xB40B40B5, s21;
	s7 =	sshra.s32 s21, $0x1F  }
0x69: {  	(v2sf) =	vpush v13, $0xA;
	s31 =	sadd.s32 s11, s1;
	s2 =	ssub.s32 s13, s12;
	s11 =	smul.u32 $0xB40B40B5, s7  }
0x6a: {  	[smem:$0x7B2] =	sst s0;
	(v2sf) =	vpush v13, $0xB;
	s0 =	sadd.s32 s20, s2;
	s1 =	ssub.s32 s23, s21  }
0x6b: {  	[smem:$0x7B3] =	sst s0;
	s0 =	sadd.s32 s11, s1;
	s12 =	spop (v2sf)  }
0x6c: {  	[smem:$0x7B4] =	sst s0;
	s13 =	smulhi.u32 $0xB40B40B5, s12;
	s14 =	sshra.s32 s12, $0x1F  }
0x6d: {  	s21 =	spop (v2sf);
	s20 =	smul.u32 $0xB40B40B5, s14  }
0x6e: {  	(v2sf) =	vpush v13, $0x1;
	s23 =	smulhi.u32 $0xB40B40B5, s21;
	s7 =	sshra.s32 s21, $0x1F;
	s2 =	ssub.s32 s13, s12  }
0x6f: {  	s11 =	smul.u32 $0xB40B40B5, s7;
	s12 =	spop (v2sf);
	s28 =	sadd.s32 s20, s2  }
0x70: {  	(v2sf) =	vpush v13, $0x0;
	s1 =	ssub.s32 s23, s21;
	s13 =	smulhi.u32 $0xB40B40B5, s12;
	s14 =	sshra.s32 s12, $0x1F  }
0x71: {  	s21 =	spop (v2sf);
	s0 =	sadd.s32 s11, s1;
	s20 =	smul.u32 $0xB40B40B5, s14  }
0x72: {  	(v2sf) =	vpush v13, $0x2;
	s23 =	smulhi.u32 $0xB40B40B5, s21;
	s7 =	sshra.s32 s21, $0x1F;
	[smem:$0x7B5] =	sst s0  }
0x73: {  	s2 =	ssub.s32 s13, s12;
	s11 =	smul.u32 $0xB40B40B5, s7;
	s12 =	spop (v2sf)  }
0x74: {  	(v2sf) =	vpush v13, $0x3;
	s0 =	sadd.s32 s20, s2;
	s13 =	smulhi.u32 $0xB40B40B5, s12;
	s14 =	sshra.s32 s12, $0x1F  }
0x75: {  	s1 =	ssub.s32 s23, s21;
	s21 =	spop (v2sf);
	s20 =	smul.u32 $0xB40B40B5, s14  }
0x76: {  	[smem:$0x7B7] =	sst s0;
	s23 =	smulhi.u32 $0xB40B40B5, s21;
	s7 =	sshra.s32 s21, $0x1F  }
0x77: {  	s29 =	sadd.s32 s11, s1;
	s2 =	ssub.s32 s13, s12;
	s11 =	smul.u32 $0xB40B40B5, s7  }
0x78: {  	(v2sf) =	vpush v13, $0x4;
	s12 =	spop (v2sf);
	s0 =	sadd.s32 s20, s2;
	s1 =	ssub.s32 s23, s21  }
0x79: {  	s13 =	smulhi.u32 $0xB40B40B5, s12;
	s14 =	sshra.s32 s12, $0x1F;
	s21 =	spop (v2sf)  }
0x7a: {  	(v2sf) =	vpush v13, $0x5;
	[smem:$0x7BB] =	sst s0;
	s20 =	smul.u32 $0xB40B40B5, s14  }
0x7b: {  	s0 =	sadd.s32 s11, s1;
	s23 =	smulhi.u32 $0xB40B40B5, s21;
	s7 =	sshra.s32 s21, $0x1F  }
0x7c: {  	v14 =	vld [tilespmem:$0x15520];
	(v2sf) =	vpush v13, $0x6;
	[smem:$0x7B9] =	sst s0;
	s2 =	ssub.s32 s13, s12;
	s11 =	smul.u32 $0xB40B40B5, s7  }
0x7d: {  	s0 =	sadd.s32 s20, s2;
	s1 =	ssub.s32 s23, s21;
	s12 =	spop (v2sf)  }
0x7e: {  	(v2sf) =	vpush v13, $0x7;
	[smem:$0x7BD] =	sst s0;
	s13 =	smulhi.u32 $0xB40B40B5, s12;
	s14 =	sshra.s32 s12, $0x1F  }
0x7f: {  	s0 =	sadd.s32 s11, s1;
	s21 =	spop (v2sf);
	s20 =	smul.u32 $0xB40B40B5, s14  }
0x80: {  	[smem:$0x7C1] =	sst s0;
	s23 =	smulhi.u32 $0xB40B40B5, s21;
	s7 =	sshra.s32 s21, $0x1F  }
0x81: {  	(v2sf) =	vpush v14, $0xD;
	s2 =	ssub.s32 s13, s12;
	s11 =	smul.u32 $0xB40B40B5, s7;
	s12 =	spop (v2sf)  }
0x82: {  	s0 =	sadd.s32 s20, s2;
	s13 =	smulhi.u32 $0xB40B40B5, s12;
	s14 =	sshra.s32 s12, $0x1F  }
0x83: {  	(v2sf) =	vpush v14, $0xC;
	s1 =	ssub.s32 s23, s21;
	s21 =	spop (v2sf);
	s20 =	smul.u32 $0xB40B40B5, s14  }
0x84: {  	[smem:$0x7B8] =	sst s0;
	s0 =	sadd.s32 s11, s1;
	s23 =	smulhi.u32 $0xB40B40B5, s21  }
0x85: {  	(v2sf) =	vpush v14, $0xE;
	s7 =	sshra.s32 s21, $0x1F;
	[smem:$0x7B6] =	sst s0;
	s2 =	ssub.s32 s13, s12  }
0x86: {  	s11 =	smul.u32 $0xB40B40B5, s7;
	(v2sf) =	vpush v14, $0xF;
	s0 =	sadd.s32 s20, s2  }
0x87: {  	s1 =	ssub.s32 s23, s21;
	[smem:$0x7BA] =	sst s0;
	s12 =	spop (v2sf)  }
0x88: {  	v18 =	vmov s10;
	s10 =	sld [smem:$0x7B2];
	s13 =	smulhi.u32 $0xB40B40B5, s12;
	s14 =	sshra.s32 s12, $0x1F  }
0x89: {  	s0 =	sadd.s32 s11, s1;
	s21 =	spop (v2sf);
	s20 =	smul.u32 $0xB40B40B5, s14  }
0x8a: {  	[smem:$0x7BC] =	sst s0;
	s23 =	smulhi.u32 $0xB40B40B5, s21;
	s7 =	sshra.s32 s21, $0x1F  }
0x8b: {  	(v2sf) =	vpush v14, $0x9;
	s2 =	ssub.s32 s13, s12;
	s11 =	smul.u32 $0xB40B40B5, s7;
	s12 =	spop (v2sf)  }
0x8c: {  	s0 =	sadd.s32 s20, s2;
	s13 =	smulhi.u32 $0xB40B40B5, s12;
	s14 =	sshra.s32 s12, $0x1F  }
0x8d: {  	(v2sf) =	vpush v14, $0x8;
	s1 =	ssub.s32 s23, s21;
	s21 =	spop (v2sf);
	s20 =	smul.u32 $0xB40B40B5, s14  }
0x8e: {  	[smem:$0x7BE] =	sst s0;
	s0 =	sadd.s32 s11, s1;
	s23 =	smulhi.u32 $0xB40B40B5, s21  }
0x8f: {  	(v2sf) =	vpush v14, $0xA;
	s7 =	sshra.s32 s21, $0x1F;
	[smem:$0x7BF] =	sst s0;
	s2 =	ssub.s32 s13, s12  }
0x90: {  	s11 =	smul.u32 $0xB40B40B5, s7;
	s0 =	sadd.s32 s20, s2;
	s12 =	spop (v2sf)  }
0x91: {  	s1 =	ssub.s32 s23, s21;
	[smem:$0x7C2] =	sst s0;
	s13 =	smulhi.u32 $0xB40B40B5, s12  }
0x92: {  	(v2sf) =	vpush v14, $0xB;
	s14 =	sshra.s32 s12, $0x1F;
	s0 =	sadd.s32 s11, s1;
	s21 =	spop (v2sf)  }
0x93: {  	[smem:$0x7C4] =	sst s0;
	s20 =	smul.u32 $0xB40B40B5, s14  }
0x94: {  	(v2sf) =	vpush v14, $0x1;
	s23 =	smulhi.u32 $0xB40B40B5, s21;
	s7 =	sshra.s32 s21, $0x1F;
	s2 =	ssub.s32 s13, s12  }
0x95: {  	s11 =	smul.u32 $0xB40B40B5, s7;
	s12 =	spop (v2sf);
	s0 =	sadd.s32 s20, s2  }
0x96: {  	(v2sf) =	vpush v14, $0x0;
	s1 =	ssub.s32 s23, s21;
	s13 =	smulhi.u32 $0xB40B40B5, s12;
	s14 =	sshra.s32 s12, $0x1F  }
0x97: {  	[smem:$0x7C3] =	sst s0;
	s0 =	sadd.s32 s11, s1;
	s20 =	smul.u32 $0xB40B40B5, s14  }
0x98: {  	[smem:$0x7C0] =	sst s0;
	s21 =	spop (v2sf)  }
0x99: {  	(v2sf) =	vpush v14, $0x2;
	s2 =	ssub.s32 s13, s12;
	s23 =	smulhi.u32 $0xB40B40B5, s21;
	s7 =	sshra.s32 s21, $0x1F  }
0x9a: {  	s0 =	sadd.s32 s20, s2;
	s12 =	spop (v2sf);
	s11 =	smul.u32 $0xB40B40B5, s7  }
0x9b: {  	[smem:$0x7C5] =	sst s0;
	s13 =	smulhi.u32 $0xB40B40B5, s12;
	s14 =	sshra.s32 s12, $0x1F  }
0x9c: {  	(v2sf) =	vpush v14, $0x3;
	s1 =	ssub.s32 s23, s21;
	s20 =	smul.u32 $0xB40B40B5, s14;
	s21 =	spop (v2sf)  }
0x9d: {  	s0 =	sadd.s32 s11, s1;
	s23 =	smulhi.u32 $0xB40B40B5, s21;
	s7 =	sshra.s32 s21, $0x1F  }
0x9e: {  	(v2sf) =	vpush v14, $0x4;
	s2 =	ssub.s32 s13, s12;
	s12 =	spop (v2sf);
	s11 =	smul.u32 $0xB40B40B5, s7  }
0x9f: {  	[smem:$0x7C6] =	sst s0;
	s0 =	sadd.s32 s20, s2;
	s13 =	smulhi.u32 $0xB40B40B5, s12  }
0xa0: {  	(v2sf) =	vpush v14, $0x5;
	s14 =	sshra.s32 s12, $0x1F;
	[smem:$0x7C9] =	sst s0;
	s1 =	ssub.s32 s23, s21  }
0xa1: {  	s20 =	smul.u32 $0xB40B40B5, s14;
	s21 =	spop (v2sf);
	s0 =	sadd.s32 s11, s1  }
0xa2: {  	v15 =	vld [tilespmem:$0x15530];
	(v2sf) =	vpush v14, $0x6;
	s23 =	smulhi.u32 $0xB40B40B5, s21;
	s7 =	sshra.s32 s21, $0x1F;
	[smem:$0x7C8] =	sst s0  }
0xa3: {  	s2 =	ssub.s32 s13, s12;
	s11 =	smul.u32 $0xB40B40B5, s7;
	s12 =	spop (v2sf)  }
0xa4: {  	s0 =	sadd.s32 s20, s2;
	s13 =	smulhi.u32 $0xB40B40B5, s12;
	s14 =	sshra.s32 s12, $0x1F  }
0xa5: {  	(v2sf) =	vpush v14, $0x7;
	s1 =	ssub.s32 s23, s21;
	s21 =	spop (v2sf);
	s20 =	smul.u32 $0xB40B40B5, s14  }
0xa6: {  	[smem:$0x7CC] =	sst s0;
	s0 =	sadd.s32 s11, s1;
	s23 =	smulhi.u32 $0xB40B40B5, s21  }
0xa7: {  	(v2sf) =	vpush v15, $0xD;
	s7 =	sshra.s32 s21, $0x1F;
	[smem:$0x7CE] =	sst s0;
	s2 =	ssub.s32 s13, s12  }
0xa8: {  	s11 =	smul.u32 $0xB40B40B5, s7;
	s12 =	spop (v2sf);
	s0 =	sadd.s32 s20, s2  }
0xa9: {  	(v2sf) =	vpush v15, $0xC;
	s1 =	ssub.s32 s23, s21;
	s13 =	smulhi.u32 $0xB40B40B5, s12;
	s14 =	sshra.s32 s12, $0x1F  }
0xaa: {  	[smem:$0x7CA] =	sst s0;
	s0 =	sadd.s32 s11, s1;
	s20 =	smul.u32 $0xB40B40B5, s14  }
0xab: {  	[smem:$0x7C7] =	sst s0;
	s21 =	spop (v2sf)  }
0xac: {  	(v2sf) =	vpush v15, $0xE;
	s2 =	ssub.s32 s13, s12;
	s23 =	smulhi.u32 $0xB40B40B5, s21;
	s7 =	sshra.s32 s21, $0x1F  }
0xad: {  	s0 =	sadd.s32 s20, s2;
	s12 =	spop (v2sf);
	s11 =	smul.u32 $0xB40B40B5, s7  }
0xae: {  	[smem:$0x7CB] =	sst s0;
	s13 =	smulhi.u32 $0xB40B40B5, s12;
	s14 =	sshra.s32 s12, $0x1F  }
0xaf: {  	(v2sf) =	vpush v15, $0xF;
	s1 =	ssub.s32 s23, s21;
	s20 =	smul.u32 $0xB40B40B5, s14;
	s21 =	spop (v2sf)  }
0xb0: {  	s0 =	sadd.s32 s11, s1;
	s23 =	smulhi.u32 $0xB40B40B5, s21;
	s7 =	sshra.s32 s21, $0x1F  }
0xb1: {  	(v2sf) =	vpush v15, $0x9;
	s2 =	ssub.s32 s13, s12;
	s12 =	spop (v2sf);
	s11 =	smul.u32 $0xB40B40B5, s7  }
0xb2: {  	[smem:$0x7CD] =	sst s0;
	s0 =	sadd.s32 s20, s2;
	s13 =	smulhi.u32 $0xB40B40B5, s12  }
0xb3: {  	(v2sf) =	vpush v15, $0x8;
	s14 =	sshra.s32 s12, $0x1F;
	[smem:$0x7CF] =	sst s0;
	s1 =	ssub.s32 s23, s21  }
0xb4: {  	s20 =	smul.u32 $0xB40B40B5, s14;
	s21 =	spop (v2sf);
	s0 =	sadd.s32 s11, s1  }
0xb5: {  	(v2sf) =	vpush v15, $0xA;
	s23 =	smulhi.u32 $0xB40B40B5, s21;
	s7 =	sshra.s32 s21, $0x1F;
	[smem:$0x7D0] =	sst s0  }
0xb6: {  	s2 =	ssub.s32 s13, s12;
	s11 =	smul.u32 $0xB40B40B5, s7;
	s12 =	spop (v2sf)  }
0xb7: {  	s0 =	sadd.s32 s20, s2;
	s13 =	smulhi.u32 $0xB40B40B5, s12;
	s14 =	sshra.s32 s12, $0x1F  }
0xb8: {  	(v2sf) =	vpush v15, $0xB;
	s1 =	ssub.s32 s23, s21;
	s21 =	spop (v2sf);
	s20 =	smul.u32 $0xB40B40B5, s14  }
0xb9: {  	[smem:$0x7D1] =	sst s0;
	s0 =	sadd.s32 s11, s1;
	s23 =	smulhi.u32 $0xB40B40B5, s21  }
0xba: {  	s7 =	sshra.s32 s21, $0x1F;
	[smem:$0x7D4] =	sst s0;
	s2 =	ssub.s32 s13, s12  }
0xbb: {  	(v2sf) =	vpush v15, $0x1;
	s11 =	smul.u32 $0xB40B40B5, s7;
	s12 =	spop (v2sf);
	s0 =	sadd.s32 s20, s2  }
0xbc: {  	s1 =	ssub.s32 s23, s21;
	s13 =	smulhi.u32 $0xB40B40B5, s12;
	s14 =	sshra.s32 s12, $0x1F  }
0xbd: {  	(v2sf) =	vpush v15, $0x0;
	[smem:$0x7D3] =	sst s0;
	s0 =	sadd.s32 s11, s1;
	s20 =	smul.u32 $0xB40B40B5, s14  }
0xbe: {  	[smem:$0x7D2] =	sst s0;
	s21 =	spop (v2sf)  }
0xbf: {  	(v2sf) =	vpush v15, $0x2;
	s2 =	ssub.s32 s13, s12;
	s23 =	smulhi.u32 $0xB40B40B5, s21;
	s7 =	sshra.s32 s21, $0x1F  }
0xc0: {  	s0 =	sadd.s32 s20, s2;
	s12 =	spop (v2sf);
	s11 =	smul.u32 $0xB40B40B5, s7  }
0xc1: {  	(v2sf) =	vpush v15, $0x3;
	[smem:$0x7D5] =	sst s0;
	s13 =	smulhi.u32 $0xB40B40B5, s12;
	s14 =	sshra.s32 s12, $0x1F  }
0xc2: {  	s1 =	ssub.s32 s23, s21;
	s20 =	smul.u32 $0xB40B40B5, s14;
	s21 =	spop (v2sf)  }
0xc3: {  	(v2sf) =	vpush v15, $0x4;
	s0 =	sadd.s32 s11, s1;
	s23 =	smulhi.u32 $0xB40B40B5, s21;
	s7 =	sshra.s32 s21, $0x1F  }
0xc4: {  	s2 =	ssub.s32 s13, s12;
	s12 =	spop (v2sf);
	s11 =	smul.u32 $0xB40B40B5, s7  }
0xc5: {  	(v2sf) =	vpush v15, $0x5;
	[smem:$0x7D8] =	sst s0;
	s0 =	sadd.s32 s20, s2;
	s13 =	smulhi.u32 $0xB40B40B5, s12  }
0xc6: {  	s14 =	sshra.s32 s12, $0x1F;
	[smem:$0x7D9] =	sst s0;
	s1 =	ssub.s32 s23, s21  }
0xc7: {  	v16 =	vld [tilespmem:$0x15540];
	(v2sf) =	vpush v15, $0x6;
	s20 =	smul.u32 $0xB40B40B5, s14;
	s21 =	spop (v2sf);
	s0 =	sadd.s32 s11, s1  }
0xc8: {  	s2 =	ssub.s32 s13, s12;
	s23 =	smulhi.u32 $0xB40B40B5, s21;
	s7 =	sshra.s32 s21, $0x1F  }
0xc9: {  	[smem:$0x7D7] =	sst s0;
	s0 =	sadd.s32 s20, s2;
	s11 =	smul.u32 $0xB40B40B5, s7  }
0xca: {  	(v2sf) =	vpush v15, $0x7;
	s12 =	spop (v2sf);
	[smem:$0x7DB] =	sst s0  }
0xcb: {  	s1 =	ssub.s32 s23, s21;
	s13 =	smulhi.u32 $0xB40B40B5, s12;
	s14 =	sshra.s32 s12, $0x1F  }
0xcc: {  	(v2sf) =	vpush v16, $0xD;
	s21 =	spop (v2sf);
	s0 =	sadd.s32 s11, s1;
	s20 =	smul.u32 $0xB40B40B5, s14  }
0xcd: {  	s23 =	smulhi.u32 $0xB40B40B5, s21;
	s7 =	sshra.s32 s21, $0x1F;
	[smem:$0x7DD] =	sst s0  }
0xce: {  	s2 =	ssub.s32 s13, s12;
	s11 =	smul.u32 $0xB40B40B5, s7;
	s12 =	spop (v2sf)  }
0xcf: {  	(v2sf) =	vpush v16, $0xC;
	s0 =	sadd.s32 s20, s2;
	s13 =	smulhi.u32 $0xB40B40B5, s12;
	s14 =	sshra.s32 s12, $0x1F  }
0xd0: {  	s1 =	ssub.s32 s23, s21;
	s21 =	smul.u32 $0xB40B40B5, s14;
	s23 =	spop (v2sf)  }
0xd1: {  	(v2sf) =	vpush v16, $0xE;
	s20 =	sadd.s32 s11, s1;
	s7 =	smulhi.u32 $0xB40B40B5, s23;
	s11 =	sshra.s32 s23, $0x1F  }
0xd2: {  	s2 =	ssub.s32 s13, s12;
	s14 =	spop (v2sf);
	s12 =	smul.u32 $0xB40B40B5, s11  }
0xd3: {  	[smem:$0x7D6] =	sst s0;
	s13 =	sadd.s32 s21, s2;
	s21 =	smulhi.u32 $0xB40B40B5, s14  }
0xd4: {  	(v2sf) =	vpush v16, $0xF;
	s1 =	ssub.s32 s7, s23;
	s23 =	sshra.s32 s14, $0x1F;
	s7 =	spop (v2sf)  }
0xd5: {  	(v2sf) =	vpush v16, $0x9;
	s0 =	sadd.s32 s12, s1;
	s5 =	smul.u32 $0xB40B40B5, s23;
	s2 =	ssub.s32 s21, s14  }
0xd6: {  	s11 =	smulhi.u32 $0xB40B40B5, s7;
	s12 =	sshra.s32 s7, $0x1F;
	s21 =	spop (v2sf)  }
0xd7: {  	[smem:$0x7DA] =	sst s0;
	s14 =	smul.u32 $0xB40B40B5, s12;
	s0 =	sadd.s32 s5, s2  }
0xd8: {  	(v2sf) =	vpush v16, $0x8;
	s1 =	ssub.s32 s11, s7;
	s7 =	smulhi.u32 $0xB40B40B5, s21;
	s11 =	sshra.s32 s21, $0x1F  }
0xd9: {  	s23 =	sadd.s32 s14, s1;
	s12 =	smul.u32 $0xB40B40B5, s11;
	s1 =	spop (v2sf)  }
0xda: {  	s2 =	ssub.s32 s7, s21;
	s14 =	smulhi.u32 $0xB40B40B5, s1;
	s7 =	sshra.s32 s1, $0x1F  }
0xdb: {  	(v2sf) =	vpush v16, $0xA;
	s21 =	sadd.s32 s12, s2;
	s11 =	smul.u32 $0xB40B40B5, s7;
	s12 =	spop (v2sf)  }
0xdc: {  	s1 =	ssub.s32 s14, s1;
	s14 =	smulhi.u32 $0xB40B40B5, s12;
	s7 =	sshra.s32 s12, $0x1F  }
0xdd: {  	[smem:$0x7DC] =	sst s0;
	(v2sf) =	vpush v16, $0xB;
	s0 =	sadd.s32 s11, s1;
	s11 =	smul.u32 $0xB40B40B5, s7  }
0xde: {  	s1 =	spop (v2sf);
	[smem:$0x7DE] =	sst s0  }
0xdf: {  	s2 =	ssub.s32 s14, s12;
	s12 =	smulhi.u32 $0xB40B40B5, s1;
	s14 =	sshra.s32 s1, $0x1F  }
0xe0: {  	(v2sf) =	vpush v16, $0x1;
	s0 =	sadd.s32 s11, s2;
	s7 =	smul.u32 $0xB40B40B5, s14;
	s11 =	spop (v2sf)  }
0xe1: {  	s1 =	ssub.s32 s12, s1;
	s12 =	smulhi.u32 $0xB40B40B5, s11;
	s14 =	sshra.s32 s11, $0x1F  }
0xe2: {  	(v2sf) =	vpush v16, $0x0;
	[smem:$0x7E0] =	sst s0;
	s0 =	sadd.s32 s7, s1;
	s5 =	smul.u32 $0xB40B40B5, s14  }
0xe3: {  	s1 =	spop (v2sf);
	[smem:$0x7DF] =	sst s0;
	s2 =	ssub.s32 s12, s11  }
0xe4: {  	(v2sf) =	vpush v16, $0x2;
	s7 =	smulhi.u32 $0xB40B40B5, s1;
	s11 =	sshra.s32 s1, $0x1F;
	s14 =	spop (v2sf)  }
0xe5: {  	s0 =	sadd.s32 s5, s2;
	s12 =	smul.u32 $0xB40B40B5, s11;
	s11 =	sshra.s32 s14, $0x1F  }
0xe6: {  	(v2sf) =	vpush v16, $0x3;
	[smem:$0x7E1] =	sst s0;
	s1 =	ssub.s32 s7, s1;
	s7 =	smulhi.u32 $0xB40B40B5, s14  }
0xe7: {  	s0 =	sadd.s32 s12, s1;
	s12 =	smul.u32 $0xB40B40B5, s11;
	s1 =	spop (v2sf)  }
0xe8: {  	(v2sf) =	vpush v16, $0x4;
	s2 =	ssub.s32 s7, s14;
	s14 =	smulhi.u32 $0xB40B40B5, s1;
	s7 =	sshra.s32 s1, $0x1F  }
0xe9: {  	[smem:$0x7E3] =	sst s0;
	s0 =	sadd.s32 s12, s2;
	s11 =	smul.u32 $0xB40B40B5, s7  }
0xea: {  	s12 =	spop (v2sf);
	[smem:$0x7E4] =	sst s0  }
0xeb: {  	(v2sf) =	vpush v16, $0x5;
	s1 =	ssub.s32 s14, s1;
	s14 =	smulhi.u32 $0xB40B40B5, s12;
	s7 =	sshra.s32 s12, $0x1F  }
0xec: {  	v17 =	vld [tilespmem:$0x15550];
	s0 =	sadd.s32 s11, s1;
	s11 =	smul.u32 $0xB40B40B5, s7;
	s1 =	spop (v2sf)  }
0xed: {  	(v2sf) =	vpush v16, $0x6;
	s2 =	ssub.s32 s14, s12;
	s12 =	smulhi.u32 $0xB40B40B5, s1;
	s14 =	sshra.s32 s1, $0x1F  }
0xee: {  	[smem:$0x7E2] =	sst s0;
	s0 =	sadd.s32 s11, s2;
	s7 =	smul.u32 $0xB40B40B5, s14  }
0xef: {  	(v2sf) =	vpush v16, $0x7;
	s11 =	spop (v2sf);
	[smem:$0x7E6] =	sst s0  }
0xf0: {  	s1 =	ssub.s32 s12, s1;
	s12 =	smulhi.u32 $0xB40B40B5, s11;
	s14 =	sshra.s32 s11, $0x1F  }
0xf1: {  	(v2sf) =	vpush v17, $0xD;
	s0 =	sadd.s32 s7, s1;
	s7 =	smul.u32 $0xB40B40B5, s14;
	s1 =	spop (v2sf)  }
0xf2: {  	s2 =	ssub.s32 s12, s11;
	s11 =	smulhi.u32 $0xB40B40B5, s1;
	s12 =	sshra.s32 s1, $0x1F  }
0xf3: {  	(v2sf) =	vpush v17, $0xC;
	s14 =	sadd.s32 s7, s2;
	s7 =	smul.u32 $0xB40B40B5, s12;
	s2 =	spop (v2sf)  }
0xf4: {  	s1 =	ssub.s32 s11, s1;
	s11 =	smulhi.u32 $0xB40B40B5, s2;
	s12 =	sshra.s32 s2, $0x1F  }
0xf5: {  	s7 =	sadd.s32 s7, s1;
	s5 =	smul.u32 $0xB40B40B5, s12;
	s1 =	spop (v2sf)  }
0xf6: {  	(v2sf) =	vpush v17, $0xE;
	s2 =	ssub.s32 s11, s2;
	s3 =	smulhi.u32 $0xB40B40B5, s1;
	s11 =	sshra.s32 s1, $0x1F  }
0xf7: {  	s12 =	sadd.s32 s5, s2;
	s5 =	smul.u32 $0xB40B40B5, s11;
	s2 =	spop (v2sf)  }
0xf8: {  	(v2sf) =	vpush v17, $0xF;
	s1 =	ssub.s32 s3, s1;
	s3 =	smulhi.u32 $0xB40B40B5, s2;
	s11 =	sshra.s32 s2, $0x1F  }
0xf9: {  	[smem:$0x7E7] =	sst s0;
	s0 =	sadd.s32 s5, s1;
	s11 =	smul.u32 $0xB40B40B5, s11  }
0xfa: {  	s1 =	spop (v2sf);
	[smem:$0x7E5] =	sst s0  }
0xfb: {  	s2 =	ssub.s32 s3, s2;
	s3 =	smulhi.u32 $0xB40B40B5, s1;
	s5 =	sshra.s32 s1, $0x1F  }
0xfc: {  	s11 =	sadd.s32 s11, s2;
	s0 =	smul.u32 $0xB40B40B5, s5;
	s2 =	spop (v2sf)  }
0xfd: {  	(v2sf) =	vpush v17, $0x9;
	s1 =	ssub.s32 s3, s1;
	s3 =	smulhi.u32 $0xB40B40B5, s2;
	s5 =	sshra.s32 s2, $0x1F  }
0xfe: {  	v19 =	vmov s10;
	s10 =	sadd.s32 s0, s1;
	s0 =	smul.u32 $0xB40B40B5, s5;
	s1 =	spop (v2sf)  }
0xff: {  	v18 =	vsel vm0, s6, v18;
	v19 =	vnsel vm3, $0x0, v19;
	s2 =	ssub.s32 s3, s2;
	s3 =	smulhi.u32 $0xB40B40B5, s1;
	s5 =	sshra.s32 s1, $0x1F  }
0x100: {  	v18 =	vsel vm1, s9, v18;
	v19 =	vsel vm0, s24, v19;
	s6 =	sadd.s32 s0, s2;
	s9 =	smul.u32 $0xB40B40B5, s5;
	s2 =	spop (v2sf)  }
0x101: {  	v19 =	vsel vm1, s25, v19;
	(v2sf) =	vpush v17, $0x8;
	s1 =	ssub.s32 s3, s1;
	s24 =	smulhi.u32 $0xB40B40B5, s2;
	s25 =	sshra.s32 s2, $0x1F  }
0x102: {  	v22 =	vmov s22;
	s5 =	sadd.s32 s9, s1;
	s1 =	smul.u32 $0xB40B40B5, s25;
	s9 =	spop (v2sf)  }
0x103: {  	v41 =	vsel vm0, s17, v22;
	v21 =	vld [tilespmem:$0x15480];
	(v2sf) =	vpush v17, $0xA;
	s2 =	ssub.s32 s24, s2;
	s17 =	smulhi.u32 $0xB40B40B5, s9  }
0x104: {  	v20 =	vsel vm2, s15, v18;
	v18 =	vsel vm1, s18, v41;
	s18 =	sld [smem:$0x7B3];
	s22 =	sshra.s32 s9, $0x1F;
	s3 =	sadd.s32 s1, s2  }
0x105: {  	v19 =	vsel vm2, s26, v19;
	s25 =	smul.u32 $0xB40B40B5, s22;
	s2 =	spop (v2sf);
	s1 =	ssub.s32 s17, s9  }
0x106: {  	v19 =	vsel vm4, s30, v19;
	(v2sf) =	vpush v17, $0xB;
	s22 =	smulhi.u32 $0xB40B40B5, s2;
	s26 =	sshra.s32 s2, $0x1F;
	s17 =	sld [smem:$0x7B4]  }
0x107: {  	v19 =	vsel vm5, s31, v19;
	s24 =	spop (v2sf);
	s0 =	sadd.s32 s25, s1;
	s25 =	sld [smem:$0x7B5]  }
0x108: {  	v42 =	vxor.u32 $0x7FFFFFFF, v21;
	vm8 =	vlt.s32 v21, $0x0;
	v19 =	vsel vm6, s18, v19;
	s18 =	smul.u32 $0xB40B40B5, s26;
	s26 =	sld [smem:$0x7B6]  }
0x109: {  	v24 =	vsel vm2, s16, v18;
	v22 =	vsel vm8, v42, v21;
	s16 =	smulhi.u32 $0xB40B40B5, s24;
	s2 =	ssub.s32 s22, s2;
	v21 =	vsel vm7, s17, v19;
	s17 =	sld [smem:$0x7B7]  }
0x10a: {  	(v2sf) =	vpush v17, $0x1;
	s22 =	sshra.s32 s24, $0x1F;
	s1 =	sadd.s32 s18, s2;
	s18 =	sld [smem:$0x7B8];
	v44 =	vmov s25  }
0x10b: {  	s9 =	ssub.s32 s16, s24;
	s16 =	sld [smem:$0x7B9];
	v45 =	vmov s26;
	s26 =	smul.u32 $0xB40B40B5, s22;
	v19 =	vsel vm0, s28, v44  }
0x10c: {  	v43 =	vsub.f32 $0.0e+00, v22;
	s25 =	spop (v2sf);
	v22 =	vnsel vm3, $0x0, v45;
	v19 =	vsel vm1, s17, v19;
	s17 =	sld [smem:$0x7BA]  }
0x10d: {  	s24 =	smulhi.u32 $0xB40B40B5, s25;
	s22 =	sshra.s32 s25, $0x1F;
	v22 =	vsel vm0, s18, v22;
	s18 =	sld [smem:$0x7BB]  }
0x10e: {  	s2 =	smul.u32 $0xB40B40B5, s22;
	s22 =	sld [smem:$0x7BC]  }
0x10f: {  	v23 =	vmov s16;
	s9 =	sadd.s32 s26, s9;
	s16 =	sld [smem:$0x7BD]  }
0x110: {  	s26 =	spop (v2sf);
	s24 =	ssub.s32 s24, s25;
	v22 =	vsel vm1, s17, v22;
	s17 =	sld [smem:$0x7BE]  }
0x111: {  	(v2sf) =	vpush v17, $0x0;
	s25 =	smulhi.u32 $0xB40B40B5, s26;
	s28 =	sshra.s32 s26, $0x1F;
	v46 =	vsel vm0, s18, v23;
	s18 =	sld [smem:$0x7BF]  }
0x112: {  	v25 =	vsel vm2, s29, v19;
	s29 =	spop (v2sf);
	s2 =	sadd.s32 s2, s24;
	v22 =	vsel vm2, s22, v22;
	s22 =	sld [smem:$0x7C0]  }
0x113: {  	s24 =	smul.u32 $0xB40B40B5, s28;
	s30 =	sshra.s32 s29, $0x1F;
	v47 =	vsel vm1, s16, v46;
	s16 =	sld [smem:$0x7C1]  }
0x114: {  	s25 =	ssub.s32 s25, s26;
	s26 =	smulhi.u32 $0xB40B40B5, s29;
	v22 =	vsel vm4, s17, v22;
	s17 =	sld [smem:$0x7C2]  }
0x115: {  	s28 =	sadd.s32 s24, s25;
	s25 =	spop (v2sf);
	v22 =	vsel vm5, s18, v22;
	s18 =	sld [smem:$0x7C3]  }
0x116: {  	s26 =	ssub.s32 s26, s29;
	v48 =	vmov s22;
	v27 =	vsel vm2, s16, v47;
	s22 =	smul.u32 $0xB40B40B5, s30;
	s16 =	sld [smem:$0x7C4]  }
0x117: {  	s29 =	smulhi.u32 $0xB40B40B5, s25;
	s30 =	sshra.s32 s25, $0x1F;
	v49 =	vsel vm6, s17, v22;
	s17 =	sld [smem:$0x7C5]  }
0x118: {  	(v2sf) =	vpush v17, $0x2;
	s31 =	sadd.s32 s22, s26;
	s22 =	smul.u32 $0xB40B40B5, s30;
	v50 =	vsel vm0, s18, v48;
	s18 =	sld [smem:$0x7C6]  }
0x119: {  	s26 =	spop (v2sf);
	v23 =	vsel vm7, s16, v49;
	s16 =	sld [smem:$0x7C7]  }
0x11a: {  	(v2sf) =	vpush v17, $0x3;
	s25 =	ssub.s32 s29, s25;
	v51 =	vsel vm1, s17, v50;
	s17 =	sshra.s32 s26, $0x1F  }
0x11b: {  	v26 =	vld [tilespmem:$0x15490];
	s30 =	sadd.s32 s22, s25;
	s22 =	smul.u32 $0xB40B40B5, s17;
	s17 =	sld [smem:$0x7CA]  }
0x11c: {  	v19 =	vsel vm2, s18, v51;
	v28 =	vmov s16;
	s18 =	sld [smem:$0x7C8]  }
0x11d: {  	s16 =	sld [smem:$0x7C9];
	v28 =	vnsel vm3, $0x0, v28  }
0x11e: {  	v28 =	vsel vm0, s17, v28;
	s17 =	sld [smem:$0x7CB]  }
0x11f: {  	s29 =	smulhi.u32 $0xB40B40B5, s26  }
0x120: {  	v52 =	vxor.u32 $0x7FFFFFFF, v26;
	vm8 =	vlt.s32 v26, $0x0;
	s24 =	spop (v2sf);
	v53 =	vmov s18  }
0x121: {  	v22 =	vsel vm8, v52, v26;
	s18 =	ssub.s32 s29, s26;
	v26 =	vsel vm0, s16, v53;
	s16 =	sshra.s32 s24, $0x1F;
	v28 =	vsel vm1, s17, v28;
	s17 =	sld [smem:$0x7CD]  }
0x122: {  	s29 =	sadd.s32 s22, s18;
	s18 =	smul.u32 $0xB40B40B5, s16;
	s16 =	sld [smem:$0x7CC]  }
0x123: {  	s25 =	sld [smem:$0x7CE];
	s26 =	smulhi.u32 $0xB40B40B5, s24  }
0x124: {  	v28 =	vsel vm2, s17, v28;
	s17 =	sld [smem:$0x7CF]  }
0x125: {  	v18 =	vmul.f32 $1.442695020e+00, v43;
	(v2sf) =	vpush v17, $0x4;
	s24 =	ssub.s32 s26, s24;
	v26 =	vsel vm1, s16, v26  }
0x126: {  	v26 =	vsel vm2, s25, v26;
	s25 =	sadd.s32 s18, s24;
	s24 =	sld [smem:$0x7D0]  }
0x127: {  	(erf) = vpow2.f32 v18;
	s22 =	spop (v2sf);
	v28 =	vsel vm4, s17, v28;
	s17 =	sld [smem:$0x7D1]  }
0x128: {  	s26 =	smulhi.u32 $0xB40B40B5, s22;
	s16 =	sshra.s32 s22, $0x1F  }
0x129: {  	s16 =	smul.u32 $0xB40B40B5, s16;
	s18 =	spop (v2sf);
	v28 =	vsel vm5, s24, v28  }
0x12a: {  	s22 =	ssub.s32 s26, s22;
	s26 =	sshra.s32 s18, $0x1F;
	v54 =	vsel vm6, s17, v28;
	s17 =	sld [smem:$0x7D2]  }
0x12b: {  	v56 =	vmov s20;
	s20 =	sadd.s32 s16, s22;
	s16 =	smul.u32 $0xB40B40B5, s26;
	s26 =	sld [smem:$0x7D4]  }
0x12c: {  	(v2sf) =	vpush v17, $0x5  }
0x12d: {  	v55 =	vmov s17;
	s17 =	sld [smem:$0x7D3]  }
0x12e: {  	v28 =	vsel vm7, s26, v54;
	s26 =	sld [smem:$0x7D5]  }
0x12f: {  	(v2sf) =	vpush v17, $0x6  }
0x130: {  	v18 =	vld [tilespmem:$0x15560];
	v29 =	vpop (erf);
	v30 =	vsel vm0, s17, v55  }
0x131: {  	v29 =	vadd.f32 $1.000000000e+00, v29;
	(v2sf) =	vpush v17, $0x7;
	s24 =	smulhi.u32 $0xB40B40B5, s18;
	v57 =	vsel vm1, s26, v30;
	s26 =	sld [smem:$0x7D6]  }
0x132: {  	_ = 	snop  }
0x133: {  	(erf) = vrcp.f32 v29;
	v29 =	vnsel vm3, $0x0, v56;
	s18 =	ssub.s32 s24, s18  }
0x134: {  	s22 =	spop (v2sf);
	v29 =	vsel vm0, s26, v29;
	s26 =	sadd.s32 s16, s18;
	s18 =	sld [smem:$0x7D7]  }
0x135: {  	(v2sf) =	vpush v18, $0xD;
	s24 =	smulhi.u32 $0xB40B40B5, s22  }
0x136: {  	v32 =	vsel vm1, s13, v29;
	s13 =	sld [smem:$0x7D8]  }
0x137: {  	(v2sf) =	vpush v18, $0xC;
	s17 =	sshra.s32 s22, $0x1F;
	v58 =	vmov s18;
	s18 =	ssub.s32 s24, s22;
	s24 =	sld [smem:$0x7DA]  }
0x138: {  	v22 =	vsub.f32 $0.0e+00, v22;
	s16 =	smul.u32 $0xB40B40B5, s17  }
0x139: {  	v29 =	vsel vm2, s13, v57;
	s13 =	sld [smem:$0x7D9]  }
0x13a: {  	v22 =	vmul.f32 $1.442695020e+00, v22;
	v60 =	vsel vm2, s24, v32;
	s24 =	sadd.s32 s16, s18;
	s18 =	sld [smem:$0x7DC]  }
0x13b: {  	s17 =	spop (v2sf)  }
0x13c: {  	(erf) = vpow2.f32 v22;
	s22 =	smulhi.u32 $0xB40B40B5, s17;
	v59 =	vsel vm0, s13, v58;
	s13 =	sld [smem:$0x7DB]  }
0x13d: {  	s15 =	sshra.s32 s17, $0x1F;
	v62 =	vsel vm4, s18, v60  }
0x13e: {  	s15 =	smul.u32 $0xB40B40B5, s15;
	s17 =	ssub.s32 s22, s17;
	s16 =	spop (v2sf);
	v22 =	vsel vm5, s23, v62  }
0x13f: {  	s18 =	smulhi.u32 $0xB40B40B5, s16;
	v61 =	vsel vm1, s13, v59;
	s13 =	sshra.s32 s16, $0x1F;
	v33 =	vsel vm6, s21, v22;
	s21 =	sld [smem:$0x7DE]  }
0x140: {  	s23 =	sadd.s32 s15, s17;
	s17 =	spop (v2sf);
	s15 =	smul.u32 $0xB40B40B5, s13  }
0x141: {  	s16 =	ssub.s32 s18, s16;
	s22 =	sshra.s32 s17, $0x1F  }
0x142: {  	v31 =	vld [tilespmem:$0x154A0];
	v30 =	vsel vm7, s21, v33;
	s21 =	sadd.s32 s15, s16;
	s15 =	smul.u32 $0xB40B40B5, s22;
	s22 =	sld [smem:$0x7DF]  }
0x143: {  	s18 =	smulhi.u32 $0xB40B40B5, s17  }
0x144: {  	v22 =	vpop (erf);
	s16 =	spop (v2sf)  }
0x145: {  	s17 =	ssub.s32 s18, s17;
	v36 =	vpop (erf);
	s18 =	smulhi.u32 $0xB40B40B5, s16;
	v38 =	vmov s22;
	s22 =	sshra.s32 s16, $0x1F  }
0x146: {  	v35 =	vmov s7;
	v32 =	vadd.f32 $1.000000000e+00, v36;
	s7 =	sadd.s32 s15, s17;
	s17 =	spop (v2sf);
	s15 =	smul.u32 $0xB40B40B5, s22  }
0x147: {  	v63 =	vxor.u32 $0x7FFFFFFF, v31;
	v39 =	vnsel vm3, $0x0, v35;
	s16 =	ssub.s32 s18, s16;
	s22 =	sshra.s32 s17, $0x1F  }
0x148: {  	vm8 =	vlt.s32 v31, $0x0;
	(erf) = vrcp.f32 v32;
	v32 =	vsel vm0, s14, v39;
	s14 =	sadd.s32 s15, s16;
	s15 =	smul.u32 $0xB40B40B5, s22;
	s22 =	sld [smem:$0x7E2]  }
0x149: {  	vm10 =	vlt.s32 v12, $0x1;
	v34 =	vsel vm8, v63, v31  }
0x14a: {  	vm15 =	vlt.s32 v13, $0x1;
	v24 =	vcombine.low v24, v20;
	v37 =	vsub.f32 $0.0e+00, v34;
	v50 =	vld [tilespmem:$0x154C0];
	s13 =	sld [smem:$0x7DD]  }
0x14b: {  	v20 =	vmul.u32 $0x2, v0;
	v25 =	vcombine.low v27, v25;
	v40 =	vmov s22;
	s22 =	sld [smem:$0x7E4]  }
0x14c: {  	v24 =	vperm.xlane v24, v10;
	v44 =	vmov s0;
	v33 =	vmul.f32 $1.442695020e+00, v37  }
0x14d: {  	v25 =	vperm.xlane v25, v10;
	(v2sf) =	vpush v18, $0xE;
	v31 =	vsel vm2, s13, v61;
	s13 =	sld [smem:$0x7E0]  }
0x14e: {  	v63 =	vsub.s32 $0x0, v12;
	(erf) = vpow2.f32 v33;
	v33 =	vsel vm0, s22, v40;
	s22 =	sld [smem:$0x7E5]  }
0x14f: {  	v23 =	vperm.xlane v23, v20;
	(v2sf) =	vpush v18, $0xF;
	v56 =	vxor.u32 $0x7FFFFFFF, v50  }
0x150: {  	v19 =	vcombine.low v26, v19;
	v34 =	vsel vm0, s13, v38;
	s13 =	sld [smem:$0x7E1];
	v41 =	vsel vm1, s12, v32  }
0x151: {  	vm9 =	vlt.s32 v50, $0x0;
	(v2sf) =	vpush v18, $0x9;
	v42 =	vsel vm2, s22, v41;
	s22 =	sld [smem:$0x7E6]  }
0x152: {  	v19 =	vperm.xlane v19, v10;
	(v2sf) =	vpush v18, $0x8;
	v57 =	vsel vm9, v56, v50  }
0x153: {  	(v2sf) =	vpush v18, $0xA;
	v27 =	vsub.f32 $0.0e+00, v57;
	v34 =	vsel vm1, s13, v34;
	s13 =	sld [smem:$0x7E3]  }
0x154: {  	(v2sf) =	vpush v18, $0xB;
	v57 =	vsub.s32 $0x0, v14;
	v37 =	vld [tilespmem:$0x154B0];
	v33 =	vsel vm1, s22, v33;
	s22 =	sld [smem:$0x7E7]  }
0x155: {  	(v2sf) =	vpush v18, $0x1;
	v27 =	vmul.f32 $1.442695020e+00, v27;
	v35 =	vsel vm4, s11, v42  }
0x156: {  	(v2sf) =	vpush v18, $0x0;
	v36 =	vsel vm0, s3, v44;
	v43 =	vsel vm5, s10, v35  }
0x157: {  	v32 =	vsel vm2, s13, v34;
	v34 =	vsel vm2, s22, v33;
	v33 =	vsel vm6, s6, v43  }
0x158: {  	v29 =	vcombine.low v31, v29;
	v30 =	vperm.xlane v30, v20;
	(v2sf) =	vpush v18, $0x2  }
0x159: {  	v45 =	vsel vm1, s1, v36;
	v38 =	vxor.u32 $0x7FFFFFFF, v37;
	vm8 =	vlt.s32 v37, $0x0  }
0x15a: {  	v39 =	vmov s25;
	v37 =	vsel vm8, v38, v37;
	v35 =	vsel vm7, s5, v33;
	v33 =	vpop (erf)  }
0x15b: {  	v36 =	vsel vm2, s9, v45;
	v29 =	vperm.xlane v29, v10;
	v37 =	vsub.f32 $0.0e+00, v37;
	v47 =	vpop (erf)  }
0x15c: {  	s18 =	smulhi.u32 $0xB40B40B5, s17;
	v46 =	vnsel vm3, $0x0, v39;
	s16 =	spop (v2sf);
	(v2sf) =	vpush v18, $0x3;
	v39 =	vadd.f32 $1.000000000e+00, v47  }
0x15d: {  	v38 =	vsel vm0, s29, v46;
	vm8 =	vmmov $0xff;
	v37 =	vmul.f32 $1.442695020e+00, v37  }
0x15e: {  	s12 =	ssub.s32 s18, s17;
	s17 =	smulhi.u32 $0xB40B40B5, s16;
	s18 =	sshra.s32 s16, $0x1F;
	v38 =	vsel vm1, s20, v38;
	v23 =	vsel vm8, v23, v25;
	(erf) = vrcp.f32 v39  }
0x15f: {  	v29 =	vsel vm8, v30, v29;
	s12 =	sadd.s32 s15, s12;
	s15 =	smul.u32 $0xB40B40B5, s18;
	s18 =	spop (v2sf);
	v38 =	vsel vm2, s26, v38;
	(erf) = vpow2.f32 v37  }
0x160: {  	v46 =	vld [tilespmem:$0x154D0];
	v23 =	vadd.s32 v13, v23;
	v29 =	vadd.s32 v15, v29;
	v38 =	vsel vm4, s24, v38;
	s11 =	ssub.s32 s17, s16;
	s16 =	smulhi.u32 $0xB40B40B5, s18;
	s17 =	sshra.s32 s18, $0x1F  }
0x161: {  	v45 =	vshrl.u32 v23, $0x1F;
	v23 =	vshra.s32 v23, $0x6;
	v38 =	vsel vm5, s23, v38;
	s0 =	sadd.s32 s15, s11;
	s15 =	smul.u32 $0xB40B40B5, s17  }
0x162: {  	v49 =	vmov s12;
	v23 =	vadd.s32 v45, v23;
	v38 =	vsel vm6, s21, v38;
	s11 =	spop (v2sf);
	s17 =	ssub.s32 s16, s18  }
0x163: {  	v40 =	vmov s28;
	v41 =	vsel vm0, s14, v49;
	v49 =	vperm.xlane v28, v20;
	s18 =	smulhi.u32 $0xB40B40B5, s11;
	s1 =	sadd.s32 s15, s17;
	s15 =	spop (v2sf)  }
0x164: {  	v40 =	vsel vm0, s2, v40;
	v42 =	vperm.xlane v21, v20;
	(v2sf) =	vpush v18, $0x4;
	s16 =	smulhi.u32 $0xB40B40B5, s15;
	s17 =	sshra.s32 s15, $0x1F  }
0x165: {  	vm14 =	vlt.s32 v46, $0x0;
	v48 =	vsel vm1, s31, v40;
	v19 =	vsel vm8, v49, v19;
	s22 =	sshra.s32 s11, $0x1F;
	s6 =	ssub.s32 s18, s11;
	s18 =	smul.u32 $0xB40B40B5, s17  }
0x166: {  	v51 =	vsel vm1, s0, v41;
	v54 =	vsel vm8, v42, v24;
	(v2sf) =	vpush v18, $0x5;
	s13 =	smul.u32 $0xB40B40B5, s22;
	s22 =	spop (v2sf);
	s5 =	ssub.s32 s16, s15  }
0x167: {  	v19 =	vadd.s32 v14, v19;
	v21 =	vsel vm2, s1, v51;
	v32 =	vcombine.low v34, v32;
	s25 =	smulhi.u32 $0xB40B40B5, s22;
	s5 =	sadd.s32 s18, s5;
	s16 =	spop (v2sf);
	v24 =	vpop (erf)  }
0x168: {  	v51 =	vxor.u32 $0x7FFFFFFF, v46;
	(v2sf) =	vpush v18, $0x6;
	v35 =	vperm.xlane v35, v20;
	s3 =	sadd.s32 s13, s6;
	s13 =	sshra.s32 s22, $0x1F;
	s17 =	smulhi.u32 $0xB40B40B5, s16;
	v59 =	vpop (erf)  }
0x169: {  	s18 =	sshra.s32 s16, $0x1F;
	v52 =	vmov s5;
	v32 =	vperm.xlane v32, v10;
	s15 =	smul.u32 $0xB40B40B5, s13;
	v42 =	vadd.f32 $1.000000000e+00, v59  }
0x16a: {  	(v2sf) =	vpush v18, $0x7;
	s20 =	spop (v2sf);
	s9 =	ssub.s32 s25, s22;
	s22 =	smul.u32 $0xB40B40B5, s18;
	v41 =	vsel vm0, s3, v52;
	v52 =	vsel vm14, v51, v46  }
0x16b: {  	s24 =	smulhi.u32 $0xB40B40B5, s20;
	s25 =	sshra.s32 s20, $0x1F;
	s26 =	spop (v2sf);
	v47 =	vmul.u32 $0xFFFFFFA5, v23;
	v32 =	vsel vm8, v35, v32;
	(erf) = vrcp.f32 v42  }
0x16c: {  	s10 =	ssub.s32 s17, s16;
	s13 =	smul.u32 $0xB40B40B5, s25;
	v25 =	vsub.f32 $0.0e+00, v52;
	s2 =	sadd.s32 s15, s9;
	v32 =	vadd.s32 v16, v32;
	(erf) = vpow2.f32 v27  }
0x16d: {  	s16 =	sshra.s32 s26, $0x1F;
	s18 =	spop (v2sf);
	s15 =	smulhi.u32 $0xB40B40B5, s26;
	v39 =	vsel vm7, s7, v38;
	v53 =	vsel vm1, s2, v41;
	v41 =	vadd.s32 v12, v54  }
0x16e: {  	s9 =	sadd.s32 s22, s10;
	s6 =	ssub.s32 s24, s20;
	s20 =	smul.u32 $0xB40B40B5, s16;
	v54 =	vshrl.u32 v19, $0x1F;
	v25 =	vmul.f32 $1.442695020e+00, v25;
	v19 =	vshra.s32 v19, $0x6  }
0x16f: {  	s23 =	smulhi.u32 $0xB40B40B5, s18;
	v37 =	vsel vm2, s30, v48;
	v38 =	vsel vm2, s9, v53;
	v60 =	vshrl.u32 v41, $0x1F  }
0x170: {  	s24 =	sshra.s32 s18, $0x1F;
	s17 =	sadd.s32 s13, s6;
	s22 =	ssub.s32 s15, s26;
	v41 =	vshra.s32 v41, $0x6;
	v48 =	vsub.s32 $0x0, v13;
	v19 =	vadd.s32 v54, v19  }
0x171: {  	s6 =	smul.u32 $0xB40B40B5, s24;
	s26 =	spop (v2sf);
	v54 =	vshra.s32 v32, $0x6;
	s25 =	sadd.s32 s20, s22;
	v41 =	vadd.s32 v60, v41;
	vm13 =	vne.s32 v47, v48  }
0x172: {  	s11 =	ssub.s32 s23, s18;
	s12 =	smulhi.u32 $0xB40B40B5, s26;
	s13 =	sshra.s32 s26, $0x1F;
	v56 =	vmul.u32 $0xFFFFFFA5, v19;
	v45 =	vcombine.low v37, v36;
	v55 =	vmov s25  }
0x173: {  	s1 =	sadd.s32 s6, s11;
	v21 =	vcombine.low v38, v21;
	s6 =	smul.u32 $0xB40B40B5, s13;
	v61 =	vmul.u32 $0xFFFFFFA5, v41;
	s14 =	spop (v2sf);
	v43 =	vnsel vm3, $0x0, v55  }
0x174: {  	v47 =	vperm.xlane v39, v20;
	v36 =	vsub.s32 $0x0, v18;
	v58 =	vsel vm0, s17, v43;
	s16 =	smulhi.u32 $0xB40B40B5, s14;
	s17 =	sshra.s32 s14, $0x1F;
	v28 =	vpop (erf)  }
0x175: {  	v30 =	vperm.xlane v45, v10;
	v21 =	vperm.xlane v21, v10;
	vm12 =	vne.s32 v61, v63;
	s18 =	spop (v2sf);
	s5 =	smul.u32 $0xB40B40B5, s17;
	v53 =	vpop (erf)  }
0x176: {  	s15 =	ssub.s32 s12, s26;
	v40 =	vsel vm1, s1, v58;
	vm9 =	vmand vm10, vm12;
	s22 =	smulhi.u32 $0xB40B40B5, s18;
	s23 =	sshra.s32 s18, $0x1F;
	v31 =	vadd.f32 $1.000000000e+00, v53  }
0x177: {  	s0 =	sadd.s32 s6, s15;
	vm12 =	vlt.s32 v14, $0x1;
	v58 =	vshrl.u32 v29, $0x1F;
	v29 =	vshra.s32 v29, $0x6;
	s3 =	smul.u32 $0xB40B40B5, s23;
	s24 =	spop (v2sf)  }
0x178: {  	s20 =	ssub.s32 s16, s14;
	v50 =	vsel vm9, $0xFFFFFFFF, v4;
	vm9 =	vmand vm15, vm13;
	s26 =	smulhi.u32 $0xB40B40B5, s24;
	s6 =	sshra.s32 s24, $0x1F;
	(erf) = vrcp.f32 v31  }
0x179: {  	v40 =	vsel vm2, s0, v40;
	s0 =	sadd.s32 s5, s20;
	v55 =	vsel vm9, $0xFFFFFFFF, v4;
	s7 =	spop (v2sf);
	s2 =	smul.u32 $0xB40B40B5, s6;
	(erf) = vpow2.f32 v25  }
0x17a: {  	v49 =	vsel vm8, v47, v30;
	vm13 =	vne.s32 v56, v57;
	s25 =	ssub.s32 s22, s18;
	v23 =	vadd.s32 v55, v23;
	s12 =	smulhi.u32 $0xB40B40B5, s7;
	s13 =	sshra.s32 s7, $0x1F  }
0x17b: {  	vm9 =	vmand vm12, vm13;
	v40 =	vsel vm4, s0, v40;
	s0 =	sadd.s32 s3, s25;
	v61 =	vmul.u32 $0xFFFFFFA5, v23;
	v59 =	vld [tilespmem:$0x154E0];
	s11 =	ssub.s32 s26, s24;
	s14 =	smul.u32 $0xB40B40B5, s13  }
0x17c: {  	vm12 =	vlt.s32 v15, $0x1;
	v56 =	vadd.s32 v3, v23;
	v62 =	vsel vm5, s0, v40;
	s0 =	sadd.s32 s2, s11;
	s15 =	ssub.s32 s12, s7  }
0x17d: {  	v40 =	vsub.s32 $0x0, v15;
	v13 =	vadd.s32 v13, v61;
	v27 =	vsel vm6, s0, v62;
	s0 =	sadd.s32 s14, s15  }
0x17e: {  	v62 =	vsel vm9, $0xFFFFFFFF, v4;
	v26 =	vsel vm7, s0, v27;
	v27 =	vadd.s32 v50, v41  }
0x17f: {  	v61 =	vsub.s32 $0x0, v17;
	v19 =	vadd.s32 v62, v19;
	v60 =	vmul.u32 $0xFFFFFFA5, v27  }
0x180: {  	s16 =	simm.s32 $0x15400;
	v43 =	vxor.u32 $0x7FFFFFFF, v59;
	vm15 =	vlt.s32 v59, $0x0;
	v51 =	vadd.s32 v3, v27  }
0x181: {  	v41 =	vmul.u32 $0xFFFFFFA5, v19;
	v44 =	vsel vm15, v43, v59;
	v31 =	vadd.s32 v12, v60;
	v12 =	vld.idx.msk [tilespmem:v2+s16+$0x0], $0xffff;
	[tilespmem:$0x15580] =	vst v22;
	v42 =	vpop (erf)  }
0x182: {  	v20 =	vperm.xlane v26, v20;
	v62 =	vadd.s32 v3, v19;
	v48 =	vsub.f32 $0.0e+00, v44;
	[tilespmem:$0x15700] =	vst v27;
	v46 =	vpop (erf)  }
0x183: {  	vm15 =	vlt.s32 v18, $0x1;
	v14 =	vadd.s32 v14, v41;
	[tilespmem:$0x15680] =	vst v51;
	v34 =	vadd.f32 $1.000000000e+00, v46  }
0x184: {  	v20 =	vsel vm8, v20, v21;
	vm8 =	vlt.s32 v16, $0x1;
	v50 =	vmul.f32 $1.442695020e+00, v48;
	[tilespmem:$0x15590] =	vst v33  }
0x185: {  	v41 =	vshrl.u32 v0, $0x3;
	v20 =	vadd.s32 v18, v20;
	[tilespmem:$0x15610] =	vst v13;
	(erf) = vrcp.f32 v34  }
0x186: {  	v53 =	vshrl.u32 v32, $0x1F;
	v32 =	vshrl.u32 v20, $0x1F;
	[tilespmem:$0x15710] =	vst v23;
	(erf) = vpow2.f32 v50  }
0x187: {  	v27 =	vadd.s32 v53, v54;
	v22 =	vadd.s32 v17, v49;
	[tilespmem:$0x15690] =	vst v56;
	v25 =	vadd.s32 v58, v29  }
0x188: {  	[tilespmem:$0x155A0] =	vst v24;
	v55 =	vshrl.u32 v22, $0x1F;
	v22 =	vshra.s32 v22, $0x6;
	v57 =	vmul.u32 $0xFFFFFFA5, v27  }
0x189: {  	[tilespmem:$0x15620] =	vst v14;
	v58 =	vsub.s32 $0x0, v16;
	v63 =	vmul.u32 $0xFFFFFFA5, v25;
	v22 =	vadd.s32 v55, v22  }
0x18a: {  	v20 =	vshra.s32 v20, $0x6;
	[tilespmem:$0x15720] =	vst v19;
	v33 =	vld [tilespmem:$0x15680];
	vm13 =	vne.s32 v57, v58;
	v60 =	vmul.u32 $0xFFFFFFA5, v22  }
0x18b: {  	v20 =	vadd.s32 v32, v20;
	[tilespmem:$0x156A0] =	vst v62;
	vm14 =	vne.s32 v63, v40;
	vm8 =	vmand vm8, vm13  }
0x18c: {  	[tilespmem:$0x155B0] =	vst v28;
	vm9 =	vmand vm12, vm14;
	vm14 =	vne.s32 v60, v61;
	v23 =	vsel vm8, $0xFFFFFFFF, v4  }
0x18d: {  	[tilespmem:$0x15600] =	vst v31;
	vm8 =	vlt.s32 v17, $0x1;
	v52 =	vsel vm9, $0xFFFFFFFF, v4;
	v24 =	vadd.s32 v23, v27  }
0x18e: {  	v40 =	vand.u32 $0x7, v0;
	vm8 =	vmand vm8, vm14;
	v25 =	vadd.s32 v52, v25;
	[tilespmem:$0x15740] =	vst v24;
	v63 =	vpop (erf)  }
0x18f: {  	v37 =	vshll.u32 v33, $0x1;
	v30 =	vsel vm8, $0xFFFFFFFF, v4;
	v14 =	vadd.s32 v3, v24;
	[tilespmem:$0x15730] =	vst v25;
	v27 =	vpop (erf)  }
0x190: {  	v59 =	vmul.u32 $0xFFFFFFA5, v25;
	v26 =	vadd.s32 v3, v25;
	[tilespmem:$0x156C0] =	vst v14;
	v19 =	vadd.f32 $1.000000000e+00, v27  }
0x191: {  	v31 =	vadd.s32 v30, v22;
	v22 =	vmul.u32 $0xFFFFFFA5, v20;
	[tilespmem:$0x156B0] =	vst v26;
	v34 =	vmul.u32 $0xFFFFFFA5, v24  }
0x192: {  	v39 =	vand.u32 $0x7, v33;
	v35 =	vmul.u32 $0xFFFFFFA5, v31;
	[tilespmem:$0x15750] =	vst v31;
	(erf) = vrcp.f32 v19  }
0x193: {  	v13 =	vadd.s32 v15, v59;
	[tilespmem:$0x155C0] =	vst v42;
	vm8 =	vne.s32 v22, v36;
	v16 =	vadd.s32 v16, v34  }
0x194: {  	v15 =	vadd.s32 v17, v35;
	vm8 =	vmand vm15, vm8;
	[tilespmem:$0x15640] =	vst v16;
	v16 =	vand.u32 $0xFFFFFFF0, v37  }
0x195: {  	[tilespmem:$0x15630] =	vst v13;
	v13 =	vadd.s32 v3, v31;
	v38 =	vsel vm8, $0xFFFFFFFF, v4;
	v16 =	vor.u32 v39, v16  }
0x196: {  	[tilespmem:$0x15650] =	vst v15;
	v14 =	vadd.s32 v38, v20;
	v42 =	vperm.xlane v16, v40;
	v19 =	vmul.u32 $0x8, v41  }
0x197: {  	v43 =	vor.u32 $0x8, v0;
	[tilespmem:$0x156D0] =	vst v13;
	v20 =	vmul.u32 $0xFFFFFFA5, v14  }
0x198: {  	[tilespmem:$0x15760] =	vst v14;
	v14 =	vadd.s32 v3, v14;
	v16 =	vperm.xlane v16, v43;
	v15 =	vadd.s32 v19, v42  }
0x199: {  	[tilespmem:$0x156E0] =	vst v14;
	v45 =	vadd.s32 v18, v20  }
0x19a: {  	[tilespmem:$0x15660] =	vst v45;
	v46 =	vadd.s32 v19, v16  }
0x19b: {  	[tilespmem:$0x155D0] =	vst v63;
	v44 =	vpop (erf)  }
0x19c: {  	s17 =	rddreg [dreg:$0x2];
	s1 =	simm.s32 $0x15980;
	s18 =	simm.s32 $0x0;
	vm8 =	vmmov $0xffff;
	[tilespmem:$0x155E0] =	vst v44  }
0x19d: {  	[tilespmem:s1], [sflag:$0x1] =	stream.indirect_vreg.gather [hbm4b:s17+s18], $0x80, v15, vm8, $0xb8;
	[tilespmem:$0x1E198] =	vst v63  }
0x19e: {  	s20 =	simm.s32 $0x16180  }
0x19f: {  	[tilespmem:s20], [sflag:$0x1] =	stream.indirect_vreg.gather [hbm4b:s17+s18], $0x80, v46, vm8, $0xb8;
	[tilespmem:$0x1E198] =	vst v63  }
0x1a0: {  	v13 =	vld [tilespmem:$0x15690];
	_ =	sdelay $0x4  }
0x1a1: {  	v47 =	vshll.u32 v13, $0x1  }
0x1a2: {  	v13 =	vand.u32 $0x7, v13;
	v14 =	vand.u32 $0xFFFFFFF0, v47  }
0x1a3: {  	v13 =	vor.u32 v13, v14  }
0x1a4: {  	v14 =	vperm.xlane v13, v40;
	_ =	sdelay $0x1  }
0x1a5: {  	v13 =	vperm.xlane v13, v43;
	v14 =	vadd.s32 v19, v14;
	_ =	sdelay $0x1  }
0x1a6: {  	v13 =	vadd.s32 v19, v13;
	_ =	sdelay $0x1  }
0x1a7: {  	s22 =	simm.s32 $0x16980  }
0x1a8: {  	[tilespmem:s22], [sflag:$0x1] =	stream.indirect_vreg.gather [hbm4b:s17+s18], $0x80, v14, vm8, $0xb8;
	[tilespmem:$0x1E198] =	vst v63  }
0x1a9: {  	s23 =	simm.s32 $0x17180  }
0x1aa: {  	[tilespmem:s23], [sflag:$0x1] =	stream.indirect_vreg.gather [hbm4b:s17+s18], $0x80, v13, vm8, $0xb8;
	[tilespmem:$0x1E198] =	vst v63  }
0x1ab: {  	v13 =	vld [tilespmem:$0x156A0];
	_ =	sdelay $0x4  }
0x1ac: {  	v48 =	vshll.u32 v13, $0x1  }
0x1ad: {  	v13 =	vand.u32 $0x7, v13;
	v14 =	vand.u32 $0xFFFFFFF0, v48  }
0x1ae: {  	v13 =	vor.u32 v13, v14  }
0x1af: {  	v14 =	vperm.xlane v13, v40;
	_ =	sdelay $0x1  }
0x1b0: {  	v13 =	vperm.xlane v13, v43;
	v14 =	vadd.s32 v19, v14;
	_ =	sdelay $0x1  }
0x1b1: {  	v13 =	vadd.s32 v19, v13;
	_ =	sdelay $0x1  }
0x1b2: {  	s24 =	simm.s32 $0x17980  }
0x1b3: {  	[tilespmem:s24], [sflag:$0x1] =	stream.indirect_vreg.gather [hbm4b:s17+s18], $0x80, v14, vm8, $0xb8;
	[tilespmem:$0x1E198] =	vst v63  }
0x1b4: {  	s25 =	simm.s32 $0x18180  }
0x1b5: {  	[tilespmem:s25], [sflag:$0x1] =	stream.indirect_vreg.gather [hbm4b:s17+s18], $0x80, v13, vm8, $0xb8;
	[tilespmem:$0x1E198] =	vst v63  }
0x1b6: {  	v13 =	vld [tilespmem:$0x156B0];
	_ =	sdelay $0x4  }
0x1b7: {  	v49 =	vshll.u32 v13, $0x1  }
0x1b8: {  	v13 =	vand.u32 $0x7, v13;
	v14 =	vand.u32 $0xFFFFFFF0, v49  }
0x1b9: {  	v13 =	vor.u32 v13, v14  }
0x1ba: {  	v14 =	vperm.xlane v13, v40;
	_ =	sdelay $0x1  }
0x1bb: {  	v13 =	vperm.xlane v13, v43;
	v14 =	vadd.s32 v19, v14;
	_ =	sdelay $0x1  }
0x1bc: {  	v13 =	vadd.s32 v19, v13;
	_ =	sdelay $0x1  }
0x1bd: {  	s26 =	simm.s32 $0x18980  }
0x1be: {  	[tilespmem:s26], [sflag:$0x1] =	stream.indirect_vreg.gather [hbm4b:s17+s18], $0x80, v14, vm8, $0xb8;
	[tilespmem:$0x1E198] =	vst v63  }
0x1bf: {  	s5 =	simm.s32 $0x19180  }
0x1c0: {  	[tilespmem:s5], [sflag:$0x1] =	stream.indirect_vreg.gather [hbm4b:s17+s18], $0x80, v13, vm8, $0xb8;
	[tilespmem:$0x1E198] =	vst v63  }
0x1c1: {  	v13 =	vld [tilespmem:$0x156C0];
	_ =	sdelay $0x4  }
0x1c2: {  	v50 =	vshll.u32 v13, $0x1  }
0x1c3: {  	v13 =	vand.u32 $0x7, v13;
	v14 =	vand.u32 $0xFFFFFFF0, v50  }
0x1c4: {  	v13 =	vor.u32 v13, v14  }
0x1c5: {  	v14 =	vperm.xlane v13, v40;
	_ =	sdelay $0x1  }
0x1c6: {  	v13 =	vperm.xlane v13, v43;
	v14 =	vadd.s32 v19, v14;
	_ =	sdelay $0x1  }
0x1c7: {  	v13 =	vadd.s32 v19, v13;
	_ =	sdelay $0x1  }
0x1c8: {  	s6 =	simm.s32 $0x19980  }
0x1c9: {  	[tilespmem:s6], [sflag:$0x1] =	stream.indirect_vreg.gather [hbm4b:s17+s18], $0x80, v14, vm8, $0xb8;
	[tilespmem:$0x1E198] =	vst v63  }
0x1ca: {  	s7 =	simm.s32 $0x1A180  }
0x1cb: {  	[tilespmem:s7], [sflag:$0x1] =	stream.indirect_vreg.gather [hbm4b:s17+s18], $0x80, v13, vm8, $0xb8;
	[tilespmem:$0x1E198] =	vst v63  }
0x1cc: {  	v13 =	vld [tilespmem:$0x156D0];
	_ =	sdelay $0x4  }
0x1cd: {  	v51 =	vshll.u32 v13, $0x1  }
0x1ce: {  	v13 =	vand.u32 $0x7, v13;
	v14 =	vand.u32 $0xFFFFFFF0, v51  }
0x1cf: {  	v13 =	vor.u32 v13, v14  }
0x1d0: {  	v14 =	vperm.xlane v13, v40;
	_ =	sdelay $0x1  }
0x1d1: {  	v13 =	vperm.xlane v13, v43;
	v14 =	vadd.s32 v19, v14;
	_ =	sdelay $0x1  }
0x1d2: {  	v13 =	vadd.s32 v19, v13;
	_ =	sdelay $0x1  }
0x1d3: {  	s11 =	simm.s32 $0x1A980  }
0x1d4: {  	[tilespmem:s11], [sflag:$0x1] =	stream.indirect_vreg.gather [hbm4b:s17+s18], $0x80, v14, vm8, $0xb8;
	[tilespmem:$0x1E198] =	vst v63  }
0x1d5: {  	s12 =	simm.s32 $0x1B180  }
0x1d6: {  	[tilespmem:s12], [sflag:$0x1] =	stream.indirect_vreg.gather [hbm4b:s17+s18], $0x80, v13, vm8, $0xb8;
	[tilespmem:$0x1E198] =	vst v63  }
0x1d7: {  	v13 =	vld [tilespmem:$0x156E0];
	_ =	sdelay $0x4  }
0x1d8: {  	v52 =	vshll.u32 v13, $0x1  }
0x1d9: {  	v13 =	vand.u32 $0x7, v13;
	v14 =	vand.u32 $0xFFFFFFF0, v52  }
0x1da: {  	v13 =	vor.u32 v13, v14  }
0x1db: {  	v14 =	vperm.xlane v13, v40;
	_ =	sdelay $0x1  }
0x1dc: {  	v13 =	vperm.xlane v13, v43;
	v14 =	vadd.s32 v19, v14;
	_ =	sdelay $0x1  }
0x1dd: {  	v13 =	vadd.s32 v19, v13;
	_ =	sdelay $0x1  }
0x1de: {  	s13 =	simm.s32 $0x1B980  }
0x1df: {  	[tilespmem:s13], [sflag:$0x1] =	stream.indirect_vreg.gather [hbm4b:s17+s18], $0x80, v14, vm8, $0xb8;
	[tilespmem:$0x1E198] =	vst v63  }
0x1e0: {  	s14 =	simm.s32 $0x1C180  }
0x1e1: {  	[tilespmem:s14], [sflag:$0x1] =	stream.indirect_vreg.gather [hbm4b:s17+s18], $0x80, v13, vm8, $0xb8;
	[tilespmem:$0x1E198] =	vst v63  }
0x1e2: {  	s15 =	rddreg [dreg:$0x1a]  }
0x1e3: {  	[tilespmem:s8], [sflag:$0x3] =	stream.linear.gather [hbm4b:s15+s18], $0x4E20, $0x38;
	[tilespmem:$0x1E198] =	vst v63  }
0x1e4: {  	s21 =	rddreg [dreg:$0xf];
	_ =	swait.ge [sflag:s4], $0x4E20  }
0x1e5: {  	v13 =	vshrl.u32 v0, $0x2;
	[sflag:s4] =	ssyncset.done $0x0  }
0x1e6: {  	[sflag:s4] =	ssyncadd.s32 $0xFFFFB1E0  }
0x1e7: {  	_ =	swait.ge [sflag:s19], $0x7000  }
0x1e8: {  	[sflag:s19] =	ssyncset.done $0x0  }
0x1e9: {  	s17 =	simm.s32 $0x15700;
	[sflag:s19] =	ssyncadd.s32 $0xFFFF9000  }
0x1ea: {  	v53 =	vld.idx.msk [tilespmem:v13+s17+$0x0], $0xffff;
	_ =	sdelay $0x4  }
0x1eb: {  	v14 =	vor.u32 $0x2, v1;
	v54 =	vshll.u32 v53, $0x2  }
0x1ec: {  	v55 =	vor.u32 v14, v54;
	_ =	sdelay $0x1  }
0x1ed: {  	v15 =	vor.u32 v1, v54;
	_ =	sdelay $0x2  }
0x1ee: {  	v16 =	vld.idx.msk [tilespmem:v55+s8+$0x0], $0xffff;
	_ =	sdelay $0x1  }
0x1ef: {  	v15 =	vld.idx.msk [tilespmem:v15+s8+$0x0], $0xffff;
	_ =	sdelay $0x2  }
0x1f0: {  	v16 =	vmul.f32 v11, v16;
	_ =	sdelay $0x1  }
0x1f1: {  	v56 =	vor.u32 $0x4, v13;
	v15 =	vadd.f32 v15, v16;
	_ =	sdelay $0x1  }
0x1f2: {  	v15 =	vmul.f32 v15, v12;
	_ =	sdelay $0x1  }
0x1f3: {  	[tilespmem:$0x15780] =	vst v15  }
0x1f4: {  	v15 =	vld.idx.msk [tilespmem:v56+s17+$0x0], $0xffff;
	_ =	sdelay $0x4  }
0x1f5: {  	v15 =	vshll.u32 v15, $0x2  }
0x1f6: {  	v57 =	vor.u32 v14, v15;
	_ =	sdelay $0x1  }
0x1f7: {  	v15 =	vor.u32 v1, v15;
	_ =	sdelay $0x2  }
0x1f8: {  	v16 =	vld.idx.msk [tilespmem:v57+s8+$0x0], $0xffff;
	_ =	sdelay $0x1  }
0x1f9: {  	v15 =	vld.idx.msk [tilespmem:v15+s8+$0x0], $0xffff;
	_ =	sdelay $0x2  }
0x1fa: {  	v16 =	vmul.f32 v11, v16;
	_ =	sdelay $0x1  }
0x1fb: {  	v58 =	vor.u32 $0x8, v13;
	v15 =	vadd.f32 v15, v16;
	_ =	sdelay $0x1  }
0x1fc: {  	v15 =	vmul.f32 v15, v12;
	_ =	sdelay $0x1  }
0x1fd: {  	[tilespmem:$0x15790] =	vst v15  }
0x1fe: {  	v15 =	vld.idx.msk [tilespmem:v58+s17+$0x0], $0xffff;
	_ =	sdelay $0x4  }
0x1ff: {  	v15 =	vshll.u32 v15, $0x2  }
0x200: {  	v59 =	vor.u32 v14, v15;
	_ =	sdelay $0x1  }
0x201: {  	v15 =	vor.u32 v1, v15;
	_ =	sdelay $0x2  }
0x202: {  	v16 =	vld.idx.msk [tilespmem:v59+s8+$0x0], $0xffff;
	_ =	sdelay $0x1  }
0x203: {  	v15 =	vld.idx.msk [tilespmem:v15+s8+$0x0], $0xffff;
	_ =	sdelay $0x2  }
0x204: {  	v16 =	vmul.f32 v11, v16;
	_ =	sdelay $0x1  }
0x205: {  	v60 =	vor.u32 $0xC, v13;
	v15 =	vadd.f32 v15, v16;
	_ =	sdelay $0x1  }
0x206: {  	v15 =	vmul.f32 v15, v12;
	_ =	sdelay $0x1  }
0x207: {  	[tilespmem:$0x157A0] =	vst v15  }
0x208: {  	v15 =	vld.idx.msk [tilespmem:v60+s17+$0x0], $0xffff;
	_ =	sdelay $0x4  }
0x209: {  	v15 =	vshll.u32 v15, $0x2  }
0x20a: {  	v61 =	vor.u32 v14, v15;
	_ =	sdelay $0x1  }
0x20b: {  	v15 =	vor.u32 v1, v15;
	_ =	sdelay $0x2  }
0x20c: {  	v16 =	vld.idx.msk [tilespmem:v61+s8+$0x0], $0xffff;
	_ =	sdelay $0x1  }
0x20d: {  	v15 =	vld.idx.msk [tilespmem:v15+s8+$0x0], $0xffff;
	_ =	sdelay $0x2  }
0x20e: {  	v16 =	vmul.f32 v11, v16;
	_ =	sdelay $0x1  }
0x20f: {  	v62 =	vor.u32 $0x10, v13;
	v15 =	vadd.f32 v15, v16;
	_ =	sdelay $0x1  }
0x210: {  	v15 =	vmul.f32 v15, v12;
	_ =	sdelay $0x1  }
0x211: {  	[tilespmem:$0x157B0] =	vst v15  }
0x212: {  	v15 =	vld.idx.msk [tilespmem:v62+s17+$0x0], $0xffff;
	_ =	sdelay $0x4  }
0x213: {  	v15 =	vshll.u32 v15, $0x2  }
0x214: {  	v63 =	vor.u32 v14, v15;
	_ =	sdelay $0x1  }
0x215: {  	v15 =	vor.u32 v1, v15;
	_ =	sdelay $0x2  }
0x216: {  	v16 =	vld.idx.msk [tilespmem:v63+s8+$0x0], $0xffff;
	_ =	sdelay $0x1  }
0x217: {  	v15 =	vld.idx.msk [tilespmem:v15+s8+$0x0], $0xffff;
	_ =	sdelay $0x2  }
0x218: {  	v16 =	vmul.f32 v11, v16;
	_ =	sdelay $0x1  }
0x219: {  	v20 =	vor.u32 $0x14, v13;
	v15 =	vadd.f32 v15, v16;
	_ =	sdelay $0x1  }
0x21a: {  	v15 =	vmul.f32 v15, v12;
	_ =	sdelay $0x1  }
0x21b: {  	[tilespmem:$0x157C0] =	vst v15  }
0x21c: {  	v15 =	vld.idx.msk [tilespmem:v20+s17+$0x0], $0xffff;
	_ =	sdelay $0x4  }
0x21d: {  	v15 =	vshll.u32 v15, $0x2  }
0x21e: {  	v21 =	vor.u32 v14, v15;
	_ =	sdelay $0x1  }
0x21f: {  	v15 =	vor.u32 v1, v15;
	_ =	sdelay $0x2  }
0x220: {  	v16 =	vld.idx.msk [tilespmem:v21+s8+$0x0], $0xffff;
	_ =	sdelay $0x1  }
0x221: {  	v15 =	vld.idx.msk [tilespmem:v15+s8+$0x0], $0xffff;
	_ =	sdelay $0x2  }
0x222: {  	v16 =	vmul.f32 v11, v16;
	_ =	sdelay $0x1  }
0x223: {  	v22 =	vor.u32 $0x18, v13;
	v15 =	vadd.f32 v15, v16;
	_ =	sdelay $0x1  }
0x224: {  	v15 =	vmul.f32 v15, v12;
	_ =	sdelay $0x1  }
0x225: {  	[tilespmem:$0x157D0] =	vst v15  }
0x226: {  	v15 =	vld.idx.msk [tilespmem:v22+s17+$0x0], $0xffff;
	_ =	sdelay $0x4  }
0x227: {  	v15 =	vshll.u32 v15, $0x2  }
0x228: {  	v23 =	vor.u32 v14, v15;
	_ =	sdelay $0x1  }
0x229: {  	v15 =	vor.u32 v1, v15;
	_ =	sdelay $0x2  }
0x22a: {  	v16 =	vld.idx.msk [tilespmem:v23+s8+$0x0], $0xffff;
	_ =	sdelay $0x1  }
0x22b: {  	v15 =	vld.idx.msk [tilespmem:v15+s8+$0x0], $0xffff;
	_ =	sdelay $0x2  }
0x22c: {  	v16 =	vmul.f32 v11, v16;
	_ =	sdelay $0x1  }
0x22d: {  	v24 =	vor.u32 $0x1C, v13;
	v15 =	vadd.f32 v15, v16;
	_ =	sdelay $0x1  }
0x22e: {  	v15 =	vmul.f32 v15, v12;
	_ =	sdelay $0x1  }
0x22f: {  	[tilespmem:$0x157E0] =	vst v15  }
0x230: {  	v15 =	vld.idx.msk [tilespmem:v24+s17+$0x0], $0xffff;
	_ =	sdelay $0x4  }
0x231: {  	v15 =	vshll.u32 v15, $0x2  }
0x232: {  	v25 =	vor.u32 v14, v15;
	_ =	sdelay $0x1  }
0x233: {  	v15 =	vor.u32 v1, v15;
	_ =	sdelay $0x2  }
0x234: {  	v16 =	vld.idx.msk [tilespmem:v25+s8+$0x0], $0xffff;
	_ =	sdelay $0x1  }
0x235: {  	v15 =	vld.idx.msk [tilespmem:v15+s8+$0x0], $0xffff;
	_ =	sdelay $0x2  }
0x236: {  	v16 =	vmul.f32 v11, v16;
	_ =	sdelay $0x1  }
0x237: {  	v26 =	vor.u32 $0x20, v13;
	v15 =	vadd.f32 v15, v16;
	_ =	sdelay $0x1  }
0x238: {  	v15 =	vmul.f32 v15, v12;
	_ =	sdelay $0x1  }
0x239: {  	[tilespmem:$0x157F0] =	vst v15  }
0x23a: {  	v15 =	vld.idx.msk [tilespmem:v26+s17+$0x0], $0xffff;
	_ =	sdelay $0x4  }
0x23b: {  	v15 =	vshll.u32 v15, $0x2  }
0x23c: {  	v27 =	vor.u32 v14, v15;
	_ =	sdelay $0x1  }
0x23d: {  	v15 =	vor.u32 v1, v15;
	_ =	sdelay $0x2  }
0x23e: {  	v16 =	vld.idx.msk [tilespmem:v27+s8+$0x0], $0xffff;
	_ =	sdelay $0x1  }
0x23f: {  	v15 =	vld.idx.msk [tilespmem:v15+s8+$0x0], $0xffff;
	_ =	sdelay $0x2  }
0x240: {  	v16 =	vmul.f32 v11, v16;
	_ =	sdelay $0x1  }
0x241: {  	v28 =	vor.u32 $0x24, v13;
	v15 =	vadd.f32 v15, v16;
	_ =	sdelay $0x1  }
0x242: {  	v15 =	vmul.f32 v15, v12;
	_ =	sdelay $0x1  }
0x243: {  	[tilespmem:$0x15800] =	vst v15  }
0x244: {  	v15 =	vld.idx.msk [tilespmem:v28+s17+$0x0], $0xffff;
	_ =	sdelay $0x4  }
0x245: {  	v15 =	vshll.u32 v15, $0x2  }
0x246: {  	v29 =	vor.u32 v14, v15;
	_ =	sdelay $0x1  }
0x247: {  	v15 =	vor.u32 v1, v15;
	_ =	sdelay $0x2  }
0x248: {  	v16 =	vld.idx.msk [tilespmem:v29+s8+$0x0], $0xffff;
	_ =	sdelay $0x1  }
0x249: {  	v15 =	vld.idx.msk [tilespmem:v15+s8+$0x0], $0xffff;
	_ =	sdelay $0x2  }
0x24a: {  	v16 =	vmul.f32 v11, v16;
	_ =	sdelay $0x1  }
0x24b: {  	v30 =	vor.u32 $0x28, v13;
	v15 =	vadd.f32 v15, v16;
	_ =	sdelay $0x1  }
0x24c: {  	v15 =	vmul.f32 v15, v12;
	_ =	sdelay $0x1  }
0x24d: {  	[tilespmem:$0x15810] =	vst v15  }
0x24e: {  	v15 =	vld.idx.msk [tilespmem:v30+s17+$0x0], $0xffff;
	_ =	sdelay $0x4  }
0x24f: {  	v15 =	vshll.u32 v15, $0x2  }
0x250: {  	v31 =	vor.u32 v14, v15;
	_ =	sdelay $0x1  }
0x251: {  	v15 =	vor.u32 v1, v15;
	_ =	sdelay $0x2  }
0x252: {  	v16 =	vld.idx.msk [tilespmem:v31+s8+$0x0], $0xffff;
	_ =	sdelay $0x1  }
0x253: {  	v15 =	vld.idx.msk [tilespmem:v15+s8+$0x0], $0xffff;
	_ =	sdelay $0x2  }
0x254: {  	v16 =	vmul.f32 v11, v16;
	_ =	sdelay $0x1  }
0x255: {  	v32 =	vor.u32 $0x2C, v13;
	v15 =	vadd.f32 v15, v16;
	_ =	sdelay $0x1  }
0x256: {  	v15 =	vmul.f32 v15, v12;
	_ =	sdelay $0x1  }
0x257: {  	[tilespmem:$0x15820] =	vst v15  }
0x258: {  	v15 =	vld.idx.msk [tilespmem:v32+s17+$0x0], $0xffff;
	_ =	sdelay $0x4  }
0x259: {  	v15 =	vshll.u32 v15, $0x2  }
0x25a: {  	v33 =	vor.u32 v14, v15;
	_ =	sdelay $0x1  }
0x25b: {  	v15 =	vor.u32 v1, v15;
	_ =	sdelay $0x2  }
0x25c: {  	v16 =	vld.idx.msk [tilespmem:v33+s8+$0x0], $0xffff;
	_ =	sdelay $0x1  }
0x25d: {  	v15 =	vld.idx.msk [tilespmem:v15+s8+$0x0], $0xffff;
	_ =	sdelay $0x2  }
0x25e: {  	v16 =	vmul.f32 v11, v16;
	_ =	sdelay $0x1  }
0x25f: {  	v34 =	vor.u32 $0x30, v13;
	v15 =	vadd.f32 v15, v16;
	_ =	sdelay $0x1  }
0x260: {  	v15 =	vmul.f32 v15, v12;
	_ =	sdelay $0x1  }
0x261: {  	[tilespmem:$0x15830] =	vst v15  }
0x262: {  	v15 =	vld.idx.msk [tilespmem:v34+s17+$0x0], $0xffff;
	_ =	sdelay $0x4  }
0x263: {  	v15 =	vshll.u32 v15, $0x2  }
0x264: {  	v35 =	vor.u32 v14, v15;
	_ =	sdelay $0x1  }
0x265: {  	v15 =	vor.u32 v1, v15;
	_ =	sdelay $0x2  }
0x266: {  	v16 =	vld.idx.msk [tilespmem:v35+s8+$0x0], $0xffff;
	_ =	sdelay $0x1  }
0x267: {  	v15 =	vld.idx.msk [tilespmem:v15+s8+$0x0], $0xffff;
	_ =	sdelay $0x2  }
0x268: {  	v16 =	vmul.f32 v11, v16;
	_ =	sdelay $0x1  }
0x269: {  	v36 =	vor.u32 $0x34, v13;
	v15 =	vadd.f32 v15, v16;
	_ =	sdelay $0x1  }
0x26a: {  	v15 =	vmul.f32 v15, v12;
	_ =	sdelay $0x1  }
0x26b: {  	[tilespmem:$0x15840] =	vst v15  }
0x26c: {  	v15 =	vld.idx.msk [tilespmem:v36+s17+$0x0], $0xffff;
	_ =	sdelay $0x4  }
0x26d: {  	v15 =	vshll.u32 v15, $0x2  }
0x26e: {  	v37 =	vor.u32 v14, v15;
	_ =	sdelay $0x1  }
0x26f: {  	v15 =	vor.u32 v1, v15;
	_ =	sdelay $0x2  }
0x270: {  	v16 =	vld.idx.msk [tilespmem:v37+s8+$0x0], $0xffff;
	_ =	sdelay $0x1  }
0x271: {  	v15 =	vld.idx.msk [tilespmem:v15+s8+$0x0], $0xffff;
	_ =	sdelay $0x2  }
0x272: {  	v16 =	vmul.f32 v11, v16;
	_ =	sdelay $0x1  }
0x273: {  	v38 =	vor.u32 $0x38, v13;
	v15 =	vadd.f32 v15, v16;
	_ =	sdelay $0x1  }
0x274: {  	v15 =	vmul.f32 v15, v12;
	_ =	sdelay $0x1  }
0x275: {  	[tilespmem:$0x15850] =	vst v15  }
0x276: {  	v15 =	vld.idx.msk [tilespmem:v38+s17+$0x0], $0xffff;
	_ =	sdelay $0x4  }
0x277: {  	v15 =	vshll.u32 v15, $0x2  }
0x278: {  	v39 =	vor.u32 v14, v15;
	_ =	sdelay $0x1  }
0x279: {  	v15 =	vor.u32 v1, v15;
	_ =	sdelay $0x2  }
0x27a: {  	v16 =	vld.idx.msk [tilespmem:v39+s8+$0x0], $0xffff;
	_ =	sdelay $0x1  }
0x27b: {  	v15 =	vld.idx.msk [tilespmem:v15+s8+$0x0], $0xffff;
	_ =	sdelay $0x2  }
0x27c: {  	v16 =	vmul.f32 v11, v16;
	_ =	sdelay $0x1  }
0x27d: {  	v40 =	vor.u32 $0x3C, v13;
	v15 =	vadd.f32 v15, v16;
	_ =	sdelay $0x1  }
0x27e: {  	v15 =	vmul.f32 v15, v12;
	_ =	sdelay $0x1  }
0x27f: {  	[tilespmem:$0x15860] =	vst v15  }
0x280: {  	v15 =	vld.idx.msk [tilespmem:v40+s17+$0x0], $0xffff;
	_ =	sdelay $0x4  }
0x281: {  	v15 =	vshll.u32 v15, $0x2  }
0x282: {  	v41 =	vor.u32 v14, v15;
	_ =	sdelay $0x1  }
0x283: {  	v15 =	vor.u32 v1, v15;
	_ =	sdelay $0x2  }
0x284: {  	v16 =	vld.idx.msk [tilespmem:v41+s8+$0x0], $0xffff;
	_ =	sdelay $0x1  }
0x285: {  	v15 =	vld.idx.msk [tilespmem:v15+s8+$0x0], $0xffff;
	_ =	sdelay $0x2  }
0x286: {  	v16 =	vmul.f32 v11, v16;
	_ =	sdelay $0x1  }
0x287: {  	v42 =	vor.u32 $0x40, v13;
	v15 =	vadd.f32 v15, v16;
	_ =	sdelay $0x1  }
0x288: {  	v15 =	vmul.f32 v15, v12;
	_ =	sdelay $0x1  }
0x289: {  	[tilespmem:$0x15870] =	vst v15  }
0x28a: {  	v15 =	vld.idx.msk [tilespmem:v42+s17+$0x0], $0xffff;
	_ =	sdelay $0x4  }
0x28b: {  	v15 =	vshll.u32 v15, $0x2  }
0x28c: {  	v43 =	vor.u32 v14, v15;
	_ =	sdelay $0x1  }
0x28d: {  	v15 =	vor.u32 v1, v15;
	_ =	sdelay $0x2  }
0x28e: {  	v16 =	vld.idx.msk [tilespmem:v43+s8+$0x0], $0xffff;
	_ =	sdelay $0x1  }
0x28f: {  	v15 =	vld.idx.msk [tilespmem:v15+s8+$0x0], $0xffff;
	_ =	sdelay $0x2  }
0x290: {  	v16 =	vmul.f32 v11, v16;
	_ =	sdelay $0x1  }
0x291: {  	v44 =	vor.u32 $0x44, v13;
	v15 =	vadd.f32 v15, v16;
	_ =	sdelay $0x1  }
0x292: {  	v15 =	vmul.f32 v15, v12;
	_ =	sdelay $0x1  }
0x293: {  	[tilespmem:$0x15880] =	vst v15  }
0x294: {  	v15 =	vld.idx.msk [tilespmem:v44+s17+$0x0], $0xffff;
	_ =	sdelay $0x4  }
0x295: {  	v15 =	vshll.u32 v15, $0x2  }
0x296: {  	v45 =	vor.u32 v14, v15;
	_ =	sdelay $0x1  }
0x297: {  	v15 =	vor.u32 v1, v15;
	_ =	sdelay $0x2  }
0x298: {  	v16 =	vld.idx.msk [tilespmem:v45+s8+$0x0], $0xffff;
	_ =	sdelay $0x1  }
0x299: {  	v15 =	vld.idx.msk [tilespmem:v15+s8+$0x0], $0xffff;
	_ =	sdelay $0x2  }
0x29a: {  	v16 =	vmul.f32 v11, v16;
	_ =	sdelay $0x1  }
0x29b: {  	v46 =	vor.u32 $0x48, v13;
	v15 =	vadd.f32 v15, v16;
	_ =	sdelay $0x1  }
0x29c: {  	v15 =	vmul.f32 v15, v12;
	_ =	sdelay $0x1  }
0x29d: {  	[tilespmem:$0x15890] =	vst v15  }
0x29e: {  	v15 =	vld.idx.msk [tilespmem:v46+s17+$0x0], $0xffff;
	_ =	sdelay $0x4  }
0x29f: {  	v15 =	vshll.u32 v15, $0x2  }
0x2a0: {  	v47 =	vor.u32 v14, v15;
	_ =	sdelay $0x1  }
0x2a1: {  	v15 =	vor.u32 v1, v15;
	_ =	sdelay $0x2  }
0x2a2: {  	v16 =	vld.idx.msk [tilespmem:v47+s8+$0x0], $0xffff;
	_ =	sdelay $0x1  }
0x2a3: {  	v15 =	vld.idx.msk [tilespmem:v15+s8+$0x0], $0xffff;
	_ =	sdelay $0x2  }
0x2a4: {  	v16 =	vmul.f32 v11, v16;
	_ =	sdelay $0x1  }
0x2a5: {  	v48 =	vor.u32 $0x4C, v13;
	v15 =	vadd.f32 v15, v16;
	_ =	sdelay $0x1  }
0x2a6: {  	v15 =	vmul.f32 v15, v12;
	_ =	sdelay $0x1  }
0x2a7: {  	[tilespmem:$0x158A0] =	vst v15  }
0x2a8: {  	v15 =	vld.idx.msk [tilespmem:v48+s17+$0x0], $0xffff;
	_ =	sdelay $0x4  }
0x2a9: {  	v15 =	vshll.u32 v15, $0x2  }
0x2aa: {  	v49 =	vor.u32 v14, v15;
	_ =	sdelay $0x1  }
0x2ab: {  	v15 =	vor.u32 v1, v15;
	_ =	sdelay $0x2  }
0x2ac: {  	v16 =	vld.idx.msk [tilespmem:v49+s8+$0x0], $0xffff;
	_ =	sdelay $0x1  }
0x2ad: {  	v15 =	vld.idx.msk [tilespmem:v15+s8+$0x0], $0xffff;
	_ =	sdelay $0x2  }
0x2ae: {  	v16 =	vmul.f32 v11, v16;
	_ =	sdelay $0x1  }
0x2af: {  	v50 =	vor.u32 $0x50, v13;
	v15 =	vadd.f32 v15, v16;
	_ =	sdelay $0x1  }
0x2b0: {  	v15 =	vmul.f32 v15, v12;
	_ =	sdelay $0x1  }
0x2b1: {  	[tilespmem:$0x158B0] =	vst v15  }
0x2b2: {  	v15 =	vld.idx.msk [tilespmem:v50+s17+$0x0], $0xffff;
	_ =	sdelay $0x4  }
0x2b3: {  	v15 =	vshll.u32 v15, $0x2  }
0x2b4: {  	v51 =	vor.u32 v14, v15;
	_ =	sdelay $0x1  }
0x2b5: {  	v15 =	vor.u32 v1, v15;
	_ =	sdelay $0x2  }
0x2b6: {  	v16 =	vld.idx.msk [tilespmem:v51+s8+$0x0], $0xffff;
	_ =	sdelay $0x1  }
0x2b7: {  	v15 =	vld.idx.msk [tilespmem:v15+s8+$0x0], $0xffff;
	_ =	sdelay $0x2  }
0x2b8: {  	v16 =	vmul.f32 v11, v16;
	_ =	sdelay $0x1  }
0x2b9: {  	v52 =	vor.u32 $0x54, v13;
	v15 =	vadd.f32 v15, v16;
	_ =	sdelay $0x1  }
0x2ba: {  	v15 =	vmul.f32 v15, v12;
	_ =	sdelay $0x1  }
0x2bb: {  	[tilespmem:$0x158C0] =	vst v15  }
0x2bc: {  	v15 =	vld.idx.msk [tilespmem:v52+s17+$0x0], $0xffff;
	_ =	sdelay $0x4  }
0x2bd: {  	v15 =	vshll.u32 v15, $0x2  }
0x2be: {  	v53 =	vor.u32 v14, v15;
	_ =	sdelay $0x1  }
0x2bf: {  	v15 =	vor.u32 v1, v15;
	_ =	sdelay $0x2  }
0x2c0: {  	v16 =	vld.idx.msk [tilespmem:v53+s8+$0x0], $0xffff;
	_ =	sdelay $0x1  }
0x2c1: {  	v15 =	vld.idx.msk [tilespmem:v15+s8+$0x0], $0xffff;
	_ =	sdelay $0x2  }
0x2c2: {  	v16 =	vmul.f32 v11, v16;
	_ =	sdelay $0x1  }
0x2c3: {  	v54 =	vor.u32 $0x58, v13;
	v15 =	vadd.f32 v15, v16;
	_ =	sdelay $0x1  }
0x2c4: {  	v15 =	vmul.f32 v15, v12;
	_ =	sdelay $0x1  }
0x2c5: {  	[tilespmem:$0x158D0] =	vst v15  }
0x2c6: {  	v15 =	vld.idx.msk [tilespmem:v54+s17+$0x0], $0xffff;
	_ =	sdelay $0x4  }
0x2c7: {  	v15 =	vshll.u32 v15, $0x2  }
0x2c8: {  	v55 =	vor.u32 v14, v15;
	_ =	sdelay $0x1  }
0x2c9: {  	v15 =	vor.u32 v1, v15;
	_ =	sdelay $0x2  }
0x2ca: {  	v16 =	vld.idx.msk [tilespmem:v55+s8+$0x0], $0xffff;
	_ =	sdelay $0x1  }
0x2cb: {  	v15 =	vld.idx.msk [tilespmem:v15+s8+$0x0], $0xffff;
	_ =	sdelay $0x2  }
0x2cc: {  	v16 =	vmul.f32 v11, v16;
	_ =	sdelay $0x1  }
0x2cd: {  	v56 =	vor.u32 $0x5C, v13;
	v15 =	vadd.f32 v15, v16;
	_ =	sdelay $0x1  }
0x2ce: {  	v15 =	vmul.f32 v15, v12;
	_ =	sdelay $0x1  }
0x2cf: {  	[tilespmem:$0x158E0] =	vst v15  }
0x2d0: {  	v15 =	vld.idx.msk [tilespmem:v56+s17+$0x0], $0xffff;
	_ =	sdelay $0x4  }
0x2d1: {  	v15 =	vshll.u32 v15, $0x2  }
0x2d2: {  	v57 =	vor.u32 v14, v15;
	_ =	sdelay $0x1  }
0x2d3: {  	v15 =	vor.u32 v1, v15;
	_ =	sdelay $0x2  }
0x2d4: {  	v16 =	vld.idx.msk [tilespmem:v57+s8+$0x0], $0xffff;
	_ =	sdelay $0x1  }
0x2d5: {  	v15 =	vld.idx.msk [tilespmem:v15+s8+$0x0], $0xffff;
	_ =	sdelay $0x2  }
0x2d6: {  	v16 =	vmul.f32 v11, v16;
	_ =	sdelay $0x1  }
0x2d7: {  	v58 =	vor.u32 $0x60, v13;
	v15 =	vadd.f32 v15, v16;
	_ =	sdelay $0x1  }
0x2d8: {  	v15 =	vmul.f32 v15, v12;
	_ =	sdelay $0x1  }
0x2d9: {  	[tilespmem:$0x158F0] =	vst v15  }
0x2da: {  	v15 =	vld.idx.msk [tilespmem:v58+s17+$0x0], $0xffff;
	_ =	sdelay $0x4  }
0x2db: {  	v15 =	vshll.u32 v15, $0x2  }
0x2dc: {  	v59 =	vor.u32 v14, v15;
	_ =	sdelay $0x1  }
0x2dd: {  	v15 =	vor.u32 v1, v15;
	_ =	sdelay $0x2  }
0x2de: {  	v16 =	vld.idx.msk [tilespmem:v59+s8+$0x0], $0xffff;
	_ =	sdelay $0x1  }
0x2df: {  	v15 =	vld.idx.msk [tilespmem:v15+s8+$0x0], $0xffff;
	_ =	sdelay $0x2  }
0x2e0: {  	v16 =	vmul.f32 v11, v16;
	_ =	sdelay $0x1  }
0x2e1: {  	v60 =	vor.u32 $0x64, v13;
	v15 =	vadd.f32 v15, v16;
	_ =	sdelay $0x1  }
0x2e2: {  	v15 =	vmul.f32 v15, v12;
	_ =	sdelay $0x1  }
0x2e3: {  	[tilespmem:$0x15900] =	vst v15  }
0x2e4: {  	v15 =	vld.idx.msk [tilespmem:v60+s17+$0x0], $0xffff;
	_ =	sdelay $0x4  }
0x2e5: {  	v15 =	vshll.u32 v15, $0x2  }
0x2e6: {  	v61 =	vor.u32 v14, v15;
	_ =	sdelay $0x1  }
0x2e7: {  	v15 =	vor.u32 v1, v15;
	_ =	sdelay $0x2  }
0x2e8: {  	v16 =	vld.idx.msk [tilespmem:v61+s8+$0x0], $0xffff;
	_ =	sdelay $0x1  }
0x2e9: {  	v15 =	vld.idx.msk [tilespmem:v15+s8+$0x0], $0xffff;
	_ =	sdelay $0x2  }
0x2ea: {  	v16 =	vmul.f32 v11, v16;
	_ =	sdelay $0x1  }
0x2eb: {  	v62 =	vor.u32 $0x68, v13;
	v15 =	vadd.f32 v15, v16;
	_ =	sdelay $0x1  }
0x2ec: {  	v15 =	vmul.f32 v15, v12;
	_ =	sdelay $0x1  }
0x2ed: {  	[tilespmem:$0x15910] =	vst v15  }
0x2ee: {  	v15 =	vld.idx.msk [tilespmem:v62+s17+$0x0], $0xffff;
	_ =	sdelay $0x4  }
0x2ef: {  	v15 =	vshll.u32 v15, $0x2  }
0x2f0: {  	v63 =	vor.u32 v14, v15;
	_ =	sdelay $0x1  }
0x2f1: {  	v15 =	vor.u32 v1, v15;
	_ =	sdelay $0x2  }
0x2f2: {  	v16 =	vld.idx.msk [tilespmem:v63+s8+$0x0], $0xffff;
	_ =	sdelay $0x1  }
0x2f3: {  	v15 =	vld.idx.msk [tilespmem:v15+s8+$0x0], $0xffff;
	_ =	sdelay $0x2  }
0x2f4: {  	v16 =	vmul.f32 v11, v16;
	_ =	sdelay $0x1  }
0x2f5: {  	v13 =	vor.u32 $0x6C, v13;
	v15 =	vadd.f32 v15, v16;
	_ =	sdelay $0x1  }
0x2f6: {  	v15 =	vmul.f32 v15, v12;
	_ =	sdelay $0x1  }
0x2f7: {  	[tilespmem:$0x15920] =	vst v15  }
0x2f8: {  	v13 =	vld.idx.msk [tilespmem:v13+s17+$0x0], $0xffff;
	_ =	sdelay $0x4  }
0x2f9: {  	v13 =	vshll.u32 v13, $0x2  }
0x2fa: {  	v14 =	vor.u32 v14, v13;
	_ =	sdelay $0x1  }
0x2fb: {  	v13 =	vor.u32 v1, v13;
	_ =	sdelay $0x2  }
0x2fc: {  	v14 =	vld.idx.msk [tilespmem:v14+s8+$0x0], $0xffff;
	_ =	sdelay $0x1  }
0x2fd: {  	v13 =	vld.idx.msk [tilespmem:v13+s8+$0x0], $0xffff;
	_ =	sdelay $0x2  }
0x2fe: {  	v14 =	vmul.f32 v11, v14;
	_ =	sdelay $0x1  }
0x2ff: {  	v13 =	vadd.f32 v13, v14;
	_ =	sdelay $0x1  }
0x300: {  	v12 =	vmul.f32 v13, v12;
	_ =	sdelay $0x1  }
0x301: {  	s16 =	simm.s32 $0x0;
	s20 =	simm.s32 $0x15580;
	s18 =	rddreg [dreg:$0x1b];
	[tilespmem:$0x15930] =	vst v12  }
0x302: {  	[hbm4b:s18+s16] =	stream.linear.scatter [tilespmem:s20], [sflag:$0x3], $0x70, $0x38;
	[tilespmem:$0x1E198] =	vst v63  }
0x303: {  	_ =	swait.ge [sflag:s4], $0x70  }
0x304: {  	s22 =	sld [smem:$0x7ED]  }
0x305: {  	[sflag:s4] =	ssyncset.done $0x0  }
0x306: {  	s23 =	simm.s32 $0x15600;
	[sflag:s4] =	ssyncadd.s32 $0xFFFFFF90  }
0x307: {  	[hbm4b:s22+s16] =	stream.linear.scatter [tilespmem:s23], [sflag:$0x3], $0x70, $0x38;
	[tilespmem:$0x1E198] =	vst v63  }
0x308: {  	_ =	swait.ge [sflag:s4], $0x70  }
0x309: {  	[sflag:s4] =	ssyncset.done $0x0  }
0x30a: {  	s25 =	simm.s32 $0x15780;
	s24 =	rddreg [dreg:$0x1c];
	[sflag:s4] =	ssyncadd.s32 $0xFFFFFF90  }
0x30b: {  	[hbm4b:s24+s16] =	stream.linear.scatter [tilespmem:s25], [sflag:$0x3], $0x1C0, $0x38;
	[tilespmem:$0x1E198] =	vst v63  }
0x30c: {  	_ =	swait.ge [sflag:s4], $0x1C0  }
0x30d: {  	s26 =	sld [smem:$0x7EE]  }
0x30e: {  	[sflag:s4] =	ssyncset.done $0x0  }
0x30f: {  	[sflag:s4] =	ssyncadd.s32 $0xFFFFFE40  }
0x310: {  	[hbm4b:s26+s16] =	stream.linear.scatter [tilespmem:s1], [sflag:$0x3], $0x7000, $0x38;
	[tilespmem:$0x1E198] =	vst v63  }
0x311: {  	_ =	swait.ge [sflag:s4], $0x7000  }
0x312: {  	s17 =	rddreg [dreg:$0xc]  }
0x313: {  	s18 =	rddreg [dreg:$0xd]  }
0x314: {  	s20 =	rddreg [dreg:$0xe]  }
0x315: {  	s12 =	rddreg [dreg:$0x16]  }
0x316: {  	s13 =	rddreg [dreg:$0x1d]  }
0x317: {  	s14 =	rddreg [dreg:$0x1e]  }
0x318: {  	s15 =	rddreg [dreg:$0x1f]  }
0x319: {  	s16 =	sld [smem:$0x7F5]  }
0x31a: {  	s23 =	sld [smem:$0x7F6]  }
0x31b: {  	s24 =	sld [smem:$0x7F7]  }
0x31c: {  	s25 =	sld [smem:$0x7F8]  }
0x31d: {  	s26 =	sld [smem:$0x7F9]  }
0x31e: {  	s28 =	sld [smem:$0x7FA]  }
0x31f: {  	s29 =	sld [smem:$0x7FB]  }
0x320: {  	s10 =	simm.s32 $0x400;
	s9 =	simm.s32 $0x80;
	s30 =	sld [smem:$0x7FC]  }
0x321: {  	s5 =	simm.s32 $0x3180;
	[sflag:s4] =	ssyncset.done $0x0;
	s31 =	sld [smem:$0x7FD]  }
0x322: {  	s6 =	simm.s32 $0x2;
	s22 =	sld [smem:$0x7E8];
	[sflag:s4] =	ssyncadd.s32 $0xFFFF9000  }
.LBB2_81:
0x323: {  	_ =	sdelay $0x1  }
0x324: {  	s22 =	sadd.s32 $0x1, s22  }
0x325: {  	p1 =	sne.s32 s22, s29  }
.Ltmp1:
0x326: {  	_ = 	snop;
	(pc) =	sbr.rel @!p1 .LBB2_82-.Ltmp1, $1  }
0x327: {  	_ =	sdelay $0x3  }
.LBB2_1:
0x328: {  	s0 =	simm.s32 $0x40;
	s1 =	simm.s32 $0x0  }
.LBB2_2:
0x329: {  	p1 =	sne.s32 s0, $0x1FFC0;
	[tilespmem:s1+$0x6300] =	vst v4;
	s1 =	smov.u32 s0;
	s0 =	sadd.s32 $0x40, s0  }
.Ltmp2:
0x32a: {  	(pc) =	sbr.rel @p1 .LBB2_2-.Ltmp2, $2  }
0x32b: {  	_ =	sdelay $0x2  }
0x32c: {  	s1 =	sshra.s32 s1, $0x2  }
0x32d: {  	[tilespmem:s1+$0x6300] =	vst v4;
	s0 =	simm.s32 $0x0  }
0x32e: {  	[tilespmem:s0], [sflag:$0x1] =	stream.linear.gather [hbm4b:s13+s0], $0x3160, $0x38;
	[tilespmem:$0x1E198] =	vst v63  }
0x32f: {  	_ = 	snop  }
0x330: {  	[tilespmem:s5], [sflag:$0x2] =	stream.linear.gather [hbm4b:s14+s0], $0x3160, $0x38;
	[tilespmem:$0x1E198] =	vst v63  }
0x331: {  	_ =	swait.ge [sflag:s19], $0x3160  }
0x332: {  	[sflag:s19] =	ssyncset.done $0x0  }
0x333: {  	s1 =	simm.s32 $0x0;
	s0 =	simm.s32 $0x40;
	[sflag:s19] =	ssyncadd.s32 $0xFFFFCEA0  }
.LBB2_4:
0x334: {  	p1 =	sne.s32 s0, $0xC540;
	v12 =	vld [tilespmem:s1+$0x0];
	_ =	sdelay $0x4  }
0x335: {  	v13 =	vxor.u32 $0xFFFFFFFF, v12;
	v14 =	vor.u32 $0x80000000, v12;
	vm8 =	vlt.s32 v12, $0x0  }
0x336: {  	v12 =	vsel vm8, v13, v14  }
0x337: {  	v12 =	vshrl.u32 v12, $0x15  }
0x338: {  	v13 =	vand.u32 $0x780, v12  }
0x339: {  	v12 =	vand.u32 $0x7F, v12;
	v13 =	vor.u32 v5, v13  }
0x33a: {  	v12 =	vor.u32 v12, v13  }
.Ltmp3:
0x33b: {  	(pc) =	sbr.rel @p1 .LBB2_4-.Ltmp3, $2  }
0x33c: {  	_ =	sdelay $0x2  }
0x33d: {  	s1 =	sshra.s32 s0, $0x2;
	s0 =	sadd.s32 $0x40, s0;
	[tilespmem:v12+s8+$0x0] =	vst.idx.add.s32.msk $0xffff, v6  }
0x33e: {  	v12 =	vld [tilespmem:s1+$0x0];
	_ =	sdelay $0x4  }
0x33f: {  	v13 =	vxor.u32 $0xFFFFFFFF, v12;
	v14 =	vor.u32 $0x80000000, v12;
	vm8 =	vlt.s32 v12, $0x0  }
0x340: {  	v12 =	vsel vm8, v13, v14  }
0x341: {  	v12 =	vshrl.u32 v12, $0x15  }
0x342: {  	v63 =	vand.u32 $0x780, v12  }
0x343: {  	v12 =	vand.u32 $0x7F, v12;
	v13 =	vor.u32 v5, v63  }
0x344: {  	v12 =	vor.u32 v12, v13;
	_ =	sdelay $0x4  }
0x345: {  	s0 =	simm.s32 $0x0;
	[tilespmem:v12+s8+$0x0] =	vst.idx.add.s32.msk $0xffff, v6  }
0x346: {  	[tilespmem:s0], [sflag:$0x1] =	stream.linear.gather [hbm4b:s15+s0], $0x3160, $0x38;
	[tilespmem:$0x1E198] =	vst v63  }
0x347: {  	_ =	swait.ge [sflag:s6], $0x3160  }
0x348: {  	[sflag:s6] =	ssyncset.done $0x0  }
0x349: {  	s1 =	simm.s32 $0x0;
	s0 =	simm.s32 $0x40;
	[sflag:s6] =	ssyncadd.s32 $0xFFFFCEA0  }
.LBB2_6:
0x34a: {  	p1 =	sne.s32 s0, $0xC540;
	v12 =	vld [tilespmem:s1+$0x3180];
	_ =	sdelay $0x4  }
0x34b: {  	v13 =	vxor.u32 $0xFFFFFFFF, v12;
	v14 =	vor.u32 $0x80000000, v12;
	vm8 =	vlt.s32 v12, $0x0  }
0x34c: {  	v12 =	vsel vm8, v13, v14  }
0x34d: {  	v12 =	vshrl.u32 v12, $0x15  }
0x34e: {  	v13 =	vand.u32 $0x780, v12  }
0x34f: {  	v12 =	vand.u32 $0x7F, v12;
	v13 =	vor.u32 v5, v13  }
0x350: {  	v12 =	vor.u32 v12, v13  }
.Ltmp4:
0x351: {  	(pc) =	sbr.rel @p1 .LBB2_6-.Ltmp4, $2  }
0x352: {  	_ =	sdelay $0x2  }
0x353: {  	s1 =	sshra.s32 s0, $0x2;
	s0 =	sadd.s32 $0x40, s0;
	[tilespmem:v12+s8+$0x0] =	vst.idx.add.s32.msk $0xffff, v6  }
0x354: {  	v12 =	vld [tilespmem:s1+$0x3180];
	_ =	sdelay $0x4  }
0x355: {  	v13 =	vxor.u32 $0xFFFFFFFF, v12;
	v14 =	vor.u32 $0x80000000, v12;
	vm8 =	vlt.s32 v12, $0x0  }
0x356: {  	v12 =	vsel vm8, v13, v14  }
0x357: {  	v12 =	vshrl.u32 v12, $0x15  }
0x358: {  	v63 =	vand.u32 $0x780, v12  }
0x359: {  	v12 =	vand.u32 $0x7F, v12;
	v13 =	vor.u32 v5, v63  }
0x35a: {  	v12 =	vor.u32 v12, v13;
	_ =	sdelay $0x4  }
0x35b: {  	s0 =	simm.s32 $0x0;
	[tilespmem:v12+s8+$0x0] =	vst.idx.add.s32.msk $0xffff, v6  }
0x35c: {  	[tilespmem:s5], [sflag:$0x2] =	stream.linear.gather [hbm4b:s16+s0], $0x3160, $0x38;
	[tilespmem:$0x1E198] =	vst v63  }
0x35d: {  	_ =	swait.ge [sflag:s19], $0x3160  }
0x35e: {  	[sflag:s19] =	ssyncset.done $0x0  }
0x35f: {  	s1 =	simm.s32 $0x0;
	s0 =	simm.s32 $0x40;
	[sflag:s19] =	ssyncadd.s32 $0xFFFFCEA0  }
.LBB2_8:
0x360: {  	p1 =	sne.s32 s0, $0xC540;
	v12 =	vld [tilespmem:s1+$0x0];
	_ =	sdelay $0x4  }
0x361: {  	v13 =	vxor.u32 $0xFFFFFFFF, v12;
	v14 =	vor.u32 $0x80000000, v12;
	vm8 =	vlt.s32 v12, $0x0  }
0x362: {  	v12 =	vsel vm8, v13, v14  }
0x363: {  	v12 =	vshrl.u32 v12, $0x15  }
0x364: {  	v13 =	vand.u32 $0x780, v12  }
0x365: {  	v12 =	vand.u32 $0x7F, v12;
	v13 =	vor.u32 v5, v13  }
0x366: {  	v12 =	vor.u32 v12, v13  }
.Ltmp5:
0x367: {  	(pc) =	sbr.rel @p1 .LBB2_8-.Ltmp5, $2  }
0x368: {  	_ =	sdelay $0x2  }
0x369: {  	s1 =	sshra.s32 s0, $0x2;
	s0 =	sadd.s32 $0x40, s0;
	[tilespmem:v12+s8+$0x0] =	vst.idx.add.s32.msk $0xffff, v6  }
0x36a: {  	v12 =	vld [tilespmem:s1+$0x0];
	_ =	sdelay $0x4  }
0x36b: {  	v13 =	vxor.u32 $0xFFFFFFFF, v12;
	v14 =	vor.u32 $0x80000000, v12;
	vm8 =	vlt.s32 v12, $0x0  }
0x36c: {  	v12 =	vsel vm8, v13, v14  }
0x36d: {  	v12 =	vshrl.u32 v12, $0x15  }
0x36e: {  	v63 =	vand.u32 $0x780, v12  }
0x36f: {  	v12 =	vand.u32 $0x7F, v12;
	v13 =	vor.u32 v5, v63  }
0x370: {  	v12 =	vor.u32 v12, v13;
	_ =	sdelay $0x4  }
0x371: {  	s0 =	simm.s32 $0x0;
	[tilespmem:v12+s8+$0x0] =	vst.idx.add.s32.msk $0xffff, v6  }
0x372: {  	[tilespmem:s0], [sflag:$0x1] =	stream.linear.gather [hbm4b:s23+s0], $0x3160, $0x38;
	[tilespmem:$0x1E198] =	vst v63  }
0x373: {  	_ =	swait.ge [sflag:s6], $0x3160  }
0x374: {  	[sflag:s6] =	ssyncset.done $0x0  }
0x375: {  	s1 =	simm.s32 $0x0;
	s0 =	simm.s32 $0x40;
	[sflag:s6] =	ssyncadd.s32 $0xFFFFCEA0  }
.LBB2_10:
0x376: {  	p1 =	sne.s32 s0, $0xC540;
	v12 =	vld [tilespmem:s1+$0x3180];
	_ =	sdelay $0x4  }
0x377: {  	v13 =	vxor.u32 $0xFFFFFFFF, v12;
	v14 =	vor.u32 $0x80000000, v12;
	vm8 =	vlt.s32 v12, $0x0  }
0x378: {  	v12 =	vsel vm8, v13, v14  }
0x379: {  	v12 =	vshrl.u32 v12, $0x15  }
0x37a: {  	v13 =	vand.u32 $0x780, v12  }
0x37b: {  	v12 =	vand.u32 $0x7F, v12;
	v13 =	vor.u32 v5, v13  }
0x37c: {  	v12 =	vor.u32 v12, v13  }
.Ltmp6:
0x37d: {  	(pc) =	sbr.rel @p1 .LBB2_10-.Ltmp6, $2  }
0x37e: {  	_ =	sdelay $0x2  }
0x37f: {  	s1 =	sshra.s32 s0, $0x2;
	s0 =	sadd.s32 $0x40, s0;
	[tilespmem:v12+s8+$0x0] =	vst.idx.add.s32.msk $0xffff, v6  }
0x380: {  	v12 =	vld [tilespmem:s1+$0x3180];
	_ =	sdelay $0x4  }
0x381: {  	v13 =	vxor.u32 $0xFFFFFFFF, v12;
	v14 =	vor.u32 $0x80000000, v12;
	vm8 =	vlt.s32 v12, $0x0  }
0x382: {  	v12 =	vsel vm8, v13, v14  }
0x383: {  	v12 =	vshrl.u32 v12, $0x15  }
0x384: {  	v63 =	vand.u32 $0x780, v12  }
0x385: {  	v12 =	vand.u32 $0x7F, v12;
	v13 =	vor.u32 v5, v63  }
0x386: {  	v12 =	vor.u32 v12, v13;
	_ =	sdelay $0x4  }
0x387: {  	s0 =	simm.s32 $0x0;
	[tilespmem:v12+s8+$0x0] =	vst.idx.add.s32.msk $0xffff, v6  }
0x388: {  	[tilespmem:s5], [sflag:$0x2] =	stream.linear.gather [hbm4b:s24+s0], $0x3160, $0x38;
	[tilespmem:$0x1E198] =	vst v63  }
0x389: {  	_ =	swait.ge [sflag:s19], $0x3160  }
0x38a: {  	[sflag:s19] =	ssyncset.done $0x0  }
0x38b: {  	s1 =	simm.s32 $0x0;
	s0 =	simm.s32 $0x40;
	[sflag:s19] =	ssyncadd.s32 $0xFFFFCEA0  }
.LBB2_12:
0x38c: {  	p1 =	sne.s32 s0, $0xC540;
	v12 =	vld [tilespmem:s1+$0x0];
	_ =	sdelay $0x4  }
0x38d: {  	v13 =	vxor.u32 $0xFFFFFFFF, v12;
	v14 =	vor.u32 $0x80000000, v12;
	vm8 =	vlt.s32 v12, $0x0  }
0x38e: {  	v12 =	vsel vm8, v13, v14  }
0x38f: {  	v12 =	vshrl.u32 v12, $0x15  }
0x390: {  	v13 =	vand.u32 $0x780, v12  }
0x391: {  	v12 =	vand.u32 $0x7F, v12;
	v13 =	vor.u32 v5, v13  }
0x392: {  	v12 =	vor.u32 v12, v13  }
.Ltmp7:
0x393: {  	(pc) =	sbr.rel @p1 .LBB2_12-.Ltmp7, $2  }
0x394: {  	_ =	sdelay $0x2  }
0x395: {  	s1 =	sshra.s32 s0, $0x2;
	s0 =	sadd.s32 $0x40, s0;
	[tilespmem:v12+s8+$0x0] =	vst.idx.add.s32.msk $0xffff, v6  }
0x396: {  	v12 =	vld [tilespmem:s1+$0x0];
	_ =	sdelay $0x4  }
0x397: {  	v13 =	vxor.u32 $0xFFFFFFFF, v12;
	v14 =	vor.u32 $0x80000000, v12;
	vm8 =	vlt.s32 v12, $0x0  }
0x398: {  	v12 =	vsel vm8, v13, v14  }
0x399: {  	v12 =	vshrl.u32 v12, $0x15  }
0x39a: {  	v63 =	vand.u32 $0x780, v12  }
0x39b: {  	v12 =	vand.u32 $0x7F, v12;
	v13 =	vor.u32 v5, v63  }
0x39c: {  	v12 =	vor.u32 v12, v13;
	_ =	sdelay $0x4  }
0x39d: {  	s0 =	simm.s32 $0x0;
	[tilespmem:v12+s8+$0x0] =	vst.idx.add.s32.msk $0xffff, v6  }
0x39e: {  	[tilespmem:s0], [sflag:$0x1] =	stream.linear.gather [hbm4b:s25+s0], $0x3160, $0x38;
	[tilespmem:$0x1E198] =	vst v63  }
0x39f: {  	_ =	swait.ge [sflag:s6], $0x3160  }
0x3a0: {  	[sflag:s6] =	ssyncset.done $0x0  }
0x3a1: {  	s1 =	simm.s32 $0x0;
	s0 =	simm.s32 $0x40;
	[sflag:s6] =	ssyncadd.s32 $0xFFFFCEA0  }
.LBB2_14:
0x3a2: {  	p1 =	sne.s32 s0, $0xC540;
	v12 =	vld [tilespmem:s1+$0x3180];
	_ =	sdelay $0x4  }
0x3a3: {  	v13 =	vxor.u32 $0xFFFFFFFF, v12;
	v14 =	vor.u32 $0x80000000, v12;
	vm8 =	vlt.s32 v12, $0x0  }
0x3a4: {  	v12 =	vsel vm8, v13, v14  }
0x3a5: {  	v12 =	vshrl.u32 v12, $0x15  }
0x3a6: {  	v13 =	vand.u32 $0x780, v12  }
0x3a7: {  	v12 =	vand.u32 $0x7F, v12;
	v13 =	vor.u32 v5, v13  }
0x3a8: {  	v12 =	vor.u32 v12, v13  }
.Ltmp8:
0x3a9: {  	(pc) =	sbr.rel @p1 .LBB2_14-.Ltmp8, $2  }
0x3aa: {  	_ =	sdelay $0x2  }
0x3ab: {  	s1 =	sshra.s32 s0, $0x2;
	s0 =	sadd.s32 $0x40, s0;
	[tilespmem:v12+s8+$0x0] =	vst.idx.add.s32.msk $0xffff, v6  }
0x3ac: {  	v12 =	vld [tilespmem:s1+$0x3180];
	_ =	sdelay $0x4  }
0x3ad: {  	v13 =	vxor.u32 $0xFFFFFFFF, v12;
	v14 =	vor.u32 $0x80000000, v12;
	vm8 =	vlt.s32 v12, $0x0  }
0x3ae: {  	v12 =	vsel vm8, v13, v14  }
0x3af: {  	v12 =	vshrl.u32 v12, $0x15  }
0x3b0: {  	v63 =	vand.u32 $0x780, v12  }
0x3b1: {  	v12 =	vand.u32 $0x7F, v12;
	v13 =	vor.u32 v5, v63  }
0x3b2: {  	v12 =	vor.u32 v12, v13;
	_ =	sdelay $0x4  }
0x3b3: {  	s0 =	simm.s32 $0x0;
	[tilespmem:v12+s8+$0x0] =	vst.idx.add.s32.msk $0xffff, v6  }
0x3b4: {  	[tilespmem:s5], [sflag:$0x2] =	stream.linear.gather [hbm4b:s26+s0], $0x3160, $0x38;
	[tilespmem:$0x1E198] =	vst v63  }
0x3b5: {  	_ =	swait.ge [sflag:s19], $0x3160  }
0x3b6: {  	[sflag:s19] =	ssyncset.done $0x0  }
0x3b7: {  	s1 =	simm.s32 $0x0;
	s0 =	simm.s32 $0x40;
	[sflag:s19] =	ssyncadd.s32 $0xFFFFCEA0  }
.LBB2_16:
0x3b8: {  	p1 =	sne.s32 s0, $0xC540;
	v12 =	vld [tilespmem:s1+$0x0];
	_ =	sdelay $0x4  }
0x3b9: {  	v13 =	vxor.u32 $0xFFFFFFFF, v12;
	v14 =	vor.u32 $0x80000000, v12;
	vm8 =	vlt.s32 v12, $0x0  }
0x3ba: {  	v12 =	vsel vm8, v13, v14  }
0x3bb: {  	v12 =	vshrl.u32 v12, $0x15  }
0x3bc: {  	v13 =	vand.u32 $0x780, v12  }
0x3bd: {  	v12 =	vand.u32 $0x7F, v12;
	v13 =	vor.u32 v5, v13  }
0x3be: {  	v12 =	vor.u32 v12, v13  }
.Ltmp9:
0x3bf: {  	(pc) =	sbr.rel @p1 .LBB2_16-.Ltmp9, $2  }
0x3c0: {  	_ =	sdelay $0x2  }
0x3c1: {  	s1 =	sshra.s32 s0, $0x2;
	s0 =	sadd.s32 $0x40, s0;
	[tilespmem:v12+s8+$0x0] =	vst.idx.add.s32.msk $0xffff, v6  }
0x3c2: {  	v12 =	vld [tilespmem:s1+$0x0];
	_ =	sdelay $0x4  }
0x3c3: {  	v13 =	vxor.u32 $0xFFFFFFFF, v12;
	v14 =	vor.u32 $0x80000000, v12;
	vm8 =	vlt.s32 v12, $0x0  }
0x3c4: {  	v12 =	vsel vm8, v13, v14  }
0x3c5: {  	v12 =	vshrl.u32 v12, $0x15  }
0x3c6: {  	v63 =	vand.u32 $0x780, v12  }
0x3c7: {  	v12 =	vand.u32 $0x7F, v12;
	v13 =	vor.u32 v5, v63  }
0x3c8: {  	v12 =	vor.u32 v12, v13;
	_ =	sdelay $0x4  }
0x3c9: {  	s0 =	simm.s32 $0x0;
	[tilespmem:v12+s8+$0x0] =	vst.idx.add.s32.msk $0xffff, v6  }
0x3ca: {  	[tilespmem:s0], [sflag:$0x1] =	stream.linear.gather [hbm4b:s28+s0], $0x3160, $0x38;
	[tilespmem:$0x1E198] =	vst v63  }
0x3cb: {  	_ =	swait.ge [sflag:s6], $0x3160  }
0x3cc: {  	[sflag:s6] =	ssyncset.done $0x0  }
0x3cd: {  	s1 =	simm.s32 $0x0;
	s0 =	simm.s32 $0x40;
	[sflag:s6] =	ssyncadd.s32 $0xFFFFCEA0  }
.LBB2_18:
0x3ce: {  	p1 =	sne.s32 s0, $0xC540;
	v12 =	vld [tilespmem:s1+$0x3180];
	_ =	sdelay $0x4  }
0x3cf: {  	v13 =	vxor.u32 $0xFFFFFFFF, v12;
	v14 =	vor.u32 $0x80000000, v12;
	vm8 =	vlt.s32 v12, $0x0  }
0x3d0: {  	v12 =	vsel vm8, v13, v14  }
0x3d1: {  	v12 =	vshrl.u32 v12, $0x15  }
0x3d2: {  	v13 =	vand.u32 $0x780, v12  }
0x3d3: {  	v12 =	vand.u32 $0x7F, v12;
	v13 =	vor.u32 v5, v13  }
0x3d4: {  	v12 =	vor.u32 v12, v13  }
.Ltmp10:
0x3d5: {  	(pc) =	sbr.rel @p1 .LBB2_18-.Ltmp10, $2  }
0x3d6: {  	_ =	sdelay $0x2  }
0x3d7: {  	s1 =	sshra.s32 s0, $0x2;
	s0 =	sadd.s32 $0x40, s0;
	[tilespmem:v12+s8+$0x0] =	vst.idx.add.s32.msk $0xffff, v6  }
0x3d8: {  	v12 =	vld [tilespmem:s1+$0x3180];
	_ =	sdelay $0x4  }
0x3d9: {  	v13 =	vxor.u32 $0xFFFFFFFF, v12;
	v14 =	vor.u32 $0x80000000, v12;
	vm8 =	vlt.s32 v12, $0x0  }
0x3da: {  	v12 =	vsel vm8, v13, v14  }
0x3db: {  	v12 =	vshrl.u32 v12, $0x15  }
0x3dc: {  	v63 =	vand.u32 $0x780, v12  }
0x3dd: {  	v12 =	vand.u32 $0x7F, v12;
	v13 =	vor.u32 v5, v63  }
0x3de: {  	v12 =	vor.u32 v12, v13;
	_ =	sdelay $0x4  }
0x3df: {  	[tilespmem:v12+s8+$0x0] =	vst.idx.add.s32.msk $0xffff, v6  }
0x3e0: {  	_ =	swait.ge [sflag:s19], $0x3160  }
0x3e1: {  	[sflag:s19] =	ssyncset.done $0x0  }
0x3e2: {  	s0 =	simm.s32 $0x0;
	s1 =	simm.s32 $0x0;
	[sflag:s19] =	ssyncadd.s32 $0xFFFFCEA0  }
.LBB2_20:
0x3e3: {  	s2 =	sshra.s32 s1, $0x2  }
0x3e4: {  	v12 =	vld [tilespmem:s2+$0x0];
	_ =	sdelay $0x4  }
0x3e5: {  	v13 =	vxor.u32 $0xFFFFFFFF, v12;
	v14 =	vor.u32 $0x80000000, v12;
	vm8 =	vlt.s32 v12, $0x0  }
0x3e6: {  	v12 =	vsel vm8, v13, v14  }
0x3e7: {  	v12 =	vshrl.u32 v12, $0x15  }
0x3e8: {  	v63 =	vand.u32 $0x780, v12  }
0x3e9: {  	v12 =	vand.u32 $0x7F, v12;
	v13 =	vor.u32 v5, v63  }
0x3ea: {  	p1 =	sne.s32 s1, $0xC540;
	v12 =	vor.u32 v12, v13  }
.Ltmp11:
0x3eb: {  	_ = 	snop;
	(pc) =	sbr.rel @p1 .LBB2_20-.Ltmp11, $3  }
0x3ec: {  	_ =	sdelay $0x1  }
0x3ed: {  	s2 =	simm.s32 $0x6300  }
0x3ee: {  	s1 =	sadd.s32 $0x40, s1;
	[tilespmem:v12+s2+$0x0] =	vst.idx.add.s32.msk $0xffff, v6  }
0x3ef: {  	s0 =	sand.u32 $0x7F0, s0;
	v13 =	vld [tilespmem:s2+$0x0]  }
0x3f0: {  	v12 =	vld [tilespmem:s0+$0x6B00]  }
0x3f1: {  	v14 =	vld [tilespmem:s0+$0x7300]  }
0x3f2: {  	v15 =	vld [tilespmem:s0+$0x7B00]  }
0x3f3: {  	v16 =	vld [tilespmem:s0+$0x8300]  }
0x3f4: {  	v17 =	vld [tilespmem:s0+$0x8B00]  }
0x3f5: {  	v12 =	vadd.s32 v13, v12;
	v13 =	vld [tilespmem:s0+$0x9300]  }
0x3f6: {  	v12 =	vadd.s32 v14, v12;
	v14 =	vld [tilespmem:s0+$0x9B00]  }
0x3f7: {  	v12 =	vadd.s32 v15, v12;
	v15 =	vld [tilespmem:s0+$0xA300]  }
0x3f8: {  	v60 =	vld [tilespmem:s0+$0xAB00];
	v12 =	vadd.s32 v16, v12  }
0x3f9: {  	v61 =	vld [tilespmem:s0+$0xB300];
	v12 =	vadd.s32 v17, v12  }
0x3fa: {  	v12 =	vadd.s32 v13, v12;
	v13 =	vld [tilespmem:s0+$0xBB00]  }
0x3fb: {  	v12 =	vadd.s32 v14, v12;
	v14 =	vld [tilespmem:s0+$0xC300]  }
0x3fc: {  	v12 =	vadd.s32 v15, v12;
	v15 =	vld [tilespmem:s0+$0xCB00]  }
0x3fd: {  	v62 =	vld [tilespmem:s0+$0xD300];
	v12 =	vadd.s32 v60, v12  }
0x3fe: {  	v63 =	vld [tilespmem:s0+$0xDB00];
	v12 =	vadd.s32 v61, v12  }
0x3ff: {  	v12 =	vadd.s32 v13, v12  }
0x400: {  	v12 =	vadd.s32 v14, v12  }
0x401: {  	v12 =	vadd.s32 v15, v12  }
0x402: {  	v12 =	vadd.s32 v62, v12  }
0x403: {  	s1 =	simm.s32 $0x10;
	s0 =	simm.s32 $0x13300;
	v12 =	vadd.s32 v63, v12  }
0x404: {  	s1 =	sand.u32 $0x7F0, s1;
	[tilespmem:s0+$0x0] =	vst v12  }
0x405: {  	s3 =	simm.s32 $0x20;
	s2 =	simm.s32 $0x6310;
	v12 =	vld [tilespmem:s1+$0x6B00]  }
.LBB2_22:
0x406: {  	p1 =	sne.s32 s3, $0x7F0;
	v13 =	vld [tilespmem:s2+$0x0]  }
0x407: {  	v14 =	vld [tilespmem:s1+$0x7300]  }
0x408: {  	v15 =	vld [tilespmem:s1+$0x7B00]  }
0x409: {  	v16 =	vld [tilespmem:s1+$0x8300]  }
0x40a: {  	v17 =	vld [tilespmem:s1+$0x8B00]  }
0x40b: {  	v12 =	vadd.s32 v13, v12;
	v13 =	vld [tilespmem:s1+$0x9300]  }
0x40c: {  	v12 =	vadd.s32 v14, v12;
	v14 =	vld [tilespmem:s1+$0x9B00]  }
0x40d: {  	v12 =	vadd.s32 v15, v12;
	v15 =	vld [tilespmem:s1+$0xA300]  }
0x40e: {  	v12 =	vadd.s32 v16, v12;
	v16 =	vld [tilespmem:s1+$0xAB00]  }
0x40f: {  	v12 =	vadd.s32 v17, v12;
	v17 =	vld [tilespmem:s1+$0xB300]  }
0x410: {  	v12 =	vadd.s32 v13, v12;
	v13 =	vld [tilespmem:s1+$0xBB00]  }
0x411: {  	v12 =	vadd.s32 v14, v12;
	v14 =	vld [tilespmem:s1+$0xC300]  }
0x412: {  	v12 =	vadd.s32 v15, v12;
	v15 =	vld [tilespmem:s1+$0xCB00]  }
0x413: {  	v12 =	vadd.s32 v16, v12;
	v16 =	vld [tilespmem:s1+$0xD300]  }
0x414: {  	v12 =	vadd.s32 v17, v12;
	v17 =	vld [tilespmem:s1+$0xDB00]  }
0x415: {  	v12 =	vadd.s32 v13, v12  }
0x416: {  	v12 =	vadd.s32 v14, v12  }
.Ltmp12:
0x417: {  	v12 =	vadd.s32 v15, v12;
	(pc) =	sbr.rel @p1 .LBB2_22-.Ltmp12, $4  }
0x418: {  	v12 =	vadd.s32 v16, v12  }
0x419: {  	s0 =	sadd.s32 $0x10, s0;
	v12 =	vadd.s32 v17, v12  }
0x41a: {  	s1 =	sand.u32 $0x7F0, s3;
	[tilespmem:s0+$0x0] =	vst v12  }
0x41b: {  	s2 =	sadd.s32 $0x10, s2;
	s3 =	sadd.s32 $0x10, s3;
	v12 =	vld [tilespmem:s1+$0x6B00]  }
0x41c: {  	v13 =	vld [tilespmem:s2+$0x0]  }
0x41d: {  	v14 =	vld [tilespmem:s1+$0x7300]  }
0x41e: {  	v15 =	vld [tilespmem:s1+$0x7B00]  }
0x41f: {  	v16 =	vld [tilespmem:s1+$0x8300]  }
0x420: {  	v17 =	vld [tilespmem:s1+$0x8B00]  }
0x421: {  	v54 =	vld [tilespmem:s1+$0x9300];
	v12 =	vadd.s32 v13, v12  }
0x422: {  	v55 =	vld [tilespmem:s1+$0x9B00];
	v12 =	vadd.s32 v14, v12  }
0x423: {  	v56 =	vld [tilespmem:s1+$0xA300];
	v12 =	vadd.s32 v15, v12  }
0x424: {  	v57 =	vld [tilespmem:s1+$0xAB00];
	v12 =	vadd.s32 v16, v12  }
0x425: {  	v58 =	vld [tilespmem:s1+$0xB300];
	v12 =	vadd.s32 v17, v12  }
0x426: {  	v59 =	vld [tilespmem:s1+$0xBB00];
	v12 =	vadd.s32 v54, v12  }
0x427: {  	v60 =	vld [tilespmem:s1+$0xC300];
	v12 =	vadd.s32 v55, v12  }
0x428: {  	v61 =	vld [tilespmem:s1+$0xCB00];
	v12 =	vadd.s32 v56, v12  }
0x429: {  	v62 =	vld [tilespmem:s1+$0xD300];
	v12 =	vadd.s32 v57, v12  }
0x42a: {  	v63 =	vld [tilespmem:s1+$0xDB00];
	v12 =	vadd.s32 v58, v12  }
0x42b: {  	v12 =	vadd.s32 v59, v12  }
0x42c: {  	v12 =	vadd.s32 v60, v12  }
0x42d: {  	v12 =	vadd.s32 v61, v12  }
0x42e: {  	v12 =	vadd.s32 v62, v12  }
0x42f: {  	s0 =	sadd.s32 $0x10, s0;
	v12 =	vadd.s32 v63, v12  }
0x430: {  	s11 =	simm.s32 $0x13300;
	[tilespmem:s0+$0x0] =	vst v12  }
0x431: {  	[spmem:s18] =	stream.strided.scatter [tilespmem:s11], [sflag:$0x3], $0x800, s10, s9, $0x38;
	[tilespmem:$0x1E198] =	vst v63  }
.Ltmp13:
0x432: {  	_ =	swait.ge [sflag:s4], $0x800;
	(pc) =	sbr.rel @p0 .LBB2_27-.Ltmp13, $3  }
0x433: {  	[sflag:s4] =	ssyncset.done $0x0  }
0x434: {  	[sflag:s4] =	ssyncadd.s32 $0xFFFFF800  }
0x435: {  	[bflag:$0x0] =	sbarrier.arrive $0xFFFF;
	_ =	sdelay $0x1  }
0x436: {  	s0 =	simm.s32 $0x13300  }
0x437: {  	[tilespmem:s0], [sflag:$0x3] =	stream.strided.gather [spmem:s18], $0x800, s10, s9, $0x38;
	[tilespmem:$0x1E198] =	vst v63  }
0x438: {  	_ =	swait.ge [sflag:s4], $0x800  }
0x439: {  	s11 =	sld [smem:$0x7EA]  }
0x43a: {  	[sflag:s4] =	ssyncset.done $0x0  }
0x43b: {  	s1 =	simm.s32 $0x13B00;
	[sflag:s4] =	ssyncadd.s32 $0xFFFFF800  }
0x43c: {  	[tilespmem:s1], [sflag:$0x3] =	stream.strided.gather [spmem:s11], $0x800, s10, s9, $0x38;
	[tilespmem:$0x1E198] =	vst v63  }
0x43d: {  	_ =	swait.ge [sflag:s4], $0x800  }
0x43e: {  	s1 =	sld [smem:$0x7EB]  }
0x43f: {  	[sflag:s4] =	ssyncset.done $0x0  }
0x440: {  	s2 =	simm.s32 $0x14300;
	[sflag:s4] =	ssyncadd.s32 $0xFFFFF800  }
0x441: {  	[tilespmem:s2], [sflag:$0x3] =	stream.strided.gather [spmem:s1], $0x800, s10, s9, $0x38;
	[tilespmem:$0x1E198] =	vst v63  }
0x442: {  	_ =	swait.ge [sflag:s4], $0x800  }
0x443: {  	s3 =	sld [smem:$0x7EC]  }
0x444: {  	[sflag:s4] =	ssyncset.done $0x0  }
0x445: {  	s5 =	simm.s32 $0x14B00;
	[sflag:s4] =	ssyncadd.s32 $0xFFFFF800  }
0x446: {  	[tilespmem:s5], [sflag:$0x3] =	stream.strided.gather [spmem:s3], $0x800, s10, s9, $0x38;
	[tilespmem:$0x1E198] =	vst v63  }
0x447: {  	_ =	swait.ge [sflag:s4], $0x800  }
0x448: {  	[sflag:s4] =	ssyncset.done $0x0  }
0x449: {  	s6 =	simm.s32 $0x13AF0;
	[sflag:s4] =	ssyncadd.s32 $0xFFFFF800  }
0x44a: {  	s7 =	simm.s32 $0x142F0;
	v12 =	vld [tilespmem:s6+$0x0]  }
0x44b: {  	s9 =	simm.s32 $0x14AF0;
	v13 =	vld [tilespmem:s7+$0x0]  }
0x44c: {  	s10 =	simm.s32 $0x152F0;
	v14 =	vld [tilespmem:s9+$0x0]  }
0x44d: {  	v15 =	vld [tilespmem:s10+$0x0];
	_ =	sdelay $0x2  }
0x44e: {  	v12 =	vadd.s32 v12, v13  }
0x44f: {  	v12 =	vadd.s32 v14, v12  }
0x450: {  	v12 =	vadd.s32 v15, v12  }
0x451: {  	v12 =	vperm.xlane v12, v7;
	_ =	sdelay $0x1  }
0x452: {  	(xrf0) =	vadd.scan.msk.s32 $0xffff, v12;
	_ =	sdelay $0x5  }
0x453: {  	s0 =	simm.s32 $0x0;
	v12, _, _ =	vpop (xrf0)  }
0x454: {  	v12 =	vadd.s32 s0, v12  }
0x455: {  	v13 =	vxor.u32 $0x80000000, v12;
	vm8 =	vgt.s32 v12, $0x63  }
0x456: {  	v12 =	vnsel vm8, $0x80000063, v8;
	(xrf0) =	vmax.scan.msk.u32 $0xffff, v13  }
0x457: {  	(xrf0) =	vmin.scan.msk.u32 $0xffff, v12;
	_ =	sdelay $0x3  }
0x458: {  	s2 =	simm.s32 $0x142E0  }
0x459: {  	s1 =	simm.s32 $0x13AE0;
	v14 =	vld [tilespmem:s2+$0x0];
	v13, _, _ =	vpop (xrf0)  }
0x45a: {  	s3 =	simm.s32 $0x14AE0;
	v12 =	vld [tilespmem:s1+$0x0];
	(v2sf) =	vpush v13, $0xF;
	v13, _, _ =	vpop (xrf0)  }
0x45b: {  	s5 =	simm.s32 $0x152E0;
	v15 =	vld [tilespmem:s3+$0x0];
	(v2sf) =	vpush v13, $0xF  }
0x45c: {  	v13 =	vld [tilespmem:s5+$0x0];
	_ =	sdelay $0x2  }
0x45d: {  	v12 =	vadd.s32 v12, v14  }
0x45e: {  	v12 =	vadd.s32 v15, v12  }
0x45f: {  	v12 =	vadd.s32 v13, v12  }
0x460: {  	v12 =	vperm.xlane v12, v7;
	_ =	sdelay $0x1  }
0x461: {  	(xrf0) =	vadd.scan.msk.s32 $0xffff, v12;
	_ =	sdelay $0x4  }
0x462: {  	s6 =	spop (v2sf)  }
0x463: {  	v12, _, _ =	vpop (xrf0);
	s10 =	sxor.u32 $0x80000000, s6;
	s11 =	spop (v2sf)  }
0x464: {  	v12 =	vadd.s32 s10, v12;
	s7 =	sxor.u32 $0x7FFFFFFF, s11  }
0x465: {  	p1 =	por $0x0, $0x0;
	s6 =	simm.s32 $0x7F0;
	v13 =	vxor.u32 $0x80000000, v12;
	vm8 =	vgt.s32 v12, $0x63;
	s9 =	sadd.s32 $0x800, s7  }
0x466: {  	p3 =	sgt.s32 s10, $0x63;
	s7 =	simm.s32 $0x7E0;
	v12 =	vnsel vm8, $0x80000063, v8;
	(xrf0) =	vmax.scan.msk.u32 $0xffff, v13;
	s9 =	smov.u32 @p1 s0  }
.LBB2_25:
0x467: {  	p2 =	sne.s32 s7, $0x10;
	(xrf0) =	vmin.scan.msk.u32 $0xffff, v12;
	s0 =	smov.u32 @p3 s9;
	p1 =	por p1, p3  }
0x468: {  	s10 =	smov.u32 s7;
	s7 =	sadd.s32 $0xFFFFFFF0, s7;
	_ =	sdelay $0x2  }
0x469: {  	s1 =	sadd.s32 $0xFFFFFFF0, s1  }
0x46a: {  	s2 =	sadd.s32 $0xFFFFFFF0, s2;
	v12 =	vld [tilespmem:s1+$0x0];
	v13, _, _ =	vpop (xrf0)  }
0x46b: {  	s3 =	sadd.s32 $0xFFFFFFF0, s3;
	v14 =	vld [tilespmem:s2+$0x0];
	(v2sf) =	vpush v13, $0xF;
	v13, _, _ =	vpop (xrf0)  }
0x46c: {  	s5 =	sadd.s32 $0xFFFFFFF0, s5;
	v15 =	vld [tilespmem:s3+$0x0];
	(v2sf) =	vpush v13, $0xF  }
0x46d: {  	v13 =	vld [tilespmem:s5+$0x0];
	_ =	sdelay $0x2  }
0x46e: {  	v12 =	vadd.s32 v12, v14  }
0x46f: {  	v12 =	vadd.s32 v15, v12  }
0x470: {  	v12 =	vadd.s32 v13, v12  }
0x471: {  	v12 =	vperm.xlane v12, v7;
	_ =	sdelay $0x1  }
0x472: {  	(xrf0) =	vadd.scan.msk.s32 $0xffff, v12;
	_ =	sdelay $0x4  }
.Ltmp14:
0x473: {  	s9 =	spop (v2sf);
	(pc) =	sbr.rel @p2 .LBB2_25-.Ltmp14, $4  }
0x474: {  	v12, _, _ =	vpop (xrf0);
	s11 =	sxor.u32 $0x80000000, s9;
	s9 =	spop (v2sf)  }
0x475: {  	v12 =	vadd.s32 s11, v12;
	s9 =	sxor.u32 $0x7FFFFFFF, s9  }
0x476: {  	v13 =	vxor.u32 $0x80000000, v12;
	vm8 =	vgt.s32 v12, $0x63;
	s9 =	sadd.s32 s9, s6;
	s6 =	smov.u32 s10  }
0x477: {  	p3 =	sgt.s32 s11, $0x63;
	v12 =	vnsel vm8, $0x80000063, v8;
	(xrf0) =	vmax.scan.msk.u32 $0xffff, v13;
	s9 =	smov.u32 @p1 s0  }
0x478: {  	(xrf0) =	vmin.scan.msk.u32 $0xffff, v12;
	_ =	sdelay $0x4  }
0x479: {  	v61, _, _ =	vpop (xrf0)  }
0x47a: {  	(v2sf) =	vpush v61, $0xF;
	v62, _, _ =	vpop (xrf0)  }
0x47b: {  	(v2sf) =	vpush v62, $0xF;
	_ =	sdelay $0xd  }
0x47c: {  	s1 =	spop (v2sf)  }
0x47d: {  	s2 =	spop (v2sf)  }
0x47e: {  	s0 =	smov.u32 @p3 s9;
	s2 =	sxor.u32 $0x7FFFFFFF, s2  }
0x47f: {  	p1 =	por p1, p3;
	s1 =	sxor.u32 $0x80000000, s1;
	s2 =	sadd.s32 s2, s6  }
0x480: {  	p2 =	sgt.s32 s1, $0x63;
	s2 =	smov.u32 @p1 s0  }
0x481: {  	s0 =	smov.u32 @p2 s2  }
0x482: {  	v63 =	vmov s0  }
0x483: {  	s11 =	simm.s32 $0x15300;
	[tilespmem:$0x15300] =	vst v63  }
0x484: {  	[spmem:s20] =	stream.linear.scatter [tilespmem:s11], [sflag:$0x3], $0x80, $0x38;
	[tilespmem:$0x1E198] =	vst v63  }
0x485: {  	_ =	swait.ge [sflag:s4], $0x80  }
0x486: {  	s5 =	simm.s32 $0x3180;
	s9 =	simm.s32 $0x80;
	[sflag:s4] =	ssyncset.done $0x0  }
0x487: {  	s10 =	simm.s32 $0x400;
	s6 =	simm.s32 $0x2;
	[sflag:s4] =	ssyncadd.s32 $0xFFFFFF80  }
.LBB2_27:
0x488: {  	[bflag:$0x0] =	sbarrier.arrive $0xFFFF;
	s0 =	simm.s32 $0x15300  }
0x489: {  	[tilespmem:s0], [sflag:$0x3] =	stream.linear.gather [spmem:s20], $0x80, $0x38;
	[tilespmem:$0x1E198] =	vst v63  }
0x48a: {  	_ =	swait.ge [sflag:s4], $0x80  }
0x48b: {  	[sflag:s4] =	ssyncset.done $0x0  }
0x48c: {  	s0 =	simm.s32 $0x0;
	[sflag:s4] =	ssyncadd.s32 $0xFFFFFF80  }
0x48d: {  	v12 =	vld [tilespmem:$0x15300];
	[tilespmem:s0], [sflag:$0x1] =	stream.linear.gather [hbm4b:s13+s0], $0x3160, $0x38  }
0x48e: {  	_ = 	snop  }
0x48f: {  	[tilespmem:s5], [sflag:$0x2] =	stream.linear.gather [hbm4b:s14+s0], $0x3160, $0x38;
	[tilespmem:$0x1E198] =	vst v63  }
0x490: {  	_ =	swait.ge [sflag:s19], $0x3160  }
0x491: {  	[sflag:s19] =	ssyncset.done $0x0  }
0x492: {  	s1 =	simm.s32 $0x0;
	[sflag:s19] =	ssyncadd.s32 $0xFFFFCEA0  }
0x493: {  	v13 =	vld [tilespmem:s1+$0x0];
	_ =	sdelay $0x4  }
0x494: {  	v14 =	vxor.u32 $0xFFFFFFFF, v13;
	v15 =	vor.u32 $0x80000000, v13;
	vm8 =	vlt.s32 v13, $0x0  }
0x495: {  	v12 =	vshll.u32 v12, $0x15;
	v13 =	vsel vm8, v14, v15  }
0x496: {  	v12 =	vxor.u32 $0x80000000, v12;
	v13 =	vxor.u32 $0x80000000, v13  }
0x497: {  	vm8 =	vge.s32 v13, v12  }
0x498: {  	v14 =	vsel vm8, $0x1, v4  }
0x499: {  	(xrf0) =	vadd.scan.msk.s32 $0xffff, v14;
	_ =	sdelay $0x5  }
0x49a: {  	v14, _, _ =	vpop (xrf0)  }
0x49b: {  	v15 =	vor.u32 s17, v0;
	[tilespmem:s0+$0xE300] =	vst.msk vm8, v13;
	(v2sf) =	vpush v14, $0xF  }
0x49c: {  	s3 =	simm.s32 $0x10;
	s2 =	simm.s32 $0x80;
	s1 =	smov.u32 s17;
	[tilespmem:s0+$0xEB00] =	vst.msk vm8, v15  }
.LBB2_28:
0x49d: {  	p1 =	sne.s32 s2, $0xC540;
	v13 =	vld [tilespmem:s3+$0x0];
	_ =	sdelay $0x4  }
0x49e: {  	v14 =	vxor.u32 $0xFFFFFFFF, v13;
	v15 =	vor.u32 $0x80000000, v13;
	vm8 =	vlt.s32 v13, $0x0  }
0x49f: {  	v13 =	vsel vm8, v14, v15  }
0x4a0: {  	v13 =	vxor.u32 $0x80000000, v13  }
0x4a1: {  	vm8 =	vge.s32 v13, v12  }
0x4a2: {  	v14 =	vsel vm8, $0x1, v4  }
0x4a3: {  	(xrf0) =	vadd.scan.msk.s32 $0xffff, v14;
	_ =	sdelay $0x2  }
0x4a4: {  	s3 =	spop (v2sf)  }
.Ltmp15:
0x4a5: {  	s0 =	sadd.s32 s0, s3;
	(pc) =	sbr.rel @p1 .LBB2_28-.Ltmp15, $4  }
0x4a6: {  	p2 =	slt.s32 s0, $0x7F0  }
0x4a7: {  	s1 =	sadd.s32 $0x10, s1;
	v14, _, _ =	vpop (xrf0);
	s0 =	simm.s32 @!p2 $0x7F0  }
0x4a8: {  	v15 =	vor.u32 s1, v0;
	[tilespmem:s0+$0xE300] =	vst.msk vm8, v13;
	(v2sf) =	vpush v14, $0xF  }
0x4a9: {  	s3 =	sshra.s32 s2, $0x2;
	s2 =	sadd.s32 $0x40, s2;
	[tilespmem:s0+$0xEB00] =	vst.msk vm8, v15  }
0x4aa: {  	v13 =	vld [tilespmem:s3+$0x0];
	_ =	sdelay $0x4  }
0x4ab: {  	v14 =	vxor.u32 $0xFFFFFFFF, v13;
	v15 =	vor.u32 $0x80000000, v13;
	vm8 =	vlt.s32 v13, $0x0  }
0x4ac: {  	v13 =	vsel vm8, v14, v15  }
0x4ad: {  	v13 =	vxor.u32 $0x80000000, v13  }
0x4ae: {  	vm8 =	vge.s32 v13, v12  }
0x4af: {  	v14 =	vsel vm8, $0x1, v4  }
0x4b0: {  	(xrf0) =	vadd.scan.msk.s32 $0xffff, v14;
	_ =	sdelay $0x5  }
0x4b1: {  	v14, _, _ =	vpop (xrf0)  }
0x4b2: {  	(v2sf) =	vpush v14, $0xF;
	_ =	sdelay $0x7  }
0x4b3: {  	s2 =	spop (v2sf)  }
0x4b4: {  	s0 =	sadd.s32 s0, s2  }
0x4b5: {  	p1 =	slt.s32 s0, $0x7F0  }
0x4b6: {  	s1 =	sadd.s32 $0x10, s1;
	s0 =	simm.s32 @!p1 $0x7F0  }
0x4b7: {  	v14 =	vor.u32 s1, v0;
	[tilespmem:s0+$0xE300] =	vst.msk vm8, v13  }
0x4b8: {  	s7 =	simm.s32 $0x0;
	[tilespmem:s0+$0xEB00] =	vst.msk vm8, v14  }
0x4b9: {  	[tilespmem:s7], [sflag:$0x1] =	stream.linear.gather [hbm4b:s15+s7], $0x3160, $0x38;
	[tilespmem:$0x1E198] =	vst v63  }
0x4ba: {  	s3 =	spop (v2sf)  }
0x4bb: {  	_ =	swait.ge [sflag:s6], $0x3160  }
0x4bc: {  	[sflag:s6] =	ssyncset.done $0x0  }
0x4bd: {  	s11 =	simm.s32 $0x0;
	[sflag:s6] =	ssyncadd.s32 $0xFFFFCEA0  }
0x4be: {  	v13 =	vld [tilespmem:s11+$0x3180];
	_ =	sdelay $0x4  }
0x4bf: {  	v14 =	vxor.u32 $0xFFFFFFFF, v13;
	v15 =	vor.u32 $0x80000000, v13;
	vm8 =	vlt.s32 v13, $0x0  }
0x4c0: {  	v13 =	vsel vm8, v14, v15  }
0x4c1: {  	v13 =	vxor.u32 $0x80000000, v13  }
0x4c2: {  	vm8 =	vge.s32 v13, v12  }
0x4c3: {  	v14 =	vsel vm8, $0x1, v4  }
0x4c4: {  	(xrf0) =	vadd.scan.msk.s32 $0xffff, v14;
	_ =	sdelay $0x3  }
0x4c5: {  	s0 =	sadd.s32 s0, s3  }
0x4c6: {  	p1 =	slt.s32 s0, $0x7F0  }
0x4c7: {  	s0 =	simm.s32 @!p1 $0x7F0;
	v14, _, _ =	vpop (xrf0)  }
0x4c8: {  	v15 =	vor.u32 s30, v0;
	[tilespmem:s0+$0xE300] =	vst.msk vm8, v13;
	(v2sf) =	vpush v14, $0xF  }
0x4c9: {  	s2 =	simm.s32 $0x80;
	s1 =	smov.u32 s30;
	s3 =	simm.s32 $0x10;
	[tilespmem:s0+$0xEB00] =	vst.msk vm8, v15  }
.LBB2_30:
0x4ca: {  	p1 =	sne.s32 s2, $0xC540;
	v13 =	vld [tilespmem:s3+$0x3180];
	_ =	sdelay $0x4  }
0x4cb: {  	v14 =	vxor.u32 $0xFFFFFFFF, v13;
	v15 =	vor.u32 $0x80000000, v13;
	vm8 =	vlt.s32 v13, $0x0  }
0x4cc: {  	v13 =	vsel vm8, v14, v15  }
0x4cd: {  	v13 =	vxor.u32 $0x80000000, v13  }
0x4ce: {  	vm8 =	vge.s32 v13, v12  }
0x4cf: {  	v14 =	vsel vm8, $0x1, v4  }
0x4d0: {  	(xrf0) =	vadd.scan.msk.s32 $0xffff, v14;
	_ =	sdelay $0x2  }
0x4d1: {  	s3 =	spop (v2sf)  }
.Ltmp16:
0x4d2: {  	s0 =	sadd.s32 s0, s3;
	(pc) =	sbr.rel @p1 .LBB2_30-.Ltmp16, $4  }
0x4d3: {  	p2 =	slt.s32 s0, $0x7F0  }
0x4d4: {  	s1 =	sadd.s32 $0x10, s1;
	v14, _, _ =	vpop (xrf0);
	s0 =	simm.s32 @!p2 $0x7F0  }
0x4d5: {  	v15 =	vor.u32 s1, v0;
	[tilespmem:s0+$0xE300] =	vst.msk vm8, v13;
	(v2sf) =	vpush v14, $0xF  }
0x4d6: {  	s3 =	sshra.s32 s2, $0x2;
	s2 =	sadd.s32 $0x40, s2;
	[tilespmem:s0+$0xEB00] =	vst.msk vm8, v15  }
0x4d7: {  	v13 =	vld [tilespmem:s3+$0x3180];
	_ =	sdelay $0x4  }
0x4d8: {  	v14 =	vxor.u32 $0xFFFFFFFF, v13;
	v15 =	vor.u32 $0x80000000, v13;
	vm8 =	vlt.s32 v13, $0x0  }
0x4d9: {  	v13 =	vsel vm8, v14, v15  }
0x4da: {  	v13 =	vxor.u32 $0x80000000, v13  }
0x4db: {  	vm8 =	vge.s32 v13, v12  }
0x4dc: {  	v14 =	vsel vm8, $0x1, v4  }
0x4dd: {  	(xrf0) =	vadd.scan.msk.s32 $0xffff, v14;
	_ =	sdelay $0x5  }
0x4de: {  	v14, _, _ =	vpop (xrf0)  }
0x4df: {  	(v2sf) =	vpush v14, $0xF;
	_ =	sdelay $0x7  }
0x4e0: {  	s2 =	spop (v2sf)  }
0x4e1: {  	s0 =	sadd.s32 s0, s2  }
0x4e2: {  	p1 =	slt.s32 s0, $0x7F0  }
0x4e3: {  	s1 =	sadd.s32 $0x10, s1;
	s0 =	simm.s32 @!p1 $0x7F0  }
0x4e4: {  	v14 =	vor.u32 s1, v0;
	[tilespmem:s0+$0xE300] =	vst.msk vm8, v13  }
0x4e5: {  	s7 =	simm.s32 $0x0;
	[tilespmem:s0+$0xEB00] =	vst.msk vm8, v14  }
0x4e6: {  	[tilespmem:s5], [sflag:$0x2] =	stream.linear.gather [hbm4b:s16+s7], $0x3160, $0x38;
	[tilespmem:$0x1E198] =	vst v63  }
0x4e7: {  	s3 =	spop (v2sf)  }
0x4e8: {  	_ =	swait.ge [sflag:s19], $0x3160  }
0x4e9: {  	[sflag:s19] =	ssyncset.done $0x0  }
0x4ea: {  	s11 =	simm.s32 $0x0;
	[sflag:s19] =	ssyncadd.s32 $0xFFFFCEA0  }
0x4eb: {  	v13 =	vld [tilespmem:s11+$0x0];
	_ =	sdelay $0x4  }
0x4ec: {  	v14 =	vxor.u32 $0xFFFFFFFF, v13;
	v15 =	vor.u32 $0x80000000, v13;
	vm8 =	vlt.s32 v13, $0x0  }
0x4ed: {  	v13 =	vsel vm8, v14, v15  }
0x4ee: {  	v13 =	vxor.u32 $0x80000000, v13  }
0x4ef: {  	vm8 =	vge.s32 v13, v12  }
0x4f0: {  	v14 =	vsel vm8, $0x1, v4  }
0x4f1: {  	(xrf0) =	vadd.scan.msk.s32 $0xffff, v14;
	_ =	sdelay $0x3  }
0x4f2: {  	s0 =	sadd.s32 s0, s3  }
0x4f3: {  	p1 =	slt.s32 s0, $0x7F0  }
0x4f4: {  	s0 =	simm.s32 @!p1 $0x7F0;
	v14, _, _ =	vpop (xrf0)  }
0x4f5: {  	v15 =	vor.u32 s31, v0;
	[tilespmem:s0+$0xE300] =	vst.msk vm8, v13;
	(v2sf) =	vpush v14, $0xF  }
0x4f6: {  	s2 =	simm.s32 $0x80;
	s1 =	smov.u32 s31;
	s3 =	simm.s32 $0x10;
	[tilespmem:s0+$0xEB00] =	vst.msk vm8, v15  }
.LBB2_32:
0x4f7: {  	p1 =	sne.s32 s2, $0xC540;
	v13 =	vld [tilespmem:s3+$0x0];
	_ =	sdelay $0x4  }
0x4f8: {  	v14 =	vxor.u32 $0xFFFFFFFF, v13;
	v15 =	vor.u32 $0x80000000, v13;
	vm8 =	vlt.s32 v13, $0x0  }
0x4f9: {  	v13 =	vsel vm8, v14, v15  }
0x4fa: {  	v13 =	vxor.u32 $0x80000000, v13  }
0x4fb: {  	vm8 =	vge.s32 v13, v12  }
0x4fc: {  	v14 =	vsel vm8, $0x1, v4  }
0x4fd: {  	(xrf0) =	vadd.scan.msk.s32 $0xffff, v14;
	_ =	sdelay $0x2  }
0x4fe: {  	s3 =	spop (v2sf)  }
.Ltmp17:
0x4ff: {  	s0 =	sadd.s32 s0, s3;
	(pc) =	sbr.rel @p1 .LBB2_32-.Ltmp17, $4  }
0x500: {  	p2 =	slt.s32 s0, $0x7F0  }
0x501: {  	s1 =	sadd.s32 $0x10, s1;
	v14, _, _ =	vpop (xrf0);
	s0 =	simm.s32 @!p2 $0x7F0  }
0x502: {  	v15 =	vor.u32 s1, v0;
	[tilespmem:s0+$0xE300] =	vst.msk vm8, v13;
	(v2sf) =	vpush v14, $0xF  }
0x503: {  	s3 =	sshra.s32 s2, $0x2;
	s2 =	sadd.s32 $0x40, s2;
	[tilespmem:s0+$0xEB00] =	vst.msk vm8, v15  }
0x504: {  	v13 =	vld [tilespmem:s3+$0x0];
	_ =	sdelay $0x4  }
0x505: {  	v14 =	vxor.u32 $0xFFFFFFFF, v13;
	v15 =	vor.u32 $0x80000000, v13;
	vm8 =	vlt.s32 v13, $0x0  }
0x506: {  	v13 =	vsel vm8, v14, v15  }
0x507: {  	v13 =	vxor.u32 $0x80000000, v13  }
0x508: {  	vm8 =	vge.s32 v13, v12  }
0x509: {  	v14 =	vsel vm8, $0x1, v4  }
0x50a: {  	(xrf0) =	vadd.scan.msk.s32 $0xffff, v14;
	_ =	sdelay $0x5  }
0x50b: {  	v14, _, _ =	vpop (xrf0)  }
0x50c: {  	(v2sf) =	vpush v14, $0xF;
	_ =	sdelay $0x7  }
0x50d: {  	s2 =	spop (v2sf)  }
0x50e: {  	s0 =	sadd.s32 s0, s2  }
0x50f: {  	p1 =	slt.s32 s0, $0x7F0  }
0x510: {  	s1 =	sadd.s32 $0x10, s1;
	s0 =	simm.s32 @!p1 $0x7F0  }
0x511: {  	v14 =	vor.u32 s1, v0;
	[tilespmem:s0+$0xE300] =	vst.msk vm8, v13  }
0x512: {  	s7 =	simm.s32 $0x0;
	[tilespmem:s0+$0xEB00] =	vst.msk vm8, v14  }
0x513: {  	[tilespmem:s7], [sflag:$0x1] =	stream.linear.gather [hbm4b:s23+s7], $0x3160, $0x38;
	[tilespmem:$0x1E198] =	vst v63  }
0x514: {  	s3 =	spop (v2sf)  }
0x515: {  	_ =	swait.ge [sflag:s6], $0x3160  }
0x516: {  	[sflag:s6] =	ssyncset.done $0x0  }
0x517: {  	s11 =	simm.s32 $0x0;
	[sflag:s6] =	ssyncadd.s32 $0xFFFFCEA0  }
0x518: {  	v13 =	vld [tilespmem:s11+$0x3180];
	_ =	sdelay $0x4  }
0x519: {  	v14 =	vxor.u32 $0xFFFFFFFF, v13;
	v15 =	vor.u32 $0x80000000, v13;
	vm8 =	vlt.s32 v13, $0x0  }
0x51a: {  	v13 =	vsel vm8, v14, v15  }
0x51b: {  	v13 =	vxor.u32 $0x80000000, v13  }
0x51c: {  	vm8 =	vge.s32 v13, v12  }
0x51d: {  	v14 =	vsel vm8, $0x1, v4  }
0x51e: {  	(xrf0) =	vadd.scan.msk.s32 $0xffff, v14;
	_ =	sdelay $0x3  }
0x51f: {  	s0 =	sadd.s32 s0, s3;
	s1 =	sld [smem:$0x7EF]  }
0x520: {  	p1 =	slt.s32 s0, $0x7F0  }
0x521: {  	s0 =	simm.s32 @!p1 $0x7F0;
	v14, _, _ =	vpop (xrf0)  }
0x522: {  	v15 =	vor.u32 s1, v0;
	[tilespmem:s0+$0xE300] =	vst.msk vm8, v13;
	(v2sf) =	vpush v14, $0xF  }
0x523: {  	s2 =	simm.s32 $0x80;
	s3 =	simm.s32 $0x10;
	[tilespmem:s0+$0xEB00] =	vst.msk vm8, v15  }
.LBB2_34:
0x524: {  	p1 =	sne.s32 s2, $0xC540;
	v13 =	vld [tilespmem:s3+$0x3180];
	_ =	sdelay $0x4  }
0x525: {  	v14 =	vxor.u32 $0xFFFFFFFF, v13;
	v15 =	vor.u32 $0x80000000, v13;
	vm8 =	vlt.s32 v13, $0x0  }
0x526: {  	v13 =	vsel vm8, v14, v15  }
0x527: {  	v13 =	vxor.u32 $0x80000000, v13  }
0x528: {  	vm8 =	vge.s32 v13, v12  }
0x529: {  	v14 =	vsel vm8, $0x1, v4  }
0x52a: {  	(xrf0) =	vadd.scan.msk.s32 $0xffff, v14;
	_ =	sdelay $0x2  }
0x52b: {  	s3 =	spop (v2sf)  }
.Ltmp18:
0x52c: {  	s0 =	sadd.s32 s0, s3;
	(pc) =	sbr.rel @p1 .LBB2_34-.Ltmp18, $4  }
0x52d: {  	p2 =	slt.s32 s0, $0x7F0  }
0x52e: {  	s1 =	sadd.s32 $0x10, s1;
	v14, _, _ =	vpop (xrf0);
	s0 =	simm.s32 @!p2 $0x7F0  }
0x52f: {  	v15 =	vor.u32 s1, v0;
	[tilespmem:s0+$0xE300] =	vst.msk vm8, v13;
	(v2sf) =	vpush v14, $0xF  }
0x530: {  	s3 =	sshra.s32 s2, $0x2;
	s2 =	sadd.s32 $0x40, s2;
	[tilespmem:s0+$0xEB00] =	vst.msk vm8, v15  }
0x531: {  	v13 =	vld [tilespmem:s3+$0x3180];
	_ =	sdelay $0x4  }
0x532: {  	v14 =	vxor.u32 $0xFFFFFFFF, v13;
	v15 =	vor.u32 $0x80000000, v13;
	vm8 =	vlt.s32 v13, $0x0  }
0x533: {  	v13 =	vsel vm8, v14, v15  }
0x534: {  	v13 =	vxor.u32 $0x80000000, v13  }
0x535: {  	vm8 =	vge.s32 v13, v12  }
0x536: {  	v14 =	vsel vm8, $0x1, v4  }
0x537: {  	(xrf0) =	vadd.scan.msk.s32 $0xffff, v14;
	_ =	sdelay $0x5  }
0x538: {  	v14, _, _ =	vpop (xrf0)  }
0x539: {  	(v2sf) =	vpush v14, $0xF;
	_ =	sdelay $0x7  }
0x53a: {  	s2 =	spop (v2sf)  }
0x53b: {  	s0 =	sadd.s32 s0, s2  }
0x53c: {  	p1 =	slt.s32 s0, $0x7F0  }
0x53d: {  	s1 =	sadd.s32 $0x10, s1;
	s0 =	simm.s32 @!p1 $0x7F0  }
0x53e: {  	v14 =	vor.u32 s1, v0;
	[tilespmem:s0+$0xE300] =	vst.msk vm8, v13  }
0x53f: {  	s7 =	simm.s32 $0x0;
	[tilespmem:s0+$0xEB00] =	vst.msk vm8, v14  }
0x540: {  	[tilespmem:s5], [sflag:$0x2] =	stream.linear.gather [hbm4b:s24+s7], $0x3160, $0x38;
	[tilespmem:$0x1E198] =	vst v63  }
0x541: {  	s3 =	spop (v2sf)  }
0x542: {  	_ =	swait.ge [sflag:s19], $0x3160  }
0x543: {  	[sflag:s19] =	ssyncset.done $0x0  }
0x544: {  	s11 =	simm.s32 $0x0;
	[sflag:s19] =	ssyncadd.s32 $0xFFFFCEA0  }
0x545: {  	v13 =	vld [tilespmem:s11+$0x0];
	_ =	sdelay $0x4  }
0x546: {  	v14 =	vxor.u32 $0xFFFFFFFF, v13;
	v15 =	vor.u32 $0x80000000, v13;
	vm8 =	vlt.s32 v13, $0x0  }
0x547: {  	v13 =	vsel vm8, v14, v15  }
0x548: {  	v13 =	vxor.u32 $0x80000000, v13  }
0x549: {  	vm8 =	vge.s32 v13, v12  }
0x54a: {  	v14 =	vsel vm8, $0x1, v4  }
0x54b: {  	(xrf0) =	vadd.scan.msk.s32 $0xffff, v14;
	_ =	sdelay $0x3  }
0x54c: {  	s0 =	sadd.s32 s0, s3;
	s1 =	sld [smem:$0x7F0]  }
0x54d: {  	p1 =	slt.s32 s0, $0x7F0  }
0x54e: {  	s0 =	simm.s32 @!p1 $0x7F0;
	v14, _, _ =	vpop (xrf0)  }
0x54f: {  	v15 =	vor.u32 s1, v0;
	[tilespmem:s0+$0xE300] =	vst.msk vm8, v13;
	(v2sf) =	vpush v14, $0xF  }
0x550: {  	s2 =	simm.s32 $0x80;
	s3 =	simm.s32 $0x10;
	[tilespmem:s0+$0xEB00] =	vst.msk vm8, v15  }
.LBB2_36:
0x551: {  	p1 =	sne.s32 s2, $0xC540;
	v13 =	vld [tilespmem:s3+$0x0];
	_ =	sdelay $0x4  }
0x552: {  	v14 =	vxor.u32 $0xFFFFFFFF, v13;
	v15 =	vor.u32 $0x80000000, v13;
	vm8 =	vlt.s32 v13, $0x0  }
0x553: {  	v13 =	vsel vm8, v14, v15  }
0x554: {  	v13 =	vxor.u32 $0x80000000, v13  }
0x555: {  	vm8 =	vge.s32 v13, v12  }
0x556: {  	v14 =	vsel vm8, $0x1, v4  }
0x557: {  	(xrf0) =	vadd.scan.msk.s32 $0xffff, v14;
	_ =	sdelay $0x2  }
0x558: {  	s3 =	spop (v2sf)  }
.Ltmp19:
0x559: {  	s0 =	sadd.s32 s0, s3;
	(pc) =	sbr.rel @p1 .LBB2_36-.Ltmp19, $4  }
0x55a: {  	p2 =	slt.s32 s0, $0x7F0  }
0x55b: {  	s1 =	sadd.s32 $0x10, s1;
	v14, _, _ =	vpop (xrf0);
	s0 =	simm.s32 @!p2 $0x7F0  }
0x55c: {  	v15 =	vor.u32 s1, v0;
	[tilespmem:s0+$0xE300] =	vst.msk vm8, v13;
	(v2sf) =	vpush v14, $0xF  }
0x55d: {  	s3 =	sshra.s32 s2, $0x2;
	s2 =	sadd.s32 $0x40, s2;
	[tilespmem:s0+$0xEB00] =	vst.msk vm8, v15  }
0x55e: {  	v13 =	vld [tilespmem:s3+$0x0];
	_ =	sdelay $0x4  }
0x55f: {  	v14 =	vxor.u32 $0xFFFFFFFF, v13;
	v15 =	vor.u32 $0x80000000, v13;
	vm8 =	vlt.s32 v13, $0x0  }
0x560: {  	v13 =	vsel vm8, v14, v15  }
0x561: {  	v13 =	vxor.u32 $0x80000000, v13  }
0x562: {  	vm8 =	vge.s32 v13, v12  }
0x563: {  	v14 =	vsel vm8, $0x1, v4  }
0x564: {  	(xrf0) =	vadd.scan.msk.s32 $0xffff, v14;
	_ =	sdelay $0x5  }
0x565: {  	v14, _, _ =	vpop (xrf0)  }
0x566: {  	(v2sf) =	vpush v14, $0xF;
	_ =	sdelay $0x7  }
0x567: {  	s2 =	spop (v2sf)  }
0x568: {  	s0 =	sadd.s32 s0, s2  }
0x569: {  	p1 =	slt.s32 s0, $0x7F0  }
0x56a: {  	s1 =	sadd.s32 $0x10, s1;
	s0 =	simm.s32 @!p1 $0x7F0  }
0x56b: {  	v14 =	vor.u32 s1, v0;
	[tilespmem:s0+$0xE300] =	vst.msk vm8, v13  }
0x56c: {  	s7 =	simm.s32 $0x0;
	[tilespmem:s0+$0xEB00] =	vst.msk vm8, v14  }
0x56d: {  	[tilespmem:s7], [sflag:$0x1] =	stream.linear.gather [hbm4b:s25+s7], $0x3160, $0x38;
	[tilespmem:$0x1E198] =	vst v63  }
0x56e: {  	s3 =	spop (v2sf)  }
0x56f: {  	_ =	swait.ge [sflag:s6], $0x3160  }
0x570: {  	[sflag:s6] =	ssyncset.done $0x0  }
0x571: {  	s11 =	simm.s32 $0x0;
	[sflag:s6] =	ssyncadd.s32 $0xFFFFCEA0  }
0x572: {  	v13 =	vld [tilespmem:s11+$0x3180];
	_ =	sdelay $0x4  }
0x573: {  	v14 =	vxor.u32 $0xFFFFFFFF, v13;
	v15 =	vor.u32 $0x80000000, v13;
	vm8 =	vlt.s32 v13, $0x0  }
0x574: {  	v13 =	vsel vm8, v14, v15  }
0x575: {  	v13 =	vxor.u32 $0x80000000, v13  }
0x576: {  	vm8 =	vge.s32 v13, v12  }
0x577: {  	v14 =	vsel vm8, $0x1, v4  }
0x578: {  	(xrf0) =	vadd.scan.msk.s32 $0xffff, v14;
	_ =	sdelay $0x3  }
0x579: {  	s0 =	sadd.s32 s0, s3;
	s1 =	sld [smem:$0x7F1]  }
0x57a: {  	p1 =	slt.s32 s0, $0x7F0  }
0x57b: {  	s0 =	simm.s32 @!p1 $0x7F0;
	v14, _, _ =	vpop (xrf0)  }
0x57c: {  	v15 =	vor.u32 s1, v0;
	[tilespmem:s0+$0xE300] =	vst.msk vm8, v13;
	(v2sf) =	vpush v14, $0xF  }
0x57d: {  	s2 =	simm.s32 $0x80;
	s3 =	simm.s32 $0x10;
	[tilespmem:s0+$0xEB00] =	vst.msk vm8, v15  }
.LBB2_38:
0x57e: {  	p1 =	sne.s32 s2, $0xC540;
	v13 =	vld [tilespmem:s3+$0x3180];
	_ =	sdelay $0x4  }
0x57f: {  	v14 =	vxor.u32 $0xFFFFFFFF, v13;
	v15 =	vor.u32 $0x80000000, v13;
	vm8 =	vlt.s32 v13, $0x0  }
0x580: {  	v13 =	vsel vm8, v14, v15  }
0x581: {  	v13 =	vxor.u32 $0x80000000, v13  }
0x582: {  	vm8 =	vge.s32 v13, v12  }
0x583: {  	v14 =	vsel vm8, $0x1, v4  }
0x584: {  	(xrf0) =	vadd.scan.msk.s32 $0xffff, v14;
	_ =	sdelay $0x2  }
0x585: {  	s3 =	spop (v2sf)  }
.Ltmp20:
0x586: {  	s0 =	sadd.s32 s0, s3;
	(pc) =	sbr.rel @p1 .LBB2_38-.Ltmp20, $4  }
0x587: {  	p2 =	slt.s32 s0, $0x7F0  }
0x588: {  	s1 =	sadd.s32 $0x10, s1;
	v14, _, _ =	vpop (xrf0);
	s0 =	simm.s32 @!p2 $0x7F0  }
0x589: {  	v15 =	vor.u32 s1, v0;
	[tilespmem:s0+$0xE300] =	vst.msk vm8, v13;
	(v2sf) =	vpush v14, $0xF  }
0x58a: {  	s3 =	sshra.s32 s2, $0x2;
	s2 =	sadd.s32 $0x40, s2;
	[tilespmem:s0+$0xEB00] =	vst.msk vm8, v15  }
0x58b: {  	v13 =	vld [tilespmem:s3+$0x3180];
	_ =	sdelay $0x4  }
0x58c: {  	v14 =	vxor.u32 $0xFFFFFFFF, v13;
	v15 =	vor.u32 $0x80000000, v13;
	vm8 =	vlt.s32 v13, $0x0  }
0x58d: {  	v13 =	vsel vm8, v14, v15  }
0x58e: {  	v13 =	vxor.u32 $0x80000000, v13  }
0x58f: {  	vm8 =	vge.s32 v13, v12  }
0x590: {  	v14 =	vsel vm8, $0x1, v4  }
0x591: {  	(xrf0) =	vadd.scan.msk.s32 $0xffff, v14;
	_ =	sdelay $0x5  }
0x592: {  	v14, _, _ =	vpop (xrf0)  }
0x593: {  	(v2sf) =	vpush v14, $0xF;
	_ =	sdelay $0x7  }
0x594: {  	s2 =	spop (v2sf)  }
0x595: {  	s0 =	sadd.s32 s0, s2  }
0x596: {  	p1 =	slt.s32 s0, $0x7F0  }
0x597: {  	s1 =	sadd.s32 $0x10, s1;
	s0 =	simm.s32 @!p1 $0x7F0  }
0x598: {  	v14 =	vor.u32 s1, v0;
	[tilespmem:s0+$0xE300] =	vst.msk vm8, v13  }
0x599: {  	s7 =	simm.s32 $0x0;
	[tilespmem:s0+$0xEB00] =	vst.msk vm8, v14  }
0x59a: {  	[tilespmem:s5], [sflag:$0x2] =	stream.linear.gather [hbm4b:s26+s7], $0x3160, $0x38;
	[tilespmem:$0x1E198] =	vst v63  }
0x59b: {  	s3 =	spop (v2sf)  }
0x59c: {  	_ =	swait.ge [sflag:s19], $0x3160  }
0x59d: {  	[sflag:s19] =	ssyncset.done $0x0  }
0x59e: {  	s11 =	simm.s32 $0x0;
	[sflag:s19] =	ssyncadd.s32 $0xFFFFCEA0  }
0x59f: {  	v13 =	vld [tilespmem:s11+$0x0];
	_ =	sdelay $0x4  }
0x5a0: {  	v14 =	vxor.u32 $0xFFFFFFFF, v13;
	v15 =	vor.u32 $0x80000000, v13;
	vm8 =	vlt.s32 v13, $0x0  }
0x5a1: {  	v13 =	vsel vm8, v14, v15  }
0x5a2: {  	v13 =	vxor.u32 $0x80000000, v13  }
0x5a3: {  	vm8 =	vge.s32 v13, v12  }
0x5a4: {  	v14 =	vsel vm8, $0x1, v4  }
0x5a5: {  	(xrf0) =	vadd.scan.msk.s32 $0xffff, v14;
	_ =	sdelay $0x3  }
0x5a6: {  	s0 =	sadd.s32 s0, s3;
	s1 =	sld [smem:$0x7F2]  }
0x5a7: {  	p1 =	slt.s32 s0, $0x7F0  }
0x5a8: {  	s0 =	simm.s32 @!p1 $0x7F0;
	v14, _, _ =	vpop (xrf0)  }
0x5a9: {  	v15 =	vor.u32 s1, v0;
	[tilespmem:s0+$0xE300] =	vst.msk vm8, v13;
	(v2sf) =	vpush v14, $0xF  }
0x5aa: {  	s2 =	simm.s32 $0x80;
	s3 =	simm.s32 $0x10;
	[tilespmem:s0+$0xEB00] =	vst.msk vm8, v15  }
.LBB2_40:
0x5ab: {  	p1 =	sne.s32 s2, $0xC540;
	v13 =	vld [tilespmem:s3+$0x0];
	_ =	sdelay $0x4  }
0x5ac: {  	v14 =	vxor.u32 $0xFFFFFFFF, v13;
	v15 =	vor.u32 $0x80000000, v13;
	vm8 =	vlt.s32 v13, $0x0  }
0x5ad: {  	v13 =	vsel vm8, v14, v15  }
0x5ae: {  	v13 =	vxor.u32 $0x80000000, v13  }
0x5af: {  	vm8 =	vge.s32 v13, v12  }
0x5b0: {  	v14 =	vsel vm8, $0x1, v4  }
0x5b1: {  	(xrf0) =	vadd.scan.msk.s32 $0xffff, v14;
	_ =	sdelay $0x2  }
0x5b2: {  	s3 =	spop (v2sf)  }
.Ltmp21:
0x5b3: {  	s0 =	sadd.s32 s0, s3;
	(pc) =	sbr.rel @p1 .LBB2_40-.Ltmp21, $4  }
0x5b4: {  	p2 =	slt.s32 s0, $0x7F0  }
0x5b5: {  	s1 =	sadd.s32 $0x10, s1;
	v14, _, _ =	vpop (xrf0);
	s0 =	simm.s32 @!p2 $0x7F0  }
0x5b6: {  	v15 =	vor.u32 s1, v0;
	[tilespmem:s0+$0xE300] =	vst.msk vm8, v13;
	(v2sf) =	vpush v14, $0xF  }
0x5b7: {  	s3 =	sshra.s32 s2, $0x2;
	s2 =	sadd.s32 $0x40, s2;
	[tilespmem:s0+$0xEB00] =	vst.msk vm8, v15  }
0x5b8: {  	v13 =	vld [tilespmem:s3+$0x0];
	_ =	sdelay $0x4  }
0x5b9: {  	v14 =	vxor.u32 $0xFFFFFFFF, v13;
	v15 =	vor.u32 $0x80000000, v13;
	vm8 =	vlt.s32 v13, $0x0  }
0x5ba: {  	v13 =	vsel vm8, v14, v15  }
0x5bb: {  	v13 =	vxor.u32 $0x80000000, v13  }
0x5bc: {  	vm8 =	vge.s32 v13, v12  }
0x5bd: {  	v14 =	vsel vm8, $0x1, v4  }
0x5be: {  	(xrf0) =	vadd.scan.msk.s32 $0xffff, v14;
	_ =	sdelay $0x5  }
0x5bf: {  	v14, _, _ =	vpop (xrf0)  }
0x5c0: {  	(v2sf) =	vpush v14, $0xF;
	_ =	sdelay $0x7  }
0x5c1: {  	s2 =	spop (v2sf)  }
0x5c2: {  	s0 =	sadd.s32 s0, s2  }
0x5c3: {  	p1 =	slt.s32 s0, $0x7F0  }
0x5c4: {  	s1 =	sadd.s32 $0x10, s1;
	s0 =	simm.s32 @!p1 $0x7F0  }
0x5c5: {  	v14 =	vor.u32 s1, v0;
	[tilespmem:s0+$0xE300] =	vst.msk vm8, v13  }
0x5c6: {  	s7 =	simm.s32 $0x0;
	[tilespmem:s0+$0xEB00] =	vst.msk vm8, v14  }
0x5c7: {  	[tilespmem:s7], [sflag:$0x1] =	stream.linear.gather [hbm4b:s28+s7], $0x3160, $0x38;
	[tilespmem:$0x1E198] =	vst v63  }
0x5c8: {  	s3 =	spop (v2sf)  }
0x5c9: {  	_ =	swait.ge [sflag:s6], $0x3160  }
0x5ca: {  	[sflag:s6] =	ssyncset.done $0x0  }
0x5cb: {  	s11 =	simm.s32 $0x0;
	[sflag:s6] =	ssyncadd.s32 $0xFFFFCEA0  }
0x5cc: {  	v13 =	vld [tilespmem:s11+$0x3180];
	_ =	sdelay $0x4  }
0x5cd: {  	v14 =	vxor.u32 $0xFFFFFFFF, v13;
	v15 =	vor.u32 $0x80000000, v13;
	vm8 =	vlt.s32 v13, $0x0  }
0x5ce: {  	v13 =	vsel vm8, v14, v15  }
0x5cf: {  	v13 =	vxor.u32 $0x80000000, v13  }
0x5d0: {  	vm8 =	vge.s32 v13, v12  }
0x5d1: {  	v14 =	vsel vm8, $0x1, v4  }
0x5d2: {  	(xrf0) =	vadd.scan.msk.s32 $0xffff, v14;
	_ =	sdelay $0x3  }
0x5d3: {  	s0 =	sadd.s32 s0, s3;
	s1 =	sld [smem:$0x7F3]  }
0x5d4: {  	p1 =	slt.s32 s0, $0x7F0  }
0x5d5: {  	s0 =	simm.s32 @!p1 $0x7F0;
	v14, _, _ =	vpop (xrf0)  }
0x5d6: {  	v15 =	vor.u32 s1, v0;
	[tilespmem:s0+$0xE300] =	vst.msk vm8, v13;
	(v2sf) =	vpush v14, $0xF  }
0x5d7: {  	s2 =	simm.s32 $0x80;
	s3 =	simm.s32 $0x10;
	[tilespmem:s0+$0xEB00] =	vst.msk vm8, v15  }
.LBB2_42:
0x5d8: {  	p1 =	sne.s32 s2, $0xC540;
	v13 =	vld [tilespmem:s3+$0x3180];
	_ =	sdelay $0x4  }
0x5d9: {  	v14 =	vxor.u32 $0xFFFFFFFF, v13;
	v15 =	vor.u32 $0x80000000, v13;
	vm8 =	vlt.s32 v13, $0x0  }
0x5da: {  	v13 =	vsel vm8, v14, v15  }
0x5db: {  	v13 =	vxor.u32 $0x80000000, v13  }
0x5dc: {  	vm8 =	vge.s32 v13, v12  }
0x5dd: {  	v14 =	vsel vm8, $0x1, v4  }
0x5de: {  	(xrf0) =	vadd.scan.msk.s32 $0xffff, v14;
	_ =	sdelay $0x2  }
0x5df: {  	s3 =	spop (v2sf)  }
.Ltmp22:
0x5e0: {  	s0 =	sadd.s32 s0, s3;
	(pc) =	sbr.rel @p1 .LBB2_42-.Ltmp22, $4  }
0x5e1: {  	p2 =	slt.s32 s0, $0x7F0  }
0x5e2: {  	s1 =	sadd.s32 $0x10, s1;
	v14, _, _ =	vpop (xrf0);
	s0 =	simm.s32 @!p2 $0x7F0  }
0x5e3: {  	v15 =	vor.u32 s1, v0;
	[tilespmem:s0+$0xE300] =	vst.msk vm8, v13;
	(v2sf) =	vpush v14, $0xF  }
0x5e4: {  	s3 =	sshra.s32 s2, $0x2;
	s2 =	sadd.s32 $0x40, s2;
	[tilespmem:s0+$0xEB00] =	vst.msk vm8, v15  }
0x5e5: {  	v13 =	vld [tilespmem:s3+$0x3180];
	_ =	sdelay $0x4  }
0x5e6: {  	v14 =	vxor.u32 $0xFFFFFFFF, v13;
	v15 =	vor.u32 $0x80000000, v13;
	vm8 =	vlt.s32 v13, $0x0  }
0x5e7: {  	v13 =	vsel vm8, v14, v15  }
0x5e8: {  	v13 =	vxor.u32 $0x80000000, v13  }
0x5e9: {  	vm8 =	vge.s32 v13, v12  }
0x5ea: {  	v14 =	vsel vm8, $0x1, v4  }
0x5eb: {  	(xrf0) =	vadd.scan.msk.s32 $0xffff, v14;
	_ =	sdelay $0x5  }
0x5ec: {  	v14, _, _ =	vpop (xrf0)  }
0x5ed: {  	(v2sf) =	vpush v14, $0xF;
	_ =	sdelay $0x9  }
0x5ee: {  	s2 =	spop (v2sf)  }
0x5ef: {  	s0 =	sadd.s32 s0, s2  }
0x5f0: {  	p1 =	slt.s32 s0, $0x7F0  }
0x5f1: {  	s1 =	sadd.s32 $0x10, s1;
	s0 =	simm.s32 @!p1 $0x7F0  }
0x5f2: {  	v14 =	vor.u32 s1, v0;
	[tilespmem:s0+$0xE300] =	vst.msk vm8, v13  }
0x5f3: {  	[tilespmem:s0+$0xEB00] =	vst.msk vm8, v14;
	s7 =	spop (v2sf)  }
0x5f4: {  	_ =	swait.ge [sflag:s19], $0x3160  }
0x5f5: {  	[sflag:s19] =	ssyncset.done $0x0  }
0x5f6: {  	s11 =	simm.s32 $0x0;
	[sflag:s19] =	ssyncadd.s32 $0xFFFFCEA0  }
0x5f7: {  	v13 =	vld [tilespmem:s11+$0x0];
	_ =	sdelay $0x4  }
0x5f8: {  	v14 =	vxor.u32 $0xFFFFFFFF, v13;
	v15 =	vor.u32 $0x80000000, v13;
	vm8 =	vlt.s32 v13, $0x0  }
0x5f9: {  	v13 =	vsel vm8, v14, v15  }
0x5fa: {  	v13 =	vxor.u32 $0x80000000, v13  }
0x5fb: {  	vm8 =	vge.s32 v13, v12  }
0x5fc: {  	v14 =	vsel vm8, $0x1, v4  }
0x5fd: {  	(xrf0) =	vadd.scan.msk.s32 $0xffff, v14;
	_ =	sdelay $0x3  }
0x5fe: {  	s0 =	sadd.s32 s0, s7;
	s1 =	sld [smem:$0x7F4]  }
0x5ff: {  	p1 =	slt.s32 s0, $0x7F0  }
0x600: {  	s0 =	simm.s32 @!p1 $0x7F0;
	v14, _, _ =	vpop (xrf0)  }
0x601: {  	v15 =	vor.u32 s1, v0;
	[tilespmem:s0+$0xE300] =	vst.msk vm8, v13;
	(v2sf) =	vpush v14, $0xF  }
0x602: {  	s3 =	simm.s32 $0x10;
	s2 =	simm.s32 $0x80;
	[tilespmem:s0+$0xEB00] =	vst.msk vm8, v15  }
.LBB2_44:
0x603: {  	p1 =	sne.s32 s2, $0xC540;
	v13 =	vld [tilespmem:s3+$0x0];
	_ =	sdelay $0x4  }
0x604: {  	v14 =	vxor.u32 $0xFFFFFFFF, v13;
	v15 =	vor.u32 $0x80000000, v13;
	vm8 =	vlt.s32 v13, $0x0  }
0x605: {  	v13 =	vsel vm8, v14, v15  }
0x606: {  	v13 =	vxor.u32 $0x80000000, v13  }
0x607: {  	vm8 =	vge.s32 v13, v12  }
0x608: {  	v14 =	vsel vm8, $0x1, v4  }
0x609: {  	(xrf0) =	vadd.scan.msk.s32 $0xffff, v14;
	_ =	sdelay $0x2  }
0x60a: {  	s3 =	spop (v2sf)  }
.Ltmp23:
0x60b: {  	s0 =	sadd.s32 s0, s3;
	(pc) =	sbr.rel @p1 .LBB2_44-.Ltmp23, $4  }
0x60c: {  	p2 =	slt.s32 s0, $0x7F0  }
0x60d: {  	s1 =	sadd.s32 $0x10, s1;
	v14, _, _ =	vpop (xrf0);
	s0 =	simm.s32 @!p2 $0x7F0  }
0x60e: {  	v15 =	vor.u32 s1, v0;
	[tilespmem:s0+$0xE300] =	vst.msk vm8, v13;
	(v2sf) =	vpush v14, $0xF  }
0x60f: {  	s3 =	sshra.s32 s2, $0x2;
	s2 =	sadd.s32 $0x40, s2;
	[tilespmem:s0+$0xEB00] =	vst.msk vm8, v15  }
0x610: {  	v13 =	vld [tilespmem:s3+$0x0];
	_ =	sdelay $0x4  }
0x611: {  	v14 =	vxor.u32 $0xFFFFFFFF, v13;
	v15 =	vor.u32 $0x80000000, v13;
	vm8 =	vlt.s32 v13, $0x0  }
0x612: {  	v13 =	vsel vm8, v14, v15  }
0x613: {  	v13 =	vxor.u32 $0x80000000, v13  }
0x614: {  	vm8 =	vge.s32 v13, v12  }
0x615: {  	v12 =	vsel vm8, $0x1, v4  }
0x616: {  	(xrf0) =	vadd.scan.msk.s32 $0xffff, v12;
	_ =	sdelay $0x5  }
0x617: {  	v12, _, _ =	vpop (xrf0)  }
0x618: {  	(v2sf) =	vpush v12, $0xF;
	_ =	sdelay $0xb  }
0x619: {  	s2 =	spop (v2sf)  }
0x61a: {  	s0 =	sadd.s32 s0, s2  }
0x61b: {  	p1 =	slt.s32 s0, $0x7F0  }
0x61c: {  	s0 =	simm.s32 @!p1 $0x7F0;
	s11 =	spop (v2sf)  }
0x61d: {  	s1 =	sadd.s32 $0x10, s1;
	s2 =	sadd.s32 s0, s11  }
0x61e: {  	v62 =	vor.u32 s1, v0;
	[tilespmem:s0+$0xE300] =	vst.msk vm8, v13;
	p1 =	slt.s32 s2, $0x7F0  }
0x61f: {  	[tilespmem:s0+$0xEB00] =	vst.msk vm8, v62;
	s2 =	simm.s32 @!p1 $0x7F0  }
0x620: {  	[tilespmem:s2+$0xE300] =	vst v9  }
0x621: {  	[tilespmem:s2+$0xEB00] =	vst v4;
	v63 =	vmov s2  }
0x622: {  	s2 =	simm.s32 $0xE300;
	[tilespmem:$0x15380] =	vst v63  }
0x623: {  	[spmem:s21] =	stream.strided.scatter [tilespmem:s2], [sflag:$0x3], $0x800, s10, s9, $0x38;
	[tilespmem:$0x1E198] =	vst v63  }
0x624: {  	_ =	swait.ge [sflag:s4], $0x800  }
0x625: {  	s7 =	sld [smem:$0x7E9]  }
0x626: {  	[sflag:s4] =	ssyncset.done $0x0  }
0x627: {  	s3 =	simm.s32 $0xEB00;
	[sflag:s4] =	ssyncadd.s32 $0xFFFFF800  }
0x628: {  	[spmem:s7] =	stream.strided.scatter [tilespmem:s3], [sflag:$0x3], $0x800, s10, s9, $0x38;
	[tilespmem:$0x1E198] =	vst v63  }
0x629: {  	_ =	swait.ge [sflag:s4], $0x800  }
0x62a: {  	[sflag:s4] =	ssyncset.done $0x0  }
0x62b: {  	s11 =	simm.s32 $0x15380;
	[sflag:s4] =	ssyncadd.s32 $0xFFFFF800  }
0x62c: {  	[spmem:s12] =	stream.linear.scatter [tilespmem:s11], [sflag:$0x3], $0x80, $0x38;
	[tilespmem:$0x1E198] =	vst v63  }
.Ltmp24:
0x62d: {  	_ =	swait.ge [sflag:s4], $0x80;
	(pc) =	sbr.rel @p0 .LBB2_81-.Ltmp24, $3  }
0x62e: {  	[sflag:s4] =	ssyncset.done $0x0  }
0x62f: {  	[sflag:s4] =	ssyncadd.s32 $0xFFFFFF80  }
0x630: {  	[bflag:$0x0] =	sbarrier.arrive $0xFFFF;
	_ =	sdelay $0x1  }
0x631: {  	[smem:$0x7E8] =	sst s22;
	s0 =	simm.s32 $0xF300  }
0x632: {  	[tilespmem:s0], [sflag:$0x3] =	stream.strided.gather [spmem:s21], $0x800, s10, s9, $0x38;
	[tilespmem:$0x1E198] =	vst v63  }
0x633: {  	_ =	swait.ge [sflag:s4], $0x800  }
0x634: {  	s1 =	sld [smem:$0x7E9]  }
0x635: {  	[sflag:s4] =	ssyncset.done $0x0  }
0x636: {  	s26 =	simm.s32 $0x11300;
	[sflag:s4] =	ssyncadd.s32 $0xFFFFF800  }
0x637: {  	[tilespmem:s26], [sflag:$0x3] =	stream.strided.gather [spmem:s1], $0x800, s10, s9, $0x38;
	[tilespmem:$0x1E198] =	vst v63  }
0x638: {  	_ =	swait.ge [sflag:s4], $0x800  }
0x639: {  	[sflag:s4] =	ssyncset.done $0x0  }
0x63a: {  	s28 =	simm.s32 $0x15380;
	[sflag:s4] =	ssyncadd.s32 $0xFFFFF800  }
0x63b: {  	[tilespmem:s28], [sflag:$0x3] =	stream.linear.gather [spmem:s12], $0x80, $0x38;
	[tilespmem:$0x1E198] =	vst v63  }
0x63c: {  	_ =	swait.ge [sflag:s4], $0x80  }
0x63d: {  	[sflag:s4] =	ssyncset.done $0x0  }
0x63e: {  	s2 =	simm.s32 $0xFB00;
	s29 =	rddreg [dreg:$0x10];
	[sflag:s4] =	ssyncadd.s32 $0xFFFFFF80  }
0x63f: {  	v12 =	vld [tilespmem:$0x15380];
	[tilespmem:s2], [sflag:$0x3] =	stream.strided.gather [spmem:s29], $0x800, s10, s9, $0x38  }
0x640: {  	_ =	swait.ge [sflag:s4], $0x800  }
0x641: {  	[sflag:s4] =	ssyncset.done $0x0  }
0x642: {  	s31 =	simm.s32 $0x11B00;
	s30 =	rddreg [dreg:$0x11];
	[sflag:s4] =	ssyncadd.s32 $0xFFFFF800  }
0x643: {  	[tilespmem:s31], [sflag:$0x3] =	stream.strided.gather [spmem:s30], $0x800, s10, s9, $0x38;
	[tilespmem:$0x1E198] =	vst v63  }
0x644: {  	_ =	swait.ge [sflag:s4], $0x800  }
0x645: {  	[sflag:s4] =	ssyncset.done $0x0  }
0x646: {  	s3 =	rddreg [dreg:$0x17];
	[sflag:s4] =	ssyncadd.s32 $0xFFFFF800  }
0x647: {  	[tilespmem:s28], [sflag:$0x3] =	stream.linear.gather [spmem:s3], $0x80, $0x38;
	[tilespmem:$0x1E198] =	vst v63  }
0x648: {  	_ =	swait.ge [sflag:s4], $0x80  }
0x649: {  	[sflag:s4] =	ssyncset.done $0x0  }
0x64a: {  	s6 =	simm.s32 $0x10300;
	s5 =	rddreg [dreg:$0x12];
	[sflag:s4] =	ssyncadd.s32 $0xFFFFFF80  }
0x64b: {  	v13 =	vld [tilespmem:$0x15380];
	[tilespmem:s6], [sflag:$0x3] =	stream.strided.gather [spmem:s5], $0x800, s10, s9, $0x38  }
0x64c: {  	_ =	swait.ge [sflag:s4], $0x800  }
0x64d: {  	[sflag:s4] =	ssyncset.done $0x0  }
0x64e: {  	s11 =	simm.s32 $0x12300;
	s7 =	rddreg [dreg:$0x13];
	[sflag:s4] =	ssyncadd.s32 $0xFFFFF800  }
0x64f: {  	[tilespmem:s11], [sflag:$0x3] =	stream.strided.gather [spmem:s7], $0x800, s10, s9, $0x38;
	[tilespmem:$0x1E198] =	vst v63  }
0x650: {  	_ =	swait.ge [sflag:s4], $0x800  }
0x651: {  	[sflag:s4] =	ssyncset.done $0x0  }
0x652: {  	s12 =	rddreg [dreg:$0x18];
	[sflag:s4] =	ssyncadd.s32 $0xFFFFF800  }
0x653: {  	[tilespmem:s28], [sflag:$0x3] =	stream.linear.gather [spmem:s12], $0x80, $0x38;
	[tilespmem:$0x1E198] =	vst v63  }
0x654: {  	_ =	swait.ge [sflag:s4], $0x80  }
0x655: {  	[sflag:s4] =	ssyncset.done $0x0  }
0x656: {  	s14 =	simm.s32 $0x10B00;
	s13 =	rddreg [dreg:$0x14];
	[sflag:s4] =	ssyncadd.s32 $0xFFFFFF80  }
0x657: {  	v14 =	vld [tilespmem:$0x15380];
	[tilespmem:s14], [sflag:$0x3] =	stream.strided.gather [spmem:s13], $0x800, s10, s9, $0x38  }
0x658: {  	_ =	swait.ge [sflag:s4], $0x800  }
0x659: {  	[sflag:s4] =	ssyncset.done $0x0  }
0x65a: {  	s16 =	simm.s32 $0x12B00;
	s15 =	rddreg [dreg:$0x15];
	[sflag:s4] =	ssyncadd.s32 $0xFFFFF800  }
0x65b: {  	[tilespmem:s16], [sflag:$0x3] =	stream.strided.gather [spmem:s15], $0x800, s10, s9, $0x38;
	[tilespmem:$0x1E198] =	vst v63  }
0x65c: {  	_ =	swait.ge [sflag:s4], $0x800  }
0x65d: {  	[sflag:s4] =	ssyncset.done $0x0  }
0x65e: {  	s17 =	rddreg [dreg:$0x19];
	[sflag:s4] =	ssyncadd.s32 $0xFFFFF800  }
0x65f: {  	[tilespmem:s28], [sflag:$0x3] =	stream.linear.gather [spmem:s17], $0x80, $0x38;
	[tilespmem:$0x1E198] =	vst v63  }
0x660: {  	v12 =	vxor.u32 $0x80000000, v12;
	_ =	swait.ge [sflag:s4], $0x80  }
0x661: {  	(xrf0) =	vmax.scan.msk.u32 $0xffff, v12  }
0x662: {  	v57 =	vxor.u32 $0x80000000, v13  }
0x663: {  	v58 =	vxor.u32 $0x80000000, v14;
	(xrf0) =	vmax.scan.msk.u32 $0xffff, v57  }
0x664: {  	(xrf0) =	vmax.scan.msk.u32 $0xffff, v58;
	_ =	sdelay $0x1  }
0x665: {  	[sflag:s4] =	ssyncset.done $0x0  }
0x666: {  	[sflag:s4] =	ssyncadd.s32 $0xFFFFFF80;
	v59, _, _ =	vpop (xrf0)  }
0x667: {  	v60 =	vld [tilespmem:$0x15380];
	(v2sf) =	vpush v59, $0xF  }
0x668: {  	v61, _, _ =	vpop (xrf0)  }
0x669: {  	(v2sf) =	vpush v61, $0xF;
	v62, _, _ =	vpop (xrf0)  }
0x66a: {  	(v2sf) =	vpush v62, $0xF;
	_ =	sdelay $0x1  }
0x66b: {  	v63 =	vxor.u32 $0x80000000, v60  }
0x66c: {  	(xrf0) =	vmax.scan.msk.u32 $0xffff, v63;
	_ =	sdelay $0x5  }
0x66d: {  	v12, _, _ =	vpop (xrf0)  }
0x66e: {  	(v2sf) =	vpush v12, $0xF;
	_ =	sdelay $0x1  }
0x66f: {  	s18 =	spop (v2sf)  }
0x670: {  	s9 =	simm.s32 $0x15480;
	s0 =	sadd.s32 $0x8000000F, s18  }
0x671: {  	s10 =	simm.s32 $0x15500;
	s21 =	spop (v2sf);
	s20 =	sshra.s32 s0, $0x1F  }
0x672: {  	s3 =	sand.u32 $0xF, s0;
	p1 =	slt.s32 s0, $0x1;
	s22 =	spop (v2sf)  }
0x673: {  	s2 =	sadd.s32 $0x8000000F, s21;
	s1 =	sshrl.u32 s20, $0x1C;
	p2 =	sne.s32 s3, $0x0  }
0x674: {  	s3 =	simm.s32 $0x1;
	s5 =	sshra.s32 s2, $0x1F;
	s6 =	sand.u32 $0xF, s2  }
0x675: {  	s24 =	sadd.s32 $0x8000000F, s22;
	s1 =	sadd.s32 s1, s0;
	p1 =	por !p1, !p2  }
0x676: {  	s5 =	sshrl.u32 s5, $0x1C;
	p2 =	slt.s32 s2, $0x1;
	p3 =	sne.s32 s6, $0x0  }
0x677: {  	s26 =	sshra.s32 s24, $0x1F;
	s28 =	sand.u32 $0xF, s24;
	p4 =	slt.s32 s24, $0x1  }
0x678: {  	[tilespmem:$0x15480] =	vst v4;
	s6 =	simm.s32 $0xFFFFFFFF;
	s1 =	sshra.s32 s1, $0x4;
	p1 =	por !p1, !p1  }
0x679: {  	[tilespmem:$0x15500] =	vst v4;
	s23 =	sadd.s32 s5, s2;
	s2 =	simm.s32 $0x1;
	p5 =	sne.s32 s28, $0x0  }
0x67a: {  	[tilespmem:$0x15490] =	vst v4;
	s3 =	simm.s32 @!p1 $0x0;
	p1 =	por !p2, !p3;
	s25 =	sshra.s32 s23, $0x4  }
0x67b: {  	[tilespmem:$0x15510] =	vst v4;
	s12 =	ssub.s32 s1, s3;
	p1 =	por !p1, !p1;
	s1 =	sshrl.u32 s26, $0x1C  }
0x67c: {  	[tilespmem:$0x154A0] =	vst v4;
	s3 =	simm.s32 $0x1;
	s2 =	simm.s32 @!p1 $0x0;
	s29 =	spop (v2sf)  }
0x67d: {  	[tilespmem:$0x15520] =	vst v4;
	s1 =	sadd.s32 s1, s24;
	p1 =	por !p4, !p5;
	s0 =	ssub.s32 s25, s2  }
0x67e: {  	[tilespmem:$0x154B0] =	vst v4;
	s2 =	sadd.s32 $0x8000000F, s29;
	s1 =	sshra.s32 s1, $0x4;
	p1 =	por !p1, !p1  }
0x67f: {  	[tilespmem:$0x15530] =	vst v4;
	s30 =	sand.u32 $0xF, s2;
	s31 =	sshra.s32 s2, $0x1F;
	p6 =	slt.s32 s2, $0x1  }
0x680: {  	[tilespmem:$0x154C0] =	vst v4;
	s3 =	simm.s32 @!p1 $0x0;
	p1 =	sgt.s32 s12, $0x0;
	p3 =	sne.s32 s30, $0x0  }
.Ltmp25:
0x681: {  	[tilespmem:$0x15540] =	vst v4;
	s5 =	sshrl.u32 s31, $0x1C;
	p2 =	por !p6, !p3;
	(pc) =	sbr.rel .LBB2_47-.Ltmp25, $4  }
0x682: {  	[tilespmem:$0x154D0] =	vst v4;
	s2 =	sadd.s32 s5, s2;
	s5 =	simm.s32 $0x1;
	p2 =	por !p2, !p2  }
0x683: {  	[tilespmem:$0x15550] =	vst v4;
	s1 =	ssub.s32 s1, s3;
	s2 =	sshra.s32 s2, $0x4;
	s5 =	simm.s32 @!p2 $0x0  }
0x684: {  	[tilespmem:$0x154E0] =	vst v4;
	s3 =	simm.s32 $0x0;
	p3 =	sgt.s32 s1, $0x0;
	s2 =	ssub.s32 s2, s5  }
0x685: {  	[tilespmem:$0x15560] =	vst v4;
	p2 =	sgt.s32 s0, $0x0;
	s5 =	simm.s32 $0x7FFFFFFF;
	p4 =	sgt.s32 s2, $0x0  }
.LBB2_68:
0x686: {  	v17 =	vmov v16;
	v19 =	vmov v14;
	v20 =	vmov v15  }
.LBB2_78:
0x687: {  	vm11 =	veq.s32 v22, v12;
	vm12 =	vgt.s32 v17, v13  }
0x688: {  	vm9 =	vmor @p5 vm9, vm10;
	vm13 =	vmand vm11, vm12  }
0x689: {  	v12 =	vsel @p5 vm9, v18, v19;
	v13 =	vsel @p5 vm9, v16, v20;
	vm8 =	vmor vm8, vm13  }
0x68a: {  	v12 =	vpsel p5, v12, v14;
	v13 =	vpsel p5, v13, v15;
	v16 =	vnsel vm8, $0x80000000, v22  }
0x68b: {  	vm14 =	vlt.s32 v17, v13;
	vm8 =	veq.s32 v16, v12  }
0x68c: {  	vm15 =	vgt.s32 v16, v12;
	vm8 =	vmand vm14, vm8  }
0x68d: {  	vm8 =	vmor vm15, vm8  }
0x68e: {  	v14 =	vsel vm8, v16, v12;
	v15 =	vsel vm8, v17, v13  }
.LBB2_79:
0x68f: {  	v12 =	vxor.u32 $0x80000000, v14  }
0x690: {  	(xrf0) =	vmax.scan.msk.u32 $0xffff, v12;
	_ =	sdelay $0x5  }
0x691: {  	v12, _, _ =	vpop (xrf0)  }
0x692: {  	(v2sf) =	vpush v12, $0xF;
	_ =	sdelay $0xe  }
0x693: {  	s5 =	spop (v2sf)  }
0x694: {  	s5 =	sxor.u32 $0x80000000, s5  }
0x695: {  	v61 =	vxor.u32 $0x80000000, v15;
	vm8 =	veq.s32 v14, s5  }
0x696: {  	v12 =	vnsel vm8, $0xFFFFFFFF, v61  }
0x697: {  	(xrf0) =	vmin.scan.msk.u32 $0xffff, v12;
	_ =	sdelay $0x5  }
0x698: {  	v12, _, _ =	vpop (xrf0)  }
0x699: {  	(v2sf) =	vpush v12, $0xF;
	_ =	sdelay $0xb  }
0x69a: {  	v62 =	vmov s3;
	s3 =	sadd.s32 $0x1, s3  }
0x69b: {  	p5 =	sne.s32 s3, $0x64  }
.Ltmp26:
0x69c: {  	_ = 	snop;
	(pc) =	sbr.rel @!p5 .LBB2_80-.Ltmp26, $4  }
0x69d: {  	s6 =	spop (v2sf)  }
0x69e: {  	v13 =	vmov s5;
	s6 =	sxor.u32 $0x80000000, s6  }
0x69f: {  	[tilespmem:v62+s9+$0x0] =	vst.idx.msk $0x1, v13;
	v63 =	vmov s6  }
0x6a0: {  	[tilespmem:v62+s10+$0x0] =	vst.idx.msk $0x1, v63  }
.LBB2_47:
.Ltmp27:
0x6a1: {  	(pc) =	sbr.rel @!p1 .LBB2_50-.Ltmp27, $3  }
0x6a2: {  	_ =	sdelay $0x1  }
0x6a3: {  	v12 =	vmov s5  }
0x6a4: {  	v13 =	vmov s6;
	v14 =	vimm.s32 $0x80000000;
	v15 =	vimm.s32 $0x7FFFFFFF  }
0x6a5: {  	s6 =	simm.s32 $0xF300  }
0x6a6: {  	p6 =	seq.s32 s12, $0x1;
	v22 =	vld [tilespmem:s6+$0x0]  }
.Ltmp28:
0x6a7: {  	s5 =	simm.s32 $0x11300;
	(pc) =	sbr.rel @p6 .LBB2_49-.Ltmp28, $2  }
0x6a8: {  	v16 =	vld [tilespmem:s5+$0x0];
	_ =	sdelay $0x2  }
0x6a9: {  	p5 =	por $0x0, $0x0;
	s6 =	sadd.s32 $0xFFFFFFFF, s12;
	s5 =	simm.s32 $0xF310;
	vm8 =	vlt.s32 v22, v12  }
0x6aa: {  	_ = 	snop  }
0x6ab: {  	v21 =	vld [tilespmem:s5+$0x0];
	vm9 =	veq.s32 v22, v12;
	s5 =	simm.s32 $0x11310;
	p6 =	seq.s32 s6, $0x1;
	vm10 =	vgt.s32 v16, v13  }
.Ltmp29:
0x6ac: {  	v17 =	vld [tilespmem:s5+$0x0];
	vm9 =	vmand vm9, vm10;
	(pc) =	sbr.rel @p6 .LBB2_54-.Ltmp29, $4  }
0x6ad: {  	vm8 =	vmor vm8, vm9  }
0x6ae: {  	v19 =	vimm.s32 $0x80000000;
	v18 =	vnsel vm8, $0x80000000, v22  }
0x6af: {  	v20 =	vimm.s32 $0x7FFFFFFF;
	vm11 =	vlt.s32 v16, v15;
	vm10 =	veq.s32 v18, v14  }
0x6b0: {  	s6 =	sadd.s32 $0xFFFFFFFF, s6;
	s7 =	simm.s32 $0xF320;
	p5 =	por $0x1, $0x1;
	vm8 =	vlt.s32 v21, v12;
	vm9 =	vgt.s32 v18, v14;
	vm10 =	vmand vm11, vm10  }
.LBB2_55:
0x6b1: {  	v22 =	vld [tilespmem:s7+$0x0];
	vm11 =	veq.s32 v21, v12;
	vm12 =	vgt.s32 v17, v13;
	s5 =	sadd.s32 $0x10, s5;
	vm9 =	vmor vm9, vm10;
	p6 =	seq.s32 s6, $0x1  }
.Ltmp30:
0x6b2: {  	s6 =	sadd.s32 $0xFFFFFFFF, s6;
	vm10 =	vmand vm11, vm12;
	v19 =	vsel vm9, v18, v19;
	v20 =	vsel vm9, v16, v20;
	v16 =	vmovc v17;
	v17 =	vld [tilespmem:s5+$0x0];
	(pc) =	sbr.rel @!p6 .LBB2_55-.Ltmp30, $4  }
0x6b3: {  	vm8 =	vmor vm8, vm10  }
0x6b4: {  	v18 =	vnsel vm8, $0x80000000, v21  }
0x6b5: {  	vm11 =	vlt.s32 v16, v20;
	vm10 =	veq.s32 v18, v19  }
0x6b6: {  	s7 =	sadd.s32 $0x10, s7;
	vm9 =	vgt.s32 v18, v19;
	vm8 =	vlt.s32 v22, v12;
	vm10 =	vmand vm11, vm10;
	v21 =	vmovc v22  }
0x6b7: {  	v22 =	vmov v21  }
.LBB2_57:
0x6b8: {  	vm11 =	veq.s32 v22, v12;
	vm12 =	vgt.s32 v17, v13  }
0x6b9: {  	vm9 =	vmor @p5 vm9, vm10;
	vm13 =	vmand vm11, vm12  }
0x6ba: {  	v18 =	vsel @p5 vm9, v18, v19;
	v16 =	vsel @p5 vm9, v16, v20;
	vm8 =	vmor vm8, vm13  }
0x6bb: {  	v14 =	vpsel p5, v18, v14;
	v15 =	vpsel p5, v16, v15;
	v63 =	vnsel vm8, $0x80000000, v22  }
0x6bc: {  	vm14 =	vlt.s32 v17, v15;
	vm8 =	veq.s32 v63, v14  }
0x6bd: {  	vm15 =	vgt.s32 v63, v14;
	vm8 =	vmand vm14, vm8  }
0x6be: {  	vm8 =	vmor vm15, vm8  }
0x6bf: {  	v14 =	vsel vm8, v63, v14;
	v15 =	vsel vm8, v17, v15  }
.LBB2_50:
.Ltmp31:
0x6c0: {  	(pc) =	sbr.rel @!p2 .LBB2_58-.Ltmp31, $1  }
0x6c1: {  	_ =	sdelay $0x3  }
0x6c2: {  	s6 =	simm.s32 $0xFB00  }
0x6c3: {  	p6 =	seq.s32 s0, $0x1;
	v22 =	vld [tilespmem:s6+$0x0]  }
.Ltmp32:
0x6c4: {  	s5 =	simm.s32 $0x11B00;
	(pc) =	sbr.rel @p6 .LBB2_52-.Ltmp32, $2  }
0x6c5: {  	v16 =	vld [tilespmem:s5+$0x0];
	_ =	sdelay $0x2  }
0x6c6: {  	p5 =	por $0x0, $0x0;
	s6 =	sadd.s32 $0xFFFFFFFF, s0;
	s5 =	simm.s32 $0xFB10;
	vm8 =	vlt.s32 v22, v12  }
0x6c7: {  	_ = 	snop  }
0x6c8: {  	v21 =	vld [tilespmem:s5+$0x0];
	vm9 =	veq.s32 v22, v12;
	s5 =	simm.s32 $0x11B10;
	p6 =	seq.s32 s6, $0x1;
	vm10 =	vgt.s32 v16, v13  }
.Ltmp33:
0x6c9: {  	v17 =	vld [tilespmem:s5+$0x0];
	vm9 =	vmand vm9, vm10;
	(pc) =	sbr.rel @p6 .LBB2_62-.Ltmp33, $4  }
0x6ca: {  	vm8 =	vmor vm8, vm9  }
0x6cb: {  	v18 =	vnsel vm8, $0x80000000, v22  }
0x6cc: {  	vm11 =	vlt.s32 v16, v15;
	vm10 =	veq.s32 v18, v14  }
0x6cd: {  	s6 =	sadd.s32 $0xFFFFFFFF, s6;
	s7 =	simm.s32 $0xFB20;
	p5 =	por $0x1, $0x1;
	v19 =	vmovc v14;
	v20 =	vmovc v15;
	vm8 =	vlt.s32 v21, v12;
	vm9 =	vgt.s32 v18, v14;
	vm10 =	vmand vm11, vm10  }
.LBB2_63:
0x6ce: {  	v22 =	vld [tilespmem:s7+$0x0];
	vm11 =	veq.s32 v21, v12;
	vm12 =	vgt.s32 v17, v13;
	s5 =	sadd.s32 $0x10, s5;
	vm9 =	vmor vm9, vm10;
	p6 =	seq.s32 s6, $0x1  }
.Ltmp34:
0x6cf: {  	s6 =	sadd.s32 $0xFFFFFFFF, s6;
	vm10 =	vmand vm11, vm12;
	v19 =	vsel vm9, v18, v19;
	v20 =	vsel vm9, v16, v20;
	v16 =	vmovc v17;
	v17 =	vld [tilespmem:s5+$0x0];
	(pc) =	sbr.rel @!p6 .LBB2_63-.Ltmp34, $4  }
0x6d0: {  	vm8 =	vmor vm8, vm10  }
0x6d1: {  	v18 =	vnsel vm8, $0x80000000, v21  }
0x6d2: {  	vm11 =	vlt.s32 v16, v20;
	vm10 =	veq.s32 v18, v19  }
0x6d3: {  	s7 =	sadd.s32 $0x10, s7;
	vm9 =	vgt.s32 v18, v19;
	vm8 =	vlt.s32 v22, v12;
	vm10 =	vmand vm11, vm10;
	v21 =	vmovc v22  }
0x6d4: {  	v22 =	vmov v21  }
.LBB2_65:
0x6d5: {  	vm11 =	veq.s32 v22, v12;
	vm12 =	vgt.s32 v17, v13  }
0x6d6: {  	vm9 =	vmor @p5 vm9, vm10;
	vm13 =	vmand vm11, vm12  }
0x6d7: {  	v18 =	vsel @p5 vm9, v18, v19;
	v16 =	vsel @p5 vm9, v16, v20;
	vm8 =	vmor vm8, vm13  }
0x6d8: {  	v14 =	vpsel p5, v18, v14;
	v15 =	vpsel p5, v16, v15;
	v63 =	vnsel vm8, $0x80000000, v22  }
0x6d9: {  	vm14 =	vlt.s32 v17, v15;
	vm8 =	veq.s32 v63, v14  }
0x6da: {  	vm15 =	vgt.s32 v63, v14;
	vm8 =	vmand vm14, vm8  }
0x6db: {  	vm8 =	vmor vm15, vm8  }
0x6dc: {  	v14 =	vsel vm8, v63, v14;
	v15 =	vsel vm8, v17, v15  }
.LBB2_58:
.Ltmp35:
0x6dd: {  	(pc) =	sbr.rel @!p3 .LBB2_66-.Ltmp35, $1  }
0x6de: {  	_ =	sdelay $0x3  }
0x6df: {  	s6 =	simm.s32 $0x10300  }
0x6e0: {  	p6 =	seq.s32 s1, $0x1;
	v22 =	vld [tilespmem:s6+$0x0]  }
.Ltmp36:
0x6e1: {  	s5 =	simm.s32 $0x12300;
	(pc) =	sbr.rel @p6 .LBB2_60-.Ltmp36, $2  }
0x6e2: {  	v16 =	vld [tilespmem:s5+$0x0];
	_ =	sdelay $0x2  }
0x6e3: {  	p5 =	por $0x0, $0x0;
	s6 =	sadd.s32 $0xFFFFFFFF, s1;
	s5 =	simm.s32 $0x10310;
	vm8 =	vlt.s32 v22, v12  }
0x6e4: {  	_ = 	snop  }
0x6e5: {  	v21 =	vld [tilespmem:s5+$0x0];
	vm9 =	veq.s32 v22, v12;
	s5 =	simm.s32 $0x12310;
	p6 =	seq.s32 s6, $0x1;
	vm10 =	vgt.s32 v16, v13  }
.Ltmp37:
0x6e6: {  	v17 =	vld [tilespmem:s5+$0x0];
	vm9 =	vmand vm9, vm10;
	(pc) =	sbr.rel @p6 .LBB2_70-.Ltmp37, $4  }
0x6e7: {  	vm8 =	vmor vm8, vm9  }
0x6e8: {  	v18 =	vnsel vm8, $0x80000000, v22  }
0x6e9: {  	vm11 =	vlt.s32 v16, v15;
	vm10 =	veq.s32 v18, v14  }
0x6ea: {  	s6 =	sadd.s32 $0xFFFFFFFF, s6;
	s7 =	simm.s32 $0x10320;
	p5 =	por $0x1, $0x1;
	v19 =	vmovc v14;
	v20 =	vmovc v15;
	vm8 =	vlt.s32 v21, v12;
	vm9 =	vgt.s32 v18, v14;
	vm10 =	vmand vm11, vm10  }
.LBB2_71:
0x6eb: {  	v22 =	vld [tilespmem:s7+$0x0];
	vm11 =	veq.s32 v21, v12;
	vm12 =	vgt.s32 v17, v13;
	s5 =	sadd.s32 $0x10, s5;
	vm9 =	vmor vm9, vm10;
	p6 =	seq.s32 s6, $0x1  }
.Ltmp38:
0x6ec: {  	s6 =	sadd.s32 $0xFFFFFFFF, s6;
	vm10 =	vmand vm11, vm12;
	v19 =	vsel vm9, v18, v19;
	v20 =	vsel vm9, v16, v20;
	v16 =	vmovc v17;
	v17 =	vld [tilespmem:s5+$0x0];
	(pc) =	sbr.rel @!p6 .LBB2_71-.Ltmp38, $4  }
0x6ed: {  	vm8 =	vmor vm8, vm10  }
0x6ee: {  	v18 =	vnsel vm8, $0x80000000, v21  }
0x6ef: {  	vm11 =	vlt.s32 v16, v20;
	vm10 =	veq.s32 v18, v19  }
0x6f0: {  	s7 =	sadd.s32 $0x10, s7;
	vm9 =	vgt.s32 v18, v19;
	vm8 =	vlt.s32 v22, v12;
	vm10 =	vmand vm11, vm10;
	v21 =	vmovc v22  }
0x6f1: {  	v22 =	vmov v21  }
.LBB2_73:
0x6f2: {  	vm11 =	veq.s32 v22, v12;
	vm12 =	vgt.s32 v17, v13  }
0x6f3: {  	vm9 =	vmor @p5 vm9, vm10;
	vm13 =	vmand vm11, vm12  }
0x6f4: {  	v18 =	vsel @p5 vm9, v18, v19;
	v16 =	vsel @p5 vm9, v16, v20;
	vm8 =	vmor vm8, vm13  }
0x6f5: {  	v14 =	vpsel p5, v18, v14;
	v15 =	vpsel p5, v16, v15;
	v63 =	vnsel vm8, $0x80000000, v22  }
0x6f6: {  	vm14 =	vlt.s32 v17, v15;
	vm8 =	veq.s32 v63, v14  }
0x6f7: {  	vm15 =	vgt.s32 v63, v14;
	vm8 =	vmand vm14, vm8  }
0x6f8: {  	vm8 =	vmor vm15, vm8  }
0x6f9: {  	v14 =	vsel vm8, v63, v14;
	v15 =	vsel vm8, v17, v15  }
.LBB2_66:
.Ltmp39:
0x6fa: {  	(pc) =	sbr.rel @!p4 .LBB2_79-.Ltmp39, $1  }
0x6fb: {  	_ =	sdelay $0x3  }
0x6fc: {  	s6 =	simm.s32 $0x10B00  }
0x6fd: {  	s5 =	simm.s32 $0x12B00;
	p6 =	sne.s32 s2, $0x1;
	v22 =	vld [tilespmem:s6+$0x0]  }
.Ltmp40:
0x6fe: {  	v16 =	vld [tilespmem:s5+$0x0];
	(pc) =	sbr.rel @!p6 .LBB2_68-.Ltmp40, $2  }
0x6ff: {  	_ =	sdelay $0x2  }
0x700: {  	p5 =	por $0x0, $0x0;
	s6 =	sadd.s32 $0xFFFFFFFF, s2;
	s5 =	simm.s32 $0x10B10;
	vm8 =	vlt.s32 v22, v12  }
0x701: {  	v21 =	vld [tilespmem:s5+$0x0];
	vm9 =	veq.s32 v22, v12;
	vm10 =	vgt.s32 v16, v13;
	s5 =	simm.s32 $0x12B10;
	p6 =	sne.s32 s6, $0x1  }
.Ltmp41:
0x702: {  	vm9 =	vmand vm9, vm10;
	v17 =	vld [tilespmem:s5+$0x0];
	(pc) =	sbr.rel @!p6 .LBB2_75-.Ltmp41, $4  }
0x703: {  	vm8 =	vmor vm8, vm9  }
0x704: {  	v18 =	vnsel vm8, $0x80000000, v22  }
0x705: {  	vm11 =	vlt.s32 v16, v15;
	vm10 =	veq.s32 v18, v14  }
0x706: {  	s6 =	sadd.s32 $0xFFFFFFFF, s6;
	s7 =	simm.s32 $0x10B20;
	p5 =	por $0x1, $0x1;
	v19 =	vmovc v14;
	v20 =	vmovc v15;
	vm9 =	vgt.s32 v18, v14;
	vm8 =	vlt.s32 v21, v12;
	vm10 =	vmand vm11, vm10  }
.LBB2_76:
0x707: {  	v22 =	vld [tilespmem:s7+$0x0];
	vm11 =	veq.s32 v21, v12;
	vm12 =	vgt.s32 v17, v13;
	s5 =	sadd.s32 $0x10, s5;
	vm9 =	vmor vm9, vm10;
	p6 =	sne.s32 s6, $0x1  }
.Ltmp42:
0x708: {  	s6 =	sadd.s32 $0xFFFFFFFF, s6;
	vm10 =	vmand vm11, vm12;
	v19 =	vsel vm9, v18, v19;
	v20 =	vsel vm9, v16, v20;
	v16 =	vmovc v17;
	v17 =	vld [tilespmem:s5+$0x0];
	(pc) =	sbr.rel @p6 .LBB2_76-.Ltmp42, $4  }
0x709: {  	vm8 =	vmor vm8, vm10  }
0x70a: {  	v18 =	vnsel vm8, $0x80000000, v21  }
0x70b: {  	vm11 =	vlt.s32 v16, v20;
	vm10 =	veq.s32 v18, v19  }
0x70c: {  	s7 =	sadd.s32 $0x10, s7;
	vm9 =	vgt.s32 v18, v19;
	vm8 =	vlt.s32 v22, v12;
	vm10 =	vmand vm11, vm10;
	v21 =	vmovc v22  }
.Ltmp43:
0x70d: {  	(pc) =	sbr.rel .LBB2_78-.Ltmp43, $2  }
0x70e: {  	_ =	sdelay $0x2  }
0x70f: {  	v22 =	vmov v21  }
.LBB2_49:
.Ltmp44:
0x710: {  	(pc) =	sbr.rel .LBB2_57-.Ltmp44, $2  }
0x711: {  	_ =	sdelay $0x2  }
0x712: {  	v19 =	vimm.s32 $0x80000000;
	v20 =	vimm.s32 $0x7FFFFFFF;
	v17 =	vmov v16  }
.LBB2_52:
.Ltmp45:
0x713: {  	(pc) =	sbr.rel .LBB2_65-.Ltmp45, $2  }
0x714: {  	_ =	sdelay $0x2  }
0x715: {  	v19 =	vmov v14;
	v20 =	vmov v15;
	v17 =	vmov v16  }
.LBB2_60:
.Ltmp46:
0x716: {  	(pc) =	sbr.rel .LBB2_73-.Ltmp46, $2  }
0x717: {  	_ =	sdelay $0x2  }
0x718: {  	v19 =	vmov v14;
	v20 =	vmov v15;
	v17 =	vmov v16  }
.LBB2_54:
.Ltmp47:
0x719: {  	(pc) =	sbr.rel .LBB2_57-.Ltmp47, $2  }
0x71a: {  	_ =	sdelay $0x2  }
0x71b: {  	v22 =	vmov v21;
	v19 =	vimm.s32 $0x80000000;
	v20 =	vimm.s32 $0x7FFFFFFF  }
.LBB2_62:
.Ltmp48:
0x71c: {  	(pc) =	sbr.rel .LBB2_65-.Ltmp48, $2  }
0x71d: {  	_ =	sdelay $0x2  }
0x71e: {  	v22 =	vmov v21;
	v19 =	vmov v14;
	v20 =	vmov v15  }
.LBB2_70:
.Ltmp49:
0x71f: {  	(pc) =	sbr.rel .LBB2_73-.Ltmp49, $2  }
0x720: {  	_ =	sdelay $0x2  }
0x721: {  	v22 =	vmov v21;
	v19 =	vmov v14;
	v20 =	vmov v15  }
.LBB2_75:
.Ltmp50:
0x722: {  	(pc) =	sbr.rel .LBB2_78-.Ltmp50, $2  }
0x723: {  	_ =	sdelay $0x2  }
0x724: {  	v22 =	vmov v21;
	v19 =	vmov v14;
	v20 =	vmov v15  }
.LBB2_82:
0x725: {  	_ =	sfence.sel $0x180000  }
0x726: {  	[bflag:$0x0] =	sbarrier.arrive $0xFFFF  }
0x727: {  	_ =	strace $0x90000047  }
0x728: {  	s0 =	stileid.u32;
	[bflag:$0x2] =	sbarrier.arrive $0xFFFF  }
0x729: {  	p0 =	sne.s32 s0, $0x0;
	s0 =	rddreg [dreg:$0xb]  }
0x72a: {  	s0 =	sadd.s32 @!p0 $0x100000, s0  }
0x72b: {  	[sflag:s0] =	ssyncadd.tile.s32 @!p0 $0x1;
	_ =	shalt  }
.Lfunc_end2:
_tile_overlayer_lowered:
.L_overlay_start_2:
0x72c: {  	(tag) =	ssettag $0x2  }
0x72d: {  	s0 =	rddreg [dreg:$0x0];
	s2 =	stileid.u32  }
0x72e: {  	s1 =	rddreg [dreg:$0x1];
	p0 =	sne.s32 s2, $0x0  }
0x72f: {  	s3 =	rddreg [dreg:$0x2];
	[bflag:$0x3] =	sbarrier.arrive $0xFFFF;
	s2 =	simm.s32 @!p0 $0x1C03  }
0x730: {  	[timem:s3], [sflag:s2] =	dma.local @!p0 [hbm:s0], s1  }
0x731: {  	s0 =	simm.s32 @!p0 $0x3  }
0x732: {  	_ =	swait.ge @!p0 [sflag:s0], s1  }
0x733: {  	s1 =	ssub.s32 @!p0 $0x0, s1;
	[sflag:s0] =	ssyncset.done @!p0 $0x0  }
0x734: {  	[sflag:s0] =	ssyncadd.s32 @!p0 s1  }
0x735: {  	[bflag:$0x3] =	sbarrier.arrive $0xFFFF  }
0x736: {  	_ =	shalt  }

</sc_bundles>
